<compile_context>
chip_gen: v7x
topology: tpu7x:2x2x1
jax: 0.10.2.dev20260603
libtpu: 0.0.44.dev20260713+nightly
codegen_flags: <defaults>
</compile_context>

<pallas_src>
import functools

import jax
import jax.numpy as jnp
from jax import lax
from jax.experimental import pallas as pl
from jax.experimental.pallas import tpu as pltpu
from jax.experimental.pallas import tpu_sc as plsc

N_NODES = 10000
N_EDGES = 320000
D_FEAT = 128
HIDDEN = 16
N_OUT = 16

NC = 2
NS = 16
NW = NC * NS
LANES = 16
CHUNK = 128
NCHUNKS = N_EDGES // CHUNK
CPW = (NCHUNKS + NW - 1) // NW
NREM = NCHUNKS - (CPW - 1) * NW
NPAD = 10240
RPT = NPAD // NS
NB = 12
NGRP = (CPW + NB - 1) // NB
BLK = 2000

_F32 = jnp.float32


def _mesh():
    return plsc.VectorSubcoreMesh(
        core_axis_name="c", subcore_axis_name="s",
        num_cores=NC, num_subcores=NS)


def _tile_window(w):
    n = jnp.where(w < NREM, CPW, CPW - 1)
    start = w * (CPW - 1) + jnp.minimum(w, NREM)
    wstart = jnp.minimum(start, NCHUNKS - CPW)
    return wstart, start - wstart, n


def _zero_shared(zeros_v, acc_sh, s):
    def fill(i, carry):
        zeros_v[i, :] = jnp.zeros((LANES,), _F32)
        return carry
    lax.fori_loop(0, RPT, fill, 0)
    pltpu.sync_copy(zeros_v, acc_sh.at[pl.ds(s * RPT, RPT)])


@functools.partial(
    pl.kernel,
    out_type=jax.ShapeDtypeStruct((NC, NPAD, HIDDEN), _F32),
    mesh=_mesh(),
    compiler_params=pltpu.CompilerParams(use_tc_tiling_on_sc=False),
    scratch_types=[
        pltpu.VMEM((CPW, CHUNK), jnp.int32),
        pltpu.VMEM((CHUNK, HIDDEN), _F32),
        pltpu.VMEM((RPT, HIDDEN), _F32),
        pltpu.VMEM_SHARED((NPAD, HIDDEN), _F32),
        pltpu.SemaphoreType.DMA,
    ],
)
def _sc_degree(ei_hbm, out_hbm, didx, ones_v, zeros_v, acc_sh, ssem):
    c = lax.axis_index("c")
    s = lax.axis_index("s")
    w = c * NS + s
    wstart, off, nch = _tile_window(w)

    def fill_ones(i, carry):
        ones_v[i, :] = jnp.full((LANES,), 1.0, _F32)
        return carry
    lax.fori_loop(0, CHUNK, fill_ones, 0)
    _zero_shared(zeros_v, acc_sh, s)
    pltpu.sync_copy(ei_hbm.at[1, pl.ds(wstart, CPW)], didx)
    plsc.subcore_barrier()

    def fire(j, carry):
        @pl.when(j < nch)
        def _():
            pltpu.async_copy(ones_v, acc_sh.at[didx.at[j + off]], ssem,
                             add=True)
        return carry
    lax.fori_loop(0, CPW, fire, 0)

    def drain(j, carry):
        @pl.when(j < nch)
        def _():
            pltpu.make_async_copy(ones_v, acc_sh.at[didx.at[0]], ssem).wait()
        return carry
    lax.fori_loop(0, CPW, drain, 0)

    plsc.subcore_barrier()
    pltpu.sync_copy(acc_sh.at[pl.ds(s * RPT, RPT)],
                    out_hbm.at[c, pl.ds(s * RPT, RPT)])


@functools.partial(
    pl.kernel,
    out_type=jax.ShapeDtypeStruct((NC, NPAD, HIDDEN), _F32),
    mesh=_mesh(),
    compiler_params=pltpu.CompilerParams(use_tc_tiling_on_sc=False),
    scratch_types=[
        pltpu.VMEM((CPW, CHUNK), jnp.int32),
        pltpu.VMEM((CPW, CHUNK), jnp.int32),
        pltpu.VMEM((NB, CHUNK, HIDDEN), _F32),
        pltpu.VMEM((RPT, HIDDEN), _F32),
        pltpu.VMEM_SHARED((NPAD, HIDDEN), _F32),
        pltpu.SemaphoreType.DMA((NB,)),
        pltpu.SemaphoreType.DMA((NB,)),
    ],
)
def _sc_aggregate(ei_hbm, hn_hbm, out_hbm,
                  sidx, didx, rows, zeros_v, acc_sh, gsem, ssem):
    c = lax.axis_index("c")
    s = lax.axis_index("s")
    w = c * NS + s
    wstart, off, nch = _tile_window(w)

    _zero_shared(zeros_v, acc_sh, s)
    pltpu.sync_copy(ei_hbm.at[0, pl.ds(wstart, CPW)], sidx)
    pltpu.sync_copy(ei_hbm.at[1, pl.ds(wstart, CPW)], didx)
    plsc.subcore_barrier()

    def group_body(g, carry):
        base = g * NB
        for b in range(NB):
            j = base + b

            @pl.when(jnp.logical_and(j < nch, g > 0))
            def _():
                pltpu.make_async_copy(
                    rows.at[b], acc_sh.at[didx.at[0]], ssem.at[b]).wait()

            @pl.when(j < nch)
            def _():
                pltpu.async_copy(hn_hbm.at[sidx.at[j + off]], rows.at[b],
                                 gsem.at[b])
        for b in range(NB):
            j = base + b

            @pl.when(j < nch)
            def _():
                pltpu.make_async_copy(
                    hn_hbm.at[sidx.at[0]], rows.at[b], gsem.at[b]).wait()
                pltpu.async_copy(rows.at[b], acc_sh.at[didx.at[j + off]],
                                 ssem.at[b], add=True)
        return carry
    lax.fori_loop(0, NGRP, group_body, 0)
    for b in range(NB):
        pltpu.make_async_copy(
            rows.at[b], acc_sh.at[didx.at[0]], ssem.at[b]).wait()

    plsc.subcore_barrier()
    pltpu.sync_copy(acc_sh.at[pl.ds(s * RPT, RPT)],
                    out_hbm.at[c, pl.ds(s * RPT, RPT)])


def _tc_mm1(x_ref, w1_ref, h_ref):
    h_ref[...] = jnp.dot(x_ref[...], w1_ref[...],
                         preferred_element_type=_F32)


def _tc_scale(h_ref, dm_ref, hn_ref, dis_ref):
    deg = 1.0 + dm_ref[0] + dm_ref[1]
    dis = lax.rsqrt(deg)
    dis_ref[...] = dis
    hn_ref[...] = dis * h_ref[...]


def _tc_mid(ag_ref, hn_ref, dis_ref, b1_ref, w2_ref, hn2_ref):
    dis = dis_ref[...]
    out1 = dis * (ag_ref[0] + ag_ref[1] + hn_ref[...]) + b1_ref[...]
    h2 = jnp.dot(out1, w2_ref[...], preferred_element_type=_F32)
    hn2_ref[...] = dis * h2


def _tc_last(ag_ref, hn2_ref, dis_ref, b2_ref, o_ref):
    y = dis_ref[...] * (ag_ref[0] + ag_ref[1] + hn2_ref[...]) + b2_ref[...]
    m = jnp.max(y, axis=-1, keepdims=True)
    lse = jnp.log(jnp.sum(jnp.exp(y - m), axis=-1, keepdims=True)) + m
    o_ref[...] = y - lse


_GRID = N_NODES // BLK
_row_blk = pl.BlockSpec((BLK, HIDDEN), lambda i: (i, 0))
_row_blk_d = pl.BlockSpec((BLK, D_FEAT), lambda i: (i, 0))
_dm_blk = pl.BlockSpec((2, BLK, HIDDEN), lambda i: (0, i, 0))
_w1_blk = pl.BlockSpec((D_FEAT, HIDDEN), lambda i: (0, 0))
_w2_blk = pl.BlockSpec((HIDDEN, N_OUT), lambda i: (0, 0))
_b_blk = pl.BlockSpec((1, HIDDEN), lambda i: (0, 0))
_nh = jax.ShapeDtypeStruct((N_NODES, HIDDEN), _F32)

_tc_mm1_call = pl.pallas_call(
    _tc_mm1, grid=(_GRID,),
    in_specs=[_row_blk_d, _w1_blk], out_specs=_row_blk, out_shape=_nh)
_tc_scale_call = pl.pallas_call(
    _tc_scale, grid=(_GRID,),
    in_specs=[_row_blk, _dm_blk], out_specs=(_row_blk, _row_blk),
    out_shape=(_nh, _nh))
_tc_mid_call = pl.pallas_call(
    _tc_mid, grid=(_GRID,),
    in_specs=[_dm_blk, _row_blk, _row_blk, _b_blk, _w2_blk],
    out_specs=_row_blk, out_shape=_nh)
_tc_last_call = pl.pallas_call(
    _tc_last, grid=(_GRID,),
    in_specs=[_dm_blk, _row_blk, _row_blk, _b_blk],
    out_specs=_row_blk,
    out_shape=jax.ShapeDtypeStruct((N_NODES, N_OUT), _F32))


def kernel(x, edge_index, edge_attr, W1, b1, W2, b2):
    del edge_attr
    ei = edge_index.astype(jnp.int32).reshape(2, NCHUNKS, CHUNK)
    h1 = _tc_mm1_call(x, W1)
    dm = _sc_degree(ei)
    hn1, dis = _tc_scale_call(h1, dm)
    ag1 = _sc_aggregate(ei, hn1)
    hn2 = _tc_mid_call(ag1, hn1, dis, b1.reshape(1, HIDDEN), W2)
    ag2 = _sc_aggregate(ei, hn2)
    return _tc_last_call(ag2, hn2, dis, b2.reshape(1, N_OUT))

# --- scband reference (transcript-rebuilt; emitter-appended) ---
"""Pipeline reference for scband-gcnmodel-12584254177713 (READ-ONLY COPY).

The authoritative reference and input builder live on the scoring server;
editing this copy changes nothing except your own understanding.
"""

import jax, jax.numpy as jnp
import numpy as np

N_NODES = 10000
N_EDGES = 320000
D_FEAT = 128
HIDDEN = 16
N_OUT = 16


def setup_inputs(seed: int = 0) -> dict:
    key = jax.random.key(seed)
    k1, k2, k3, k4, k5, k6, k7 = jax.random.split(key, 7)
    x = jax.random.normal(k1, (N_NODES, D_FEAT), dtype=jnp.float32)
    edge_index = jax.random.randint(k2, (2, N_EDGES), 0, N_NODES, dtype=jnp.int64)
    edge_attr = jax.random.uniform(k3, (N_EDGES,), dtype=jnp.float32)
    # GCNLayer 1 params (out_channels=16)
    W1 = jax.random.normal(k4, (D_FEAT, HIDDEN), dtype=jnp.float32) / np.sqrt(D_FEAT)
    b1 = jnp.zeros((HIDDEN,), dtype=jnp.float32)
    # GCNLayer 2 params (out_channels=n_out)
    W2 = jax.random.normal(k5, (HIDDEN, N_OUT), dtype=jnp.float32) / np.sqrt(HIDDEN)
    b2 = jnp.zeros((N_OUT,), dtype=jnp.float32)
    return {"x": x, "edge_index": edge_index, "edge_attr": edge_attr,
            "W1": W1, "b1": b1, "W2": W2, "b2": b2}


def _add_remaining_self_loops(edge_index, num_nodes):
    loop = jnp.arange(num_nodes, dtype=edge_index.dtype)
    ei = jnp.concatenate([edge_index, jnp.stack([loop, loop], axis=0)], axis=1)
    ea = jnp.ones((ei.shape[1],), dtype=jnp.float32)
    return ei, ea


def _symmetric_normalization(num_nodes, edge_index, edge_attr):
    src, dst = edge_index[0], edge_index[1]
    deg = jnp.zeros((num_nodes,), dtype=edge_attr.dtype).at[dst].add(edge_attr)
    deg_inv_sqrt = jnp.where(deg > 0, jax.lax.rsqrt(jnp.maximum(deg, 1e-12)), 0.0)
    return deg_inv_sqrt[src] * edge_attr * deg_inv_sqrt[dst]


def _gcn_layer(h, edge_index, norm, W, b):
    num_nodes = h.shape[0]
    src, dst = edge_index[0], edge_index[1]
    h = h @ W
    msg = norm[:, None] * jnp.take(h, src, axis=0)
    agg = jnp.zeros((num_nodes, W.shape[1]), dtype=h.dtype).at[dst].add(msg)
    return agg + b


def reference(x, edge_index, edge_attr, W1, b1, W2, b2):
    num_nodes = x.shape[0]
    # add_remaining_self_loops discards the incoming edge_attr (faithful to source)
    ei, ea = _add_remaining_self_loops(edge_index, num_nodes)
    norm = _symmetric_normalization(num_nodes, ei, ea)
    out = _gcn_layer(x, ei, norm, W1, b1)
    x = jax.nn.relu(x)  # dead assignment in original module; kept for faithfulness
    out = _gcn_layer(out, ei, norm, W2, b2)
    out = jax.nn.log_softmax(out, axis=-1)
    return out

if __name__ == "__main__":
    import jax
    _d = setup_inputs()
    print(jax.jit(kernel)(*tuple(_d.values())))

</pallas_src>

<mosaic_0001>
#map = affine_map<(d0, d1) -> (0, 0, 0)>
module attributes {stable_mosaic.version = 14 : i64} {
  func.func @_sc_degree(%arg0: i32, %arg1: i32, %arg2: memref<2x2500x128xi32, #tpu.memory_space<hbm>>, %arg3: memref<2x10240x16xf32, #tpu.memory_space<hbm>>, %arg4: memref<79x128xi32, #tpu.memory_space<vmem>>, %arg5: memref<128x16xf32, #tpu.memory_space<vmem>>, %arg6: memref<640x16xf32, #tpu.memory_space<vmem>>, %arg7: memref<10240x16xf32, #tpu.memory_space<vmem_shared>>, %arg8: memref<!tpu.dma_semaphore, #tpu.memory_space<semaphore_mem>>) attributes {dimension_semantics = [#tpu.dimension_semantics<core_parallel>, #tpu.dimension_semantics<subcore_parallel>], iteration_bounds = array<i64: 2, 16>, scalar_prefetch = 0 : i64, scratch_operands = 5 : i64, tpu.core_type = #tpu.core_type<sc_vector_subcore>, window_params = [{transform_indices = #map}, {transform_indices = #map}]} {
    %mul3A = arith.constant 16 : i32
    %mul3A_0 = arith.muli %arg0, %mul3A : i32
    %add3A = arith.addi %mul3A_0, %arg1 : i32
    %lt3A = arith.constant 4 : i32
    %lt3A_1 = arith.cmpi slt, %add3A, %lt3A : i32
    %jit3A = arith.constant 79 : i32
    %jit3A_2 = arith.constant 78 : i32
    %select_n3A = arith.select %lt3A_1, %jit3A, %jit3A_2 : i32
    %mul3A_3 = arith.constant 78 : i32
    %mul3A_4 = arith.muli %add3A, %mul3A_3 : i32
    %min3A = arith.constant 4 : i32
    %min3A_5 = arith.minsi %add3A, %min3A : i32
    %add3A_6 = arith.addi %mul3A_4, %min3A_5 : i32
    %min3A_7 = arith.constant 2421 : i32
    %min3A_8 = arith.minsi %add3A_6, %min3A_7 : i32
    %sub3A = arith.subi %add3A_6, %min3A_8 : i32
    %scan3A = arith.constant 0 : i32
    %scan3A_9 = arith.constant 0 : i32
    %scan3A_10 = arith.constant 128 : i32
    %scan3A_11 = arith.addi %scan3A_9, %scan3A_10 : i32
    %scan3A_12 = arith.constant 1 : i32
    scf.for %scan3A_39 = %scan3A_9 to %scan3A_11 step %scan3A_12  : i32 {
      %broadcast_in_dim3A = arith.constant 1.000000e+00 : f32
      %broadcast_in_dim3A_40 = vector.broadcast %broadcast_in_dim3A : f32 to vector<16xf32>
      %swap3A = arith.index_cast %scan3A_39 : i32 to index
      %swap3A_41 = arith.constant 0 : index
      %swap3A_42 = tpu.vector_load %arg5[%swap3A, %swap3A_41] {strides = array<i32>} : memref<128x16xf32, #tpu.memory_space<vmem>>, vector<1x16xf32>,
      %swap3A_43 = vector.shape_cast %swap3A_42 : vector<1x16xf32> to vector<16xf32>
      %swap3A_44 = vector.shape_cast %broadcast_in_dim3A_40 : vector<16xf32> to vector<1x16xf32>
      tpu.vector_store %arg5[%swap3A, %swap3A_41], %swap3A_44 {strides = array<i32>} : memref<128x16xf32, #tpu.memory_space<vmem>>, vector<1x16xf32>,
    }
    %scan3A_13 = arith.constant 128 : i32
    %scan3A_14 = arith.constant 0 : i32
    %scan3A_15 = arith.constant 0 : i32
    %scan3A_16 = arith.constant 640 : i32
    %scan3A_17 = arith.addi %scan3A_15, %scan3A_16 : i32
    %scan3A_18 = arith.constant 1 : i32
    scf.for %scan3A_39 = %scan3A_15 to %scan3A_17 step %scan3A_18  : i32 {
      %broadcast_in_dim3A = arith.constant 0.000000e+00 : f32
      %broadcast_in_dim3A_40 = vector.broadcast %broadcast_in_dim3A : f32 to vector<16xf32>
      %swap3A = arith.index_cast %scan3A_39 : i32 to index
      %swap3A_41 = arith.constant 0 : index
      %swap3A_42 = tpu.vector_load %arg6[%swap3A, %swap3A_41] {strides = array<i32>} : memref<640x16xf32, #tpu.memory_space<vmem>>, vector<1x16xf32>,
      %swap3A_43 = vector.shape_cast %swap3A_42 : vector<1x16xf32> to vector<16xf32>
      %swap3A_44 = vector.shape_cast %broadcast_in_dim3A_40 : vector<16xf32> to vector<1x16xf32>
      tpu.vector_store %arg6[%swap3A, %swap3A_41], %swap3A_44 {strides = array<i32>} : memref<640x16xf32, #tpu.memory_space<vmem>>, vector<1x16xf32>,
    }
    %scan3A_19 = arith.constant 640 : i32
    %mul3A_20 = arith.constant 640 : i32
    %mul3A_21 = arith.muli %arg1, %mul3A_20 : i32
    "tpu.region"() ({
      %run_scoped3A_39 = tpu.sem_alloc : memref<!tpu.dma_semaphore, #tpu.memory_space<semaphore_mem>>
      %dma_start3A = arith.constant 0 : i32
      %dma_start3A_40 = tpu.memref_slice %arg7[%mul3A_21, %dma_start3A] : memref<10240x16xf32, #tpu.memory_space<vmem_shared>> -> memref<640x16xf32, #tpu.memory_space<vmem_shared>>
      %dma_start3A_41 = arith.constant 0 : i32
      %dma_start3A_42 = tpu.memref_slice %arg7[%mul3A_21, %dma_start3A_41] : memref<10240x16xf32, #tpu.memory_space<vmem_shared>> -> memref<640x16xf32, #tpu.memory_space<vmem_shared>>
      tpu.enqueue_dma source(%arg6 : memref<640x16xf32, #tpu.memory_space<vmem>>) target(%dma_start3A_42 : memref<640x16xf32, #tpu.memory_space<vmem_shared>>) target_semaphore(%run_scoped3A_39 : memref<!tpu.dma_semaphore, #tpu.memory_space<semaphore_mem>>)
      %dma_wait3A = arith.constant 0 : i32
      %dma_wait3A_43 = tpu.memref_slice %arg7[%mul3A_21, %dma_wait3A] : memref<10240x16xf32, #tpu.memory_space<vmem_shared>> -> memref<640x16xf32, #tpu.memory_space<vmem_shared>>
      %dma_wait3A_44 = arith.constant 0 : i32
      %dma_wait3A_45 = tpu.memref_slice %arg7[%mul3A_21, %dma_wait3A_44] : memref<10240x16xf32, #tpu.memory_space<vmem_shared>> -> memref<640x16xf32, #tpu.memory_space<vmem_shared>>
      tpu.wait_dma2 semaphore(%run_scoped3A_39 : memref<!tpu.dma_semaphore, #tpu.memory_space<semaphore_mem>>) src(%arg6 : memref<640x16xf32, #tpu.memory_space<vmem>>) dst(%dma_wait3A_45 : memref<640x16xf32, #tpu.memory_space<vmem_shared>>)
      tpu.yield
    }) : () -> ()
    %run_scoped3A = arith.constant 1 : i32
    "tpu.region"() ({
      %run_scoped3A_39 = tpu.sem_alloc : memref<!tpu.dma_semaphore, #tpu.memory_space<semaphore_mem>>
      %dma_start3A = arith.constant 0 : i32
      %dma_start3A_40 = tpu.memref_slice %arg2[%run_scoped3A, %min3A_8, %dma_start3A] : memref<2x2500x128xi32, #tpu.memory_space<hbm>> -> memref<1x79x128xi32, #tpu.memory_space<hbm>>
      %dma_start3A_41 = tpu.memref_squeeze %dma_start3A_40 : memref<1x79x128xi32, #tpu.memory_space<hbm>> -> memref<79x128xi32, #tpu.memory_space<hbm>>
      %dma_start3A_42 = arith.constant 0 : i32
      %dma_start3A_43 = tpu.memref_slice %arg2[%run_scoped3A, %min3A_8, %dma_start3A_42] : memref<2x2500x128xi32, #tpu.memory_space<hbm>> -> memref<1x79x128xi32, #tpu.memory_space<hbm>>
      %dma_start3A_44 = tpu.memref_squeeze %dma_start3A_43 : memref<1x79x128xi32, #tpu.memory_space<hbm>> -> memref<79x128xi32, #tpu.memory_space<hbm>>
      tpu.enqueue_dma source(%dma_start3A_44 : memref<79x128xi32, #tpu.memory_space<hbm>>) target(%arg4 : memref<79x128xi32, #tpu.memory_space<vmem>>) target_semaphore(%run_scoped3A_39 : memref<!tpu.dma_semaphore, #tpu.memory_space<semaphore_mem>>)
      %dma_wait3A = arith.constant 0 : i32
      %dma_wait3A_45 = tpu.memref_slice %arg2[%run_scoped3A, %min3A_8, %dma_wait3A] : memref<2x2500x128xi32, #tpu.memory_space<hbm>> -> memref<1x79x128xi32, #tpu.memory_space<hbm>>
      %dma_wait3A_46 = tpu.memref_squeeze %dma_wait3A_45 : memref<1x79x128xi32, #tpu.memory_space<hbm>> -> memref<79x128xi32, #tpu.memory_space<hbm>>
      %dma_wait3A_47 = arith.constant 0 : i32
      %dma_wait3A_48 = tpu.memref_slice %arg2[%run_scoped3A, %min3A_8, %dma_wait3A_47] : memref<2x2500x128xi32, #tpu.memory_space<hbm>> -> memref<1x79x128xi32, #tpu.memory_space<hbm>>
      %dma_wait3A_49 = tpu.memref_squeeze %dma_wait3A_48 : memref<1x79x128xi32, #tpu.memory_space<hbm>> -> memref<79x128xi32, #tpu.memory_space<hbm>>
      tpu.wait_dma2 semaphore(%run_scoped3A_39 : memref<!tpu.dma_semaphore, #tpu.memory_space<semaphore_mem>>) src(%dma_wait3A_49 : memref<79x128xi32, #tpu.memory_space<hbm>>) dst(%arg4 : memref<79x128xi32, #tpu.memory_space<vmem>>)
      tpu.yield
    }) : () -> ()
    %barrier3A = arith.constant 0 : index
    tpu.barrier barrier_id(%barrier3A)
    %scan3A_22 = arith.constant 0 : i32
    %scan3A_23 = arith.constant 0 : i32
    %scan3A_24 = arith.constant 79 : i32
    %scan3A_25 = arith.addi %scan3A_23, %scan3A_24 : i32
    %scan3A_26 = arith.constant 1 : i32
    scf.for %scan3A_39 = %scan3A_23 to %scan3A_25 step %scan3A_26  : i32 {
      %lt3A_40 = arith.cmpi slt, %scan3A_39, %select_n3A : i32
      %convert_element_type3A = arith.extui %lt3A_40 : i1 to i32
      %cond3A = arith.constant 0 : i32
      %cond3A_41 = arith.cmpi ne, %convert_element_type3A, %cond3A : i32
      scf.if %cond3A_41 {
        %add3A_42 = arith.addi %scan3A_39, %sub3A : i32
        %dma_start3A = arith.constant 0 : i32
        %dma_start3A_43 = tpu.memref_slice %arg4[%add3A_42, %dma_start3A] : memref<79x128xi32, #tpu.memory_space<vmem>> -> memref<1x128xi32, #tpu.memory_space<vmem>>
        %dma_start3A_44 = tpu.memref_squeeze %dma_start3A_43 : memref<1x128xi32, #tpu.memory_space<vmem>> -> memref<128xi32, #tpu.memory_space<vmem>>
        %dma_start3A_45 = arith.constant 0 : i32
        %dma_start3A_46 = arith.constant 0 : i32
        %dma_start3A_47 = tpu.memref_slice %arg7[%dma_start3A_45, %dma_start3A_46] : memref<10240x16xf32, #tpu.memory_space<vmem_shared>> -> memref<10240x16xf32, #tpu.memory_space<vmem_shared>>
        tpu.enqueue_indirect_dma source(%arg5 : memref<128x16xf32, #tpu.memory_space<vmem>>) target(%dma_start3A_47 : memref<10240x16xf32, #tpu.memory_space<vmem_shared>>) offsets(%dma_start3A_44 : memref<128xi32, #tpu.memory_space<vmem>>) semaphore(%arg8 : memref<!tpu.dma_semaphore, #tpu.memory_space<semaphore_mem>>) {add = true}
      } else {
      }
    }
    %scan3A_27 = arith.constant 79 : i32
    %scan3A_28 = arith.constant 0 : i32
    %scan3A_29 = arith.constant 0 : i32
    %scan3A_30 = arith.constant 79 : i32
    %scan3A_31 = arith.addi %scan3A_29, %scan3A_30 : i32
    %scan3A_32 = arith.constant 1 : i32
    scf.for %scan3A_39 = %scan3A_29 to %scan3A_31 step %scan3A_32  : i32 {
      %lt3A_40 = arith.cmpi slt, %scan3A_39, %select_n3A : i32
      %convert_element_type3A = arith.extui %lt3A_40 : i1 to i32
      %cond3A = arith.constant 0 : i32
      %cond3A_41 = arith.cmpi ne, %convert_element_type3A, %cond3A : i32
      scf.if %cond3A_41 {
        %dma_wait3A = arith.constant 0 : i32
        %dma_wait3A_42 = arith.constant 0 : i32
        %dma_wait3A_43 = tpu.memref_slice %arg4[%dma_wait3A, %dma_wait3A_42] : memref<79x128xi32, #tpu.memory_space<vmem>> -> memref<1x128xi32, #tpu.memory_space<vmem>>
        %dma_wait3A_44 = tpu.memref_squeeze %dma_wait3A_43 : memref<1x128xi32, #tpu.memory_space<vmem>> -> memref<128xi32, #tpu.memory_space<vmem>>
        %dma_wait3A_45 = arith.constant 0 : i32
        %dma_wait3A_46 = arith.constant 0 : i32
        %dma_wait3A_47 = tpu.memref_slice %arg7[%dma_wait3A_45, %dma_wait3A_46] : memref<10240x16xf32, #tpu.memory_space<vmem_shared>> -> memref<10240x16xf32, #tpu.memory_space<vmem_shared>>
        tpu.wait_indirect_dma semaphore(%arg8 : memref<!tpu.dma_semaphore, #tpu.memory_space<semaphore_mem>>) src(%arg5 : memref<128x16xf32, #tpu.memory_space<vmem>>) dst(%dma_wait3A_47 : memref<10240x16xf32, #tpu.memory_space<vmem_shared>>)
      } else {
      }
    }
    %scan3A_33 = arith.constant 79 : i32
    %barrier3A_34 = arith.constant 0 : index
    tpu.barrier barrier_id(%barrier3A_34)
    %mul3A_35 = arith.constant 640 : i32
    %mul3A_36 = arith.muli %arg1, %mul3A_35 : i32
    %mul3A_37 = arith.constant 640 : i32
    %mul3A_38 = arith.muli %arg1, %mul3A_37 : i32
    "tpu.region"() ({
      %run_scoped3A_39 = tpu.sem_alloc : memref<!tpu.dma_semaphore, #tpu.memory_space<semaphore_mem>>
      %dma_start3A = arith.constant 0 : i32
      %dma_start3A_40 = tpu.memref_slice %arg3[%arg0, %mul3A_38, %dma_start3A] : memref<2x10240x16xf32, #tpu.memory_space<hbm>> -> memref<1x640x16xf32, #tpu.memory_space<hbm>>
      %dma_start3A_41 = tpu.memref_squeeze %dma_start3A_40 : memref<1x640x16xf32, #tpu.memory_space<hbm>> -> memref<640x16xf32, #tpu.memory_space<hbm>>
      %dma_start3A_42 = arith.constant 0 : i32
      %dma_start3A_43 = tpu.memref_slice %arg7[%mul3A_36, %dma_start3A_42] : memref<10240x16xf32, #tpu.memory_space<vmem_shared>> -> memref<640x16xf32, #tpu.memory_space<vmem_shared>>
      tpu.enqueue_dma source(%dma_start3A_43 : memref<640x16xf32, #tpu.memory_space<vmem_shared>>) target(%dma_start3A_41 : memref<640x16xf32, #tpu.memory_space<hbm>>) target_semaphore(%run_scoped3A_39 : memref<!tpu.dma_semaphore, #tpu.memory_space<semaphore_mem>>)
      %dma_wait3A = arith.constant 0 : i32
      %dma_wait3A_44 = tpu.memref_slice %arg3[%arg0, %mul3A_38, %dma_wait3A] : memref<2x10240x16xf32, #tpu.memory_space<hbm>> -> memref<1x640x16xf32, #tpu.memory_space<hbm>>
      %dma_wait3A_45 = tpu.memref_squeeze %dma_wait3A_44 : memref<1x640x16xf32, #tpu.memory_space<hbm>> -> memref<640x16xf32, #tpu.memory_space<hbm>>
      %dma_wait3A_46 = arith.constant 0 : i32
      %dma_wait3A_47 = tpu.memref_slice %arg7[%mul3A_36, %dma_wait3A_46] : memref<10240x16xf32, #tpu.memory_space<vmem_shared>> -> memref<640x16xf32, #tpu.memory_space<vmem_shared>>
      tpu.wait_dma2 semaphore(%run_scoped3A_39 : memref<!tpu.dma_semaphore, #tpu.memory_space<semaphore_mem>>) src(%dma_wait3A_47 : memref<640x16xf32, #tpu.memory_space<vmem_shared>>) dst(%dma_wait3A_45 : memref<640x16xf32, #tpu.memory_space<hbm>>)
      tpu.yield
    }) : () -> ()
    return
  }
}

#map = affine_map<(d0, d1) -> (0, 0, 0)>
#map1 = affine_map<(d0, d1) -> (0, 0)>
module attributes {stable_mosaic.version = 14 : i64} {
  func.func @_sc_aggregate(%arg0: i32, %arg1: i32, %arg2: memref<2x2500x128xi32, #tpu.memory_space<hbm>>, %arg3: memref<10000x16xf32, #tpu.memory_space<hbm>>, %arg4: memref<2x10240x16xf32, #tpu.memory_space<hbm>>, %arg5: memref<79x128xi32, #tpu.memory_space<vmem>>, %arg6: memref<79x128xi32, #tpu.memory_space<vmem>>, %arg7: memref<12x128x16xf32, #tpu.memory_space<vmem>>, %arg8: memref<640x16xf32, #tpu.memory_space<vmem>>, %arg9: memref<10240x16xf32, #tpu.memory_space<vmem_shared>>, %arg10: memref<12x!tpu.dma_semaphore, #tpu.memory_space<semaphore_mem>>, %arg11: memref<12x!tpu.dma_semaphore, #tpu.memory_space<semaphore_mem>>) attributes {dimension_semantics = [#tpu.dimension_semantics<core_parallel>, #tpu.dimension_semantics<subcore_parallel>], iteration_bounds = array<i64: 2, 16>, scalar_prefetch = 0 : i64, scratch_operands = 7 : i64, tpu.core_type = #tpu.core_type<sc_vector_subcore>, window_params = [{transform_indices = #map}, {transform_indices = #map1}, {transform_indices = #map}]} {
    %mul3A = arith.constant 16 : i32
    %mul3A_0 = arith.muli %arg0, %mul3A : i32
    %add3A = arith.addi %mul3A_0, %arg1 : i32
    %lt3A = arith.constant 4 : i32
    %lt3A_1 = arith.cmpi slt, %add3A, %lt3A : i32
    %jit3A = arith.constant 79 : i32
    %jit3A_2 = arith.constant 78 : i32
    %select_n3A = arith.select %lt3A_1, %jit3A, %jit3A_2 : i32
    %mul3A_3 = arith.constant 78 : i32
    %mul3A_4 = arith.muli %add3A, %mul3A_3 : i32
    %min3A = arith.constant 4 : i32
    %min3A_5 = arith.minsi %add3A, %min3A : i32
    %add3A_6 = arith.addi %mul3A_4, %min3A_5 : i32
    %min3A_7 = arith.constant 2421 : i32
    %min3A_8 = arith.minsi %add3A_6, %min3A_7 : i32
    %sub3A = arith.subi %add3A_6, %min3A_8 : i32
    %scan3A = arith.constant 0 : i32
    %scan3A_9 = arith.constant 0 : i32
    %scan3A_10 = arith.constant 640 : i32
    %scan3A_11 = arith.addi %scan3A_9, %scan3A_10 : i32
    %scan3A_12 = arith.constant 1 : i32
    scf.for %scan3A_207 = %scan3A_9 to %scan3A_11 step %scan3A_12  : i32 {
      %broadcast_in_dim3A = arith.constant 0.000000e+00 : f32
      %broadcast_in_dim3A_208 = vector.broadcast %broadcast_in_dim3A : f32 to vector<16xf32>
      %swap3A = arith.index_cast %scan3A_207 : i32 to index
      %swap3A_209 = arith.constant 0 : index
      %swap3A_210 = tpu.vector_load %arg8[%swap3A, %swap3A_209] {strides = array<i32>} : memref<640x16xf32, #tpu.memory_space<vmem>>, vector<1x16xf32>,
      %swap3A_211 = vector.shape_cast %swap3A_210 : vector<1x16xf32> to vector<16xf32>
      %swap3A_212 = vector.shape_cast %broadcast_in_dim3A_208 : vector<16xf32> to vector<1x16xf32>
      tpu.vector_store %arg8[%swap3A, %swap3A_209], %swap3A_212 {strides = array<i32>} : memref<640x16xf32, #tpu.memory_space<vmem>>, vector<1x16xf32>,
    }
    %scan3A_13 = arith.constant 640 : i32
    %mul3A_14 = arith.constant 640 : i32
    %mul3A_15 = arith.muli %arg1, %mul3A_14 : i32
    "tpu.region"() ({
      %run_scoped3A_207 = tpu.sem_alloc : memref<!tpu.dma_semaphore, #tpu.memory_space<semaphore_mem>>
      %dma_start3A = arith.constant 0 : i32
      %dma_start3A_208 = tpu.memref_slice %arg9[%mul3A_15, %dma_start3A] : memref<10240x16xf32, #tpu.memory_space<vmem_shared>> -> memref<640x16xf32, #tpu.memory_space<vmem_shared>>
      %dma_start3A_209 = arith.constant 0 : i32
      %dma_start3A_210 = tpu.memref_slice %arg9[%mul3A_15, %dma_start3A_209] : memref<10240x16xf32, #tpu.memory_space<vmem_shared>> -> memref<640x16xf32, #tpu.memory_space<vmem_shared>>
      tpu.enqueue_dma source(%arg8 : memref<640x16xf32, #tpu.memory_space<vmem>>) target(%dma_start3A_210 : memref<640x16xf32, #tpu.memory_space<vmem_shared>>) target_semaphore(%run_scoped3A_207 : memref<!tpu.dma_semaphore, #tpu.memory_space<semaphore_mem>>)
      %dma_wait3A_211 = arith.constant 0 : i32
      %dma_wait3A_212 = tpu.memref_slice %arg9[%mul3A_15, %dma_wait3A_211] : memref<10240x16xf32, #tpu.memory_space<vmem_shared>> -> memref<640x16xf32, #tpu.memory_space<vmem_shared>>
      %dma_wait3A_213 = arith.constant 0 : i32
      %dma_wait3A_214 = tpu.memref_slice %arg9[%mul3A_15, %dma_wait3A_213] : memref<10240x16xf32, #tpu.memory_space<vmem_shared>> -> memref<640x16xf32, #tpu.memory_space<vmem_shared>>
      tpu.wait_dma2 semaphore(%run_scoped3A_207 : memref<!tpu.dma_semaphore, #tpu.memory_space<semaphore_mem>>) src(%arg8 : memref<640x16xf32, #tpu.memory_space<vmem>>) dst(%dma_wait3A_214 : memref<640x16xf32, #tpu.memory_space<vmem_shared>>)
      tpu.yield
    }) : () -> ()
    %run_scoped3A = arith.constant 0 : i32
    "tpu.region"() ({
      %run_scoped3A_207 = tpu.sem_alloc : memref<!tpu.dma_semaphore, #tpu.memory_space<semaphore_mem>>
      %dma_start3A = arith.constant 0 : i32
      %dma_start3A_208 = tpu.memref_slice %arg2[%run_scoped3A, %min3A_8, %dma_start3A] : memref<2x2500x128xi32, #tpu.memory_space<hbm>> -> memref<1x79x128xi32, #tpu.memory_space<hbm>>
      %dma_start3A_209 = tpu.memref_squeeze %dma_start3A_208 : memref<1x79x128xi32, #tpu.memory_space<hbm>> -> memref<79x128xi32, #tpu.memory_space<hbm>>
      %dma_start3A_210 = arith.constant 0 : i32
      %dma_start3A_211 = tpu.memref_slice %arg2[%run_scoped3A, %min3A_8, %dma_start3A_210] : memref<2x2500x128xi32, #tpu.memory_space<hbm>> -> memref<1x79x128xi32, #tpu.memory_space<hbm>>
      %dma_start3A_212 = tpu.memref_squeeze %dma_start3A_211 : memref<1x79x128xi32, #tpu.memory_space<hbm>> -> memref<79x128xi32, #tpu.memory_space<hbm>>
      tpu.enqueue_dma source(%dma_start3A_212 : memref<79x128xi32, #tpu.memory_space<hbm>>) target(%arg5 : memref<79x128xi32, #tpu.memory_space<vmem>>) target_semaphore(%run_scoped3A_207 : memref<!tpu.dma_semaphore, #tpu.memory_space<semaphore_mem>>)
      %dma_wait3A_213 = arith.constant 0 : i32
      %dma_wait3A_214 = tpu.memref_slice %arg2[%run_scoped3A, %min3A_8, %dma_wait3A_213] : memref<2x2500x128xi32, #tpu.memory_space<hbm>> -> memref<1x79x128xi32, #tpu.memory_space<hbm>>
      %dma_wait3A_215 = tpu.memref_squeeze %dma_wait3A_214 : memref<1x79x128xi32, #tpu.memory_space<hbm>> -> memref<79x128xi32, #tpu.memory_space<hbm>>
      %dma_wait3A_216 = arith.constant 0 : i32
      %dma_wait3A_217 = tpu.memref_slice %arg2[%run_scoped3A, %min3A_8, %dma_wait3A_216] : memref<2x2500x128xi32, #tpu.memory_space<hbm>> -> memref<1x79x128xi32, #tpu.memory_space<hbm>>
      %dma_wait3A_218 = tpu.memref_squeeze %dma_wait3A_217 : memref<1x79x128xi32, #tpu.memory_space<hbm>> -> memref<79x128xi32, #tpu.memory_space<hbm>>
      tpu.wait_dma2 semaphore(%run_scoped3A_207 : memref<!tpu.dma_semaphore, #tpu.memory_space<semaphore_mem>>) src(%dma_wait3A_218 : memref<79x128xi32, #tpu.memory_space<hbm>>) dst(%arg5 : memref<79x128xi32, #tpu.memory_space<vmem>>)
      tpu.yield
    }) : () -> ()
    %run_scoped3A_16 = arith.constant 1 : i32
    "tpu.region"() ({
      %run_scoped3A_207 = tpu.sem_alloc : memref<!tpu.dma_semaphore, #tpu.memory_space<semaphore_mem>>
      %dma_start3A = arith.constant 0 : i32
      %dma_start3A_208 = tpu.memref_slice %arg2[%run_scoped3A_16, %min3A_8, %dma_start3A] : memref<2x2500x128xi32, #tpu.memory_space<hbm>> -> memref<1x79x128xi32, #tpu.memory_space<hbm>>
      %dma_start3A_209 = tpu.memref_squeeze %dma_start3A_208 : memref<1x79x128xi32, #tpu.memory_space<hbm>> -> memref<79x128xi32, #tpu.memory_space<hbm>>
      %dma_start3A_210 = arith.constant 0 : i32
      %dma_start3A_211 = tpu.memref_slice %arg2[%run_scoped3A_16, %min3A_8, %dma_start3A_210] : memref<2x2500x128xi32, #tpu.memory_space<hbm>> -> memref<1x79x128xi32, #tpu.memory_space<hbm>>
      %dma_start3A_212 = tpu.memref_squeeze %dma_start3A_211 : memref<1x79x128xi32, #tpu.memory_space<hbm>> -> memref<79x128xi32, #tpu.memory_space<hbm>>
      tpu.enqueue_dma source(%dma_start3A_212 : memref<79x128xi32, #tpu.memory_space<hbm>>) target(%arg6 : memref<79x128xi32, #tpu.memory_space<vmem>>) target_semaphore(%run_scoped3A_207 : memref<!tpu.dma_semaphore, #tpu.memory_space<semaphore_mem>>)
      %dma_wait3A_213 = arith.constant 0 : i32
      %dma_wait3A_214 = tpu.memref_slice %arg2[%run_scoped3A_16, %min3A_8, %dma_wait3A_213] : memref<2x2500x128xi32, #tpu.memory_space<hbm>> -> memref<1x79x128xi32, #tpu.memory_space<hbm>>
      %dma_wait3A_215 = tpu.memref_squeeze %dma_wait3A_214 : memref<1x79x128xi32, #tpu.memory_space<hbm>> -> memref<79x128xi32, #tpu.memory_space<hbm>>
      %dma_wait3A_216 = arith.constant 0 : i32
      %dma_wait3A_217 = tpu.memref_slice %arg2[%run_scoped3A_16, %min3A_8, %dma_wait3A_216] : memref<2x2500x128xi32, #tpu.memory_space<hbm>> -> memref<1x79x128xi32, #tpu.memory_space<hbm>>
      %dma_wait3A_218 = tpu.memref_squeeze %dma_wait3A_217 : memref<1x79x128xi32, #tpu.memory_space<hbm>> -> memref<79x128xi32, #tpu.memory_space<hbm>>
      tpu.wait_dma2 semaphore(%run_scoped3A_207 : memref<!tpu.dma_semaphore, #tpu.memory_space<semaphore_mem>>) src(%dma_wait3A_218 : memref<79x128xi32, #tpu.memory_space<hbm>>) dst(%arg6 : memref<79x128xi32, #tpu.memory_space<vmem>>)
      tpu.yield
    }) : () -> ()
    %barrier3A = arith.constant 0 : index
    tpu.barrier barrier_id(%barrier3A)
    %scan3A_17 = arith.constant 0 : i32
    %scan3A_18 = arith.constant 0 : i32
    %scan3A_19 = arith.constant 7 : i32
    %scan3A_20 = arith.addi %scan3A_18, %scan3A_19 : i32
    %scan3A_21 = arith.constant 1 : i32
    scf.for %scan3A_207 = %scan3A_18 to %scan3A_20 step %scan3A_21  : i32 {
      %mul3A_208 = arith.constant 12 : i32
      %mul3A_209 = arith.muli %scan3A_207, %mul3A_208 : i32
      %add3A_210 = arith.constant 0 : i32
      %add3A_211 = arith.addi %mul3A_209, %add3A_210 : i32
      %lt3A_212 = arith.cmpi slt, %add3A_211, %select_n3A : i32
      %gt3A = arith.constant 0 : i32
      %gt3A_213 = arith.cmpi sgt, %scan3A_207, %gt3A : i32
      %and3A = arith.andi %lt3A_212, %gt3A_213 : i1
      %convert_element_type3A = arith.extui %and3A : i1 to i32
      %cond3A = arith.constant 0 : i32
      %cond3A_214 = arith.cmpi ne, %convert_element_type3A, %cond3A : i32
      scf.if %cond3A_214 {
        %dma_wait3A_434 = arith.constant 0 : i32
        %dma_wait3A_435 = arith.constant 0 : i32
        %dma_wait3A_436 = arith.constant 0 : i32
        %dma_wait3A_437 = arith.constant 0 : i32
        %dma_wait3A_438 = arith.constant 0 : i32
        %dma_wait3A_439 = tpu.memref_slice %arg7[%dma_wait3A_434, %dma_wait3A_437, %dma_wait3A_438] : memref<12x128x16xf32, #tpu.memory_space<vmem>> -> memref<1x128x16xf32, #tpu.memory_space<vmem>>
        %dma_wait3A_440 = tpu.memref_squeeze %dma_wait3A_439 : memref<1x128x16xf32, #tpu.memory_space<vmem>> -> memref<128x16xf32, #tpu.memory_space<vmem>>
        %dma_wait3A_441 = arith.constant 0 : i32
        %dma_wait3A_442 = tpu.memref_slice %arg6[%dma_wait3A_435, %dma_wait3A_441] : memref<79x128xi32, #tpu.memory_space<vmem>> -> memref<1x128xi32, #tpu.memory_space<vmem>>
        %dma_wait3A_443 = tpu.memref_squeeze %dma_wait3A_442 : memref<1x128xi32, #tpu.memory_space<vmem>> -> memref<128xi32, #tpu.memory_space<vmem>>
        %dma_wait3A_444 = arith.constant 0 : i32
        %dma_wait3A_445 = arith.constant 0 : i32
        %dma_wait3A_446 = tpu.memref_slice %arg9[%dma_wait3A_444, %dma_wait3A_445] : memref<10240x16xf32, #tpu.memory_space<vmem_shared>> -> memref<10240x16xf32, #tpu.memory_space<vmem_shared>>
        %dma_wait3A_447 = tpu.memref_slice %arg11[%dma_wait3A_436] : memref<12x!tpu.dma_semaphore, #tpu.memory_space<semaphore_mem>> -> memref<1x!tpu.dma_semaphore, #tpu.memory_space<semaphore_mem>>
        %dma_wait3A_448 = tpu.memref_squeeze %dma_wait3A_447 : memref<1x!tpu.dma_semaphore, #tpu.memory_space<semaphore_mem>> -> memref<!tpu.dma_semaphore, #tpu.memory_space<semaphore_mem>>
        tpu.wait_indirect_dma semaphore(%dma_wait3A_448 : memref<!tpu.dma_semaphore, #tpu.memory_space<semaphore_mem>>) src(%dma_wait3A_440 : memref<128x16xf32, #tpu.memory_space<vmem>>) dst(%dma_wait3A_446 : memref<10240x16xf32, #tpu.memory_space<vmem_shared>>)
      } else {
      }
      %lt3A_215 = arith.cmpi slt, %add3A_211, %select_n3A : i32
      %convert_element_type3A_216 = arith.extui %lt3A_215 : i1 to i32
      %cond3A_217 = arith.constant 0 : i32
      %cond3A_218 = arith.cmpi ne, %convert_element_type3A_216, %cond3A_217 : i32
      scf.if %cond3A_218 {
        %add3A_434 = arith.addi %add3A_211, %sub3A : i32
        %dma_start3A = arith.constant 0 : i32
        %dma_start3A_435 = arith.constant 0 : i32
        %dma_start3A_436 = arith.constant 0 : i32
        %dma_start3A_437 = arith.constant 0 : i32
        %dma_start3A_438 = tpu.memref_slice %arg7[%dma_start3A, %dma_start3A_436, %dma_start3A_437] : memref<12x128x16xf32, #tpu.memory_space<vmem>> -> memref<1x128x16xf32, #tpu.memory_space<vmem>>
        %dma_start3A_439 = tpu.memref_squeeze %dma_start3A_438 : memref<1x128x16xf32, #tpu.memory_space<vmem>> -> memref<128x16xf32, #tpu.memory_space<vmem>>
        %dma_start3A_440 = arith.constant 0 : i32
        %dma_start3A_441 = tpu.memref_slice %arg5[%add3A_434, %dma_start3A_440] : memref<79x128xi32, #tpu.memory_space<vmem>> -> memref<1x128xi32, #tpu.memory_space<vmem>>
        %dma_start3A_442 = tpu.memref_squeeze %dma_start3A_441 : memref<1x128xi32, #tpu.memory_space<vmem>> -> memref<128xi32, #tpu.memory_space<vmem>>
        %dma_start3A_443 = arith.constant 0 : i32
        %dma_start3A_444 = arith.constant 0 : i32
        %dma_start3A_445 = tpu.memref_slice %arg3[%dma_start3A_443, %dma_start3A_444] : memref<10000x16xf32, #tpu.memory_space<hbm>> -> memref<10000x16xf32, #tpu.memory_space<hbm>>
        %dma_start3A_446 = tpu.memref_slice %arg10[%dma_start3A_435] : memref<12x!tpu.dma_semaphore, #tpu.memory_space<semaphore_mem>> -> memref<1x!tpu.dma_semaphore, #tpu.memory_space<semaphore_mem>>
        %dma_start3A_447 = tpu.memref_squeeze %dma_start3A_446 : memref<1x!tpu.dma_semaphore, #tpu.memory_space<semaphore_mem>> -> memref<!tpu.dma_semaphore, #tpu.memory_space<semaphore_mem>>
        tpu.enqueue_indirect_dma source(%dma_start3A_445 : memref<10000x16xf32, #tpu.memory_space<hbm>>) target(%dma_start3A_439 : memref<128x16xf32, #tpu.memory_space<vmem>>) offsets(%dma_start3A_442 : memref<128xi32, #tpu.memory_space<vmem>>) semaphore(%dma_start3A_447 : memref<!tpu.dma_semaphore, #tpu.memory_space<semaphore_mem>>)
      } else {
      }
      %add3A_219 = arith.constant 1 : i32
      %add3A_220 = arith.addi %mul3A_209, %add3A_219 : i32
      %lt3A_221 = arith.cmpi slt, %add3A_220, %select_n3A : i32
      %gt3A_222 = arith.constant 0 : i32
      %gt3A_223 = arith.cmpi sgt, %scan3A_207, %gt3A_222 : i32
      %and3A_224 = arith.andi %lt3A_221, %gt3A_223 : i1
      %convert_element_type3A_225 = arith.extui %and3A_224 : i1 to i32
      %cond3A_226 = arith.constant 0 : i32
      %cond3A_227 = arith.cmpi ne, %convert_element_type3A_225, %cond3A_226 : i32
      scf.if %cond3A_227 {
        %dma_wait3A_434 = arith.constant 1 : i32
        %dma_wait3A_435 = arith.constant 0 : i32
        %dma_wait3A_436 = arith.constant 1 : i32
        %dma_wait3A_437 = arith.constant 0 : i32
        %dma_wait3A_438 = arith.constant 0 : i32
        %dma_wait3A_439 = tpu.memref_slice %arg7[%dma_wait3A_434, %dma_wait3A_437, %dma_wait3A_438] : memref<12x128x16xf32, #tpu.memory_space<vmem>> -> memref<1x128x16xf32, #tpu.memory_space<vmem>>
        %dma_wait3A_440 = tpu.memref_squeeze %dma_wait3A_439 : memref<1x128x16xf32, #tpu.memory_space<vmem>> -> memref<128x16xf32, #tpu.memory_space<vmem>>
        %dma_wait3A_441 = arith.constant 0 : i32
        %dma_wait3A_442 = tpu.memref_slice %arg6[%dma_wait3A_435, %dma_wait3A_441] : memref<79x128xi32, #tpu.memory_space<vmem>> -> memref<1x128xi32, #tpu.memory_space<vmem>>
        %dma_wait3A_443 = tpu.memref_squeeze %dma_wait3A_442 : memref<1x128xi32, #tpu.memory_space<vmem>> -> memref<128xi32, #tpu.memory_space<vmem>>
        %dma_wait3A_444 = arith.constant 0 : i32
        %dma_wait3A_445 = arith.constant 0 : i32
        %dma_wait3A_446 = tpu.memref_slice %arg9[%dma_wait3A_444, %dma_wait3A_445] : memref<10240x16xf32, #tpu.memory_space<vmem_shared>> -> memref<10240x16xf32, #tpu.memory_space<vmem_shared>>
        %dma_wait3A_447 = tpu.memref_slice %arg11[%dma_wait3A_436] : memref<12x!tpu.dma_semaphore, #tpu.memory_space<semaphore_mem>> -> memref<1x!tpu.dma_semaphore, #tpu.memory_space<semaphore_mem>>
        %dma_wait3A_448 = tpu.memref_squeeze %dma_wait3A_447 : memref<1x!tpu.dma_semaphore, #tpu.memory_space<semaphore_mem>> -> memref<!tpu.dma_semaphore, #tpu.memory_space<semaphore_mem>>
        tpu.wait_indirect_dma semaphore(%dma_wait3A_448 : memref<!tpu.dma_semaphore, #tpu.memory_space<semaphore_mem>>) src(%dma_wait3A_440 : memref<128x16xf32, #tpu.memory_space<vmem>>) dst(%dma_wait3A_446 : memref<10240x16xf32, #tpu.memory_space<vmem_shared>>)
      } else {
      }
      %lt3A_228 = arith.cmpi slt, %add3A_220, %select_n3A : i32
      %convert_element_type3A_229 = arith.extui %lt3A_228 : i1 to i32
      %cond3A_230 = arith.constant 0 : i32
      %cond3A_231 = arith.cmpi ne, %convert_element_type3A_229, %cond3A_230 : i32
      scf.if %cond3A_231 {
        %add3A_434 = arith.addi %add3A_220, %sub3A : i32
        %dma_start3A = arith.constant 1 : i32
        %dma_start3A_435 = arith.constant 1 : i32
        %dma_start3A_436 = arith.constant 0 : i32
        %dma_start3A_437 = arith.constant 0 : i32
        %dma_start3A_438 = tpu.memref_slice %arg7[%dma_start3A, %dma_start3A_436, %dma_start3A_437] : memref<12x128x16xf32, #tpu.memory_space<vmem>> -> memref<1x128x16xf32, #tpu.memory_space<vmem>>
        %dma_start3A_439 = tpu.memref_squeeze %dma_start3A_438 : memref<1x128x16xf32, #tpu.memory_space<vmem>> -> memref<128x16xf32, #tpu.memory_space<vmem>>
        %dma_start3A_440 = arith.constant 0 : i32
        %dma_start3A_441 = tpu.memref_slice %arg5[%add3A_434, %dma_start3A_440] : memref<79x128xi32, #tpu.memory_space<vmem>> -> memref<1x128xi32, #tpu.memory_space<vmem>>
        %dma_start3A_442 = tpu.memref_squeeze %dma_start3A_441 : memref<1x128xi32, #tpu.memory_space<vmem>> -> memref<128xi32, #tpu.memory_space<vmem>>
        %dma_start3A_443 = arith.constant 0 : i32
        %dma_start3A_444 = arith.constant 0 : i32
        %dma_start3A_445 = tpu.memref_slice %arg3[%dma_start3A_443, %dma_start3A_444] : memref<10000x16xf32, #tpu.memory_space<hbm>> -> memref<10000x16xf32, #tpu.memory_space<hbm>>
        %dma_start3A_446 = tpu.memref_slice %arg10[%dma_start3A_435] : memref<12x!tpu.dma_semaphore, #tpu.memory_space<semaphore_mem>> -> memref<1x!tpu.dma_semaphore, #tpu.memory_space<semaphore_mem>>
        %dma_start3A_447 = tpu.memref_squeeze %dma_start3A_446 : memref<1x!tpu.dma_semaphore, #tpu.memory_space<semaphore_mem>> -> memref<!tpu.dma_semaphore, #tpu.memory_space<semaphore_mem>>
        tpu.enqueue_indirect_dma source(%dma_start3A_445 : memref<10000x16xf32, #tpu.memory_space<hbm>>) target(%dma_start3A_439 : memref<128x16xf32, #tpu.memory_space<vmem>>) offsets(%dma_start3A_442 : memref<128xi32, #tpu.memory_space<vmem>>) semaphore(%dma_start3A_447 : memref<!tpu.dma_semaphore, #tpu.memory_space<semaphore_mem>>)
      } else {
      }
      %add3A_232 = arith.constant 2 : i32
      %add3A_233 = arith.addi %mul3A_209, %add3A_232 : i32
      %lt3A_234 = arith.cmpi slt, %add3A_233, %select_n3A : i32
      %gt3A_235 = arith.constant 0 : i32
      %gt3A_236 = arith.cmpi sgt, %scan3A_207, %gt3A_235 : i32
      %and3A_237 = arith.andi %lt3A_234, %gt3A_236 : i1
      %convert_element_type3A_238 = arith.extui %and3A_237 : i1 to i32
      %cond3A_239 = arith.constant 0 : i32
      %cond3A_240 = arith.cmpi ne, %convert_element_type3A_238, %cond3A_239 : i32
      scf.if %cond3A_240 {
        %dma_wait3A_434 = arith.constant 2 : i32
        %dma_wait3A_435 = arith.constant 0 : i32
        %dma_wait3A_436 = arith.constant 2 : i32
        %dma_wait3A_437 = arith.constant 0 : i32
        %dma_wait3A_438 = arith.constant 0 : i32
        %dma_wait3A_439 = tpu.memref_slice %arg7[%dma_wait3A_434, %dma_wait3A_437, %dma_wait3A_438] : memref<12x128x16xf32, #tpu.memory_space<vmem>> -> memref<1x128x16xf32, #tpu.memory_space<vmem>>
        %dma_wait3A_440 = tpu.memref_squeeze %dma_wait3A_439 : memref<1x128x16xf32, #tpu.memory_space<vmem>> -> memref<128x16xf32, #tpu.memory_space<vmem>>
        %dma_wait3A_441 = arith.constant 0 : i32
        %dma_wait3A_442 = tpu.memref_slice %arg6[%dma_wait3A_435, %dma_wait3A_441] : memref<79x128xi32, #tpu.memory_space<vmem>> -> memref<1x128xi32, #tpu.memory_space<vmem>>
        %dma_wait3A_443 = tpu.memref_squeeze %dma_wait3A_442 : memref<1x128xi32, #tpu.memory_space<vmem>> -> memref<128xi32, #tpu.memory_space<vmem>>
        %dma_wait3A_444 = arith.constant 0 : i32
        %dma_wait3A_445 = arith.constant 0 : i32
        %dma_wait3A_446 = tpu.memref_slice %arg9[%dma_wait3A_444, %dma_wait3A_445] : memref<10240x16xf32, #tpu.memory_space<vmem_shared>> -> memref<10240x16xf32, #tpu.memory_space<vmem_shared>>
        %dma_wait3A_447 = tpu.memref_slice %arg11[%dma_wait3A_436] : memref<12x!tpu.dma_semaphore, #tpu.memory_space<semaphore_mem>> -> memref<1x!tpu.dma_semaphore, #tpu.memory_space<semaphore_mem>>
        %dma_wait3A_448 = tpu.memref_squeeze %dma_wait3A_447 : memref<1x!tpu.dma_semaphore, #tpu.memory_space<semaphore_mem>> -> memref<!tpu.dma_semaphore, #tpu.memory_space<semaphore_mem>>
        tpu.wait_indirect_dma semaphore(%dma_wait3A_448 : memref<!tpu.dma_semaphore, #tpu.memory_space<semaphore_mem>>) src(%dma_wait3A_440 : memref<128x16xf32, #tpu.memory_space<vmem>>) dst(%dma_wait3A_446 : memref<10240x16xf32, #tpu.memory_space<vmem_shared>>)
      } else {
      }
      %lt3A_241 = arith.cmpi slt, %add3A_233, %select_n3A : i32
      %convert_element_type3A_242 = arith.extui %lt3A_241 : i1 to i32
      %cond3A_243 = arith.constant 0 : i32
      %cond3A_244 = arith.cmpi ne, %convert_element_type3A_242, %cond3A_243 : i32
      scf.if %cond3A_244 {
        %add3A_434 = arith.addi %add3A_233, %sub3A : i32
        %dma_start3A = arith.constant 2 : i32
        %dma_start3A_435 = arith.constant 2 : i32
        %dma_start3A_436 = arith.constant 0 : i32
        %dma_start3A_437 = arith.constant 0 : i32
        %dma_start3A_438 = tpu.memref_slice %arg7[%dma_start3A, %dma_start3A_436, %dma_start3A_437] : memref<12x128x16xf32, #tpu.memory_space<vmem>> -> memref<1x128x16xf32, #tpu.memory_space<vmem>>
        %dma_start3A_439 = tpu.memref_squeeze %dma_start3A_438 : memref<1x128x16xf32, #tpu.memory_space<vmem>> -> memref<128x16xf32, #tpu.memory_space<vmem>>
        %dma_start3A_440 = arith.constant 0 : i32
        %dma_start3A_441 = tpu.memref_slice %arg5[%add3A_434, %dma_start3A_440] : memref<79x128xi32, #tpu.memory_space<vmem>> -> memref<1x128xi32, #tpu.memory_space<vmem>>
        %dma_start3A_442 = tpu.memref_squeeze %dma_start3A_441 : memref<1x128xi32, #tpu.memory_space<vmem>> -> memref<128xi32, #tpu.memory_space<vmem>>
        %dma_start3A_443 = arith.constant 0 : i32
        %dma_start3A_444 = arith.constant 0 : i32
        %dma_start3A_445 = tpu.memref_slice %arg3[%dma_start3A_443, %dma_start3A_444] : memref<10000x16xf32, #tpu.memory_space<hbm>> -> memref<10000x16xf32, #tpu.memory_space<hbm>>
        %dma_start3A_446 = tpu.memref_slice %arg10[%dma_start3A_435] : memref<12x!tpu.dma_semaphore, #tpu.memory_space<semaphore_mem>> -> memref<1x!tpu.dma_semaphore, #tpu.memory_space<semaphore_mem>>
        %dma_start3A_447 = tpu.memref_squeeze %dma_start3A_446 : memref<1x!tpu.dma_semaphore, #tpu.memory_space<semaphore_mem>> -> memref<!tpu.dma_semaphore, #tpu.memory_space<semaphore_mem>>
        tpu.enqueue_indirect_dma source(%dma_start3A_445 : memref<10000x16xf32, #tpu.memory_space<hbm>>) target(%dma_start3A_439 : memref<128x16xf32, #tpu.memory_space<vmem>>) offsets(%dma_start3A_442 : memref<128xi32, #tpu.memory_space<vmem>>) semaphore(%dma_start3A_447 : memref<!tpu.dma_semaphore, #tpu.memory_space<semaphore_mem>>)
      } else {
      }
      %add3A_245 = arith.constant 3 : i32
      %add3A_246 = arith.addi %mul3A_209, %add3A_245 : i32
      %lt3A_247 = arith.cmpi slt, %add3A_246, %select_n3A : i32
      %gt3A_248 = arith.constant 0 : i32
      %gt3A_249 = arith.cmpi sgt, %scan3A_207, %gt3A_248 : i32
      %and3A_250 = arith.andi %lt3A_247, %gt3A_249 : i1
      %convert_element_type3A_251 = arith.extui %and3A_250 : i1 to i32
      %cond3A_252 = arith.constant 0 : i32
      %cond3A_253 = arith.cmpi ne, %convert_element_type3A_251, %cond3A_252 : i32
      scf.if %cond3A_253 {
        %dma_wait3A_434 = arith.constant 3 : i32
        %dma_wait3A_435 = arith.constant 0 : i32
        %dma_wait3A_436 = arith.constant 3 : i32
        %dma_wait3A_437 = arith.constant 0 : i32
        %dma_wait3A_438 = arith.constant 0 : i32
        %dma_wait3A_439 = tpu.memref_slice %arg7[%dma_wait3A_434, %dma_wait3A_437, %dma_wait3A_438] : memref<12x128x16xf32, #tpu.memory_space<vmem>> -> memref<1x128x16xf32, #tpu.memory_space<vmem>>
        %dma_wait3A_440 = tpu.memref_squeeze %dma_wait3A_439 : memref<1x128x16xf32, #tpu.memory_space<vmem>> -> memref<128x16xf32, #tpu.memory_space<vmem>>
        %dma_wait3A_441 = arith.constant 0 : i32
        %dma_wait3A_442 = tpu.memref_slice %arg6[%dma_wait3A_435, %dma_wait3A_441] : memref<79x128xi32, #tpu.memory_space<vmem>> -> memref<1x128xi32, #tpu.memory_space<vmem>>
        %dma_wait3A_443 = tpu.memref_squeeze %dma_wait3A_442 : memref<1x128xi32, #tpu.memory_space<vmem>> -> memref<128xi32, #tpu.memory_space<vmem>>
        %dma_wait3A_444 = arith.constant 0 : i32
        %dma_wait3A_445 = arith.constant 0 : i32
        %dma_wait3A_446 = tpu.memref_slice %arg9[%dma_wait3A_444, %dma_wait3A_445] : memref<10240x16xf32, #tpu.memory_space<vmem_shared>> -> memref<10240x16xf32, #tpu.memory_space<vmem_shared>>
        %dma_wait3A_447 = tpu.memref_slice %arg11[%dma_wait3A_436] : memref<12x!tpu.dma_semaphore, #tpu.memory_space<semaphore_mem>> -> memref<1x!tpu.dma_semaphore, #tpu.memory_space<semaphore_mem>>
        %dma_wait3A_448 = tpu.memref_squeeze %dma_wait3A_447 : memref<1x!tpu.dma_semaphore, #tpu.memory_space<semaphore_mem>> -> memref<!tpu.dma_semaphore, #tpu.memory_space<semaphore_mem>>
        tpu.wait_indirect_dma semaphore(%dma_wait3A_448 : memref<!tpu.dma_semaphore, #tpu.memory_space<semaphore_mem>>) src(%dma_wait3A_440 : memref<128x16xf32, #tpu.memory_space<vmem>>) dst(%dma_wait3A_446 : memref<10240x16xf32, #tpu.memory_space<vmem_shared>>)
      } else {
      }
      %lt3A_254 = arith.cmpi slt, %add3A_246, %select_n3A : i32
      %convert_element_type3A_255 = arith.extui %lt3A_254 : i1 to i32
      %cond3A_256 = arith.constant 0 : i32
      %cond3A_257 = arith.cmpi ne, %convert_element_type3A_255, %cond3A_256 : i32
      scf.if %cond3A_257 {
        %add3A_434 = arith.addi %add3A_246, %sub3A : i32
        %dma_start3A = arith.constant 3 : i32
        %dma_start3A_435 = arith.constant 3 : i32
        %dma_start3A_436 = arith.constant 0 : i32
        %dma_start3A_437 = arith.constant 0 : i32
        %dma_start3A_438 = tpu.memref_slice %arg7[%dma_start3A, %dma_start3A_436, %dma_start3A_437] : memref<12x128x16xf32, #tpu.memory_space<vmem>> -> memref<1x128x16xf32, #tpu.memory_space<vmem>>
        %dma_start3A_439 = tpu.memref_squeeze %dma_start3A_438 : memref<1x128x16xf32, #tpu.memory_space<vmem>> -> memref<128x16xf32, #tpu.memory_space<vmem>>
        %dma_start3A_440 = arith.constant 0 : i32
        %dma_start3A_441 = tpu.memref_slice %arg5[%add3A_434, %dma_start3A_440] : memref<79x128xi32, #tpu.memory_space<vmem>> -> memref<1x128xi32, #tpu.memory_space<vmem>>
        %dma_start3A_442 = tpu.memref_squeeze %dma_start3A_441 : memref<1x128xi32, #tpu.memory_space<vmem>> -> memref<128xi32, #tpu.memory_space<vmem>>
        %dma_start3A_443 = arith.constant 0 : i32
        %dma_start3A_444 = arith.constant 0 : i32
        %dma_start3A_445 = tpu.memref_slice %arg3[%dma_start3A_443, %dma_start3A_444] : memref<10000x16xf32, #tpu.memory_space<hbm>> -> memref<10000x16xf32, #tpu.memory_space<hbm>>
        %dma_start3A_446 = tpu.memref_slice %arg10[%dma_start3A_435] : memref<12x!tpu.dma_semaphore, #tpu.memory_space<semaphore_mem>> -> memref<1x!tpu.dma_semaphore, #tpu.memory_space<semaphore_mem>>
        %dma_start3A_447 = tpu.memref_squeeze %dma_start3A_446 : memref<1x!tpu.dma_semaphore, #tpu.memory_space<semaphore_mem>> -> memref<!tpu.dma_semaphore, #tpu.memory_space<semaphore_mem>>
        tpu.enqueue_indirect_dma source(%dma_start3A_445 : memref<10000x16xf32, #tpu.memory_space<hbm>>) target(%dma_start3A_439 : memref<128x16xf32, #tpu.memory_space<vmem>>) offsets(%dma_start3A_442 : memref<128xi32, #tpu.memory_space<vmem>>) semaphore(%dma_start3A_447 : memref<!tpu.dma_semaphore, #tpu.memory_space<semaphore_mem>>)
      } else {
      }
      %add3A_258 = arith.constant 4 : i32
      %add3A_259 = arith.addi %mul3A_209, %add3A_258 : i32
      %lt3A_260 = arith.cmpi slt, %add3A_259, %select_n3A : i32
      %gt3A_261 = arith.constant 0 : i32
      %gt3A_262 = arith.cmpi sgt, %scan3A_207, %gt3A_261 : i32
      %and3A_263 = arith.andi %lt3A_260, %gt3A_262 : i1
      %convert_element_type3A_264 = arith.extui %and3A_263 : i1 to i32
      %cond3A_265 = arith.constant 0 : i32
      %cond3A_266 = arith.cmpi ne, %convert_element_type3A_264, %cond3A_265 : i32
      scf.if %cond3A_266 {
        %dma_wait3A_434 = arith.constant 4 : i32
        %dma_wait3A_435 = arith.constant 0 : i32
        %dma_wait3A_436 = arith.constant 4 : i32
        %dma_wait3A_437 = arith.constant 0 : i32
        %dma_wait3A_438 = arith.constant 0 : i32
        %dma_wait3A_439 = tpu.memref_slice %arg7[%dma_wait3A_434, %dma_wait3A_437, %dma_wait3A_438] : memref<12x128x16xf32, #tpu.memory_space<vmem>> -> memref<1x128x16xf32, #tpu.memory_space<vmem>>
        %dma_wait3A_440 = tpu.memref_squeeze %dma_wait3A_439 : memref<1x128x16xf32, #tpu.memory_space<vmem>> -> memref<128x16xf32, #tpu.memory_space<vmem>>
        %dma_wait3A_441 = arith.constant 0 : i32
        %dma_wait3A_442 = tpu.memref_slice %arg6[%dma_wait3A_435, %dma_wait3A_441] : memref<79x128xi32, #tpu.memory_space<vmem>> -> memref<1x128xi32, #tpu.memory_space<vmem>>
        %dma_wait3A_443 = tpu.memref_squeeze %dma_wait3A_442 : memref<1x128xi32, #tpu.memory_space<vmem>> -> memref<128xi32, #tpu.memory_space<vmem>>
        %dma_wait3A_444 = arith.constant 0 : i32
        %dma_wait3A_445 = arith.constant 0 : i32
        %dma_wait3A_446 = tpu.memref_slice %arg9[%dma_wait3A_444, %dma_wait3A_445] : memref<10240x16xf32, #tpu.memory_space<vmem_shared>> -> memref<10240x16xf32, #tpu.memory_space<vmem_shared>>
        %dma_wait3A_447 = tpu.memref_slice %arg11[%dma_wait3A_436] : memref<12x!tpu.dma_semaphore, #tpu.memory_space<semaphore_mem>> -> memref<1x!tpu.dma_semaphore, #tpu.memory_space<semaphore_mem>>
        %dma_wait3A_448 = tpu.memref_squeeze %dma_wait3A_447 : memref<1x!tpu.dma_semaphore, #tpu.memory_space<semaphore_mem>> -> memref<!tpu.dma_semaphore, #tpu.memory_space<semaphore_mem>>
        tpu.wait_indirect_dma semaphore(%dma_wait3A_448 : memref<!tpu.dma_semaphore, #tpu.memory_space<semaphore_mem>>) src(%dma_wait3A_440 : memref<128x16xf32, #tpu.memory_space<vmem>>) dst(%dma_wait3A_446 : memref<10240x16xf32, #tpu.memory_space<vmem_shared>>)
      } else {
      }
      %lt3A_267 = arith.cmpi slt, %add3A_259, %select_n3A : i32
      %convert_element_type3A_268 = arith.extui %lt3A_267 : i1 to i32
      %cond3A_269 = arith.constant 0 : i32
      %cond3A_270 = arith.cmpi ne, %convert_element_type3A_268, %cond3A_269 : i32
      scf.if %cond3A_270 {
        %add3A_434 = arith.addi %add3A_259, %sub3A : i32
        %dma_start3A = arith.constant 4 : i32
        %dma_start3A_435 = arith.constant 4 : i32
        %dma_start3A_436 = arith.constant 0 : i32
        %dma_start3A_437 = arith.constant 0 : i32
        %dma_start3A_438 = tpu.memref_slice %arg7[%dma_start3A, %dma_start3A_436, %dma_start3A_437] : memref<12x128x16xf32, #tpu.memory_space<vmem>> -> memref<1x128x16xf32, #tpu.memory_space<vmem>>
        %dma_start3A_439 = tpu.memref_squeeze %dma_start3A_438 : memref<1x128x16xf32, #tpu.memory_space<vmem>> -> memref<128x16xf32, #tpu.memory_space<vmem>>
        %dma_start3A_440 = arith.constant 0 : i32
        %dma_start3A_441 = tpu.memref_slice %arg5[%add3A_434, %dma_start3A_440] : memref<79x128xi32, #tpu.memory_space<vmem>> -> memref<1x128xi32, #tpu.memory_space<vmem>>
        %dma_start3A_442 = tpu.memref_squeeze %dma_start3A_441 : memref<1x128xi32, #tpu.memory_space<vmem>> -> memref<128xi32, #tpu.memory_space<vmem>>
        %dma_start3A_443 = arith.constant 0 : i32
        %dma_start3A_444 = arith.constant 0 : i32
        %dma_start3A_445 = tpu.memref_slice %arg3[%dma_start3A_443, %dma_start3A_444] : memref<10000x16xf32, #tpu.memory_space<hbm>> -> memref<10000x16xf32, #tpu.memory_space<hbm>>
        %dma_start3A_446 = tpu.memref_slice %arg10[%dma_start3A_435] : memref<12x!tpu.dma_semaphore, #tpu.memory_space<semaphore_mem>> -> memref<1x!tpu.dma_semaphore, #tpu.memory_space<semaphore_mem>>
        %dma_start3A_447 = tpu.memref_squeeze %dma_start3A_446 : memref<1x!tpu.dma_semaphore, #tpu.memory_space<semaphore_mem>> -> memref<!tpu.dma_semaphore, #tpu.memory_space<semaphore_mem>>
        tpu.enqueue_indirect_dma source(%dma_start3A_445 : memref<10000x16xf32, #tpu.memory_space<hbm>>) target(%dma_start3A_439 : memref<128x16xf32, #tpu.memory_space<vmem>>) offsets(%dma_start3A_442 : memref<128xi32, #tpu.memory_space<vmem>>) semaphore(%dma_start3A_447 : memref<!tpu.dma_semaphore, #tpu.memory_space<semaphore_mem>>)
      } else {
      }
      %add3A_271 = arith.constant 5 : i32
      %add3A_272 = arith.addi %mul3A_209, %add3A_271 : i32
      %lt3A_273 = arith.cmpi slt, %add3A_272, %select_n3A : i32
      %gt3A_274 = arith.constant 0 : i32
      %gt3A_275 = arith.cmpi sgt, %scan3A_207, %gt3A_274 : i32
      %and3A_276 = arith.andi %lt3A_273, %gt3A_275 : i1
      %convert_element_type3A_277 = arith.extui %and3A_276 : i1 to i32
      %cond3A_278 = arith.constant 0 : i32
      %cond3A_279 = arith.cmpi ne, %convert_element_type3A_277, %cond3A_278 : i32
      scf.if %cond3A_279 {
        %dma_wait3A_434 = arith.constant 5 : i32
        %dma_wait3A_435 = arith.constant 0 : i32
        %dma_wait3A_436 = arith.constant 5 : i32
        %dma_wait3A_437 = arith.constant 0 : i32
        %dma_wait3A_438 = arith.constant 0 : i32
        %dma_wait3A_439 = tpu.memref_slice %arg7[%dma_wait3A_434, %dma_wait3A_437, %dma_wait3A_438] : memref<12x128x16xf32, #tpu.memory_space<vmem>> -> memref<1x128x16xf32, #tpu.memory_space<vmem>>
        %dma_wait3A_440 = tpu.memref_squeeze %dma_wait3A_439 : memref<1x128x16xf32, #tpu.memory_space<vmem>> -> memref<128x16xf32, #tpu.memory_space<vmem>>
        %dma_wait3A_441 = arith.constant 0 : i32
        %dma_wait3A_442 = tpu.memref_slice %arg6[%dma_wait3A_435, %dma_wait3A_441] : memref<79x128xi32, #tpu.memory_space<vmem>> -> memref<1x128xi32, #tpu.memory_space<vmem>>
        %dma_wait3A_443 = tpu.memref_squeeze %dma_wait3A_442 : memref<1x128xi32, #tpu.memory_space<vmem>> -> memref<128xi32, #tpu.memory_space<vmem>>
        %dma_wait3A_444 = arith.constant 0 : i32
        %dma_wait3A_445 = arith.constant 0 : i32
        %dma_wait3A_446 = tpu.memref_slice %arg9[%dma_wait3A_444, %dma_wait3A_445] : memref<10240x16xf32, #tpu.memory_space<vmem_shared>> -> memref<10240x16xf32, #tpu.memory_space<vmem_shared>>
        %dma_wait3A_447 = tpu.memref_slice %arg11[%dma_wait3A_436] : memref<12x!tpu.dma_semaphore, #tpu.memory_space<semaphore_mem>> -> memref<1x!tpu.dma_semaphore, #tpu.memory_space<semaphore_mem>>
        %dma_wait3A_448 = tpu.memref_squeeze %dma_wait3A_447 : memref<1x!tpu.dma_semaphore, #tpu.memory_space<semaphore_mem>> -> memref<!tpu.dma_semaphore, #tpu.memory_space<semaphore_mem>>
        tpu.wait_indirect_dma semaphore(%dma_wait3A_448 : memref<!tpu.dma_semaphore, #tpu.memory_space<semaphore_mem>>) src(%dma_wait3A_440 : memref<128x16xf32, #tpu.memory_space<vmem>>) dst(%dma_wait3A_446 : memref<10240x16xf32, #tpu.memory_space<vmem_shared>>)
      } else {
      }
      %lt3A_280 = arith.cmpi slt, %add3A_272, %select_n3A : i32
      %convert_element_type3A_281 = arith.extui %lt3A_280 : i1 to i32
      %cond3A_282 = arith.constant 0 : i32
      %cond3A_283 = arith.cmpi ne, %convert_element_type3A_281, %cond3A_282 : i32
      scf.if %cond3A_283 {
        %add3A_434 = arith.addi %add3A_272, %sub3A : i32
        %dma_start3A = arith.constant 5 : i32
        %dma_start3A_435 = arith.constant 5 : i32
        %dma_start3A_436 = arith.constant 0 : i32
        %dma_start3A_437 = arith.constant 0 : i32
        %dma_start3A_438 = tpu.memref_slice %arg7[%dma_start3A, %dma_start3A_436, %dma_start3A_437] : memref<12x128x16xf32, #tpu.memory_space<vmem>> -> memref<1x128x16xf32, #tpu.memory_space<vmem>>
        %dma_start3A_439 = tpu.memref_squeeze %dma_start3A_438 : memref<1x128x16xf32, #tpu.memory_space<vmem>> -> memref<128x16xf32, #tpu.memory_space<vmem>>
        %dma_start3A_440 = arith.constant 0 : i32
        %dma_start3A_441 = tpu.memref_slice %arg5[%add3A_434, %dma_start3A_440] : memref<79x128xi32, #tpu.memory_space<vmem>> -> memref<1x128xi32, #tpu.memory_space<vmem>>
        %dma_start3A_442 = tpu.memref_squeeze %dma_start3A_441 : memref<1x128xi32, #tpu.memory_space<vmem>> -> memref<128xi32, #tpu.memory_space<vmem>>
        %dma_start3A_443 = arith.constant 0 : i32
        %dma_start3A_444 = arith.constant 0 : i32
        %dma_start3A_445 = tpu.memref_slice %arg3[%dma_start3A_443, %dma_start3A_444] : memref<10000x16xf32, #tpu.memory_space<hbm>> -> memref<10000x16xf32, #tpu.memory_space<hbm>>
        %dma_start3A_446 = tpu.memref_slice %arg10[%dma_start3A_435] : memref<12x!tpu.dma_semaphore, #tpu.memory_space<semaphore_mem>> -> memref<1x!tpu.dma_semaphore, #tpu.memory_space<semaphore_mem>>
        %dma_start3A_447 = tpu.memref_squeeze %dma_start3A_446 : memref<1x!tpu.dma_semaphore, #tpu.memory_space<semaphore_mem>> -> memref<!tpu.dma_semaphore, #tpu.memory_space<semaphore_mem>>
        tpu.enqueue_indirect_dma source(%dma_start3A_445 : memref<10000x16xf32, #tpu.memory_space<hbm>>) target(%dma_start3A_439 : memref<128x16xf32, #tpu.memory_space<vmem>>) offsets(%dma_start3A_442 : memref<128xi32, #tpu.memory_space<vmem>>) semaphore(%dma_start3A_447 : memref<!tpu.dma_semaphore, #tpu.memory_space<semaphore_mem>>)
      } else {
      }
      %add3A_284 = arith.constant 6 : i32
      %add3A_285 = arith.addi %mul3A_209, %add3A_284 : i32
      %lt3A_286 = arith.cmpi slt, %add3A_285, %select_n3A : i32
      %gt3A_287 = arith.constant 0 : i32
      %gt3A_288 = arith.cmpi sgt, %scan3A_207, %gt3A_287 : i32
      %and3A_289 = arith.andi %lt3A_286, %gt3A_288 : i1
      %convert_element_type3A_290 = arith.extui %and3A_289 : i1 to i32
      %cond3A_291 = arith.constant 0 : i32
      %cond3A_292 = arith.cmpi ne, %convert_element_type3A_290, %cond3A_291 : i32
      scf.if %cond3A_292 {
        %dma_wait3A_434 = arith.constant 6 : i32
        %dma_wait3A_435 = arith.constant 0 : i32
        %dma_wait3A_436 = arith.constant 6 : i32
        %dma_wait3A_437 = arith.constant 0 : i32
        %dma_wait3A_438 = arith.constant 0 : i32
        %dma_wait3A_439 = tpu.memref_slice %arg7[%dma_wait3A_434, %dma_wait3A_437, %dma_wait3A_438] : memref<12x128x16xf32, #tpu.memory_space<vmem>> -> memref<1x128x16xf32, #tpu.memory_space<vmem>>
        %dma_wait3A_440 = tpu.memref_squeeze %dma_wait3A_439 : memref<1x128x16xf32, #tpu.memory_space<vmem>> -> memref<128x16xf32, #tpu.memory_space<vmem>>
        %dma_wait3A_441 = arith.constant 0 : i32
        %dma_wait3A_442 = tpu.memref_slice %arg6[%dma_wait3A_435, %dma_wait3A_441] : memref<79x128xi32, #tpu.memory_space<vmem>> -> memref<1x128xi32, #tpu.memory_space<vmem>>
        %dma_wait3A_443 = tpu.memref_squeeze %dma_wait3A_442 : memref<1x128xi32, #tpu.memory_space<vmem>> -> memref<128xi32, #tpu.memory_space<vmem>>
        %dma_wait3A_444 = arith.constant 0 : i32
        %dma_wait3A_445 = arith.constant 0 : i32
        %dma_wait3A_446 = tpu.memref_slice %arg9[%dma_wait3A_444, %dma_wait3A_445] : memref<10240x16xf32, #tpu.memory_space<vmem_shared>> -> memref<10240x16xf32, #tpu.memory_space<vmem_shared>>
        %dma_wait3A_447 = tpu.memref_slice %arg11[%dma_wait3A_436] : memref<12x!tpu.dma_semaphore, #tpu.memory_space<semaphore_mem>> -> memref<1x!tpu.dma_semaphore, #tpu.memory_space<semaphore_mem>>
        %dma_wait3A_448 = tpu.memref_squeeze %dma_wait3A_447 : memref<1x!tpu.dma_semaphore, #tpu.memory_space<semaphore_mem>> -> memref<!tpu.dma_semaphore, #tpu.memory_space<semaphore_mem>>
        tpu.wait_indirect_dma semaphore(%dma_wait3A_448 : memref<!tpu.dma_semaphore, #tpu.memory_space<semaphore_mem>>) src(%dma_wait3A_440 : memref<128x16xf32, #tpu.memory_space<vmem>>) dst(%dma_wait3A_446 : memref<10240x16xf32, #tpu.memory_space<vmem_shared>>)
      } else {
      }
      %lt3A_293 = arith.cmpi slt, %add3A_285, %select_n3A : i32
      %convert_element_type3A_294 = arith.extui %lt3A_293 : i1 to i32
      %cond3A_295 = arith.constant 0 : i32
      %cond3A_296 = arith.cmpi ne, %convert_element_type3A_294, %cond3A_295 : i32
      scf.if %cond3A_296 {
        %add3A_434 = arith.addi %add3A_285, %sub3A : i32
        %dma_start3A = arith.constant 6 : i32
        %dma_start3A_435 = arith.constant 6 : i32
        %dma_start3A_436 = arith.constant 0 : i32
        %dma_start3A_437 = arith.constant 0 : i32
        %dma_start3A_438 = tpu.memref_slice %arg7[%dma_start3A, %dma_start3A_436, %dma_start3A_437] : memref<12x128x16xf32, #tpu.memory_space<vmem>> -> memref<1x128x16xf32, #tpu.memory_space<vmem>>
        %dma_start3A_439 = tpu.memref_squeeze %dma_start3A_438 : memref<1x128x16xf32, #tpu.memory_space<vmem>> -> memref<128x16xf32, #tpu.memory_space<vmem>>
        %dma_start3A_440 = arith.constant 0 : i32
        %dma_start3A_441 = tpu.memref_slice %arg5[%add3A_434, %dma_start3A_440] : memref<79x128xi32, #tpu.memory_space<vmem>> -> memref<1x128xi32, #tpu.memory_space<vmem>>
        %dma_start3A_442 = tpu.memref_squeeze %dma_start3A_441 : memref<1x128xi32, #tpu.memory_space<vmem>> -> memref<128xi32, #tpu.memory_space<vmem>>
        %dma_start3A_443 = arith.constant 0 : i32
        %dma_start3A_444 = arith.constant 0 : i32
        %dma_start3A_445 = tpu.memref_slice %arg3[%dma_start3A_443, %dma_start3A_444] : memref<10000x16xf32, #tpu.memory_space<hbm>> -> memref<10000x16xf32, #tpu.memory_space<hbm>>
        %dma_start3A_446 = tpu.memref_slice %arg10[%dma_start3A_435] : memref<12x!tpu.dma_semaphore, #tpu.memory_space<semaphore_mem>> -> memref<1x!tpu.dma_semaphore, #tpu.memory_space<semaphore_mem>>
        %dma_start3A_447 = tpu.memref_squeeze %dma_start3A_446 : memref<1x!tpu.dma_semaphore, #tpu.memory_space<semaphore_mem>> -> memref<!tpu.dma_semaphore, #tpu.memory_space<semaphore_mem>>
        tpu.enqueue_indirect_dma source(%dma_start3A_445 : memref<10000x16xf32, #tpu.memory_space<hbm>>) target(%dma_start3A_439 : memref<128x16xf32, #tpu.memory_space<vmem>>) offsets(%dma_start3A_442 : memref<128xi32, #tpu.memory_space<vmem>>) semaphore(%dma_start3A_447 : memref<!tpu.dma_semaphore, #tpu.memory_space<semaphore_mem>>)
      } else {
      }
      %add3A_297 = arith.constant 7 : i32
      %add3A_298 = arith.addi %mul3A_209, %add3A_297 : i32
      %lt3A_299 = arith.cmpi slt, %add3A_298, %select_n3A : i32
      %gt3A_300 = arith.constant 0 : i32
      %gt3A_301 = arith.cmpi sgt, %scan3A_207, %gt3A_300 : i32
      %and3A_302 = arith.andi %lt3A_299, %gt3A_301 : i1
      %convert_element_type3A_303 = arith.extui %and3A_302 : i1 to i32
      %cond3A_304 = arith.constant 0 : i32
      %cond3A_305 = arith.cmpi ne, %convert_element_type3A_303, %cond3A_304 : i32
      scf.if %cond3A_305 {
        %dma_wait3A_434 = arith.constant 7 : i32
        %dma_wait3A_435 = arith.constant 0 : i32
        %dma_wait3A_436 = arith.constant 7 : i32
        %dma_wait3A_437 = arith.constant 0 : i32
        %dma_wait3A_438 = arith.constant 0 : i32
        %dma_wait3A_439 = tpu.memref_slice %arg7[%dma_wait3A_434, %dma_wait3A_437, %dma_wait3A_438] : memref<12x128x16xf32, #tpu.memory_space<vmem>> -> memref<1x128x16xf32, #tpu.memory_space<vmem>>
        %dma_wait3A_440 = tpu.memref_squeeze %dma_wait3A_439 : memref<1x128x16xf32, #tpu.memory_space<vmem>> -> memref<128x16xf32, #tpu.memory_space<vmem>>
        %dma_wait3A_441 = arith.constant 0 : i32
        %dma_wait3A_442 = tpu.memref_slice %arg6[%dma_wait3A_435, %dma_wait3A_441] : memref<79x128xi32, #tpu.memory_space<vmem>> -> memref<1x128xi32, #tpu.memory_space<vmem>>
        %dma_wait3A_443 = tpu.memref_squeeze %dma_wait3A_442 : memref<1x128xi32, #tpu.memory_space<vmem>> -> memref<128xi32, #tpu.memory_space<vmem>>
        %dma_wait3A_444 = arith.constant 0 : i32
        %dma_wait3A_445 = arith.constant 0 : i32
        %dma_wait3A_446 = tpu.memref_slice %arg9[%dma_wait3A_444, %dma_wait3A_445] : memref<10240x16xf32, #tpu.memory_space<vmem_shared>> -> memref<10240x16xf32, #tpu.memory_space<vmem_shared>>
        %dma_wait3A_447 = tpu.memref_slice %arg11[%dma_wait3A_436] : memref<12x!tpu.dma_semaphore, #tpu.memory_space<semaphore_mem>> -> memref<1x!tpu.dma_semaphore, #tpu.memory_space<semaphore_mem>>
        %dma_wait3A_448 = tpu.memref_squeeze %dma_wait3A_447 : memref<1x!tpu.dma_semaphore, #tpu.memory_space<semaphore_mem>> -> memref<!tpu.dma_semaphore, #tpu.memory_space<semaphore_mem>>
        tpu.wait_indirect_dma semaphore(%dma_wait3A_448 : memref<!tpu.dma_semaphore, #tpu.memory_space<semaphore_mem>>) src(%dma_wait3A_440 : memref<128x16xf32, #tpu.memory_space<vmem>>) dst(%dma_wait3A_446 : memref<10240x16xf32, #tpu.memory_space<vmem_shared>>)
      } else {
      }
      %lt3A_306 = arith.cmpi slt, %add3A_298, %select_n3A : i32
      %convert_element_type3A_307 = arith.extui %lt3A_306 : i1 to i32
      %cond3A_308 = arith.constant 0 : i32
      %cond3A_309 = arith.cmpi ne, %convert_element_type3A_307, %cond3A_308 : i32
      scf.if %cond3A_309 {
        %add3A_434 = arith.addi %add3A_298, %sub3A : i32
        %dma_start3A = arith.constant 7 : i32
        %dma_start3A_435 = arith.constant 7 : i32
        %dma_start3A_436 = arith.constant 0 : i32
        %dma_start3A_437 = arith.constant 0 : i32
        %dma_start3A_438 = tpu.memref_slice %arg7[%dma_start3A, %dma_start3A_436, %dma_start3A_437] : memref<12x128x16xf32, #tpu.memory_space<vmem>> -> memref<1x128x16xf32, #tpu.memory_space<vmem>>
        %dma_start3A_439 = tpu.memref_squeeze %dma_start3A_438 : memref<1x128x16xf32, #tpu.memory_space<vmem>> -> memref<128x16xf32, #tpu.memory_space<vmem>>
        %dma_start3A_440 = arith.constant 0 : i32
        %dma_start3A_441 = tpu.memref_slice %arg5[%add3A_434, %dma_start3A_440] : memref<79x128xi32, #tpu.memory_space<vmem>> -> memref<1x128xi32, #tpu.memory_space<vmem>>
        %dma_start3A_442 = tpu.memref_squeeze %dma_start3A_441 : memref<1x128xi32, #tpu.memory_space<vmem>> -> memref<128xi32, #tpu.memory_space<vmem>>
        %dma_start3A_443 = arith.constant 0 : i32
        %dma_start3A_444 = arith.constant 0 : i32
        %dma_start3A_445 = tpu.memref_slice %arg3[%dma_start3A_443, %dma_start3A_444] : memref<10000x16xf32, #tpu.memory_space<hbm>> -> memref<10000x16xf32, #tpu.memory_space<hbm>>
        %dma_start3A_446 = tpu.memref_slice %arg10[%dma_start3A_435] : memref<12x!tpu.dma_semaphore, #tpu.memory_space<semaphore_mem>> -> memref<1x!tpu.dma_semaphore, #tpu.memory_space<semaphore_mem>>
        %dma_start3A_447 = tpu.memref_squeeze %dma_start3A_446 : memref<1x!tpu.dma_semaphore, #tpu.memory_space<semaphore_mem>> -> memref<!tpu.dma_semaphore, #tpu.memory_space<semaphore_mem>>
        tpu.enqueue_indirect_dma source(%dma_start3A_445 : memref<10000x16xf32, #tpu.memory_space<hbm>>) target(%dma_start3A_439 : memref<128x16xf32, #tpu.memory_space<vmem>>) offsets(%dma_start3A_442 : memref<128xi32, #tpu.memory_space<vmem>>) semaphore(%dma_start3A_447 : memref<!tpu.dma_semaphore, #tpu.memory_space<semaphore_mem>>)
      } else {
      }
      %add3A_310 = arith.constant 8 : i32
      %add3A_311 = arith.addi %mul3A_209, %add3A_310 : i32
      %lt3A_312 = arith.cmpi slt, %add3A_311, %select_n3A : i32
      %gt3A_313 = arith.constant 0 : i32
      %gt3A_314 = arith.cmpi sgt, %scan3A_207, %gt3A_313 : i32
      %and3A_315 = arith.andi %lt3A_312, %gt3A_314 : i1
      %convert_element_type3A_316 = arith.extui %and3A_315 : i1 to i32
      %cond3A_317 = arith.constant 0 : i32
      %cond3A_318 = arith.cmpi ne, %convert_element_type3A_316, %cond3A_317 : i32
      scf.if %cond3A_318 {
        %dma_wait3A_434 = arith.constant 8 : i32
        %dma_wait3A_435 = arith.constant 0 : i32
        %dma_wait3A_436 = arith.constant 8 : i32
        %dma_wait3A_437 = arith.constant 0 : i32
        %dma_wait3A_438 = arith.constant 0 : i32
        %dma_wait3A_439 = tpu.memref_slice %arg7[%dma_wait3A_434, %dma_wait3A_437, %dma_wait3A_438] : memref<12x128x16xf32, #tpu.memory_space<vmem>> -> memref<1x128x16xf32, #tpu.memory_space<vmem>>
        %dma_wait3A_440 = tpu.memref_squeeze %dma_wait3A_439 : memref<1x128x16xf32, #tpu.memory_space<vmem>> -> memref<128x16xf32, #tpu.memory_space<vmem>>
        %dma_wait3A_441 = arith.constant 0 : i32
        %dma_wait3A_442 = tpu.memref_slice %arg6[%dma_wait3A_435, %dma_wait3A_441] : memref<79x128xi32, #tpu.memory_space<vmem>> -> memref<1x128xi32, #tpu.memory_space<vmem>>
        %dma_wait3A_443 = tpu.memref_squeeze %dma_wait3A_442 : memref<1x128xi32, #tpu.memory_space<vmem>> -> memref<128xi32, #tpu.memory_space<vmem>>
        %dma_wait3A_444 = arith.constant 0 : i32
        %dma_wait3A_445 = arith.constant 0 : i32
        %dma_wait3A_446 = tpu.memref_slice %arg9[%dma_wait3A_444, %dma_wait3A_445] : memref<10240x16xf32, #tpu.memory_space<vmem_shared>> -> memref<10240x16xf32, #tpu.memory_space<vmem_shared>>
        %dma_wait3A_447 = tpu.memref_slice %arg11[%dma_wait3A_436] : memref<12x!tpu.dma_semaphore, #tpu.memory_space<semaphore_mem>> -> memref<1x!tpu.dma_semaphore, #tpu.memory_space<semaphore_mem>>
        %dma_wait3A_448 = tpu.memref_squeeze %dma_wait3A_447 : memref<1x!tpu.dma_semaphore, #tpu.memory_space<semaphore_mem>> -> memref<!tpu.dma_semaphore, #tpu.memory_space<semaphore_mem>>
        tpu.wait_indirect_dma semaphore(%dma_wait3A_448 : memref<!tpu.dma_semaphore, #tpu.memory_space<semaphore_mem>>) src(%dma_wait3A_440 : memref<128x16xf32, #tpu.memory_space<vmem>>) dst(%dma_wait3A_446 : memref<10240x16xf32, #tpu.memory_space<vmem_shared>>)
      } else {
      }
      %lt3A_319 = arith.cmpi slt, %add3A_311, %select_n3A : i32
      %convert_element_type3A_320 = arith.extui %lt3A_319 : i1 to i32
      %cond3A_321 = arith.constant 0 : i32
      %cond3A_322 = arith.cmpi ne, %convert_element_type3A_320, %cond3A_321 : i32
      scf.if %cond3A_322 {
        %add3A_434 = arith.addi %add3A_311, %sub3A : i32
        %dma_start3A = arith.constant 8 : i32
        %dma_start3A_435 = arith.constant 8 : i32
        %dma_start3A_436 = arith.constant 0 : i32
        %dma_start3A_437 = arith.constant 0 : i32
        %dma_start3A_438 = tpu.memref_slice %arg7[%dma_start3A, %dma_start3A_436, %dma_start3A_437] : memref<12x128x16xf32, #tpu.memory_space<vmem>> -> memref<1x128x16xf32, #tpu.memory_space<vmem>>
        %dma_start3A_439 = tpu.memref_squeeze %dma_start3A_438 : memref<1x128x16xf32, #tpu.memory_space<vmem>> -> memref<128x16xf32, #tpu.memory_space<vmem>>
        %dma_start3A_440 = arith.constant 0 : i32
        %dma_start3A_441 = tpu.memref_slice %arg5[%add3A_434, %dma_start3A_440] : memref<79x128xi32, #tpu.memory_space<vmem>> -> memref<1x128xi32, #tpu.memory_space<vmem>>
        %dma_start3A_442 = tpu.memref_squeeze %dma_start3A_441 : memref<1x128xi32, #tpu.memory_space<vmem>> -> memref<128xi32, #tpu.memory_space<vmem>>
        %dma_start3A_443 = arith.constant 0 : i32
        %dma_start3A_444 = arith.constant 0 : i32
        %dma_start3A_445 = tpu.memref_slice %arg3[%dma_start3A_443, %dma_start3A_444] : memref<10000x16xf32, #tpu.memory_space<hbm>> -> memref<10000x16xf32, #tpu.memory_space<hbm>>
        %dma_start3A_446 = tpu.memref_slice %arg10[%dma_start3A_435] : memref<12x!tpu.dma_semaphore, #tpu.memory_space<semaphore_mem>> -> memref<1x!tpu.dma_semaphore, #tpu.memory_space<semaphore_mem>>
        %dma_start3A_447 = tpu.memref_squeeze %dma_start3A_446 : memref<1x!tpu.dma_semaphore, #tpu.memory_space<semaphore_mem>> -> memref<!tpu.dma_semaphore, #tpu.memory_space<semaphore_mem>>
        tpu.enqueue_indirect_dma source(%dma_start3A_445 : memref<10000x16xf32, #tpu.memory_space<hbm>>) target(%dma_start3A_439 : memref<128x16xf32, #tpu.memory_space<vmem>>) offsets(%dma_start3A_442 : memref<128xi32, #tpu.memory_space<vmem>>) semaphore(%dma_start3A_447 : memref<!tpu.dma_semaphore, #tpu.memory_space<semaphore_mem>>)
      } else {
      }
      %add3A_323 = arith.constant 9 : i32
      %add3A_324 = arith.addi %mul3A_209, %add3A_323 : i32
      %lt3A_325 = arith.cmpi slt, %add3A_324, %select_n3A : i32
      %gt3A_326 = arith.constant 0 : i32
      %gt3A_327 = arith.cmpi sgt, %scan3A_207, %gt3A_326 : i32
      %and3A_328 = arith.andi %lt3A_325, %gt3A_327 : i1
      %convert_element_type3A_329 = arith.extui %and3A_328 : i1 to i32
      %cond3A_330 = arith.constant 0 : i32
      %cond3A_331 = arith.cmpi ne, %convert_element_type3A_329, %cond3A_330 : i32
      scf.if %cond3A_331 {
        %dma_wait3A_434 = arith.constant 9 : i32
        %dma_wait3A_435 = arith.constant 0 : i32
        %dma_wait3A_436 = arith.constant 9 : i32
        %dma_wait3A_437 = arith.constant 0 : i32
        %dma_wait3A_438 = arith.constant 0 : i32
        %dma_wait3A_439 = tpu.memref_slice %arg7[%dma_wait3A_434, %dma_wait3A_437, %dma_wait3A_438] : memref<12x128x16xf32, #tpu.memory_space<vmem>> -> memref<1x128x16xf32, #tpu.memory_space<vmem>>
        %dma_wait3A_440 = tpu.memref_squeeze %dma_wait3A_439 : memref<1x128x16xf32, #tpu.memory_space<vmem>> -> memref<128x16xf32, #tpu.memory_space<vmem>>
        %dma_wait3A_441 = arith.constant 0 : i32
        %dma_wait3A_442 = tpu.memref_slice %arg6[%dma_wait3A_435, %dma_wait3A_441] : memref<79x128xi32, #tpu.memory_space<vmem>> -> memref<1x128xi32, #tpu.memory_space<vmem>>
        %dma_wait3A_443 = tpu.memref_squeeze %dma_wait3A_442 : memref<1x128xi32, #tpu.memory_space<vmem>> -> memref<128xi32, #tpu.memory_space<vmem>>
        %dma_wait3A_444 = arith.constant 0 : i32
        %dma_wait3A_445 = arith.constant 0 : i32
        %dma_wait3A_446 = tpu.memref_slice %arg9[%dma_wait3A_444, %dma_wait3A_445] : memref<10240x16xf32, #tpu.memory_space<vmem_shared>> -> memref<10240x16xf32, #tpu.memory_space<vmem_shared>>
        %dma_wait3A_447 = tpu.memref_slice %arg11[%dma_wait3A_436] : memref<12x!tpu.dma_semaphore, #tpu.memory_space<semaphore_mem>> -> memref<1x!tpu.dma_semaphore, #tpu.memory_space<semaphore_mem>>
        %dma_wait3A_448 = tpu.memref_squeeze %dma_wait3A_447 : memref<1x!tpu.dma_semaphore, #tpu.memory_space<semaphore_mem>> -> memref<!tpu.dma_semaphore, #tpu.memory_space<semaphore_mem>>
        tpu.wait_indirect_dma semaphore(%dma_wait3A_448 : memref<!tpu.dma_semaphore, #tpu.memory_space<semaphore_mem>>) src(%dma_wait3A_440 : memref<128x16xf32, #tpu.memory_space<vmem>>) dst(%dma_wait3A_446 : memref<10240x16xf32, #tpu.memory_space<vmem_shared>>)
      } else {
      }
      %lt3A_332 = arith.cmpi slt, %add3A_324, %select_n3A : i32
      %convert_element_type3A_333 = arith.extui %lt3A_332 : i1 to i32
      %cond3A_334 = arith.constant 0 : i32
      %cond3A_335 = arith.cmpi ne, %convert_element_type3A_333, %cond3A_334 : i32
      scf.if %cond3A_335 {
        %add3A_434 = arith.addi %add3A_324, %sub3A : i32
        %dma_start3A = arith.constant 9 : i32
        %dma_start3A_435 = arith.constant 9 : i32
        %dma_start3A_436 = arith.constant 0 : i32
        %dma_start3A_437 = arith.constant 0 : i32
        %dma_start3A_438 = tpu.memref_slice %arg7[%dma_start3A, %dma_start3A_436, %dma_start3A_437] : memref<12x128x16xf32, #tpu.memory_space<vmem>> -> memref<1x128x16xf32, #tpu.memory_space<vmem>>
        %dma_start3A_439 = tpu.memref_squeeze %dma_start3A_438 : memref<1x128x16xf32, #tpu.memory_space<vmem>> -> memref<128x16xf32, #tpu.memory_space<vmem>>
        %dma_start3A_440 = arith.constant 0 : i32
        %dma_start3A_441 = tpu.memref_slice %arg5[%add3A_434, %dma_start3A_440] : memref<79x128xi32, #tpu.memory_space<vmem>> -> memref<1x128xi32, #tpu.memory_space<vmem>>
        %dma_start3A_442 = tpu.memref_squeeze %dma_start3A_441 : memref<1x128xi32, #tpu.memory_space<vmem>> -> memref<128xi32, #tpu.memory_space<vmem>>
        %dma_start3A_443 = arith.constant 0 : i32
        %dma_start3A_444 = arith.constant 0 : i32
        %dma_start3A_445 = tpu.memref_slice %arg3[%dma_start3A_443, %dma_start3A_444] : memref<10000x16xf32, #tpu.memory_space<hbm>> -> memref<10000x16xf32, #tpu.memory_space<hbm>>
        %dma_start3A_446 = tpu.memref_slice %arg10[%dma_start3A_435] : memref<12x!tpu.dma_semaphore, #tpu.memory_space<semaphore_mem>> -> memref<1x!tpu.dma_semaphore, #tpu.memory_space<semaphore_mem>>
        %dma_start3A_447 = tpu.memref_squeeze %dma_start3A_446 : memref<1x!tpu.dma_semaphore, #tpu.memory_space<semaphore_mem>> -> memref<!tpu.dma_semaphore, #tpu.memory_space<semaphore_mem>>
        tpu.enqueue_indirect_dma source(%dma_start3A_445 : memref<10000x16xf32, #tpu.memory_space<hbm>>) target(%dma_start3A_439 : memref<128x16xf32, #tpu.memory_space<vmem>>) offsets(%dma_start3A_442 : memref<128xi32, #tpu.memory_space<vmem>>) semaphore(%dma_start3A_447 : memref<!tpu.dma_semaphore, #tpu.memory_space<semaphore_mem>>)
      } else {
      }
      %add3A_336 = arith.constant 10 : i32
      %add3A_337 = arith.addi %mul3A_209, %add3A_336 : i32
      %lt3A_338 = arith.cmpi slt, %add3A_337, %select_n3A : i32
      %gt3A_339 = arith.constant 0 : i32
      %gt3A_340 = arith.cmpi sgt, %scan3A_207, %gt3A_339 : i32
      %and3A_341 = arith.andi %lt3A_338, %gt3A_340 : i1
      %convert_element_type3A_342 = arith.extui %and3A_341 : i1 to i32
      %cond3A_343 = arith.constant 0 : i32
      %cond3A_344 = arith.cmpi ne, %convert_element_type3A_342, %cond3A_343 : i32
      scf.if %cond3A_344 {
        %dma_wait3A_434 = arith.constant 10 : i32
        %dma_wait3A_435 = arith.constant 0 : i32
        %dma_wait3A_436 = arith.constant 10 : i32
        %dma_wait3A_437 = arith.constant 0 : i32
        %dma_wait3A_438 = arith.constant 0 : i32
        %dma_wait3A_439 = tpu.memref_slice %arg7[%dma_wait3A_434, %dma_wait3A_437, %dma_wait3A_438] : memref<12x128x16xf32, #tpu.memory_space<vmem>> -> memref<1x128x16xf32, #tpu.memory_space<vmem>>
        %dma_wait3A_440 = tpu.memref_squeeze %dma_wait3A_439 : memref<1x128x16xf32, #tpu.memory_space<vmem>> -> memref<128x16xf32, #tpu.memory_space<vmem>>
        %dma_wait3A_441 = arith.constant 0 : i32
        %dma_wait3A_442 = tpu.memref_slice %arg6[%dma_wait3A_435, %dma_wait3A_441] : memref<79x128xi32, #tpu.memory_space<vmem>> -> memref<1x128xi32, #tpu.memory_space<vmem>>
        %dma_wait3A_443 = tpu.memref_squeeze %dma_wait3A_442 : memref<1x128xi32, #tpu.memory_space<vmem>> -> memref<128xi32, #tpu.memory_space<vmem>>
        %dma_wait3A_444 = arith.constant 0 : i32
        %dma_wait3A_445 = arith.constant 0 : i32
        %dma_wait3A_446 = tpu.memref_slice %arg9[%dma_wait3A_444, %dma_wait3A_445] : memref<10240x16xf32, #tpu.memory_space<vmem_shared>> -> memref<10240x16xf32, #tpu.memory_space<vmem_shared>>
        %dma_wait3A_447 = tpu.memref_slice %arg11[%dma_wait3A_436] : memref<12x!tpu.dma_semaphore, #tpu.memory_space<semaphore_mem>> -> memref<1x!tpu.dma_semaphore, #tpu.memory_space<semaphore_mem>>
        %dma_wait3A_448 = tpu.memref_squeeze %dma_wait3A_447 : memref<1x!tpu.dma_semaphore, #tpu.memory_space<semaphore_mem>> -> memref<!tpu.dma_semaphore, #tpu.memory_space<semaphore_mem>>
        tpu.wait_indirect_dma semaphore(%dma_wait3A_448 : memref<!tpu.dma_semaphore, #tpu.memory_space<semaphore_mem>>) src(%dma_wait3A_440 : memref<128x16xf32, #tpu.memory_space<vmem>>) dst(%dma_wait3A_446 : memref<10240x16xf32, #tpu.memory_space<vmem_shared>>)
      } else {
      }
      %lt3A_345 = arith.cmpi slt, %add3A_337, %select_n3A : i32
      %convert_element_type3A_346 = arith.extui %lt3A_345 : i1 to i32
      %cond3A_347 = arith.constant 0 : i32
      %cond3A_348 = arith.cmpi ne, %convert_element_type3A_346, %cond3A_347 : i32
      scf.if %cond3A_348 {
        %add3A_434 = arith.addi %add3A_337, %sub3A : i32
        %dma_start3A = arith.constant 10 : i32
        %dma_start3A_435 = arith.constant 10 : i32
        %dma_start3A_436 = arith.constant 0 : i32
        %dma_start3A_437 = arith.constant 0 : i32
        %dma_start3A_438 = tpu.memref_slice %arg7[%dma_start3A, %dma_start3A_436, %dma_start3A_437] : memref<12x128x16xf32, #tpu.memory_space<vmem>> -> memref<1x128x16xf32, #tpu.memory_space<vmem>>
        %dma_start3A_439 = tpu.memref_squeeze %dma_start3A_438 : memref<1x128x16xf32, #tpu.memory_space<vmem>> -> memref<128x16xf32, #tpu.memory_space<vmem>>
        %dma_start3A_440 = arith.constant 0 : i32
        %dma_start3A_441 = tpu.memref_slice %arg5[%add3A_434, %dma_start3A_440] : memref<79x128xi32, #tpu.memory_space<vmem>> -> memref<1x128xi32, #tpu.memory_space<vmem>>
        %dma_start3A_442 = tpu.memref_squeeze %dma_start3A_441 : memref<1x128xi32, #tpu.memory_space<vmem>> -> memref<128xi32, #tpu.memory_space<vmem>>
        %dma_start3A_443 = arith.constant 0 : i32
        %dma_start3A_444 = arith.constant 0 : i32
        %dma_start3A_445 = tpu.memref_slice %arg3[%dma_start3A_443, %dma_start3A_444] : memref<10000x16xf32, #tpu.memory_space<hbm>> -> memref<10000x16xf32, #tpu.memory_space<hbm>>
        %dma_start3A_446 = tpu.memref_slice %arg10[%dma_start3A_435] : memref<12x!tpu.dma_semaphore, #tpu.memory_space<semaphore_mem>> -> memref<1x!tpu.dma_semaphore, #tpu.memory_space<semaphore_mem>>
        %dma_start3A_447 = tpu.memref_squeeze %dma_start3A_446 : memref<1x!tpu.dma_semaphore, #tpu.memory_space<semaphore_mem>> -> memref<!tpu.dma_semaphore, #tpu.memory_space<semaphore_mem>>
        tpu.enqueue_indirect_dma source(%dma_start3A_445 : memref<10000x16xf32, #tpu.memory_space<hbm>>) target(%dma_start3A_439 : memref<128x16xf32, #tpu.memory_space<vmem>>) offsets(%dma_start3A_442 : memref<128xi32, #tpu.memory_space<vmem>>) semaphore(%dma_start3A_447 : memref<!tpu.dma_semaphore, #tpu.memory_space<semaphore_mem>>)
      } else {
      }
      %add3A_349 = arith.constant 11 : i32
      %add3A_350 = arith.addi %mul3A_209, %add3A_349 : i32
      %lt3A_351 = arith.cmpi slt, %add3A_350, %select_n3A : i32
      %gt3A_352 = arith.constant 0 : i32
      %gt3A_353 = arith.cmpi sgt, %scan3A_207, %gt3A_352 : i32
      %and3A_354 = arith.andi %lt3A_351, %gt3A_353 : i1
      %convert_element_type3A_355 = arith.extui %and3A_354 : i1 to i32
      %cond3A_356 = arith.constant 0 : i32
      %cond3A_357 = arith.cmpi ne, %convert_element_type3A_355, %cond3A_356 : i32
      scf.if %cond3A_357 {
        %dma_wait3A_434 = arith.constant 11 : i32
        %dma_wait3A_435 = arith.constant 0 : i32
        %dma_wait3A_436 = arith.constant 11 : i32
        %dma_wait3A_437 = arith.constant 0 : i32
        %dma_wait3A_438 = arith.constant 0 : i32
        %dma_wait3A_439 = tpu.memref_slice %arg7[%dma_wait3A_434, %dma_wait3A_437, %dma_wait3A_438] : memref<12x128x16xf32, #tpu.memory_space<vmem>> -> memref<1x128x16xf32, #tpu.memory_space<vmem>>
        %dma_wait3A_440 = tpu.memref_squeeze %dma_wait3A_439 : memref<1x128x16xf32, #tpu.memory_space<vmem>> -> memref<128x16xf32, #tpu.memory_space<vmem>>
        %dma_wait3A_441 = arith.constant 0 : i32
        %dma_wait3A_442 = tpu.memref_slice %arg6[%dma_wait3A_435, %dma_wait3A_441] : memref<79x128xi32, #tpu.memory_space<vmem>> -> memref<1x128xi32, #tpu.memory_space<vmem>>
        %dma_wait3A_443 = tpu.memref_squeeze %dma_wait3A_442 : memref<1x128xi32, #tpu.memory_space<vmem>> -> memref<128xi32, #tpu.memory_space<vmem>>
        %dma_wait3A_444 = arith.constant 0 : i32
        %dma_wait3A_445 = arith.constant 0 : i32
        %dma_wait3A_446 = tpu.memref_slice %arg9[%dma_wait3A_444, %dma_wait3A_445] : memref<10240x16xf32, #tpu.memory_space<vmem_shared>> -> memref<10240x16xf32, #tpu.memory_space<vmem_shared>>
        %dma_wait3A_447 = tpu.memref_slice %arg11[%dma_wait3A_436] : memref<12x!tpu.dma_semaphore, #tpu.memory_space<semaphore_mem>> -> memref<1x!tpu.dma_semaphore, #tpu.memory_space<semaphore_mem>>
        %dma_wait3A_448 = tpu.memref_squeeze %dma_wait3A_447 : memref<1x!tpu.dma_semaphore, #tpu.memory_space<semaphore_mem>> -> memref<!tpu.dma_semaphore, #tpu.memory_space<semaphore_mem>>
        tpu.wait_indirect_dma semaphore(%dma_wait3A_448 : memref<!tpu.dma_semaphore, #tpu.memory_space<semaphore_mem>>) src(%dma_wait3A_440 : memref<128x16xf32, #tpu.memory_space<vmem>>) dst(%dma_wait3A_446 : memref<10240x16xf32, #tpu.memory_space<vmem_shared>>)
      } else {
      }
      %lt3A_358 = arith.cmpi slt, %add3A_350, %select_n3A : i32
      %convert_element_type3A_359 = arith.extui %lt3A_358 : i1 to i32
      %cond3A_360 = arith.constant 0 : i32
      %cond3A_361 = arith.cmpi ne, %convert_element_type3A_359, %cond3A_360 : i32
      scf.if %cond3A_361 {
        %add3A_434 = arith.addi %add3A_350, %sub3A : i32
        %dma_start3A = arith.constant 11 : i32
        %dma_start3A_435 = arith.constant 11 : i32
        %dma_start3A_436 = arith.constant 0 : i32
        %dma_start3A_437 = arith.constant 0 : i32
        %dma_start3A_438 = tpu.memref_slice %arg7[%dma_start3A, %dma_start3A_436, %dma_start3A_437] : memref<12x128x16xf32, #tpu.memory_space<vmem>> -> memref<1x128x16xf32, #tpu.memory_space<vmem>>
        %dma_start3A_439 = tpu.memref_squeeze %dma_start3A_438 : memref<1x128x16xf32, #tpu.memory_space<vmem>> -> memref<128x16xf32, #tpu.memory_space<vmem>>
        %dma_start3A_440 = arith.constant 0 : i32
        %dma_start3A_441 = tpu.memref_slice %arg5[%add3A_434, %dma_start3A_440] : memref<79x128xi32, #tpu.memory_space<vmem>> -> memref<1x128xi32, #tpu.memory_space<vmem>>
        %dma_start3A_442 = tpu.memref_squeeze %dma_start3A_441 : memref<1x128xi32, #tpu.memory_space<vmem>> -> memref<128xi32, #tpu.memory_space<vmem>>
        %dma_start3A_443 = arith.constant 0 : i32
        %dma_start3A_444 = arith.constant 0 : i32
        %dma_start3A_445 = tpu.memref_slice %arg3[%dma_start3A_443, %dma_start3A_444] : memref<10000x16xf32, #tpu.memory_space<hbm>> -> memref<10000x16xf32, #tpu.memory_space<hbm>>
        %dma_start3A_446 = tpu.memref_slice %arg10[%dma_start3A_435] : memref<12x!tpu.dma_semaphore, #tpu.memory_space<semaphore_mem>> -> memref<1x!tpu.dma_semaphore, #tpu.memory_space<semaphore_mem>>
        %dma_start3A_447 = tpu.memref_squeeze %dma_start3A_446 : memref<1x!tpu.dma_semaphore, #tpu.memory_space<semaphore_mem>> -> memref<!tpu.dma_semaphore, #tpu.memory_space<semaphore_mem>>
        tpu.enqueue_indirect_dma source(%dma_start3A_445 : memref<10000x16xf32, #tpu.memory_space<hbm>>) target(%dma_start3A_439 : memref<128x16xf32, #tpu.memory_space<vmem>>) offsets(%dma_start3A_442 : memref<128xi32, #tpu.memory_space<vmem>>) semaphore(%dma_start3A_447 : memref<!tpu.dma_semaphore, #tpu.memory_space<semaphore_mem>>)
      } else {
      }
      %add3A_362 = arith.constant 0 : i32
      %add3A_363 = arith.addi %mul3A_209, %add3A_362 : i32
      %lt3A_364 = arith.cmpi slt, %add3A_363, %select_n3A : i32
      %convert_element_type3A_365 = arith.extui %lt3A_364 : i1 to i32
      %cond3A_366 = arith.constant 0 : i32
      %cond3A_367 = arith.cmpi ne, %convert_element_type3A_365, %cond3A_366 : i32
      scf.if %cond3A_367 {
        %dma_wait3A_434 = arith.constant 0 : i32
        %dma_wait3A_435 = arith.constant 0 : i32
        %dma_wait3A_436 = arith.constant 0 : i32
        %dma_wait3A_437 = arith.constant 0 : i32
        %dma_wait3A_438 = arith.constant 0 : i32
        %dma_wait3A_439 = tpu.memref_slice %arg7[%dma_wait3A_435, %dma_wait3A_437, %dma_wait3A_438] : memref<12x128x16xf32, #tpu.memory_space<vmem>> -> memref<1x128x16xf32, #tpu.memory_space<vmem>>
        %dma_wait3A_440 = tpu.memref_squeeze %dma_wait3A_439 : memref<1x128x16xf32, #tpu.memory_space<vmem>> -> memref<128x16xf32, #tpu.memory_space<vmem>>
        %dma_wait3A_441 = arith.constant 0 : i32
        %dma_wait3A_442 = tpu.memref_slice %arg5[%dma_wait3A_434, %dma_wait3A_441] : memref<79x128xi32, #tpu.memory_space<vmem>> -> memref<1x128xi32, #tpu.memory_space<vmem>>
        %dma_wait3A_443 = tpu.memref_squeeze %dma_wait3A_442 : memref<1x128xi32, #tpu.memory_space<vmem>> -> memref<128xi32, #tpu.memory_space<vmem>>
        %dma_wait3A_444 = arith.constant 0 : i32
        %dma_wait3A_445 = arith.constant 0 : i32
        %dma_wait3A_446 = tpu.memref_slice %arg3[%dma_wait3A_444, %dma_wait3A_445] : memref<10000x16xf32, #tpu.memory_space<hbm>> -> memref<10000x16xf32, #tpu.memory_space<hbm>>
        %dma_wait3A_447 = tpu.memref_slice %arg10[%dma_wait3A_436] : memref<12x!tpu.dma_semaphore, #tpu.memory_space<semaphore_mem>> -> memref<1x!tpu.dma_semaphore, #tpu.memory_space<semaphore_mem>>
        %dma_wait3A_448 = tpu.memref_squeeze %dma_wait3A_447 : memref<1x!tpu.dma_semaphore, #tpu.memory_space<semaphore_mem>> -> memref<!tpu.dma_semaphore, #tpu.memory_space<semaphore_mem>>
        tpu.wait_indirect_dma semaphore(%dma_wait3A_448 : memref<!tpu.dma_semaphore, #tpu.memory_space<semaphore_mem>>) src(%dma_wait3A_446 : memref<10000x16xf32, #tpu.memory_space<hbm>>) dst(%dma_wait3A_440 : memref<128x16xf32, #tpu.memory_space<vmem>>)
        %add3A_449 = arith.addi %add3A_363, %sub3A : i32
        %dma_start3A = arith.constant 0 : i32
        %dma_start3A_450 = arith.constant 0 : i32
        %dma_start3A_451 = arith.constant 0 : i32
        %dma_start3A_452 = arith.constant 0 : i32
        %dma_start3A_453 = tpu.memref_slice %arg7[%dma_start3A, %dma_start3A_451, %dma_start3A_452] : memref<12x128x16xf32, #tpu.memory_space<vmem>> -> memref<1x128x16xf32, #tpu.memory_space<vmem>>
        %dma_start3A_454 = tpu.memref_squeeze %dma_start3A_453 : memref<1x128x16xf32, #tpu.memory_space<vmem>> -> memref<128x16xf32, #tpu.memory_space<vmem>>
        %dma_start3A_455 = arith.constant 0 : i32
        %dma_start3A_456 = tpu.memref_slice %arg6[%add3A_449, %dma_start3A_455] : memref<79x128xi32, #tpu.memory_space<vmem>> -> memref<1x128xi32, #tpu.memory_space<vmem>>
        %dma_start3A_457 = tpu.memref_squeeze %dma_start3A_456 : memref<1x128xi32, #tpu.memory_space<vmem>> -> memref<128xi32, #tpu.memory_space<vmem>>
        %dma_start3A_458 = arith.constant 0 : i32
        %dma_start3A_459 = arith.constant 0 : i32
        %dma_start3A_460 = tpu.memref_slice %arg9[%dma_start3A_458, %dma_start3A_459] : memref<10240x16xf32, #tpu.memory_space<vmem_shared>> -> memref<10240x16xf32, #tpu.memory_space<vmem_shared>>
        %dma_start3A_461 = tpu.memref_slice %arg11[%dma_start3A_450] : memref<12x!tpu.dma_semaphore, #tpu.memory_space<semaphore_mem>> -> memref<1x!tpu.dma_semaphore, #tpu.memory_space<semaphore_mem>>
        %dma_start3A_462 = tpu.memref_squeeze %dma_start3A_461 : memref<1x!tpu.dma_semaphore, #tpu.memory_space<semaphore_mem>> -> memref<!tpu.dma_semaphore, #tpu.memory_space<semaphore_mem>>
        tpu.enqueue_indirect_dma source(%dma_start3A_454 : memref<128x16xf32, #tpu.memory_space<vmem>>) target(%dma_start3A_460 : memref<10240x16xf32, #tpu.memory_space<vmem_shared>>) offsets(%dma_start3A_457 : memref<128xi32, #tpu.memory_space<vmem>>) semaphore(%dma_start3A_462 : memref<!tpu.dma_semaphore, #tpu.memory_space<semaphore_mem>>) {add = true}
      } else {
      }
      %add3A_368 = arith.constant 1 : i32
      %add3A_369 = arith.addi %mul3A_209, %add3A_368 : i32
      %lt3A_370 = arith.cmpi slt, %add3A_369, %select_n3A : i32
      %convert_element_type3A_371 = arith.extui %lt3A_370 : i1 to i32
      %cond3A_372 = arith.constant 0 : i32
      %cond3A_373 = arith.cmpi ne, %convert_element_type3A_371, %cond3A_372 : i32
      scf.if %cond3A_373 {
        %dma_wait3A_434 = arith.constant 0 : i32
        %dma_wait3A_435 = arith.constant 1 : i32
        %dma_wait3A_436 = arith.constant 1 : i32
        %dma_wait3A_437 = arith.constant 0 : i32
        %dma_wait3A_438 = arith.constant 0 : i32
        %dma_wait3A_439 = tpu.memref_slice %arg7[%dma_wait3A_435, %dma_wait3A_437, %dma_wait3A_438] : memref<12x128x16xf32, #tpu.memory_space<vmem>> -> memref<1x128x16xf32, #tpu.memory_space<vmem>>
        %dma_wait3A_440 = tpu.memref_squeeze %dma_wait3A_439 : memref<1x128x16xf32, #tpu.memory_space<vmem>> -> memref<128x16xf32, #tpu.memory_space<vmem>>
        %dma_wait3A_441 = arith.constant 0 : i32
        %dma_wait3A_442 = tpu.memref_slice %arg5[%dma_wait3A_434, %dma_wait3A_441] : memref<79x128xi32, #tpu.memory_space<vmem>> -> memref<1x128xi32, #tpu.memory_space<vmem>>
        %dma_wait3A_443 = tpu.memref_squeeze %dma_wait3A_442 : memref<1x128xi32, #tpu.memory_space<vmem>> -> memref<128xi32, #tpu.memory_space<vmem>>
        %dma_wait3A_444 = arith.constant 0 : i32
        %dma_wait3A_445 = arith.constant 0 : i32
        %dma_wait3A_446 = tpu.memref_slice %arg3[%dma_wait3A_444, %dma_wait3A_445] : memref<10000x16xf32, #tpu.memory_space<hbm>> -> memref<10000x16xf32, #tpu.memory_space<hbm>>
        %dma_wait3A_447 = tpu.memref_slice %arg10[%dma_wait3A_436] : memref<12x!tpu.dma_semaphore, #tpu.memory_space<semaphore_mem>> -> memref<1x!tpu.dma_semaphore, #tpu.memory_space<semaphore_mem>>
        %dma_wait3A_448 = tpu.memref_squeeze %dma_wait3A_447 : memref<1x!tpu.dma_semaphore, #tpu.memory_space<semaphore_mem>> -> memref<!tpu.dma_semaphore, #tpu.memory_space<semaphore_mem>>
        tpu.wait_indirect_dma semaphore(%dma_wait3A_448 : memref<!tpu.dma_semaphore, #tpu.memory_space<semaphore_mem>>) src(%dma_wait3A_446 : memref<10000x16xf32, #tpu.memory_space<hbm>>) dst(%dma_wait3A_440 : memref<128x16xf32, #tpu.memory_space<vmem>>)
        %add3A_449 = arith.addi %add3A_369, %sub3A : i32
        %dma_start3A = arith.constant 1 : i32
        %dma_start3A_450 = arith.constant 1 : i32
        %dma_start3A_451 = arith.constant 0 : i32
        %dma_start3A_452 = arith.constant 0 : i32
        %dma_start3A_453 = tpu.memref_slice %arg7[%dma_start3A, %dma_start3A_451, %dma_start3A_452] : memref<12x128x16xf32, #tpu.memory_space<vmem>> -> memref<1x128x16xf32, #tpu.memory_space<vmem>>
        %dma_start3A_454 = tpu.memref_squeeze %dma_start3A_453 : memref<1x128x16xf32, #tpu.memory_space<vmem>> -> memref<128x16xf32, #tpu.memory_space<vmem>>
        %dma_start3A_455 = arith.constant 0 : i32
        %dma_start3A_456 = tpu.memref_slice %arg6[%add3A_449, %dma_start3A_455] : memref<79x128xi32, #tpu.memory_space<vmem>> -> memref<1x128xi32, #tpu.memory_space<vmem>>
        %dma_start3A_457 = tpu.memref_squeeze %dma_start3A_456 : memref<1x128xi32, #tpu.memory_space<vmem>> -> memref<128xi32, #tpu.memory_space<vmem>>
        %dma_start3A_458 = arith.constant 0 : i32
        %dma_start3A_459 = arith.constant 0 : i32
        %dma_start3A_460 = tpu.memref_slice %arg9[%dma_start3A_458, %dma_start3A_459] : memref<10240x16xf32, #tpu.memory_space<vmem_shared>> -> memref<10240x16xf32, #tpu.memory_space<vmem_shared>>
        %dma_start3A_461 = tpu.memref_slice %arg11[%dma_start3A_450] : memref<12x!tpu.dma_semaphore, #tpu.memory_space<semaphore_mem>> -> memref<1x!tpu.dma_semaphore, #tpu.memory_space<semaphore_mem>>
        %dma_start3A_462 = tpu.memref_squeeze %dma_start3A_461 : memref<1x!tpu.dma_semaphore, #tpu.memory_space<semaphore_mem>> -> memref<!tpu.dma_semaphore, #tpu.memory_space<semaphore_mem>>
        tpu.enqueue_indirect_dma source(%dma_start3A_454 : memref<128x16xf32, #tpu.memory_space<vmem>>) target(%dma_start3A_460 : memref<10240x16xf32, #tpu.memory_space<vmem_shared>>) offsets(%dma_start3A_457 : memref<128xi32, #tpu.memory_space<vmem>>) semaphore(%dma_start3A_462 : memref<!tpu.dma_semaphore, #tpu.memory_space<semaphore_mem>>) {add = true}
      } else {
      }
      %add3A_374 = arith.constant 2 : i32
      %add3A_375 = arith.addi %mul3A_209, %add3A_374 : i32
      %lt3A_376 = arith.cmpi slt, %add3A_375, %select_n3A : i32
      %convert_element_type3A_377 = arith.extui %lt3A_376 : i1 to i32
      %cond3A_378 = arith.constant 0 : i32
      %cond3A_379 = arith.cmpi ne, %convert_element_type3A_377, %cond3A_378 : i32
      scf.if %cond3A_379 {
        %dma_wait3A_434 = arith.constant 0 : i32
        %dma_wait3A_435 = arith.constant 2 : i32
        %dma_wait3A_436 = arith.constant 2 : i32
        %dma_wait3A_437 = arith.constant 0 : i32
        %dma_wait3A_438 = arith.constant 0 : i32
        %dma_wait3A_439 = tpu.memref_slice %arg7[%dma_wait3A_435, %dma_wait3A_437, %dma_wait3A_438] : memref<12x128x16xf32, #tpu.memory_space<vmem>> -> memref<1x128x16xf32, #tpu.memory_space<vmem>>
        %dma_wait3A_440 = tpu.memref_squeeze %dma_wait3A_439 : memref<1x128x16xf32, #tpu.memory_space<vmem>> -> memref<128x16xf32, #tpu.memory_space<vmem>>
        %dma_wait3A_441 = arith.constant 0 : i32
        %dma_wait3A_442 = tpu.memref_slice %arg5[%dma_wait3A_434, %dma_wait3A_441] : memref<79x128xi32, #tpu.memory_space<vmem>> -> memref<1x128xi32, #tpu.memory_space<vmem>>
        %dma_wait3A_443 = tpu.memref_squeeze %dma_wait3A_442 : memref<1x128xi32, #tpu.memory_space<vmem>> -> memref<128xi32, #tpu.memory_space<vmem>>
        %dma_wait3A_444 = arith.constant 0 : i32
        %dma_wait3A_445 = arith.constant 0 : i32
        %dma_wait3A_446 = tpu.memref_slice %arg3[%dma_wait3A_444, %dma_wait3A_445] : memref<10000x16xf32, #tpu.memory_space<hbm>> -> memref<10000x16xf32, #tpu.memory_space<hbm>>
        %dma_wait3A_447 = tpu.memref_slice %arg10[%dma_wait3A_436] : memref<12x!tpu.dma_semaphore, #tpu.memory_space<semaphore_mem>> -> memref<1x!tpu.dma_semaphore, #tpu.memory_space<semaphore_mem>>
        %dma_wait3A_448 = tpu.memref_squeeze %dma_wait3A_447 : memref<1x!tpu.dma_semaphore, #tpu.memory_space<semaphore_mem>> -> memref<!tpu.dma_semaphore, #tpu.memory_space<semaphore_mem>>
        tpu.wait_indirect_dma semaphore(%dma_wait3A_448 : memref<!tpu.dma_semaphore, #tpu.memory_space<semaphore_mem>>) src(%dma_wait3A_446 : memref<10000x16xf32, #tpu.memory_space<hbm>>) dst(%dma_wait3A_440 : memref<128x16xf32, #tpu.memory_space<vmem>>)
        %add3A_449 = arith.addi %add3A_375, %sub3A : i32
        %dma_start3A = arith.constant 2 : i32
        %dma_start3A_450 = arith.constant 2 : i32
        %dma_start3A_451 = arith.constant 0 : i32
        %dma_start3A_452 = arith.constant 0 : i32
        %dma_start3A_453 = tpu.memref_slice %arg7[%dma_start3A, %dma_start3A_451, %dma_start3A_452] : memref<12x128x16xf32, #tpu.memory_space<vmem>> -> memref<1x128x16xf32, #tpu.memory_space<vmem>>
        %dma_start3A_454 = tpu.memref_squeeze %dma_start3A_453 : memref<1x128x16xf32, #tpu.memory_space<vmem>> -> memref<128x16xf32, #tpu.memory_space<vmem>>
        %dma_start3A_455 = arith.constant 0 : i32
        %dma_start3A_456 = tpu.memref_slice %arg6[%add3A_449, %dma_start3A_455] : memref<79x128xi32, #tpu.memory_space<vmem>> -> memref<1x128xi32, #tpu.memory_space<vmem>>
        %dma_start3A_457 = tpu.memref_squeeze %dma_start3A_456 : memref<1x128xi32, #tpu.memory_space<vmem>> -> memref<128xi32, #tpu.memory_space<vmem>>
        %dma_start3A_458 = arith.constant 0 : i32
        %dma_start3A_459 = arith.constant 0 : i32
        %dma_start3A_460 = tpu.memref_slice %arg9[%dma_start3A_458, %dma_start3A_459] : memref<10240x16xf32, #tpu.memory_space<vmem_shared>> -> memref<10240x16xf32, #tpu.memory_space<vmem_shared>>
        %dma_start3A_461 = tpu.memref_slice %arg11[%dma_start3A_450] : memref<12x!tpu.dma_semaphore, #tpu.memory_space<semaphore_mem>> -> memref<1x!tpu.dma_semaphore, #tpu.memory_space<semaphore_mem>>
        %dma_start3A_462 = tpu.memref_squeeze %dma_start3A_461 : memref<1x!tpu.dma_semaphore, #tpu.memory_space<semaphore_mem>> -> memref<!tpu.dma_semaphore, #tpu.memory_space<semaphore_mem>>
        tpu.enqueue_indirect_dma source(%dma_start3A_454 : memref<128x16xf32, #tpu.memory_space<vmem>>) target(%dma_start3A_460 : memref<10240x16xf32, #tpu.memory_space<vmem_shared>>) offsets(%dma_start3A_457 : memref<128xi32, #tpu.memory_space<vmem>>) semaphore(%dma_start3A_462 : memref<!tpu.dma_semaphore, #tpu.memory_space<semaphore_mem>>) {add = true}
      } else {
      }
      %add3A_380 = arith.constant 3 : i32
      %add3A_381 = arith.addi %mul3A_209, %add3A_380 : i32
      %lt3A_382 = arith.cmpi slt, %add3A_381, %select_n3A : i32
      %convert_element_type3A_383 = arith.extui %lt3A_382 : i1 to i32
      %cond3A_384 = arith.constant 0 : i32
      %cond3A_385 = arith.cmpi ne, %convert_element_type3A_383, %cond3A_384 : i32
      scf.if %cond3A_385 {
        %dma_wait3A_434 = arith.constant 0 : i32
        %dma_wait3A_435 = arith.constant 3 : i32
        %dma_wait3A_436 = arith.constant 3 : i32
        %dma_wait3A_437 = arith.constant 0 : i32
        %dma_wait3A_438 = arith.constant 0 : i32
        %dma_wait3A_439 = tpu.memref_slice %arg7[%dma_wait3A_435, %dma_wait3A_437, %dma_wait3A_438] : memref<12x128x16xf32, #tpu.memory_space<vmem>> -> memref<1x128x16xf32, #tpu.memory_space<vmem>>
        %dma_wait3A_440 = tpu.memref_squeeze %dma_wait3A_439 : memref<1x128x16xf32, #tpu.memory_space<vmem>> -> memref<128x16xf32, #tpu.memory_space<vmem>>
        %dma_wait3A_441 = arith.constant 0 : i32
        %dma_wait3A_442 = tpu.memref_slice %arg5[%dma_wait3A_434, %dma_wait3A_441] : memref<79x128xi32, #tpu.memory_space<vmem>> -> memref<1x128xi32, #tpu.memory_space<vmem>>
        %dma_wait3A_443 = tpu.memref_squeeze %dma_wait3A_442 : memref<1x128xi32, #tpu.memory_space<vmem>> -> memref<128xi32, #tpu.memory_space<vmem>>
        %dma_wait3A_444 = arith.constant 0 : i32
        %dma_wait3A_445 = arith.constant 0 : i32
        %dma_wait3A_446 = tpu.memref_slice %arg3[%dma_wait3A_444, %dma_wait3A_445] : memref<10000x16xf32, #tpu.memory_space<hbm>> -> memref<10000x16xf32, #tpu.memory_space<hbm>>
        %dma_wait3A_447 = tpu.memref_slice %arg10[%dma_wait3A_436] : memref<12x!tpu.dma_semaphore, #tpu.memory_space<semaphore_mem>> -> memref<1x!tpu.dma_semaphore, #tpu.memory_space<semaphore_mem>>
        %dma_wait3A_448 = tpu.memref_squeeze %dma_wait3A_447 : memref<1x!tpu.dma_semaphore, #tpu.memory_space<semaphore_mem>> -> memref<!tpu.dma_semaphore, #tpu.memory_space<semaphore_mem>>
        tpu.wait_indirect_dma semaphore(%dma_wait3A_448 : memref<!tpu.dma_semaphore, #tpu.memory_space<semaphore_mem>>) src(%dma_wait3A_446 : memref<10000x16xf32, #tpu.memory_space<hbm>>) dst(%dma_wait3A_440 : memref<128x16xf32, #tpu.memory_space<vmem>>)
        %add3A_449 = arith.addi %add3A_381, %sub3A : i32
        %dma_start3A = arith.constant 3 : i32
        %dma_start3A_450 = arith.constant 3 : i32
        %dma_start3A_451 = arith.constant 0 : i32
        %dma_start3A_452 = arith.constant 0 : i32
        %dma_start3A_453 = tpu.memref_slice %arg7[%dma_start3A, %dma_start3A_451, %dma_start3A_452] : memref<12x128x16xf32, #tpu.memory_space<vmem>> -> memref<1x128x16xf32, #tpu.memory_space<vmem>>
        %dma_start3A_454 = tpu.memref_squeeze %dma_start3A_453 : memref<1x128x16xf32, #tpu.memory_space<vmem>> -> memref<128x16xf32, #tpu.memory_space<vmem>>
        %dma_start3A_455 = arith.constant 0 : i32
        %dma_start3A_456 = tpu.memref_slice %arg6[%add3A_449, %dma_start3A_455] : memref<79x128xi32, #tpu.memory_space<vmem>> -> memref<1x128xi32, #tpu.memory_space<vmem>>
        %dma_start3A_457 = tpu.memref_squeeze %dma_start3A_456 : memref<1x128xi32, #tpu.memory_space<vmem>> -> memref<128xi32, #tpu.memory_space<vmem>>
        %dma_start3A_458 = arith.constant 0 : i32
        %dma_start3A_459 = arith.constant 0 : i32
        %dma_start3A_460 = tpu.memref_slice %arg9[%dma_start3A_458, %dma_start3A_459] : memref<10240x16xf32, #tpu.memory_space<vmem_shared>> -> memref<10240x16xf32, #tpu.memory_space<vmem_shared>>
        %dma_start3A_461 = tpu.memref_slice %arg11[%dma_start3A_450] : memref<12x!tpu.dma_semaphore, #tpu.memory_space<semaphore_mem>> -> memref<1x!tpu.dma_semaphore, #tpu.memory_space<semaphore_mem>>
        %dma_start3A_462 = tpu.memref_squeeze %dma_start3A_461 : memref<1x!tpu.dma_semaphore, #tpu.memory_space<semaphore_mem>> -> memref<!tpu.dma_semaphore, #tpu.memory_space<semaphore_mem>>
        tpu.enqueue_indirect_dma source(%dma_start3A_454 : memref<128x16xf32, #tpu.memory_space<vmem>>) target(%dma_start3A_460 : memref<10240x16xf32, #tpu.memory_space<vmem_shared>>) offsets(%dma_start3A_457 : memref<128xi32, #tpu.memory_space<vmem>>) semaphore(%dma_start3A_462 : memref<!tpu.dma_semaphore, #tpu.memory_space<semaphore_mem>>) {add = true}
      } else {
      }
      %add3A_386 = arith.constant 4 : i32
      %add3A_387 = arith.addi %mul3A_209, %add3A_386 : i32
      %lt3A_388 = arith.cmpi slt, %add3A_387, %select_n3A : i32
      %convert_element_type3A_389 = arith.extui %lt3A_388 : i1 to i32
      %cond3A_390 = arith.constant 0 : i32
      %cond3A_391 = arith.cmpi ne, %convert_element_type3A_389, %cond3A_390 : i32
      scf.if %cond3A_391 {
        %dma_wait3A_434 = arith.constant 0 : i32
        %dma_wait3A_435 = arith.constant 4 : i32
        %dma_wait3A_436 = arith.constant 4 : i32
        %dma_wait3A_437 = arith.constant 0 : i32
        %dma_wait3A_438 = arith.constant 0 : i32
        %dma_wait3A_439 = tpu.memref_slice %arg7[%dma_wait3A_435, %dma_wait3A_437, %dma_wait3A_438] : memref<12x128x16xf32, #tpu.memory_space<vmem>> -> memref<1x128x16xf32, #tpu.memory_space<vmem>>
        %dma_wait3A_440 = tpu.memref_squeeze %dma_wait3A_439 : memref<1x128x16xf32, #tpu.memory_space<vmem>> -> memref<128x16xf32, #tpu.memory_space<vmem>>
        %dma_wait3A_441 = arith.constant 0 : i32
        %dma_wait3A_442 = tpu.memref_slice %arg5[%dma_wait3A_434, %dma_wait3A_441] : memref<79x128xi32, #tpu.memory_space<vmem>> -> memref<1x128xi32, #tpu.memory_space<vmem>>
        %dma_wait3A_443 = tpu.memref_squeeze %dma_wait3A_442 : memref<1x128xi32, #tpu.memory_space<vmem>> -> memref<128xi32, #tpu.memory_space<vmem>>
        %dma_wait3A_444 = arith.constant 0 : i32
        %dma_wait3A_445 = arith.constant 0 : i32
        %dma_wait3A_446 = tpu.memref_slice %arg3[%dma_wait3A_444, %dma_wait3A_445] : memref<10000x16xf32, #tpu.memory_space<hbm>> -> memref<10000x16xf32, #tpu.memory_space<hbm>>
        %dma_wait3A_447 = tpu.memref_slice %arg10[%dma_wait3A_436] : memref<12x!tpu.dma_semaphore, #tpu.memory_space<semaphore_mem>> -> memref<1x!tpu.dma_semaphore, #tpu.memory_space<semaphore_mem>>
        %dma_wait3A_448 = tpu.memref_squeeze %dma_wait3A_447 : memref<1x!tpu.dma_semaphore, #tpu.memory_space<semaphore_mem>> -> memref<!tpu.dma_semaphore, #tpu.memory_space<semaphore_mem>>
        tpu.wait_indirect_dma semaphore(%dma_wait3A_448 : memref<!tpu.dma_semaphore, #tpu.memory_space<semaphore_mem>>) src(%dma_wait3A_446 : memref<10000x16xf32, #tpu.memory_space<hbm>>) dst(%dma_wait3A_440 : memref<128x16xf32, #tpu.memory_space<vmem>>)
        %add3A_449 = arith.addi %add3A_387, %sub3A : i32
        %dma_start3A = arith.constant 4 : i32
        %dma_start3A_450 = arith.constant 4 : i32
        %dma_start3A_451 = arith.constant 0 : i32
        %dma_start3A_452 = arith.constant 0 : i32
        %dma_start3A_453 = tpu.memref_slice %arg7[%dma_start3A, %dma_start3A_451, %dma_start3A_452] : memref<12x128x16xf32, #tpu.memory_space<vmem>> -> memref<1x128x16xf32, #tpu.memory_space<vmem>>
        %dma_start3A_454 = tpu.memref_squeeze %dma_start3A_453 : memref<1x128x16xf32, #tpu.memory_space<vmem>> -> memref<128x16xf32, #tpu.memory_space<vmem>>
        %dma_start3A_455 = arith.constant 0 : i32
        %dma_start3A_456 = tpu.memref_slice %arg6[%add3A_449, %dma_start3A_455] : memref<79x128xi32, #tpu.memory_space<vmem>> -> memref<1x128xi32, #tpu.memory_space<vmem>>
        %dma_start3A_457 = tpu.memref_squeeze %dma_start3A_456 : memref<1x128xi32, #tpu.memory_space<vmem>> -> memref<128xi32, #tpu.memory_space<vmem>>
        %dma_start3A_458 = arith.constant 0 : i32
        %dma_start3A_459 = arith.constant 0 : i32
        %dma_start3A_460 = tpu.memref_slice %arg9[%dma_start3A_458, %dma_start3A_459] : memref<10240x16xf32, #tpu.memory_space<vmem_shared>> -> memref<10240x16xf32, #tpu.memory_space<vmem_shared>>
        %dma_start3A_461 = tpu.memref_slice %arg11[%dma_start3A_450] : memref<12x!tpu.dma_semaphore, #tpu.memory_space<semaphore_mem>> -> memref<1x!tpu.dma_semaphore, #tpu.memory_space<semaphore_mem>>
        %dma_start3A_462 = tpu.memref_squeeze %dma_start3A_461 : memref<1x!tpu.dma_semaphore, #tpu.memory_space<semaphore_mem>> -> memref<!tpu.dma_semaphore, #tpu.memory_space<semaphore_mem>>
        tpu.enqueue_indirect_dma source(%dma_start3A_454 : memref<128x16xf32, #tpu.memory_space<vmem>>) target(%dma_start3A_460 : memref<10240x16xf32, #tpu.memory_space<vmem_shared>>) offsets(%dma_start3A_457 : memref<128xi32, #tpu.memory_space<vmem>>) semaphore(%dma_start3A_462 : memref<!tpu.dma_semaphore, #tpu.memory_space<semaphore_mem>>) {add = true}
      } else {
      }
      %add3A_392 = arith.constant 5 : i32
      %add3A_393 = arith.addi %mul3A_209, %add3A_392 : i32
      %lt3A_394 = arith.cmpi slt, %add3A_393, %select_n3A : i32
      %convert_element_type3A_395 = arith.extui %lt3A_394 : i1 to i32
      %cond3A_396 = arith.constant 0 : i32
      %cond3A_397 = arith.cmpi ne, %convert_element_type3A_395, %cond3A_396 : i32
      scf.if %cond3A_397 {
        %dma_wait3A_434 = arith.constant 0 : i32
        %dma_wait3A_435 = arith.constant 5 : i32
        %dma_wait3A_436 = arith.constant 5 : i32
        %dma_wait3A_437 = arith.constant 0 : i32
        %dma_wait3A_438 = arith.constant 0 : i32
        %dma_wait3A_439 = tpu.memref_slice %arg7[%dma_wait3A_435, %dma_wait3A_437, %dma_wait3A_438] : memref<12x128x16xf32, #tpu.memory_space<vmem>> -> memref<1x128x16xf32, #tpu.memory_space<vmem>>
        %dma_wait3A_440 = tpu.memref_squeeze %dma_wait3A_439 : memref<1x128x16xf32, #tpu.memory_space<vmem>> -> memref<128x16xf32, #tpu.memory_space<vmem>>
        %dma_wait3A_441 = arith.constant 0 : i32
        %dma_wait3A_442 = tpu.memref_slice %arg5[%dma_wait3A_434, %dma_wait3A_441] : memref<79x128xi32, #tpu.memory_space<vmem>> -> memref<1x128xi32, #tpu.memory_space<vmem>>
        %dma_wait3A_443 = tpu.memref_squeeze %dma_wait3A_442 : memref<1x128xi32, #tpu.memory_space<vmem>> -> memref<128xi32, #tpu.memory_space<vmem>>
        %dma_wait3A_444 = arith.constant 0 : i32
        %dma_wait3A_445 = arith.constant 0 : i32
        %dma_wait3A_446 = tpu.memref_slice %arg3[%dma_wait3A_444, %dma_wait3A_445] : memref<10000x16xf32, #tpu.memory_space<hbm>> -> memref<10000x16xf32, #tpu.memory_space<hbm>>
        %dma_wait3A_447 = tpu.memref_slice %arg10[%dma_wait3A_436] : memref<12x!tpu.dma_semaphore, #tpu.memory_space<semaphore_mem>> -> memref<1x!tpu.dma_semaphore, #tpu.memory_space<semaphore_mem>>
        %dma_wait3A_448 = tpu.memref_squeeze %dma_wait3A_447 : memref<1x!tpu.dma_semaphore, #tpu.memory_space<semaphore_mem>> -> memref<!tpu.dma_semaphore, #tpu.memory_space<semaphore_mem>>
        tpu.wait_indirect_dma semaphore(%dma_wait3A_448 : memref<!tpu.dma_semaphore, #tpu.memory_space<semaphore_mem>>) src(%dma_wait3A_446 : memref<10000x16xf32, #tpu.memory_space<hbm>>) dst(%dma_wait3A_440 : memref<128x16xf32, #tpu.memory_space<vmem>>)
        %add3A_449 = arith.addi %add3A_393, %sub3A : i32
        %dma_start3A = arith.constant 5 : i32
        %dma_start3A_450 = arith.constant 5 : i32
        %dma_start3A_451 = arith.constant 0 : i32
        %dma_start3A_452 = arith.constant 0 : i32
        %dma_start3A_453 = tpu.memref_slice %arg7[%dma_start3A, %dma_start3A_451, %dma_start3A_452] : memref<12x128x16xf32, #tpu.memory_space<vmem>> -> memref<1x128x16xf32, #tpu.memory_space<vmem>>
        %dma_start3A_454 = tpu.memref_squeeze %dma_start3A_453 : memref<1x128x16xf32, #tpu.memory_space<vmem>> -> memref<128x16xf32, #tpu.memory_space<vmem>>
        %dma_start3A_455 = arith.constant 0 : i32
        %dma_start3A_456 = tpu.memref_slice %arg6[%add3A_449, %dma_start3A_455] : memref<79x128xi32, #tpu.memory_space<vmem>> -> memref<1x128xi32, #tpu.memory_space<vmem>>
        %dma_start3A_457 = tpu.memref_squeeze %dma_start3A_456 : memref<1x128xi32, #tpu.memory_space<vmem>> -> memref<128xi32, #tpu.memory_space<vmem>>
        %dma_start3A_458 = arith.constant 0 : i32
        %dma_start3A_459 = arith.constant 0 : i32
        %dma_start3A_460 = tpu.memref_slice %arg9[%dma_start3A_458, %dma_start3A_459] : memref<10240x16xf32, #tpu.memory_space<vmem_shared>> -> memref<10240x16xf32, #tpu.memory_space<vmem_shared>>
        %dma_start3A_461 = tpu.memref_slice %arg11[%dma_start3A_450] : memref<12x!tpu.dma_semaphore, #tpu.memory_space<semaphore_mem>> -> memref<1x!tpu.dma_semaphore, #tpu.memory_space<semaphore_mem>>
        %dma_start3A_462 = tpu.memref_squeeze %dma_start3A_461 : memref<1x!tpu.dma_semaphore, #tpu.memory_space<semaphore_mem>> -> memref<!tpu.dma_semaphore, #tpu.memory_space<semaphore_mem>>
        tpu.enqueue_indirect_dma source(%dma_start3A_454 : memref<128x16xf32, #tpu.memory_space<vmem>>) target(%dma_start3A_460 : memref<10240x16xf32, #tpu.memory_space<vmem_shared>>) offsets(%dma_start3A_457 : memref<128xi32, #tpu.memory_space<vmem>>) semaphore(%dma_start3A_462 : memref<!tpu.dma_semaphore, #tpu.memory_space<semaphore_mem>>) {add = true}
      } else {
      }
      %add3A_398 = arith.constant 6 : i32
      %add3A_399 = arith.addi %mul3A_209, %add3A_398 : i32
      %lt3A_400 = arith.cmpi slt, %add3A_399, %select_n3A : i32
      %convert_element_type3A_401 = arith.extui %lt3A_400 : i1 to i32
      %cond3A_402 = arith.constant 0 : i32
      %cond3A_403 = arith.cmpi ne, %convert_element_type3A_401, %cond3A_402 : i32
      scf.if %cond3A_403 {
        %dma_wait3A_434 = arith.constant 0 : i32
        %dma_wait3A_435 = arith.constant 6 : i32
        %dma_wait3A_436 = arith.constant 6 : i32
        %dma_wait3A_437 = arith.constant 0 : i32
        %dma_wait3A_438 = arith.constant 0 : i32
        %dma_wait3A_439 = tpu.memref_slice %arg7[%dma_wait3A_435, %dma_wait3A_437, %dma_wait3A_438] : memref<12x128x16xf32, #tpu.memory_space<vmem>> -> memref<1x128x16xf32, #tpu.memory_space<vmem>>
        %dma_wait3A_440 = tpu.memref_squeeze %dma_wait3A_439 : memref<1x128x16xf32, #tpu.memory_space<vmem>> -> memref<128x16xf32, #tpu.memory_space<vmem>>
        %dma_wait3A_441 = arith.constant 0 : i32
        %dma_wait3A_442 = tpu.memref_slice %arg5[%dma_wait3A_434, %dma_wait3A_441] : memref<79x128xi32, #tpu.memory_space<vmem>> -> memref<1x128xi32, #tpu.memory_space<vmem>>
        %dma_wait3A_443 = tpu.memref_squeeze %dma_wait3A_442 : memref<1x128xi32, #tpu.memory_space<vmem>> -> memref<128xi32, #tpu.memory_space<vmem>>
        %dma_wait3A_444 = arith.constant 0 : i32
        %dma_wait3A_445 = arith.constant 0 : i32
        %dma_wait3A_446 = tpu.memref_slice %arg3[%dma_wait3A_444, %dma_wait3A_445] : memref<10000x16xf32, #tpu.memory_space<hbm>> -> memref<10000x16xf32, #tpu.memory_space<hbm>>
        %dma_wait3A_447 = tpu.memref_slice %arg10[%dma_wait3A_436] : memref<12x!tpu.dma_semaphore, #tpu.memory_space<semaphore_mem>> -> memref<1x!tpu.dma_semaphore, #tpu.memory_space<semaphore_mem>>
        %dma_wait3A_448 = tpu.memref_squeeze %dma_wait3A_447 : memref<1x!tpu.dma_semaphore, #tpu.memory_space<semaphore_mem>> -> memref<!tpu.dma_semaphore, #tpu.memory_space<semaphore_mem>>
        tpu.wait_indirect_dma semaphore(%dma_wait3A_448 : memref<!tpu.dma_semaphore, #tpu.memory_space<semaphore_mem>>) src(%dma_wait3A_446 : memref<10000x16xf32, #tpu.memory_space<hbm>>) dst(%dma_wait3A_440 : memref<128x16xf32, #tpu.memory_space<vmem>>)
        %add3A_449 = arith.addi %add3A_399, %sub3A : i32
        %dma_start3A = arith.constant 6 : i32
        %dma_start3A_450 = arith.constant 6 : i32
        %dma_start3A_451 = arith.constant 0 : i32
        %dma_start3A_452 = arith.constant 0 : i32
        %dma_start3A_453 = tpu.memref_slice %arg7[%dma_start3A, %dma_start3A_451, %dma_start3A_452] : memref<12x128x16xf32, #tpu.memory_space<vmem>> -> memref<1x128x16xf32, #tpu.memory_space<vmem>>
        %dma_start3A_454 = tpu.memref_squeeze %dma_start3A_453 : memref<1x128x16xf32, #tpu.memory_space<vmem>> -> memref<128x16xf32, #tpu.memory_space<vmem>>
        %dma_start3A_455 = arith.constant 0 : i32
        %dma_start3A_456 = tpu.memref_slice %arg6[%add3A_449, %dma_start3A_455] : memref<79x128xi32, #tpu.memory_space<vmem>> -> memref<1x128xi32, #tpu.memory_space<vmem>>
        %dma_start3A_457 = tpu.memref_squeeze %dma_start3A_456 : memref<1x128xi32, #tpu.memory_space<vmem>> -> memref<128xi32, #tpu.memory_space<vmem>>
        %dma_start3A_458 = arith.constant 0 : i32
        %dma_start3A_459 = arith.constant 0 : i32
        %dma_start3A_460 = tpu.memref_slice %arg9[%dma_start3A_458, %dma_start3A_459] : memref<10240x16xf32, #tpu.memory_space<vmem_shared>> -> memref<10240x16xf32, #tpu.memory_space<vmem_shared>>
        %dma_start3A_461 = tpu.memref_slice %arg11[%dma_start3A_450] : memref<12x!tpu.dma_semaphore, #tpu.memory_space<semaphore_mem>> -> memref<1x!tpu.dma_semaphore, #tpu.memory_space<semaphore_mem>>
        %dma_start3A_462 = tpu.memref_squeeze %dma_start3A_461 : memref<1x!tpu.dma_semaphore, #tpu.memory_space<semaphore_mem>> -> memref<!tpu.dma_semaphore, #tpu.memory_space<semaphore_mem>>
        tpu.enqueue_indirect_dma source(%dma_start3A_454 : memref<128x16xf32, #tpu.memory_space<vmem>>) target(%dma_start3A_460 : memref<10240x16xf32, #tpu.memory_space<vmem_shared>>) offsets(%dma_start3A_457 : memref<128xi32, #tpu.memory_space<vmem>>) semaphore(%dma_start3A_462 : memref<!tpu.dma_semaphore, #tpu.memory_space<semaphore_mem>>) {add = true}
      } else {
      }
      %add3A_404 = arith.constant 7 : i32
      %add3A_405 = arith.addi %mul3A_209, %add3A_404 : i32
      %lt3A_406 = arith.cmpi slt, %add3A_405, %select_n3A : i32
      %convert_element_type3A_407 = arith.extui %lt3A_406 : i1 to i32
      %cond3A_408 = arith.constant 0 : i32
      %cond3A_409 = arith.cmpi ne, %convert_element_type3A_407, %cond3A_408 : i32
      scf.if %cond3A_409 {
        %dma_wait3A_434 = arith.constant 0 : i32
        %dma_wait3A_435 = arith.constant 7 : i32
        %dma_wait3A_436 = arith.constant 7 : i32
        %dma_wait3A_437 = arith.constant 0 : i32
        %dma_wait3A_438 = arith.constant 0 : i32
        %dma_wait3A_439 = tpu.memref_slice %arg7[%dma_wait3A_435, %dma_wait3A_437, %dma_wait3A_438] : memref<12x128x16xf32, #tpu.memory_space<vmem>> -> memref<1x128x16xf32, #tpu.memory_space<vmem>>
        %dma_wait3A_440 = tpu.memref_squeeze %dma_wait3A_439 : memref<1x128x16xf32, #tpu.memory_space<vmem>> -> memref<128x16xf32, #tpu.memory_space<vmem>>
        %dma_wait3A_441 = arith.constant 0 : i32
        %dma_wait3A_442 = tpu.memref_slice %arg5[%dma_wait3A_434, %dma_wait3A_441] : memref<79x128xi32, #tpu.memory_space<vmem>> -> memref<1x128xi32, #tpu.memory_space<vmem>>
        %dma_wait3A_443 = tpu.memref_squeeze %dma_wait3A_442 : memref<1x128xi32, #tpu.memory_space<vmem>> -> memref<128xi32, #tpu.memory_space<vmem>>
        %dma_wait3A_444 = arith.constant 0 : i32
        %dma_wait3A_445 = arith.constant 0 : i32
        %dma_wait3A_446 = tpu.memref_slice %arg3[%dma_wait3A_444, %dma_wait3A_445] : memref<10000x16xf32, #tpu.memory_space<hbm>> -> memref<10000x16xf32, #tpu.memory_space<hbm>>
        %dma_wait3A_447 = tpu.memref_slice %arg10[%dma_wait3A_436] : memref<12x!tpu.dma_semaphore, #tpu.memory_space<semaphore_mem>> -> memref<1x!tpu.dma_semaphore, #tpu.memory_space<semaphore_mem>>
        %dma_wait3A_448 = tpu.memref_squeeze %dma_wait3A_447 : memref<1x!tpu.dma_semaphore, #tpu.memory_space<semaphore_mem>> -> memref<!tpu.dma_semaphore, #tpu.memory_space<semaphore_mem>>
        tpu.wait_indirect_dma semaphore(%dma_wait3A_448 : memref<!tpu.dma_semaphore, #tpu.memory_space<semaphore_mem>>) src(%dma_wait3A_446 : memref<10000x16xf32, #tpu.memory_space<hbm>>) dst(%dma_wait3A_440 : memref<128x16xf32, #tpu.memory_space<vmem>>)
        %add3A_449 = arith.addi %add3A_405, %sub3A : i32
        %dma_start3A = arith.constant 7 : i32
        %dma_start3A_450 = arith.constant 7 : i32
        %dma_start3A_451 = arith.constant 0 : i32
        %dma_start3A_452 = arith.constant 0 : i32
        %dma_start3A_453 = tpu.memref_slice %arg7[%dma_start3A, %dma_start3A_451, %dma_start3A_452] : memref<12x128x16xf32, #tpu.memory_space<vmem>> -> memref<1x128x16xf32, #tpu.memory_space<vmem>>
        %dma_start3A_454 = tpu.memref_squeeze %dma_start3A_453 : memref<1x128x16xf32, #tpu.memory_space<vmem>> -> memref<128x16xf32, #tpu.memory_space<vmem>>
        %dma_start3A_455 = arith.constant 0 : i32
        %dma_start3A_456 = tpu.memref_slice %arg6[%add3A_449, %dma_start3A_455] : memref<79x128xi32, #tpu.memory_space<vmem>> -> memref<1x128xi32, #tpu.memory_space<vmem>>
        %dma_start3A_457 = tpu.memref_squeeze %dma_start3A_456 : memref<1x128xi32, #tpu.memory_space<vmem>> -> memref<128xi32, #tpu.memory_space<vmem>>
        %dma_start3A_458 = arith.constant 0 : i32
        %dma_start3A_459 = arith.constant 0 : i32
        %dma_start3A_460 = tpu.memref_slice %arg9[%dma_start3A_458, %dma_start3A_459] : memref<10240x16xf32, #tpu.memory_space<vmem_shared>> -> memref<10240x16xf32, #tpu.memory_space<vmem_shared>>
        %dma_start3A_461 = tpu.memref_slice %arg11[%dma_start3A_450] : memref<12x!tpu.dma_semaphore, #tpu.memory_space<semaphore_mem>> -> memref<1x!tpu.dma_semaphore, #tpu.memory_space<semaphore_mem>>
        %dma_start3A_462 = tpu.memref_squeeze %dma_start3A_461 : memref<1x!tpu.dma_semaphore, #tpu.memory_space<semaphore_mem>> -> memref<!tpu.dma_semaphore, #tpu.memory_space<semaphore_mem>>
        tpu.enqueue_indirect_dma source(%dma_start3A_454 : memref<128x16xf32, #tpu.memory_space<vmem>>) target(%dma_start3A_460 : memref<10240x16xf32, #tpu.memory_space<vmem_shared>>) offsets(%dma_start3A_457 : memref<128xi32, #tpu.memory_space<vmem>>) semaphore(%dma_start3A_462 : memref<!tpu.dma_semaphore, #tpu.memory_space<semaphore_mem>>) {add = true}
      } else {
      }
      %add3A_410 = arith.constant 8 : i32
      %add3A_411 = arith.addi %mul3A_209, %add3A_410 : i32
      %lt3A_412 = arith.cmpi slt, %add3A_411, %select_n3A : i32
      %convert_element_type3A_413 = arith.extui %lt3A_412 : i1 to i32
      %cond3A_414 = arith.constant 0 : i32
      %cond3A_415 = arith.cmpi ne, %convert_element_type3A_413, %cond3A_414 : i32
      scf.if %cond3A_415 {
        %dma_wait3A_434 = arith.constant 0 : i32
        %dma_wait3A_435 = arith.constant 8 : i32
        %dma_wait3A_436 = arith.constant 8 : i32
        %dma_wait3A_437 = arith.constant 0 : i32
        %dma_wait3A_438 = arith.constant 0 : i32
        %dma_wait3A_439 = tpu.memref_slice %arg7[%dma_wait3A_435, %dma_wait3A_437, %dma_wait3A_438] : memref<12x128x16xf32, #tpu.memory_space<vmem>> -> memref<1x128x16xf32, #tpu.memory_space<vmem>>
        %dma_wait3A_440 = tpu.memref_squeeze %dma_wait3A_439 : memref<1x128x16xf32, #tpu.memory_space<vmem>> -> memref<128x16xf32, #tpu.memory_space<vmem>>
        %dma_wait3A_441 = arith.constant 0 : i32
        %dma_wait3A_442 = tpu.memref_slice %arg5[%dma_wait3A_434, %dma_wait3A_441] : memref<79x128xi32, #tpu.memory_space<vmem>> -> memref<1x128xi32, #tpu.memory_space<vmem>>
        %dma_wait3A_443 = tpu.memref_squeeze %dma_wait3A_442 : memref<1x128xi32, #tpu.memory_space<vmem>> -> memref<128xi32, #tpu.memory_space<vmem>>
        %dma_wait3A_444 = arith.constant 0 : i32
        %dma_wait3A_445 = arith.constant 0 : i32
        %dma_wait3A_446 = tpu.memref_slice %arg3[%dma_wait3A_444, %dma_wait3A_445] : memref<10000x16xf32, #tpu.memory_space<hbm>> -> memref<10000x16xf32, #tpu.memory_space<hbm>>
        %dma_wait3A_447 = tpu.memref_slice %arg10[%dma_wait3A_436] : memref<12x!tpu.dma_semaphore, #tpu.memory_space<semaphore_mem>> -> memref<1x!tpu.dma_semaphore, #tpu.memory_space<semaphore_mem>>
        %dma_wait3A_448 = tpu.memref_squeeze %dma_wait3A_447 : memref<1x!tpu.dma_semaphore, #tpu.memory_space<semaphore_mem>> -> memref<!tpu.dma_semaphore, #tpu.memory_space<semaphore_mem>>
        tpu.wait_indirect_dma semaphore(%dma_wait3A_448 : memref<!tpu.dma_semaphore, #tpu.memory_space<semaphore_mem>>) src(%dma_wait3A_446 : memref<10000x16xf32, #tpu.memory_space<hbm>>) dst(%dma_wait3A_440 : memref<128x16xf32, #tpu.memory_space<vmem>>)
        %add3A_449 = arith.addi %add3A_411, %sub3A : i32
        %dma_start3A = arith.constant 8 : i32
        %dma_start3A_450 = arith.constant 8 : i32
        %dma_start3A_451 = arith.constant 0 : i32
        %dma_start3A_452 = arith.constant 0 : i32
        %dma_start3A_453 = tpu.memref_slice %arg7[%dma_start3A, %dma_start3A_451, %dma_start3A_452] : memref<12x128x16xf32, #tpu.memory_space<vmem>> -> memref<1x128x16xf32, #tpu.memory_space<vmem>>
        %dma_start3A_454 = tpu.memref_squeeze %dma_start3A_453 : memref<1x128x16xf32, #tpu.memory_space<vmem>> -> memref<128x16xf32, #tpu.memory_space<vmem>>
        %dma_start3A_455 = arith.constant 0 : i32
        %dma_start3A_456 = tpu.memref_slice %arg6[%add3A_449, %dma_start3A_455] : memref<79x128xi32, #tpu.memory_space<vmem>> -> memref<1x128xi32, #tpu.memory_space<vmem>>
        %dma_start3A_457 = tpu.memref_squeeze %dma_start3A_456 : memref<1x128xi32, #tpu.memory_space<vmem>> -> memref<128xi32, #tpu.memory_space<vmem>>
        %dma_start3A_458 = arith.constant 0 : i32
        %dma_start3A_459 = arith.constant 0 : i32
        %dma_start3A_460 = tpu.memref_slice %arg9[%dma_start3A_458, %dma_start3A_459] : memref<10240x16xf32, #tpu.memory_space<vmem_shared>> -> memref<10240x16xf32, #tpu.memory_space<vmem_shared>>
        %dma_start3A_461 = tpu.memref_slice %arg11[%dma_start3A_450] : memref<12x!tpu.dma_semaphore, #tpu.memory_space<semaphore_mem>> -> memref<1x!tpu.dma_semaphore, #tpu.memory_space<semaphore_mem>>
        %dma_start3A_462 = tpu.memref_squeeze %dma_start3A_461 : memref<1x!tpu.dma_semaphore, #tpu.memory_space<semaphore_mem>> -> memref<!tpu.dma_semaphore, #tpu.memory_space<semaphore_mem>>
        tpu.enqueue_indirect_dma source(%dma_start3A_454 : memref<128x16xf32, #tpu.memory_space<vmem>>) target(%dma_start3A_460 : memref<10240x16xf32, #tpu.memory_space<vmem_shared>>) offsets(%dma_start3A_457 : memref<128xi32, #tpu.memory_space<vmem>>) semaphore(%dma_start3A_462 : memref<!tpu.dma_semaphore, #tpu.memory_space<semaphore_mem>>) {add = true}
      } else {
      }
      %add3A_416 = arith.constant 9 : i32
      %add3A_417 = arith.addi %mul3A_209, %add3A_416 : i32
      %lt3A_418 = arith.cmpi slt, %add3A_417, %select_n3A : i32
      %convert_element_type3A_419 = arith.extui %lt3A_418 : i1 to i32
      %cond3A_420 = arith.constant 0 : i32
      %cond3A_421 = arith.cmpi ne, %convert_element_type3A_419, %cond3A_420 : i32
      scf.if %cond3A_421 {
        %dma_wait3A_434 = arith.constant 0 : i32
        %dma_wait3A_435 = arith.constant 9 : i32
        %dma_wait3A_436 = arith.constant 9 : i32
        %dma_wait3A_437 = arith.constant 0 : i32
        %dma_wait3A_438 = arith.constant 0 : i32
        %dma_wait3A_439 = tpu.memref_slice %arg7[%dma_wait3A_435, %dma_wait3A_437, %dma_wait3A_438] : memref<12x128x16xf32, #tpu.memory_space<vmem>> -> memref<1x128x16xf32, #tpu.memory_space<vmem>>
        %dma_wait3A_440 = tpu.memref_squeeze %dma_wait3A_439 : memref<1x128x16xf32, #tpu.memory_space<vmem>> -> memref<128x16xf32, #tpu.memory_space<vmem>>
        %dma_wait3A_441 = arith.constant 0 : i32
        %dma_wait3A_442 = tpu.memref_slice %arg5[%dma_wait3A_434, %dma_wait3A_441] : memref<79x128xi32, #tpu.memory_space<vmem>> -> memref<1x128xi32, #tpu.memory_space<vmem>>
        %dma_wait3A_443 = tpu.memref_squeeze %dma_wait3A_442 : memref<1x128xi32, #tpu.memory_space<vmem>> -> memref<128xi32, #tpu.memory_space<vmem>>
        %dma_wait3A_444 = arith.constant 0 : i32
        %dma_wait3A_445 = arith.constant 0 : i32
        %dma_wait3A_446 = tpu.memref_slice %arg3[%dma_wait3A_444, %dma_wait3A_445] : memref<10000x16xf32, #tpu.memory_space<hbm>> -> memref<10000x16xf32, #tpu.memory_space<hbm>>
        %dma_wait3A_447 = tpu.memref_slice %arg10[%dma_wait3A_436] : memref<12x!tpu.dma_semaphore, #tpu.memory_space<semaphore_mem>> -> memref<1x!tpu.dma_semaphore, #tpu.memory_space<semaphore_mem>>
        %dma_wait3A_448 = tpu.memref_squeeze %dma_wait3A_447 : memref<1x!tpu.dma_semaphore, #tpu.memory_space<semaphore_mem>> -> memref<!tpu.dma_semaphore, #tpu.memory_space<semaphore_mem>>
        tpu.wait_indirect_dma semaphore(%dma_wait3A_448 : memref<!tpu.dma_semaphore, #tpu.memory_space<semaphore_mem>>) src(%dma_wait3A_446 : memref<10000x16xf32, #tpu.memory_space<hbm>>) dst(%dma_wait3A_440 : memref<128x16xf32, #tpu.memory_space<vmem>>)
        %add3A_449 = arith.addi %add3A_417, %sub3A : i32
        %dma_start3A = arith.constant 9 : i32
        %dma_start3A_450 = arith.constant 9 : i32
        %dma_start3A_451 = arith.constant 0 : i32
        %dma_start3A_452 = arith.constant 0 : i32
        %dma_start3A_453 = tpu.memref_slice %arg7[%dma_start3A, %dma_start3A_451, %dma_start3A_452] : memref<12x128x16xf32, #tpu.memory_space<vmem>> -> memref<1x128x16xf32, #tpu.memory_space<vmem>>
        %dma_start3A_454 = tpu.memref_squeeze %dma_start3A_453 : memref<1x128x16xf32, #tpu.memory_space<vmem>> -> memref<128x16xf32, #tpu.memory_space<vmem>>
        %dma_start3A_455 = arith.constant 0 : i32
        %dma_start3A_456 = tpu.memref_slice %arg6[%add3A_449, %dma_start3A_455] : memref<79x128xi32, #tpu.memory_space<vmem>> -> memref<1x128xi32, #tpu.memory_space<vmem>>
        %dma_start3A_457 = tpu.memref_squeeze %dma_start3A_456 : memref<1x128xi32, #tpu.memory_space<vmem>> -> memref<128xi32, #tpu.memory_space<vmem>>
        %dma_start3A_458 = arith.constant 0 : i32
        %dma_start3A_459 = arith.constant 0 : i32
        %dma_start3A_460 = tpu.memref_slice %arg9[%dma_start3A_458, %dma_start3A_459] : memref<10240x16xf32, #tpu.memory_space<vmem_shared>> -> memref<10240x16xf32, #tpu.memory_space<vmem_shared>>
        %dma_start3A_461 = tpu.memref_slice %arg11[%dma_start3A_450] : memref<12x!tpu.dma_semaphore, #tpu.memory_space<semaphore_mem>> -> memref<1x!tpu.dma_semaphore, #tpu.memory_space<semaphore_mem>>
        %dma_start3A_462 = tpu.memref_squeeze %dma_start3A_461 : memref<1x!tpu.dma_semaphore, #tpu.memory_space<semaphore_mem>> -> memref<!tpu.dma_semaphore, #tpu.memory_space<semaphore_mem>>
        tpu.enqueue_indirect_dma source(%dma_start3A_454 : memref<128x16xf32, #tpu.memory_space<vmem>>) target(%dma_start3A_460 : memref<10240x16xf32, #tpu.memory_space<vmem_shared>>) offsets(%dma_start3A_457 : memref<128xi32, #tpu.memory_space<vmem>>) semaphore(%dma_start3A_462 : memref<!tpu.dma_semaphore, #tpu.memory_space<semaphore_mem>>) {add = true}
      } else {
      }
      %add3A_422 = arith.constant 10 : i32
      %add3A_423 = arith.addi %mul3A_209, %add3A_422 : i32
      %lt3A_424 = arith.cmpi slt, %add3A_423, %select_n3A : i32
      %convert_element_type3A_425 = arith.extui %lt3A_424 : i1 to i32
      %cond3A_426 = arith.constant 0 : i32
      %cond3A_427 = arith.cmpi ne, %convert_element_type3A_425, %cond3A_426 : i32
      scf.if %cond3A_427 {
        %dma_wait3A_434 = arith.constant 0 : i32
        %dma_wait3A_435 = arith.constant 10 : i32
        %dma_wait3A_436 = arith.constant 10 : i32
        %dma_wait3A_437 = arith.constant 0 : i32
        %dma_wait3A_438 = arith.constant 0 : i32
        %dma_wait3A_439 = tpu.memref_slice %arg7[%dma_wait3A_435, %dma_wait3A_437, %dma_wait3A_438] : memref<12x128x16xf32, #tpu.memory_space<vmem>> -> memref<1x128x16xf32, #tpu.memory_space<vmem>>
        %dma_wait3A_440 = tpu.memref_squeeze %dma_wait3A_439 : memref<1x128x16xf32, #tpu.memory_space<vmem>> -> memref<128x16xf32, #tpu.memory_space<vmem>>
        %dma_wait3A_441 = arith.constant 0 : i32
        %dma_wait3A_442 = tpu.memref_slice %arg5[%dma_wait3A_434, %dma_wait3A_441] : memref<79x128xi32, #tpu.memory_space<vmem>> -> memref<1x128xi32, #tpu.memory_space<vmem>>
        %dma_wait3A_443 = tpu.memref_squeeze %dma_wait3A_442 : memref<1x128xi32, #tpu.memory_space<vmem>> -> memref<128xi32, #tpu.memory_space<vmem>>
        %dma_wait3A_444 = arith.constant 0 : i32
        %dma_wait3A_445 = arith.constant 0 : i32
        %dma_wait3A_446 = tpu.memref_slice %arg3[%dma_wait3A_444, %dma_wait3A_445] : memref<10000x16xf32, #tpu.memory_space<hbm>> -> memref<10000x16xf32, #tpu.memory_space<hbm>>
        %dma_wait3A_447 = tpu.memref_slice %arg10[%dma_wait3A_436] : memref<12x!tpu.dma_semaphore, #tpu.memory_space<semaphore_mem>> -> memref<1x!tpu.dma_semaphore, #tpu.memory_space<semaphore_mem>>
        %dma_wait3A_448 = tpu.memref_squeeze %dma_wait3A_447 : memref<1x!tpu.dma_semaphore, #tpu.memory_space<semaphore_mem>> -> memref<!tpu.dma_semaphore, #tpu.memory_space<semaphore_mem>>
        tpu.wait_indirect_dma semaphore(%dma_wait3A_448 : memref<!tpu.dma_semaphore, #tpu.memory_space<semaphore_mem>>) src(%dma_wait3A_446 : memref<10000x16xf32, #tpu.memory_space<hbm>>) dst(%dma_wait3A_440 : memref<128x16xf32, #tpu.memory_space<vmem>>)
        %add3A_449 = arith.addi %add3A_423, %sub3A : i32
        %dma_start3A = arith.constant 10 : i32
        %dma_start3A_450 = arith.constant 10 : i32
        %dma_start3A_451 = arith.constant 0 : i32
        %dma_start3A_452 = arith.constant 0 : i32
        %dma_start3A_453 = tpu.memref_slice %arg7[%dma_start3A, %dma_start3A_451, %dma_start3A_452] : memref<12x128x16xf32, #tpu.memory_space<vmem>> -> memref<1x128x16xf32, #tpu.memory_space<vmem>>
        %dma_start3A_454 = tpu.memref_squeeze %dma_start3A_453 : memref<1x128x16xf32, #tpu.memory_space<vmem>> -> memref<128x16xf32, #tpu.memory_space<vmem>>
        %dma_start3A_455 = arith.constant 0 : i32
        %dma_start3A_456 = tpu.memref_slice %arg6[%add3A_449, %dma_start3A_455] : memref<79x128xi32, #tpu.memory_space<vmem>> -> memref<1x128xi32, #tpu.memory_space<vmem>>
        %dma_start3A_457 = tpu.memref_squeeze %dma_start3A_456 : memref<1x128xi32, #tpu.memory_space<vmem>> -> memref<128xi32, #tpu.memory_space<vmem>>
        %dma_start3A_458 = arith.constant 0 : i32
        %dma_start3A_459 = arith.constant 0 : i32
        %dma_start3A_460 = tpu.memref_slice %arg9[%dma_start3A_458, %dma_start3A_459] : memref<10240x16xf32, #tpu.memory_space<vmem_shared>> -> memref<10240x16xf32, #tpu.memory_space<vmem_shared>>
        %dma_start3A_461 = tpu.memref_slice %arg11[%dma_start3A_450] : memref<12x!tpu.dma_semaphore, #tpu.memory_space<semaphore_mem>> -> memref<1x!tpu.dma_semaphore, #tpu.memory_space<semaphore_mem>>
        %dma_start3A_462 = tpu.memref_squeeze %dma_start3A_461 : memref<1x!tpu.dma_semaphore, #tpu.memory_space<semaphore_mem>> -> memref<!tpu.dma_semaphore, #tpu.memory_space<semaphore_mem>>
        tpu.enqueue_indirect_dma source(%dma_start3A_454 : memref<128x16xf32, #tpu.memory_space<vmem>>) target(%dma_start3A_460 : memref<10240x16xf32, #tpu.memory_space<vmem_shared>>) offsets(%dma_start3A_457 : memref<128xi32, #tpu.memory_space<vmem>>) semaphore(%dma_start3A_462 : memref<!tpu.dma_semaphore, #tpu.memory_space<semaphore_mem>>) {add = true}
      } else {
      }
      %add3A_428 = arith.constant 11 : i32
      %add3A_429 = arith.addi %mul3A_209, %add3A_428 : i32
      %lt3A_430 = arith.cmpi slt, %add3A_429, %select_n3A : i32
      %convert_element_type3A_431 = arith.extui %lt3A_430 : i1 to i32
      %cond3A_432 = arith.constant 0 : i32
      %cond3A_433 = arith.cmpi ne, %convert_element_type3A_431, %cond3A_432 : i32
      scf.if %cond3A_433 {
        %dma_wait3A_434 = arith.constant 0 : i32
        %dma_wait3A_435 = arith.constant 11 : i32
        %dma_wait3A_436 = arith.constant 11 : i32
        %dma_wait3A_437 = arith.constant 0 : i32
        %dma_wait3A_438 = arith.constant 0 : i32
        %dma_wait3A_439 = tpu.memref_slice %arg7[%dma_wait3A_435, %dma_wait3A_437, %dma_wait3A_438] : memref<12x128x16xf32, #tpu.memory_space<vmem>> -> memref<1x128x16xf32, #tpu.memory_space<vmem>>
        %dma_wait3A_440 = tpu.memref_squeeze %dma_wait3A_439 : memref<1x128x16xf32, #tpu.memory_space<vmem>> -> memref<128x16xf32, #tpu.memory_space<vmem>>
        %dma_wait3A_441 = arith.constant 0 : i32
        %dma_wait3A_442 = tpu.memref_slice %arg5[%dma_wait3A_434, %dma_wait3A_441] : memref<79x128xi32, #tpu.memory_space<vmem>> -> memref<1x128xi32, #tpu.memory_space<vmem>>
        %dma_wait3A_443 = tpu.memref_squeeze %dma_wait3A_442 : memref<1x128xi32, #tpu.memory_space<vmem>> -> memref<128xi32, #tpu.memory_space<vmem>>
        %dma_wait3A_444 = arith.constant 0 : i32
        %dma_wait3A_445 = arith.constant 0 : i32
        %dma_wait3A_446 = tpu.memref_slice %arg3[%dma_wait3A_444, %dma_wait3A_445] : memref<10000x16xf32, #tpu.memory_space<hbm>> -> memref<10000x16xf32, #tpu.memory_space<hbm>>
        %dma_wait3A_447 = tpu.memref_slice %arg10[%dma_wait3A_436] : memref<12x!tpu.dma_semaphore, #tpu.memory_space<semaphore_mem>> -> memref<1x!tpu.dma_semaphore, #tpu.memory_space<semaphore_mem>>
        %dma_wait3A_448 = tpu.memref_squeeze %dma_wait3A_447 : memref<1x!tpu.dma_semaphore, #tpu.memory_space<semaphore_mem>> -> memref<!tpu.dma_semaphore, #tpu.memory_space<semaphore_mem>>
        tpu.wait_indirect_dma semaphore(%dma_wait3A_448 : memref<!tpu.dma_semaphore, #tpu.memory_space<semaphore_mem>>) src(%dma_wait3A_446 : memref<10000x16xf32, #tpu.memory_space<hbm>>) dst(%dma_wait3A_440 : memref<128x16xf32, #tpu.memory_space<vmem>>)
        %add3A_449 = arith.addi %add3A_429, %sub3A : i32
        %dma_start3A = arith.constant 11 : i32
        %dma_start3A_450 = arith.constant 11 : i32
        %dma_start3A_451 = arith.constant 0 : i32
        %dma_start3A_452 = arith.constant 0 : i32
        %dma_start3A_453 = tpu.memref_slice %arg7[%dma_start3A, %dma_start3A_451, %dma_start3A_452] : memref<12x128x16xf32, #tpu.memory_space<vmem>> -> memref<1x128x16xf32, #tpu.memory_space<vmem>>
        %dma_start3A_454 = tpu.memref_squeeze %dma_start3A_453 : memref<1x128x16xf32, #tpu.memory_space<vmem>> -> memref<128x16xf32, #tpu.memory_space<vmem>>
        %dma_start3A_455 = arith.constant 0 : i32
        %dma_start3A_456 = tpu.memref_slice %arg6[%add3A_449, %dma_start3A_455] : memref<79x128xi32, #tpu.memory_space<vmem>> -> memref<1x128xi32, #tpu.memory_space<vmem>>
        %dma_start3A_457 = tpu.memref_squeeze %dma_start3A_456 : memref<1x128xi32, #tpu.memory_space<vmem>> -> memref<128xi32, #tpu.memory_space<vmem>>
        %dma_start3A_458 = arith.constant 0 : i32
        %dma_start3A_459 = arith.constant 0 : i32
        %dma_start3A_460 = tpu.memref_slice %arg9[%dma_start3A_458, %dma_start3A_459] : memref<10240x16xf32, #tpu.memory_space<vmem_shared>> -> memref<10240x16xf32, #tpu.memory_space<vmem_shared>>
        %dma_start3A_461 = tpu.memref_slice %arg11[%dma_start3A_450] : memref<12x!tpu.dma_semaphore, #tpu.memory_space<semaphore_mem>> -> memref<1x!tpu.dma_semaphore, #tpu.memory_space<semaphore_mem>>
        %dma_start3A_462 = tpu.memref_squeeze %dma_start3A_461 : memref<1x!tpu.dma_semaphore, #tpu.memory_space<semaphore_mem>> -> memref<!tpu.dma_semaphore, #tpu.memory_space<semaphore_mem>>
        tpu.enqueue_indirect_dma source(%dma_start3A_454 : memref<128x16xf32, #tpu.memory_space<vmem>>) target(%dma_start3A_460 : memref<10240x16xf32, #tpu.memory_space<vmem_shared>>) offsets(%dma_start3A_457 : memref<128xi32, #tpu.memory_space<vmem>>) semaphore(%dma_start3A_462 : memref<!tpu.dma_semaphore, #tpu.memory_space<semaphore_mem>>) {add = true}
      } else {
      }
    }
    %scan3A_22 = arith.constant 7 : i32
    %dma_wait3A = arith.constant 0 : i32
    %dma_wait3A_23 = arith.constant 0 : i32
    %dma_wait3A_24 = arith.constant 0 : i32
    %dma_wait3A_25 = arith.constant 0 : i32
    %dma_wait3A_26 = arith.constant 0 : i32
    %dma_wait3A_27 = tpu.memref_slice %arg7[%dma_wait3A, %dma_wait3A_25, %dma_wait3A_26] : memref<12x128x16xf32, #tpu.memory_space<vmem>> -> memref<1x128x16xf32, #tpu.memory_space<vmem>>
    %dma_wait3A_28 = tpu.memref_squeeze %dma_wait3A_27 : memref<1x128x16xf32, #tpu.memory_space<vmem>> -> memref<128x16xf32, #tpu.memory_space<vmem>>
    %dma_wait3A_29 = arith.constant 0 : i32
    %dma_wait3A_30 = tpu.memref_slice %arg6[%dma_wait3A_23, %dma_wait3A_29] : memref<79x128xi32, #tpu.memory_space<vmem>> -> memref<1x128xi32, #tpu.memory_space<vmem>>
    %dma_wait3A_31 = tpu.memref_squeeze %dma_wait3A_30 : memref<1x128xi32, #tpu.memory_space<vmem>> -> memref<128xi32, #tpu.memory_space<vmem>>
    %dma_wait3A_32 = arith.constant 0 : i32
    %dma_wait3A_33 = arith.constant 0 : i32
    %dma_wait3A_34 = tpu.memref_slice %arg9[%dma_wait3A_32, %dma_wait3A_33] : memref<10240x16xf32, #tpu.memory_space<vmem_shared>> -> memref<10240x16xf32, #tpu.memory_space<vmem_shared>>
    %dma_wait3A_35 = tpu.memref_slice %arg11[%dma_wait3A_24] : memref<12x!tpu.dma_semaphore, #tpu.memory_space<semaphore_mem>> -> memref<1x!tpu.dma_semaphore, #tpu.memory_space<semaphore_mem>>
    %dma_wait3A_36 = tpu.memref_squeeze %dma_wait3A_35 : memref<1x!tpu.dma_semaphore, #tpu.memory_space<semaphore_mem>> -> memref<!tpu.dma_semaphore, #tpu.memory_space<semaphore_mem>>
    tpu.wait_indirect_dma semaphore(%dma_wait3A_36 : memref<!tpu.dma_semaphore, #tpu.memory_space<semaphore_mem>>) src(%dma_wait3A_28 : memref<128x16xf32, #tpu.memory_space<vmem>>) dst(%dma_wait3A_34 : memref<10240x16xf32, #tpu.memory_space<vmem_shared>>)
    %dma_wait3A_37 = arith.constant 1 : i32
    %dma_wait3A_38 = arith.constant 0 : i32
    %dma_wait3A_39 = arith.constant 1 : i32
    %dma_wait3A_40 = arith.constant 0 : i32
    %dma_wait3A_41 = arith.constant 0 : i32
    %dma_wait3A_42 = tpu.memref_slice %arg7[%dma_wait3A_37, %dma_wait3A_40, %dma_wait3A_41] : memref<12x128x16xf32, #tpu.memory_space<vmem>> -> memref<1x128x16xf32, #tpu.memory_space<vmem>>
    %dma_wait3A_43 = tpu.memref_squeeze %dma_wait3A_42 : memref<1x128x16xf32, #tpu.memory_space<vmem>> -> memref<128x16xf32, #tpu.memory_space<vmem>>
    %dma_wait3A_44 = arith.constant 0 : i32
    %dma_wait3A_45 = tpu.memref_slice %arg6[%dma_wait3A_38, %dma_wait3A_44] : memref<79x128xi32, #tpu.memory_space<vmem>> -> memref<1x128xi32, #tpu.memory_space<vmem>>
    %dma_wait3A_46 = tpu.memref_squeeze %dma_wait3A_45 : memref<1x128xi32, #tpu.memory_space<vmem>> -> memref<128xi32, #tpu.memory_space<vmem>>
    %dma_wait3A_47 = arith.constant 0 : i32
    %dma_wait3A_48 = arith.constant 0 : i32
    %dma_wait3A_49 = tpu.memref_slice %arg9[%dma_wait3A_47, %dma_wait3A_48] : memref<10240x16xf32, #tpu.memory_space<vmem_shared>> -> memref<10240x16xf32, #tpu.memory_space<vmem_shared>>
    %dma_wait3A_50 = tpu.memref_slice %arg11[%dma_wait3A_39] : memref<12x!tpu.dma_semaphore, #tpu.memory_space<semaphore_mem>> -> memref<1x!tpu.dma_semaphore, #tpu.memory_space<semaphore_mem>>
    %dma_wait3A_51 = tpu.memref_squeeze %dma_wait3A_50 : memref<1x!tpu.dma_semaphore, #tpu.memory_space<semaphore_mem>> -> memref<!tpu.dma_semaphore, #tpu.memory_space<semaphore_mem>>
    tpu.wait_indirect_dma semaphore(%dma_wait3A_51 : memref<!tpu.dma_semaphore, #tpu.memory_space<semaphore_mem>>) src(%dma_wait3A_43 : memref<128x16xf32, #tpu.memory_space<vmem>>) dst(%dma_wait3A_49 : memref<10240x16xf32, #tpu.memory_space<vmem_shared>>)
    %dma_wait3A_52 = arith.constant 2 : i32
    %dma_wait3A_53 = arith.constant 0 : i32
    %dma_wait3A_54 = arith.constant 2 : i32
    %dma_wait3A_55 = arith.constant 0 : i32
    %dma_wait3A_56 = arith.constant 0 : i32
    %dma_wait3A_57 = tpu.memref_slice %arg7[%dma_wait3A_52, %dma_wait3A_55, %dma_wait3A_56] : memref<12x128x16xf32, #tpu.memory_space<vmem>> -> memref<1x128x16xf32, #tpu.memory_space<vmem>>
    %dma_wait3A_58 = tpu.memref_squeeze %dma_wait3A_57 : memref<1x128x16xf32, #tpu.memory_space<vmem>> -> memref<128x16xf32, #tpu.memory_space<vmem>>
    %dma_wait3A_59 = arith.constant 0 : i32
    %dma_wait3A_60 = tpu.memref_slice %arg6[%dma_wait3A_53, %dma_wait3A_59] : memref<79x128xi32, #tpu.memory_space<vmem>> -> memref<1x128xi32, #tpu.memory_space<vmem>>
    %dma_wait3A_61 = tpu.memref_squeeze %dma_wait3A_60 : memref<1x128xi32, #tpu.memory_space<vmem>> -> memref<128xi32, #tpu.memory_space<vmem>>
    %dma_wait3A_62 = arith.constant 0 : i32
    %dma_wait3A_63 = arith.constant 0 : i32
    %dma_wait3A_64 = tpu.memref_slice %arg9[%dma_wait3A_62, %dma_wait3A_63] : memref<10240x16xf32, #tpu.memory_space<vmem_shared>> -> memref<10240x16xf32, #tpu.memory_space<vmem_shared>>
    %dma_wait3A_65 = tpu.memref_slice %arg11[%dma_wait3A_54] : memref<12x!tpu.dma_semaphore, #tpu.memory_space<semaphore_mem>> -> memref<1x!tpu.dma_semaphore, #tpu.memory_space<semaphore_mem>>
    %dma_wait3A_66 = tpu.memref_squeeze %dma_wait3A_65 : memref<1x!tpu.dma_semaphore, #tpu.memory_space<semaphore_mem>> -> memref<!tpu.dma_semaphore, #tpu.memory_space<semaphore_mem>>
    tpu.wait_indirect_dma semaphore(%dma_wait3A_66 : memref<!tpu.dma_semaphore, #tpu.memory_space<semaphore_mem>>) src(%dma_wait3A_58 : memref<128x16xf32, #tpu.memory_space<vmem>>) dst(%dma_wait3A_64 : memref<10240x16xf32, #tpu.memory_space<vmem_shared>>)
    %dma_wait3A_67 = arith.constant 3 : i32
    %dma_wait3A_68 = arith.constant 0 : i32
    %dma_wait3A_69 = arith.constant 3 : i32
    %dma_wait3A_70 = arith.constant 0 : i32
    %dma_wait3A_71 = arith.constant 0 : i32
    %dma_wait3A_72 = tpu.memref_slice %arg7[%dma_wait3A_67, %dma_wait3A_70, %dma_wait3A_71] : memref<12x128x16xf32, #tpu.memory_space<vmem>> -> memref<1x128x16xf32, #tpu.memory_space<vmem>>
    %dma_wait3A_73 = tpu.memref_squeeze %dma_wait3A_72 : memref<1x128x16xf32, #tpu.memory_space<vmem>> -> memref<128x16xf32, #tpu.memory_space<vmem>>
    %dma_wait3A_74 = arith.constant 0 : i32
    %dma_wait3A_75 = tpu.memref_slice %arg6[%dma_wait3A_68, %dma_wait3A_74] : memref<79x128xi32, #tpu.memory_space<vmem>> -> memref<1x128xi32, #tpu.memory_space<vmem>>
    %dma_wait3A_76 = tpu.memref_squeeze %dma_wait3A_75 : memref<1x128xi32, #tpu.memory_space<vmem>> -> memref<128xi32, #tpu.memory_space<vmem>>
    %dma_wait3A_77 = arith.constant 0 : i32
    %dma_wait3A_78 = arith.constant 0 : i32
    %dma_wait3A_79 = tpu.memref_slice %arg9[%dma_wait3A_77, %dma_wait3A_78] : memref<10240x16xf32, #tpu.memory_space<vmem_shared>> -> memref<10240x16xf32, #tpu.memory_space<vmem_shared>>
    %dma_wait3A_80 = tpu.memref_slice %arg11[%dma_wait3A_69] : memref<12x!tpu.dma_semaphore, #tpu.memory_space<semaphore_mem>> -> memref<1x!tpu.dma_semaphore, #tpu.memory_space<semaphore_mem>>
    %dma_wait3A_81 = tpu.memref_squeeze %dma_wait3A_80 : memref<1x!tpu.dma_semaphore, #tpu.memory_space<semaphore_mem>> -> memref<!tpu.dma_semaphore, #tpu.memory_space<semaphore_mem>>
    tpu.wait_indirect_dma semaphore(%dma_wait3A_81 : memref<!tpu.dma_semaphore, #tpu.memory_space<semaphore_mem>>) src(%dma_wait3A_73 : memref<128x16xf32, #tpu.memory_space<vmem>>) dst(%dma_wait3A_79 : memref<10240x16xf32, #tpu.memory_space<vmem_shared>>)
    %dma_wait3A_82 = arith.constant 4 : i32
    %dma_wait3A_83 = arith.constant 0 : i32
    %dma_wait3A_84 = arith.constant 4 : i32
    %dma_wait3A_85 = arith.constant 0 : i32
    %dma_wait3A_86 = arith.constant 0 : i32
    %dma_wait3A_87 = tpu.memref_slice %arg7[%dma_wait3A_82, %dma_wait3A_85, %dma_wait3A_86] : memref<12x128x16xf32, #tpu.memory_space<vmem>> -> memref<1x128x16xf32, #tpu.memory_space<vmem>>
    %dma_wait3A_88 = tpu.memref_squeeze %dma_wait3A_87 : memref<1x128x16xf32, #tpu.memory_space<vmem>> -> memref<128x16xf32, #tpu.memory_space<vmem>>
    %dma_wait3A_89 = arith.constant 0 : i32
    %dma_wait3A_90 = tpu.memref_slice %arg6[%dma_wait3A_83, %dma_wait3A_89] : memref<79x128xi32, #tpu.memory_space<vmem>> -> memref<1x128xi32, #tpu.memory_space<vmem>>
    %dma_wait3A_91 = tpu.memref_squeeze %dma_wait3A_90 : memref<1x128xi32, #tpu.memory_space<vmem>> -> memref<128xi32, #tpu.memory_space<vmem>>
    %dma_wait3A_92 = arith.constant 0 : i32
    %dma_wait3A_93 = arith.constant 0 : i32
    %dma_wait3A_94 = tpu.memref_slice %arg9[%dma_wait3A_92, %dma_wait3A_93] : memref<10240x16xf32, #tpu.memory_space<vmem_shared>> -> memref<10240x16xf32, #tpu.memory_space<vmem_shared>>
    %dma_wait3A_95 = tpu.memref_slice %arg11[%dma_wait3A_84] : memref<12x!tpu.dma_semaphore, #tpu.memory_space<semaphore_mem>> -> memref<1x!tpu.dma_semaphore, #tpu.memory_space<semaphore_mem>>
    %dma_wait3A_96 = tpu.memref_squeeze %dma_wait3A_95 : memref<1x!tpu.dma_semaphore, #tpu.memory_space<semaphore_mem>> -> memref<!tpu.dma_semaphore, #tpu.memory_space<semaphore_mem>>
    tpu.wait_indirect_dma semaphore(%dma_wait3A_96 : memref<!tpu.dma_semaphore, #tpu.memory_space<semaphore_mem>>) src(%dma_wait3A_88 : memref<128x16xf32, #tpu.memory_space<vmem>>) dst(%dma_wait3A_94 : memref<10240x16xf32, #tpu.memory_space<vmem_shared>>)
    %dma_wait3A_97 = arith.constant 5 : i32
    %dma_wait3A_98 = arith.constant 0 : i32
    %dma_wait3A_99 = arith.constant 5 : i32
    %dma_wait3A_100 = arith.constant 0 : i32
    %dma_wait3A_101 = arith.constant 0 : i32
    %dma_wait3A_102 = tpu.memref_slice %arg7[%dma_wait3A_97, %dma_wait3A_100, %dma_wait3A_101] : memref<12x128x16xf32, #tpu.memory_space<vmem>> -> memref<1x128x16xf32, #tpu.memory_space<vmem>>
    %dma_wait3A_103 = tpu.memref_squeeze %dma_wait3A_102 : memref<1x128x16xf32, #tpu.memory_space<vmem>> -> memref<128x16xf32, #tpu.memory_space<vmem>>
    %dma_wait3A_104 = arith.constant 0 : i32
    %dma_wait3A_105 = tpu.memref_slice %arg6[%dma_wait3A_98, %dma_wait3A_104] : memref<79x128xi32, #tpu.memory_space<vmem>> -> memref<1x128xi32, #tpu.memory_space<vmem>>
    %dma_wait3A_106 = tpu.memref_squeeze %dma_wait3A_105 : memref<1x128xi32, #tpu.memory_space<vmem>> -> memref<128xi32, #tpu.memory_space<vmem>>
    %dma_wait3A_107 = arith.constant 0 : i32
    %dma_wait3A_108 = arith.constant 0 : i32
    %dma_wait3A_109 = tpu.memref_slice %arg9[%dma_wait3A_107, %dma_wait3A_108] : memref<10240x16xf32, #tpu.memory_space<vmem_shared>> -> memref<10240x16xf32, #tpu.memory_space<vmem_shared>>
    %dma_wait3A_110 = tpu.memref_slice %arg11[%dma_wait3A_99] : memref<12x!tpu.dma_semaphore, #tpu.memory_space<semaphore_mem>> -> memref<1x!tpu.dma_semaphore, #tpu.memory_space<semaphore_mem>>
    %dma_wait3A_111 = tpu.memref_squeeze %dma_wait3A_110 : memref<1x!tpu.dma_semaphore, #tpu.memory_space<semaphore_mem>> -> memref<!tpu.dma_semaphore, #tpu.memory_space<semaphore_mem>>
    tpu.wait_indirect_dma semaphore(%dma_wait3A_111 : memref<!tpu.dma_semaphore, #tpu.memory_space<semaphore_mem>>) src(%dma_wait3A_103 : memref<128x16xf32, #tpu.memory_space<vmem>>) dst(%dma_wait3A_109 : memref<10240x16xf32, #tpu.memory_space<vmem_shared>>)
    %dma_wait3A_112 = arith.constant 6 : i32
    %dma_wait3A_113 = arith.constant 0 : i32
    %dma_wait3A_114 = arith.constant 6 : i32
    %dma_wait3A_115 = arith.constant 0 : i32
    %dma_wait3A_116 = arith.constant 0 : i32
    %dma_wait3A_117 = tpu.memref_slice %arg7[%dma_wait3A_112, %dma_wait3A_115, %dma_wait3A_116] : memref<12x128x16xf32, #tpu.memory_space<vmem>> -> memref<1x128x16xf32, #tpu.memory_space<vmem>>
    %dma_wait3A_118 = tpu.memref_squeeze %dma_wait3A_117 : memref<1x128x16xf32, #tpu.memory_space<vmem>> -> memref<128x16xf32, #tpu.memory_space<vmem>>
    %dma_wait3A_119 = arith.constant 0 : i32
    %dma_wait3A_120 = tpu.memref_slice %arg6[%dma_wait3A_113, %dma_wait3A_119] : memref<79x128xi32, #tpu.memory_space<vmem>> -> memref<1x128xi32, #tpu.memory_space<vmem>>
    %dma_wait3A_121 = tpu.memref_squeeze %dma_wait3A_120 : memref<1x128xi32, #tpu.memory_space<vmem>> -> memref<128xi32, #tpu.memory_space<vmem>>
    %dma_wait3A_122 = arith.constant 0 : i32
    %dma_wait3A_123 = arith.constant 0 : i32
    %dma_wait3A_124 = tpu.memref_slice %arg9[%dma_wait3A_122, %dma_wait3A_123] : memref<10240x16xf32, #tpu.memory_space<vmem_shared>> -> memref<10240x16xf32, #tpu.memory_space<vmem_shared>>
    %dma_wait3A_125 = tpu.memref_slice %arg11[%dma_wait3A_114] : memref<12x!tpu.dma_semaphore, #tpu.memory_space<semaphore_mem>> -> memref<1x!tpu.dma_semaphore, #tpu.memory_space<semaphore_mem>>
    %dma_wait3A_126 = tpu.memref_squeeze %dma_wait3A_125 : memref<1x!tpu.dma_semaphore, #tpu.memory_space<semaphore_mem>> -> memref<!tpu.dma_semaphore, #tpu.memory_space<semaphore_mem>>
    tpu.wait_indirect_dma semaphore(%dma_wait3A_126 : memref<!tpu.dma_semaphore, #tpu.memory_space<semaphore_mem>>) src(%dma_wait3A_118 : memref<128x16xf32, #tpu.memory_space<vmem>>) dst(%dma_wait3A_124 : memref<10240x16xf32, #tpu.memory_space<vmem_shared>>)
    %dma_wait3A_127 = arith.constant 7 : i32
    %dma_wait3A_128 = arith.constant 0 : i32
    %dma_wait3A_129 = arith.constant 7 : i32
    %dma_wait3A_130 = arith.constant 0 : i32
    %dma_wait3A_131 = arith.constant 0 : i32
    %dma_wait3A_132 = tpu.memref_slice %arg7[%dma_wait3A_127, %dma_wait3A_130, %dma_wait3A_131] : memref<12x128x16xf32, #tpu.memory_space<vmem>> -> memref<1x128x16xf32, #tpu.memory_space<vmem>>
    %dma_wait3A_133 = tpu.memref_squeeze %dma_wait3A_132 : memref<1x128x16xf32, #tpu.memory_space<vmem>> -> memref<128x16xf32, #tpu.memory_space<vmem>>
    %dma_wait3A_134 = arith.constant 0 : i32
    %dma_wait3A_135 = tpu.memref_slice %arg6[%dma_wait3A_128, %dma_wait3A_134] : memref<79x128xi32, #tpu.memory_space<vmem>> -> memref<1x128xi32, #tpu.memory_space<vmem>>
    %dma_wait3A_136 = tpu.memref_squeeze %dma_wait3A_135 : memref<1x128xi32, #tpu.memory_space<vmem>> -> memref<128xi32, #tpu.memory_space<vmem>>
    %dma_wait3A_137 = arith.constant 0 : i32
    %dma_wait3A_138 = arith.constant 0 : i32
    %dma_wait3A_139 = tpu.memref_slice %arg9[%dma_wait3A_137, %dma_wait3A_138] : memref<10240x16xf32, #tpu.memory_space<vmem_shared>> -> memref<10240x16xf32, #tpu.memory_space<vmem_shared>>
    %dma_wait3A_140 = tpu.memref_slice %arg11[%dma_wait3A_129] : memref<12x!tpu.dma_semaphore, #tpu.memory_space<semaphore_mem>> -> memref<1x!tpu.dma_semaphore, #tpu.memory_space<semaphore_mem>>
    %dma_wait3A_141 = tpu.memref_squeeze %dma_wait3A_140 : memref<1x!tpu.dma_semaphore, #tpu.memory_space<semaphore_mem>> -> memref<!tpu.dma_semaphore, #tpu.memory_space<semaphore_mem>>
    tpu.wait_indirect_dma semaphore(%dma_wait3A_141 : memref<!tpu.dma_semaphore, #tpu.memory_space<semaphore_mem>>) src(%dma_wait3A_133 : memref<128x16xf32, #tpu.memory_space<vmem>>) dst(%dma_wait3A_139 : memref<10240x16xf32, #tpu.memory_space<vmem_shared>>)
    %dma_wait3A_142 = arith.constant 8 : i32
    %dma_wait3A_143 = arith.constant 0 : i32
    %dma_wait3A_144 = arith.constant 8 : i32
    %dma_wait3A_145 = arith.constant 0 : i32
    %dma_wait3A_146 = arith.constant 0 : i32
    %dma_wait3A_147 = tpu.memref_slice %arg7[%dma_wait3A_142, %dma_wait3A_145, %dma_wait3A_146] : memref<12x128x16xf32, #tpu.memory_space<vmem>> -> memref<1x128x16xf32, #tpu.memory_space<vmem>>
    %dma_wait3A_148 = tpu.memref_squeeze %dma_wait3A_147 : memref<1x128x16xf32, #tpu.memory_space<vmem>> -> memref<128x16xf32, #tpu.memory_space<vmem>>
    %dma_wait3A_149 = arith.constant 0 : i32
    %dma_wait3A_150 = tpu.memref_slice %arg6[%dma_wait3A_143, %dma_wait3A_149] : memref<79x128xi32, #tpu.memory_space<vmem>> -> memref<1x128xi32, #tpu.memory_space<vmem>>
    %dma_wait3A_151 = tpu.memref_squeeze %dma_wait3A_150 : memref<1x128xi32, #tpu.memory_space<vmem>> -> memref<128xi32, #tpu.memory_space<vmem>>
    %dma_wait3A_152 = arith.constant 0 : i32
    %dma_wait3A_153 = arith.constant 0 : i32
    %dma_wait3A_154 = tpu.memref_slice %arg9[%dma_wait3A_152, %dma_wait3A_153] : memref<10240x16xf32, #tpu.memory_space<vmem_shared>> -> memref<10240x16xf32, #tpu.memory_space<vmem_shared>>
    %dma_wait3A_155 = tpu.memref_slice %arg11[%dma_wait3A_144] : memref<12x!tpu.dma_semaphore, #tpu.memory_space<semaphore_mem>> -> memref<1x!tpu.dma_semaphore, #tpu.memory_space<semaphore_mem>>
    %dma_wait3A_156 = tpu.memref_squeeze %dma_wait3A_155 : memref<1x!tpu.dma_semaphore, #tpu.memory_space<semaphore_mem>> -> memref<!tpu.dma_semaphore, #tpu.memory_space<semaphore_mem>>
    tpu.wait_indirect_dma semaphore(%dma_wait3A_156 : memref<!tpu.dma_semaphore, #tpu.memory_space<semaphore_mem>>) src(%dma_wait3A_148 : memref<128x16xf32, #tpu.memory_space<vmem>>) dst(%dma_wait3A_154 : memref<10240x16xf32, #tpu.memory_space<vmem_shared>>)
    %dma_wait3A_157 = arith.constant 9 : i32
    %dma_wait3A_158 = arith.constant 0 : i32
    %dma_wait3A_159 = arith.constant 9 : i32
    %dma_wait3A_160 = arith.constant 0 : i32
    %dma_wait3A_161 = arith.constant 0 : i32
    %dma_wait3A_162 = tpu.memref_slice %arg7[%dma_wait3A_157, %dma_wait3A_160, %dma_wait3A_161] : memref<12x128x16xf32, #tpu.memory_space<vmem>> -> memref<1x128x16xf32, #tpu.memory_space<vmem>>
    %dma_wait3A_163 = tpu.memref_squeeze %dma_wait3A_162 : memref<1x128x16xf32, #tpu.memory_space<vmem>> -> memref<128x16xf32, #tpu.memory_space<vmem>>
    %dma_wait3A_164 = arith.constant 0 : i32
    %dma_wait3A_165 = tpu.memref_slice %arg6[%dma_wait3A_158, %dma_wait3A_164] : memref<79x128xi32, #tpu.memory_space<vmem>> -> memref<1x128xi32, #tpu.memory_space<vmem>>
    %dma_wait3A_166 = tpu.memref_squeeze %dma_wait3A_165 : memref<1x128xi32, #tpu.memory_space<vmem>> -> memref<128xi32, #tpu.memory_space<vmem>>
    %dma_wait3A_167 = arith.constant 0 : i32
    %dma_wait3A_168 = arith.constant 0 : i32
    %dma_wait3A_169 = tpu.memref_slice %arg9[%dma_wait3A_167, %dma_wait3A_168] : memref<10240x16xf32, #tpu.memory_space<vmem_shared>> -> memref<10240x16xf32, #tpu.memory_space<vmem_shared>>
    %dma_wait3A_170 = tpu.memref_slice %arg11[%dma_wait3A_159] : memref<12x!tpu.dma_semaphore, #tpu.memory_space<semaphore_mem>> -> memref<1x!tpu.dma_semaphore, #tpu.memory_space<semaphore_mem>>
    %dma_wait3A_171 = tpu.memref_squeeze %dma_wait3A_170 : memref<1x!tpu.dma_semaphore, #tpu.memory_space<semaphore_mem>> -> memref<!tpu.dma_semaphore, #tpu.memory_space<semaphore_mem>>
    tpu.wait_indirect_dma semaphore(%dma_wait3A_171 : memref<!tpu.dma_semaphore, #tpu.memory_space<semaphore_mem>>) src(%dma_wait3A_163 : memref<128x16xf32, #tpu.memory_space<vmem>>) dst(%dma_wait3A_169 : memref<10240x16xf32, #tpu.memory_space<vmem_shared>>)
    %dma_wait3A_172 = arith.constant 10 : i32
    %dma_wait3A_173 = arith.constant 0 : i32
    %dma_wait3A_174 = arith.constant 10 : i32
    %dma_wait3A_175 = arith.constant 0 : i32
    %dma_wait3A_176 = arith.constant 0 : i32
    %dma_wait3A_177 = tpu.memref_slice %arg7[%dma_wait3A_172, %dma_wait3A_175, %dma_wait3A_176] : memref<12x128x16xf32, #tpu.memory_space<vmem>> -> memref<1x128x16xf32, #tpu.memory_space<vmem>>
    %dma_wait3A_178 = tpu.memref_squeeze %dma_wait3A_177 : memref<1x128x16xf32, #tpu.memory_space<vmem>> -> memref<128x16xf32, #tpu.memory_space<vmem>>
    %dma_wait3A_179 = arith.constant 0 : i32
    %dma_wait3A_180 = tpu.memref_slice %arg6[%dma_wait3A_173, %dma_wait3A_179] : memref<79x128xi32, #tpu.memory_space<vmem>> -> memref<1x128xi32, #tpu.memory_space<vmem>>
    %dma_wait3A_181 = tpu.memref_squeeze %dma_wait3A_180 : memref<1x128xi32, #tpu.memory_space<vmem>> -> memref<128xi32, #tpu.memory_space<vmem>>
    %dma_wait3A_182 = arith.constant 0 : i32
    %dma_wait3A_183 = arith.constant 0 : i32
    %dma_wait3A_184 = tpu.memref_slice %arg9[%dma_wait3A_182, %dma_wait3A_183] : memref<10240x16xf32, #tpu.memory_space<vmem_shared>> -> memref<10240x16xf32, #tpu.memory_space<vmem_shared>>
    %dma_wait3A_185 = tpu.memref_slice %arg11[%dma_wait3A_174] : memref<12x!tpu.dma_semaphore, #tpu.memory_space<semaphore_mem>> -> memref<1x!tpu.dma_semaphore, #tpu.memory_space<semaphore_mem>>
    %dma_wait3A_186 = tpu.memref_squeeze %dma_wait3A_185 : memref<1x!tpu.dma_semaphore, #tpu.memory_space<semaphore_mem>> -> memref<!tpu.dma_semaphore, #tpu.memory_space<semaphore_mem>>
    tpu.wait_indirect_dma semaphore(%dma_wait3A_186 : memref<!tpu.dma_semaphore, #tpu.memory_space<semaphore_mem>>) src(%dma_wait3A_178 : memref<128x16xf32, #tpu.memory_space<vmem>>) dst(%dma_wait3A_184 : memref<10240x16xf32, #tpu.memory_space<vmem_shared>>)
    %dma_wait3A_187 = arith.constant 11 : i32
    %dma_wait3A_188 = arith.constant 0 : i32
    %dma_wait3A_189 = arith.constant 11 : i32
    %dma_wait3A_190 = arith.constant 0 : i32
    %dma_wait3A_191 = arith.constant 0 : i32
    %dma_wait3A_192 = tpu.memref_slice %arg7[%dma_wait3A_187, %dma_wait3A_190, %dma_wait3A_191] : memref<12x128x16xf32, #tpu.memory_space<vmem>> -> memref<1x128x16xf32, #tpu.memory_space<vmem>>
    %dma_wait3A_193 = tpu.memref_squeeze %dma_wait3A_192 : memref<1x128x16xf32, #tpu.memory_space<vmem>> -> memref<128x16xf32, #tpu.memory_space<vmem>>
    %dma_wait3A_194 = arith.constant 0 : i32
    %dma_wait3A_195 = tpu.memref_slice %arg6[%dma_wait3A_188, %dma_wait3A_194] : memref<79x128xi32, #tpu.memory_space<vmem>> -> memref<1x128xi32, #tpu.memory_space<vmem>>
    %dma_wait3A_196 = tpu.memref_squeeze %dma_wait3A_195 : memref<1x128xi32, #tpu.memory_space<vmem>> -> memref<128xi32, #tpu.memory_space<vmem>>
    %dma_wait3A_197 = arith.constant 0 : i32
    %dma_wait3A_198 = arith.constant 0 : i32
    %dma_wait3A_199 = tpu.memref_slice %arg9[%dma_wait3A_197, %dma_wait3A_198] : memref<10240x16xf32, #tpu.memory_space<vmem_shared>> -> memref<10240x16xf32, #tpu.memory_space<vmem_shared>>
    %dma_wait3A_200 = tpu.memref_slice %arg11[%dma_wait3A_189] : memref<12x!tpu.dma_semaphore, #tpu.memory_space<semaphore_mem>> -> memref<1x!tpu.dma_semaphore, #tpu.memory_space<semaphore_mem>>
    %dma_wait3A_201 = tpu.memref_squeeze %dma_wait3A_200 : memref<1x!tpu.dma_semaphore, #tpu.memory_space<semaphore_mem>> -> memref<!tpu.dma_semaphore, #tpu.memory_space<semaphore_mem>>
    tpu.wait_indirect_dma semaphore(%dma_wait3A_201 : memref<!tpu.dma_semaphore, #tpu.memory_space<semaphore_mem>>) src(%dma_wait3A_193 : memref<128x16xf32, #tpu.memory_space<vmem>>) dst(%dma_wait3A_199 : memref<10240x16xf32, #tpu.memory_space<vmem_shared>>)
    %barrier3A_202 = arith.constant 0 : index
    tpu.barrier barrier_id(%barrier3A_202)
    %mul3A_203 = arith.constant 640 : i32
    %mul3A_204 = arith.muli %arg1, %mul3A_203 : i32
    %mul3A_205 = arith.constant 640 : i32
    %mul3A_206 = arith.muli %arg1, %mul3A_205 : i32
    "tpu.region"() ({
      %run_scoped3A_207 = tpu.sem_alloc : memref<!tpu.dma_semaphore, #tpu.memory_space<semaphore_mem>>
      %dma_start3A = arith.constant 0 : i32
      %dma_start3A_208 = tpu.memref_slice %arg4[%arg0, %mul3A_206, %dma_start3A] : memref<2x10240x16xf32, #tpu.memory_space<hbm>> -> memref<1x640x16xf32, #tpu.memory_space<hbm>>
      %dma_start3A_209 = tpu.memref_squeeze %dma_start3A_208 : memref<1x640x16xf32, #tpu.memory_space<hbm>> -> memref<640x16xf32, #tpu.memory_space<hbm>>
      %dma_start3A_210 = arith.constant 0 : i32
      %dma_start3A_211 = tpu.memref_slice %arg9[%mul3A_204, %dma_start3A_210] : memref<10240x16xf32, #tpu.memory_space<vmem_shared>> -> memref<640x16xf32, #tpu.memory_space<vmem_shared>>
      tpu.enqueue_dma source(%dma_start3A_211 : memref<640x16xf32, #tpu.memory_space<vmem_shared>>) target(%dma_start3A_209 : memref<640x16xf32, #tpu.memory_space<hbm>>) target_semaphore(%run_scoped3A_207 : memref<!tpu.dma_semaphore, #tpu.memory_space<semaphore_mem>>)
      %dma_wait3A_212 = arith.constant 0 : i32
      %dma_wait3A_213 = tpu.memref_slice %arg4[%arg0, %mul3A_206, %dma_wait3A_212] : memref<2x10240x16xf32, #tpu.memory_space<hbm>> -> memref<1x640x16xf32, #tpu.memory_space<hbm>>
      %dma_wait3A_214 = tpu.memref_squeeze %dma_wait3A_213 : memref<1x640x16xf32, #tpu.memory_space<hbm>> -> memref<640x16xf32, #tpu.memory_space<hbm>>
      %dma_wait3A_215 = arith.constant 0 : i32
      %dma_wait3A_216 = tpu.memref_slice %arg9[%mul3A_204, %dma_wait3A_215] : memref<10240x16xf32, #tpu.memory_space<vmem_shared>> -> memref<640x16xf32, #tpu.memory_space<vmem_shared>>
      tpu.wait_dma2 semaphore(%run_scoped3A_207 : memref<!tpu.dma_semaphore, #tpu.memory_space<semaphore_mem>>) src(%dma_wait3A_216 : memref<640x16xf32, #tpu.memory_space<vmem_shared>>) dst(%dma_wait3A_214 : memref<640x16xf32, #tpu.memory_space<hbm>>)
      tpu.yield
    }) : () -> ()
    return
  }
}

#map = affine_map<(d0, d1) -> (0, 0, 0)>
#map1 = affine_map<(d0, d1) -> (0, 0)>
module attributes {stable_mosaic.version = 14 : i64} {
  func.func @_sc_aggregate(%arg0: i32, %arg1: i32, %arg2: memref<2x2500x128xi32, #tpu.memory_space<hbm>>, %arg3: memref<10000x16xf32, #tpu.memory_space<hbm>>, %arg4: memref<2x10240x16xf32, #tpu.memory_space<hbm>>, %arg5: memref<79x128xi32, #tpu.memory_space<vmem>>, %arg6: memref<79x128xi32, #tpu.memory_space<vmem>>, %arg7: memref<12x128x16xf32, #tpu.memory_space<vmem>>, %arg8: memref<640x16xf32, #tpu.memory_space<vmem>>, %arg9: memref<10240x16xf32, #tpu.memory_space<vmem_shared>>, %arg10: memref<12x!tpu.dma_semaphore, #tpu.memory_space<semaphore_mem>>, %arg11: memref<12x!tpu.dma_semaphore, #tpu.memory_space<semaphore_mem>>) attributes {dimension_semantics = [#tpu.dimension_semantics<core_parallel>, #tpu.dimension_semantics<subcore_parallel>], iteration_bounds = array<i64: 2, 16>, scalar_prefetch = 0 : i64, scratch_operands = 7 : i64, tpu.core_type = #tpu.core_type<sc_vector_subcore>, window_params = [{transform_indices = #map}, {transform_indices = #map1}, {transform_indices = #map}]} {
    %mul3A = arith.constant 16 : i32
    %mul3A_0 = arith.muli %arg0, %mul3A : i32
    %add3A = arith.addi %mul3A_0, %arg1 : i32
    %lt3A = arith.constant 4 : i32
    %lt3A_1 = arith.cmpi slt, %add3A, %lt3A : i32
    %jit3A = arith.constant 79 : i32
    %jit3A_2 = arith.constant 78 : i32
    %select_n3A = arith.select %lt3A_1, %jit3A, %jit3A_2 : i32
    %mul3A_3 = arith.constant 78 : i32
    %mul3A_4 = arith.muli %add3A, %mul3A_3 : i32
    %min3A = arith.constant 4 : i32
    %min3A_5 = arith.minsi %add3A, %min3A : i32
    %add3A_6 = arith.addi %mul3A_4, %min3A_5 : i32
    %min3A_7 = arith.constant 2421 : i32
    %min3A_8 = arith.minsi %add3A_6, %min3A_7 : i32
    %sub3A = arith.subi %add3A_6, %min3A_8 : i32
    %scan3A = arith.constant 0 : i32
    %scan3A_9 = arith.constant 0 : i32
    %scan3A_10 = arith.constant 640 : i32
    %scan3A_11 = arith.addi %scan3A_9, %scan3A_10 : i32
    %scan3A_12 = arith.constant 1 : i32
    scf.for %scan3A_207 = %scan3A_9 to %scan3A_11 step %scan3A_12  : i32 {
      %broadcast_in_dim3A = arith.constant 0.000000e+00 : f32
      %broadcast_in_dim3A_208 = vector.broadcast %broadcast_in_dim3A : f32 to vector<16xf32>
      %swap3A = arith.index_cast %scan3A_207 : i32 to index
      %swap3A_209 = arith.constant 0 : index
      %swap3A_210 = tpu.vector_load %arg8[%swap3A, %swap3A_209] {strides = array<i32>} : memref<640x16xf32, #tpu.memory_space<vmem>>, vector<1x16xf32>,
      %swap3A_211 = vector.shape_cast %swap3A_210 : vector<1x16xf32> to vector<16xf32>
      %swap3A_212 = vector.shape_cast %broadcast_in_dim3A_208 : vector<16xf32> to vector<1x16xf32>
      tpu.vector_store %arg8[%swap3A, %swap3A_209], %swap3A_212 {strides = array<i32>} : memref<640x16xf32, #tpu.memory_space<vmem>>, vector<1x16xf32>,
    }
    %scan3A_13 = arith.constant 640 : i32
    %mul3A_14 = arith.constant 640 : i32
    %mul3A_15 = arith.muli %arg1, %mul3A_14 : i32
    "tpu.region"() ({
      %run_scoped3A_207 = tpu.sem_alloc : memref<!tpu.dma_semaphore, #tpu.memory_space<semaphore_mem>>
      %dma_start3A = arith.constant 0 : i32
      %dma_start3A_208 = tpu.memref_slice %arg9[%mul3A_15, %dma_start3A] : memref<10240x16xf32, #tpu.memory_space<vmem_shared>> -> memref<640x16xf32, #tpu.memory_space<vmem_shared>>
      %dma_start3A_209 = arith.constant 0 : i32
      %dma_start3A_210 = tpu.memref_slice %arg9[%mul3A_15, %dma_start3A_209] : memref<10240x16xf32, #tpu.memory_space<vmem_shared>> -> memref<640x16xf32, #tpu.memory_space<vmem_shared>>
      tpu.enqueue_dma source(%arg8 : memref<640x16xf32, #tpu.memory_space<vmem>>) target(%dma_start3A_210 : memref<640x16xf32, #tpu.memory_space<vmem_shared>>) target_semaphore(%run_scoped3A_207 : memref<!tpu.dma_semaphore, #tpu.memory_space<semaphore_mem>>)
      %dma_wait3A_211 = arith.constant 0 : i32
      %dma_wait3A_212 = tpu.memref_slice %arg9[%mul3A_15, %dma_wait3A_211] : memref<10240x16xf32, #tpu.memory_space<vmem_shared>> -> memref<640x16xf32, #tpu.memory_space<vmem_shared>>
      %dma_wait3A_213 = arith.constant 0 : i32
      %dma_wait3A_214 = tpu.memref_slice %arg9[%mul3A_15, %dma_wait3A_213] : memref<10240x16xf32, #tpu.memory_space<vmem_shared>> -> memref<640x16xf32, #tpu.memory_space<vmem_shared>>
      tpu.wait_dma2 semaphore(%run_scoped3A_207 : memref<!tpu.dma_semaphore, #tpu.memory_space<semaphore_mem>>) src(%arg8 : memref<640x16xf32, #tpu.memory_space<vmem>>) dst(%dma_wait3A_214 : memref<640x16xf32, #tpu.memory_space<vmem_shared>>)
      tpu.yield
    }) : () -> ()
    %run_scoped3A = arith.constant 0 : i32
    "tpu.region"() ({
      %run_scoped3A_207 = tpu.sem_alloc : memref<!tpu.dma_semaphore, #tpu.memory_space<semaphore_mem>>
      %dma_start3A = arith.constant 0 : i32
      %dma_start3A_208 = tpu.memref_slice %arg2[%run_scoped3A, %min3A_8, %dma_start3A] : memref<2x2500x128xi32, #tpu.memory_space<hbm>> -> memref<1x79x128xi32, #tpu.memory_space<hbm>>
      %dma_start3A_209 = tpu.memref_squeeze %dma_start3A_208 : memref<1x79x128xi32, #tpu.memory_space<hbm>> -> memref<79x128xi32, #tpu.memory_space<hbm>>
      %dma_start3A_210 = arith.constant 0 : i32
      %dma_start3A_211 = tpu.memref_slice %arg2[%run_scoped3A, %min3A_8, %dma_start3A_210] : memref<2x2500x128xi32, #tpu.memory_space<hbm>> -> memref<1x79x128xi32, #tpu.memory_space<hbm>>
      %dma_start3A_212 = tpu.memref_squeeze %dma_start3A_211 : memref<1x79x128xi32, #tpu.memory_space<hbm>> -> memref<79x128xi32, #tpu.memory_space<hbm>>
      tpu.enqueue_dma source(%dma_start3A_212 : memref<79x128xi32, #tpu.memory_space<hbm>>) target(%arg5 : memref<79x128xi32, #tpu.memory_space<vmem>>) target_semaphore(%run_scoped3A_207 : memref<!tpu.dma_semaphore, #tpu.memory_space<semaphore_mem>>)
      %dma_wait3A_213 = arith.constant 0 : i32
      %dma_wait3A_214 = tpu.memref_slice %arg2[%run_scoped3A, %min3A_8, %dma_wait3A_213] : memref<2x2500x128xi32, #tpu.memory_space<hbm>> -> memref<1x79x128xi32, #tpu.memory_space<hbm>>
      %dma_wait3A_215 = tpu.memref_squeeze %dma_wait3A_214 : memref<1x79x128xi32, #tpu.memory_space<hbm>> -> memref<79x128xi32, #tpu.memory_space<hbm>>
      %dma_wait3A_216 = arith.constant 0 : i32
      %dma_wait3A_217 = tpu.memref_slice %arg2[%run_scoped3A, %min3A_8, %dma_wait3A_216] : memref<2x2500x128xi32, #tpu.memory_space<hbm>> -> memref<1x79x128xi32, #tpu.memory_space<hbm>>
      %dma_wait3A_218 = tpu.memref_squeeze %dma_wait3A_217 : memref<1x79x128xi32, #tpu.memory_space<hbm>> -> memref<79x128xi32, #tpu.memory_space<hbm>>
      tpu.wait_dma2 semaphore(%run_scoped3A_207 : memref<!tpu.dma_semaphore, #tpu.memory_space<semaphore_mem>>) src(%dma_wait3A_218 : memref<79x128xi32, #tpu.memory_space<hbm>>) dst(%arg5 : memref<79x128xi32, #tpu.memory_space<vmem>>)
      tpu.yield
    }) : () -> ()
    %run_scoped3A_16 = arith.constant 1 : i32
    "tpu.region"() ({
      %run_scoped3A_207 = tpu.sem_alloc : memref<!tpu.dma_semaphore, #tpu.memory_space<semaphore_mem>>
      %dma_start3A = arith.constant 0 : i32
      %dma_start3A_208 = tpu.memref_slice %arg2[%run_scoped3A_16, %min3A_8, %dma_start3A] : memref<2x2500x128xi32, #tpu.memory_space<hbm>> -> memref<1x79x128xi32, #tpu.memory_space<hbm>>
      %dma_start3A_209 = tpu.memref_squeeze %dma_start3A_208 : memref<1x79x128xi32, #tpu.memory_space<hbm>> -> memref<79x128xi32, #tpu.memory_space<hbm>>
      %dma_start3A_210 = arith.constant 0 : i32
      %dma_start3A_211 = tpu.memref_slice %arg2[%run_scoped3A_16, %min3A_8, %dma_start3A_210] : memref<2x2500x128xi32, #tpu.memory_space<hbm>> -> memref<1x79x128xi32, #tpu.memory_space<hbm>>
      %dma_start3A_212 = tpu.memref_squeeze %dma_start3A_211 : memref<1x79x128xi32, #tpu.memory_space<hbm>> -> memref<79x128xi32, #tpu.memory_space<hbm>>
      tpu.enqueue_dma source(%dma_start3A_212 : memref<79x128xi32, #tpu.memory_space<hbm>>) target(%arg6 : memref<79x128xi32, #tpu.memory_space<vmem>>) target_semaphore(%run_scoped3A_207 : memref<!tpu.dma_semaphore, #tpu.memory_space<semaphore_mem>>)
      %dma_wait3A_213 = arith.constant 0 : i32
      %dma_wait3A_214 = tpu.memref_slice %arg2[%run_scoped3A_16, %min3A_8, %dma_wait3A_213] : memref<2x2500x128xi32, #tpu.memory_space<hbm>> -> memref<1x79x128xi32, #tpu.memory_space<hbm>>
      %dma_wait3A_215 = tpu.memref_squeeze %dma_wait3A_214 : memref<1x79x128xi32, #tpu.memory_space<hbm>> -> memref<79x128xi32, #tpu.memory_space<hbm>>
      %dma_wait3A_216 = arith.constant 0 : i32
      %dma_wait3A_217 = tpu.memref_slice %arg2[%run_scoped3A_16, %min3A_8, %dma_wait3A_216] : memref<2x2500x128xi32, #tpu.memory_space<hbm>> -> memref<1x79x128xi32, #tpu.memory_space<hbm>>
      %dma_wait3A_218 = tpu.memref_squeeze %dma_wait3A_217 : memref<1x79x128xi32, #tpu.memory_space<hbm>> -> memref<79x128xi32, #tpu.memory_space<hbm>>
      tpu.wait_dma2 semaphore(%run_scoped3A_207 : memref<!tpu.dma_semaphore, #tpu.memory_space<semaphore_mem>>) src(%dma_wait3A_218 : memref<79x128xi32, #tpu.memory_space<hbm>>) dst(%arg6 : memref<79x128xi32, #tpu.memory_space<vmem>>)
      tpu.yield
    }) : () -> ()
    %barrier3A = arith.constant 0 : index
    tpu.barrier barrier_id(%barrier3A)
    %scan3A_17 = arith.constant 0 : i32
    %scan3A_18 = arith.constant 0 : i32
    %scan3A_19 = arith.constant 7 : i32
    %scan3A_20 = arith.addi %scan3A_18, %scan3A_19 : i32
    %scan3A_21 = arith.constant 1 : i32
    scf.for %scan3A_207 = %scan3A_18 to %scan3A_20 step %scan3A_21  : i32 {
      %mul3A_208 = arith.constant 12 : i32
      %mul3A_209 = arith.muli %scan3A_207, %mul3A_208 : i32
      %add3A_210 = arith.constant 0 : i32
      %add3A_211 = arith.addi %mul3A_209, %add3A_210 : i32
      %lt3A_212 = arith.cmpi slt, %add3A_211, %select_n3A : i32
      %gt3A = arith.constant 0 : i32
      %gt3A_213 = arith.cmpi sgt, %scan3A_207, %gt3A : i32
      %and3A = arith.andi %lt3A_212, %gt3A_213 : i1
      %convert_element_type3A = arith.extui %and3A : i1 to i32
      %cond3A = arith.constant 0 : i32
      %cond3A_214 = arith.cmpi ne, %convert_element_type3A, %cond3A : i32
      scf.if %cond3A_214 {
        %dma_wait3A_434 = arith.constant 0 : i32
        %dma_wait3A_435 = arith.constant 0 : i32
        %dma_wait3A_436 = arith.constant 0 : i32
        %dma_wait3A_437 = arith.constant 0 : i32
        %dma_wait3A_438 = arith.constant 0 : i32
        %dma_wait3A_439 = tpu.memref_slice %arg7[%dma_wait3A_434, %dma_wait3A_437, %dma_wait3A_438] : memref<12x128x16xf32, #tpu.memory_space<vmem>> -> memref<1x128x16xf32, #tpu.memory_space<vmem>>
        %dma_wait3A_440 = tpu.memref_squeeze %dma_wait3A_439 : memref<1x128x16xf32, #tpu.memory_space<vmem>> -> memref<128x16xf32, #tpu.memory_space<vmem>>
        %dma_wait3A_441 = arith.constant 0 : i32
        %dma_wait3A_442 = tpu.memref_slice %arg6[%dma_wait3A_435, %dma_wait3A_441] : memref<79x128xi32, #tpu.memory_space<vmem>> -> memref<1x128xi32, #tpu.memory_space<vmem>>
        %dma_wait3A_443 = tpu.memref_squeeze %dma_wait3A_442 : memref<1x128xi32, #tpu.memory_space<vmem>> -> memref<128xi32, #tpu.memory_space<vmem>>
        %dma_wait3A_444 = arith.constant 0 : i32
        %dma_wait3A_445 = arith.constant 0 : i32
        %dma_wait3A_446 = tpu.memref_slice %arg9[%dma_wait3A_444, %dma_wait3A_445] : memref<10240x16xf32, #tpu.memory_space<vmem_shared>> -> memref<10240x16xf32, #tpu.memory_space<vmem_shared>>
        %dma_wait3A_447 = tpu.memref_slice %arg11[%dma_wait3A_436] : memref<12x!tpu.dma_semaphore, #tpu.memory_space<semaphore_mem>> -> memref<1x!tpu.dma_semaphore, #tpu.memory_space<semaphore_mem>>
        %dma_wait3A_448 = tpu.memref_squeeze %dma_wait3A_447 : memref<1x!tpu.dma_semaphore, #tpu.memory_space<semaphore_mem>> -> memref<!tpu.dma_semaphore, #tpu.memory_space<semaphore_mem>>
        tpu.wait_indirect_dma semaphore(%dma_wait3A_448 : memref<!tpu.dma_semaphore, #tpu.memory_space<semaphore_mem>>) src(%dma_wait3A_440 : memref<128x16xf32, #tpu.memory_space<vmem>>) dst(%dma_wait3A_446 : memref<10240x16xf32, #tpu.memory_space<vmem_shared>>)
      } else {
      }
      %lt3A_215 = arith.cmpi slt, %add3A_211, %select_n3A : i32
      %convert_element_type3A_216 = arith.extui %lt3A_215 : i1 to i32
      %cond3A_217 = arith.constant 0 : i32
      %cond3A_218 = arith.cmpi ne, %convert_element_type3A_216, %cond3A_217 : i32
      scf.if %cond3A_218 {
        %add3A_434 = arith.addi %add3A_211, %sub3A : i32
        %dma_start3A = arith.constant 0 : i32
        %dma_start3A_435 = arith.constant 0 : i32
        %dma_start3A_436 = arith.constant 0 : i32
        %dma_start3A_437 = arith.constant 0 : i32
        %dma_start3A_438 = tpu.memref_slice %arg7[%dma_start3A, %dma_start3A_436, %dma_start3A_437] : memref<12x128x16xf32, #tpu.memory_space<vmem>> -> memref<1x128x16xf32, #tpu.memory_space<vmem>>
        %dma_start3A_439 = tpu.memref_squeeze %dma_start3A_438 : memref<1x128x16xf32, #tpu.memory_space<vmem>> -> memref<128x16xf32, #tpu.memory_space<vmem>>
        %dma_start3A_440 = arith.constant 0 : i32
        %dma_start3A_441 = tpu.memref_slice %arg5[%add3A_434, %dma_start3A_440] : memref<79x128xi32, #tpu.memory_space<vmem>> -> memref<1x128xi32, #tpu.memory_space<vmem>>
        %dma_start3A_442 = tpu.memref_squeeze %dma_start3A_441 : memref<1x128xi32, #tpu.memory_space<vmem>> -> memref<128xi32, #tpu.memory_space<vmem>>
        %dma_start3A_443 = arith.constant 0 : i32
        %dma_start3A_444 = arith.constant 0 : i32
        %dma_start3A_445 = tpu.memref_slice %arg3[%dma_start3A_443, %dma_start3A_444] : memref<10000x16xf32, #tpu.memory_space<hbm>> -> memref<10000x16xf32, #tpu.memory_space<hbm>>
        %dma_start3A_446 = tpu.memref_slice %arg10[%dma_start3A_435] : memref<12x!tpu.dma_semaphore, #tpu.memory_space<semaphore_mem>> -> memref<1x!tpu.dma_semaphore, #tpu.memory_space<semaphore_mem>>
        %dma_start3A_447 = tpu.memref_squeeze %dma_start3A_446 : memref<1x!tpu.dma_semaphore, #tpu.memory_space<semaphore_mem>> -> memref<!tpu.dma_semaphore, #tpu.memory_space<semaphore_mem>>
        tpu.enqueue_indirect_dma source(%dma_start3A_445 : memref<10000x16xf32, #tpu.memory_space<hbm>>) target(%dma_start3A_439 : memref<128x16xf32, #tpu.memory_space<vmem>>) offsets(%dma_start3A_442 : memref<128xi32, #tpu.memory_space<vmem>>) semaphore(%dma_start3A_447 : memref<!tpu.dma_semaphore, #tpu.memory_space<semaphore_mem>>)
      } else {
      }
      %add3A_219 = arith.constant 1 : i32
      %add3A_220 = arith.addi %mul3A_209, %add3A_219 : i32
      %lt3A_221 = arith.cmpi slt, %add3A_220, %select_n3A : i32
      %gt3A_222 = arith.constant 0 : i32
      %gt3A_223 = arith.cmpi sgt, %scan3A_207, %gt3A_222 : i32
      %and3A_224 = arith.andi %lt3A_221, %gt3A_223 : i1
      %convert_element_type3A_225 = arith.extui %and3A_224 : i1 to i32
      %cond3A_226 = arith.constant 0 : i32
      %cond3A_227 = arith.cmpi ne, %convert_element_type3A_225, %cond3A_226 : i32
      scf.if %cond3A_227 {
        %dma_wait3A_434 = arith.constant 1 : i32
        %dma_wait3A_435 = arith.constant 0 : i32
        %dma_wait3A_436 = arith.constant 1 : i32
        %dma_wait3A_437 = arith.constant 0 : i32
        %dma_wait3A_438 = arith.constant 0 : i32
        %dma_wait3A_439 = tpu.memref_slice %arg7[%dma_wait3A_434, %dma_wait3A_437, %dma_wait3A_438] : memref<12x128x16xf32, #tpu.memory_space<vmem>> -> memref<1x128x16xf32, #tpu.memory_space<vmem>>
        %dma_wait3A_440 = tpu.memref_squeeze %dma_wait3A_439 : memref<1x128x16xf32, #tpu.memory_space<vmem>> -> memref<128x16xf32, #tpu.memory_space<vmem>>
        %dma_wait3A_441 = arith.constant 0 : i32
        %dma_wait3A_442 = tpu.memref_slice %arg6[%dma_wait3A_435, %dma_wait3A_441] : memref<79x128xi32, #tpu.memory_space<vmem>> -> memref<1x128xi32, #tpu.memory_space<vmem>>
        %dma_wait3A_443 = tpu.memref_squeeze %dma_wait3A_442 : memref<1x128xi32, #tpu.memory_space<vmem>> -> memref<128xi32, #tpu.memory_space<vmem>>
        %dma_wait3A_444 = arith.constant 0 : i32
        %dma_wait3A_445 = arith.constant 0 : i32
        %dma_wait3A_446 = tpu.memref_slice %arg9[%dma_wait3A_444, %dma_wait3A_445] : memref<10240x16xf32, #tpu.memory_space<vmem_shared>> -> memref<10240x16xf32, #tpu.memory_space<vmem_shared>>
        %dma_wait3A_447 = tpu.memref_slice %arg11[%dma_wait3A_436] : memref<12x!tpu.dma_semaphore, #tpu.memory_space<semaphore_mem>> -> memref<1x!tpu.dma_semaphore, #tpu.memory_space<semaphore_mem>>
        %dma_wait3A_448 = tpu.memref_squeeze %dma_wait3A_447 : memref<1x!tpu.dma_semaphore, #tpu.memory_space<semaphore_mem>> -> memref<!tpu.dma_semaphore, #tpu.memory_space<semaphore_mem>>
        tpu.wait_indirect_dma semaphore(%dma_wait3A_448 : memref<!tpu.dma_semaphore, #tpu.memory_space<semaphore_mem>>) src(%dma_wait3A_440 : memref<128x16xf32, #tpu.memory_space<vmem>>) dst(%dma_wait3A_446 : memref<10240x16xf32, #tpu.memory_space<vmem_shared>>)
      } else {
      }
      %lt3A_228 = arith.cmpi slt, %add3A_220, %select_n3A : i32
      %convert_element_type3A_229 = arith.extui %lt3A_228 : i1 to i32
      %cond3A_230 = arith.constant 0 : i32
      %cond3A_231 = arith.cmpi ne, %convert_element_type3A_229, %cond3A_230 : i32
      scf.if %cond3A_231 {
        %add3A_434 = arith.addi %add3A_220, %sub3A : i32
        %dma_start3A = arith.constant 1 : i32
        %dma_start3A_435 = arith.constant 1 : i32
        %dma_start3A_436 = arith.constant 0 : i32
        %dma_start3A_437 = arith.constant 0 : i32
        %dma_start3A_438 = tpu.memref_slice %arg7[%dma_start3A, %dma_start3A_436, %dma_start3A_437] : memref<12x128x16xf32, #tpu.memory_space<vmem>> -> memref<1x128x16xf32, #tpu.memory_space<vmem>>
        %dma_start3A_439 = tpu.memref_squeeze %dma_start3A_438 : memref<1x128x16xf32, #tpu.memory_space<vmem>> -> memref<128x16xf32, #tpu.memory_space<vmem>>
        %dma_start3A_440 = arith.constant 0 : i32
        %dma_start3A_441 = tpu.memref_slice %arg5[%add3A_434, %dma_start3A_440] : memref<79x128xi32, #tpu.memory_space<vmem>> -> memref<1x128xi32, #tpu.memory_space<vmem>>
        %dma_start3A_442 = tpu.memref_squeeze %dma_start3A_441 : memref<1x128xi32, #tpu.memory_space<vmem>> -> memref<128xi32, #tpu.memory_space<vmem>>
        %dma_start3A_443 = arith.constant 0 : i32
        %dma_start3A_444 = arith.constant 0 : i32
        %dma_start3A_445 = tpu.memref_slice %arg3[%dma_start3A_443, %dma_start3A_444] : memref<10000x16xf32, #tpu.memory_space<hbm>> -> memref<10000x16xf32, #tpu.memory_space<hbm>>
        %dma_start3A_446 = tpu.memref_slice %arg10[%dma_start3A_435] : memref<12x!tpu.dma_semaphore, #tpu.memory_space<semaphore_mem>> -> memref<1x!tpu.dma_semaphore, #tpu.memory_space<semaphore_mem>>
        %dma_start3A_447 = tpu.memref_squeeze %dma_start3A_446 : memref<1x!tpu.dma_semaphore, #tpu.memory_space<semaphore_mem>> -> memref<!tpu.dma_semaphore, #tpu.memory_space<semaphore_mem>>
        tpu.enqueue_indirect_dma source(%dma_start3A_445 : memref<10000x16xf32, #tpu.memory_space<hbm>>) target(%dma_start3A_439 : memref<128x16xf32, #tpu.memory_space<vmem>>) offsets(%dma_start3A_442 : memref<128xi32, #tpu.memory_space<vmem>>) semaphore(%dma_start3A_447 : memref<!tpu.dma_semaphore, #tpu.memory_space<semaphore_mem>>)
      } else {
      }
      %add3A_232 = arith.constant 2 : i32
      %add3A_233 = arith.addi %mul3A_209, %add3A_232 : i32
      %lt3A_234 = arith.cmpi slt, %add3A_233, %select_n3A : i32
      %gt3A_235 = arith.constant 0 : i32
      %gt3A_236 = arith.cmpi sgt, %scan3A_207, %gt3A_235 : i32
      %and3A_237 = arith.andi %lt3A_234, %gt3A_236 : i1
      %convert_element_type3A_238 = arith.extui %and3A_237 : i1 to i32
      %cond3A_239 = arith.constant 0 : i32
      %cond3A_240 = arith.cmpi ne, %convert_element_type3A_238, %cond3A_239 : i32
      scf.if %cond3A_240 {
        %dma_wait3A_434 = arith.constant 2 : i32
        %dma_wait3A_435 = arith.constant 0 : i32
        %dma_wait3A_436 = arith.constant 2 : i32
        %dma_wait3A_437 = arith.constant 0 : i32
        %dma_wait3A_438 = arith.constant 0 : i32
        %dma_wait3A_439 = tpu.memref_slice %arg7[%dma_wait3A_434, %dma_wait3A_437, %dma_wait3A_438] : memref<12x128x16xf32, #tpu.memory_space<vmem>> -> memref<1x128x16xf32, #tpu.memory_space<vmem>>
        %dma_wait3A_440 = tpu.memref_squeeze %dma_wait3A_439 : memref<1x128x16xf32, #tpu.memory_space<vmem>> -> memref<128x16xf32, #tpu.memory_space<vmem>>
        %dma_wait3A_441 = arith.constant 0 : i32
        %dma_wait3A_442 = tpu.memref_slice %arg6[%dma_wait3A_435, %dma_wait3A_441] : memref<79x128xi32, #tpu.memory_space<vmem>> -> memref<1x128xi32, #tpu.memory_space<vmem>>
        %dma_wait3A_443 = tpu.memref_squeeze %dma_wait3A_442 : memref<1x128xi32, #tpu.memory_space<vmem>> -> memref<128xi32, #tpu.memory_space<vmem>>
        %dma_wait3A_444 = arith.constant 0 : i32
        %dma_wait3A_445 = arith.constant 0 : i32
        %dma_wait3A_446 = tpu.memref_slice %arg9[%dma_wait3A_444, %dma_wait3A_445] : memref<10240x16xf32, #tpu.memory_space<vmem_shared>> -> memref<10240x16xf32, #tpu.memory_space<vmem_shared>>
        %dma_wait3A_447 = tpu.memref_slice %arg11[%dma_wait3A_436] : memref<12x!tpu.dma_semaphore, #tpu.memory_space<semaphore_mem>> -> memref<1x!tpu.dma_semaphore, #tpu.memory_space<semaphore_mem>>
        %dma_wait3A_448 = tpu.memref_squeeze %dma_wait3A_447 : memref<1x!tpu.dma_semaphore, #tpu.memory_space<semaphore_mem>> -> memref<!tpu.dma_semaphore, #tpu.memory_space<semaphore_mem>>
        tpu.wait_indirect_dma semaphore(%dma_wait3A_448 : memref<!tpu.dma_semaphore, #tpu.memory_space<semaphore_mem>>) src(%dma_wait3A_440 : memref<128x16xf32, #tpu.memory_space<vmem>>) dst(%dma_wait3A_446 : memref<10240x16xf32, #tpu.memory_space<vmem_shared>>)
      } else {
      }
      %lt3A_241 = arith.cmpi slt, %add3A_233, %select_n3A : i32
      %convert_element_type3A_242 = arith.extui %lt3A_241 : i1 to i32
      %cond3A_243 = arith.constant 0 : i32
      %cond3A_244 = arith.cmpi ne, %convert_element_type3A_242, %cond3A_243 : i32
      scf.if %cond3A_244 {
        %add3A_434 = arith.addi %add3A_233, %sub3A : i32
        %dma_start3A = arith.constant 2 : i32
        %dma_start3A_435 = arith.constant 2 : i32
        %dma_start3A_436 = arith.constant 0 : i32
        %dma_start3A_437 = arith.constant 0 : i32
        %dma_start3A_438 = tpu.memref_slice %arg7[%dma_start3A, %dma_start3A_436, %dma_start3A_437] : memref<12x128x16xf32, #tpu.memory_space<vmem>> -> memref<1x128x16xf32, #tpu.memory_space<vmem>>
        %dma_start3A_439 = tpu.memref_squeeze %dma_start3A_438 : memref<1x128x16xf32, #tpu.memory_space<vmem>> -> memref<128x16xf32, #tpu.memory_space<vmem>>
        %dma_start3A_440 = arith.constant 0 : i32
        %dma_start3A_441 = tpu.memref_slice %arg5[%add3A_434, %dma_start3A_440] : memref<79x128xi32, #tpu.memory_space<vmem>> -> memref<1x128xi32, #tpu.memory_space<vmem>>
        %dma_start3A_442 = tpu.memref_squeeze %dma_start3A_441 : memref<1x128xi32, #tpu.memory_space<vmem>> -> memref<128xi32, #tpu.memory_space<vmem>>
        %dma_start3A_443 = arith.constant 0 : i32
        %dma_start3A_444 = arith.constant 0 : i32
        %dma_start3A_445 = tpu.memref_slice %arg3[%dma_start3A_443, %dma_start3A_444] : memref<10000x16xf32, #tpu.memory_space<hbm>> -> memref<10000x16xf32, #tpu.memory_space<hbm>>
        %dma_start3A_446 = tpu.memref_slice %arg10[%dma_start3A_435] : memref<12x!tpu.dma_semaphore, #tpu.memory_space<semaphore_mem>> -> memref<1x!tpu.dma_semaphore, #tpu.memory_space<semaphore_mem>>
        %dma_start3A_447 = tpu.memref_squeeze %dma_start3A_446 : memref<1x!tpu.dma_semaphore, #tpu.memory_space<semaphore_mem>> -> memref<!tpu.dma_semaphore, #tpu.memory_space<semaphore_mem>>
        tpu.enqueue_indirect_dma source(%dma_start3A_445 : memref<10000x16xf32, #tpu.memory_space<hbm>>) target(%dma_start3A_439 : memref<128x16xf32, #tpu.memory_space<vmem>>) offsets(%dma_start3A_442 : memref<128xi32, #tpu.memory_space<vmem>>) semaphore(%dma_start3A_447 : memref<!tpu.dma_semaphore, #tpu.memory_space<semaphore_mem>>)
      } else {
      }
      %add3A_245 = arith.constant 3 : i32
      %add3A_246 = arith.addi %mul3A_209, %add3A_245 : i32
      %lt3A_247 = arith.cmpi slt, %add3A_246, %select_n3A : i32
      %gt3A_248 = arith.constant 0 : i32
      %gt3A_249 = arith.cmpi sgt, %scan3A_207, %gt3A_248 : i32
      %and3A_250 = arith.andi %lt3A_247, %gt3A_249 : i1
      %convert_element_type3A_251 = arith.extui %and3A_250 : i1 to i32
      %cond3A_252 = arith.constant 0 : i32
      %cond3A_253 = arith.cmpi ne, %convert_element_type3A_251, %cond3A_252 : i32
      scf.if %cond3A_253 {
        %dma_wait3A_434 = arith.constant 3 : i32
        %dma_wait3A_435 = arith.constant 0 : i32
        %dma_wait3A_436 = arith.constant 3 : i32
        %dma_wait3A_437 = arith.constant 0 : i32
        %dma_wait3A_438 = arith.constant 0 : i32
        %dma_wait3A_439 = tpu.memref_slice %arg7[%dma_wait3A_434, %dma_wait3A_437, %dma_wait3A_438] : memref<12x128x16xf32, #tpu.memory_space<vmem>> -> memref<1x128x16xf32, #tpu.memory_space<vmem>>
        %dma_wait3A_440 = tpu.memref_squeeze %dma_wait3A_439 : memref<1x128x16xf32, #tpu.memory_space<vmem>> -> memref<128x16xf32, #tpu.memory_space<vmem>>
        %dma_wait3A_441 = arith.constant 0 : i32
        %dma_wait3A_442 = tpu.memref_slice %arg6[%dma_wait3A_435, %dma_wait3A_441] : memref<79x128xi32, #tpu.memory_space<vmem>> -> memref<1x128xi32, #tpu.memory_space<vmem>>
        %dma_wait3A_443 = tpu.memref_squeeze %dma_wait3A_442 : memref<1x128xi32, #tpu.memory_space<vmem>> -> memref<128xi32, #tpu.memory_space<vmem>>
        %dma_wait3A_444 = arith.constant 0 : i32
        %dma_wait3A_445 = arith.constant 0 : i32
        %dma_wait3A_446 = tpu.memref_slice %arg9[%dma_wait3A_444, %dma_wait3A_445] : memref<10240x16xf32, #tpu.memory_space<vmem_shared>> -> memref<10240x16xf32, #tpu.memory_space<vmem_shared>>
        %dma_wait3A_447 = tpu.memref_slice %arg11[%dma_wait3A_436] : memref<12x!tpu.dma_semaphore, #tpu.memory_space<semaphore_mem>> -> memref<1x!tpu.dma_semaphore, #tpu.memory_space<semaphore_mem>>
        %dma_wait3A_448 = tpu.memref_squeeze %dma_wait3A_447 : memref<1x!tpu.dma_semaphore, #tpu.memory_space<semaphore_mem>> -> memref<!tpu.dma_semaphore, #tpu.memory_space<semaphore_mem>>
        tpu.wait_indirect_dma semaphore(%dma_wait3A_448 : memref<!tpu.dma_semaphore, #tpu.memory_space<semaphore_mem>>) src(%dma_wait3A_440 : memref<128x16xf32, #tpu.memory_space<vmem>>) dst(%dma_wait3A_446 : memref<10240x16xf32, #tpu.memory_space<vmem_shared>>)
      } else {
      }
      %lt3A_254 = arith.cmpi slt, %add3A_246, %select_n3A : i32
      %convert_element_type3A_255 = arith.extui %lt3A_254 : i1 to i32
      %cond3A_256 = arith.constant 0 : i32
      %cond3A_257 = arith.cmpi ne, %convert_element_type3A_255, %cond3A_256 : i32
      scf.if %cond3A_257 {
        %add3A_434 = arith.addi %add3A_246, %sub3A : i32
        %dma_start3A = arith.constant 3 : i32
        %dma_start3A_435 = arith.constant 3 : i32
        %dma_start3A_436 = arith.constant 0 : i32
        %dma_start3A_437 = arith.constant 0 : i32
        %dma_start3A_438 = tpu.memref_slice %arg7[%dma_start3A, %dma_start3A_436, %dma_start3A_437] : memref<12x128x16xf32, #tpu.memory_space<vmem>> -> memref<1x128x16xf32, #tpu.memory_space<vmem>>
        %dma_start3A_439 = tpu.memref_squeeze %dma_start3A_438 : memref<1x128x16xf32, #tpu.memory_space<vmem>> -> memref<128x16xf32, #tpu.memory_space<vmem>>
        %dma_start3A_440 = arith.constant 0 : i32
        %dma_start3A_441 = tpu.memref_slice %arg5[%add3A_434, %dma_start3A_440] : memref<79x128xi32, #tpu.memory_space<vmem>> -> memref<1x128xi32, #tpu.memory_space<vmem>>
        %dma_start3A_442 = tpu.memref_squeeze %dma_start3A_441 : memref<1x128xi32, #tpu.memory_space<vmem>> -> memref<128xi32, #tpu.memory_space<vmem>>
        %dma_start3A_443 = arith.constant 0 : i32
        %dma_start3A_444 = arith.constant 0 : i32
        %dma_start3A_445 = tpu.memref_slice %arg3[%dma_start3A_443, %dma_start3A_444] : memref<10000x16xf32, #tpu.memory_space<hbm>> -> memref<10000x16xf32, #tpu.memory_space<hbm>>
        %dma_start3A_446 = tpu.memref_slice %arg10[%dma_start3A_435] : memref<12x!tpu.dma_semaphore, #tpu.memory_space<semaphore_mem>> -> memref<1x!tpu.dma_semaphore, #tpu.memory_space<semaphore_mem>>
        %dma_start3A_447 = tpu.memref_squeeze %dma_start3A_446 : memref<1x!tpu.dma_semaphore, #tpu.memory_space<semaphore_mem>> -> memref<!tpu.dma_semaphore, #tpu.memory_space<semaphore_mem>>
        tpu.enqueue_indirect_dma source(%dma_start3A_445 : memref<10000x16xf32, #tpu.memory_space<hbm>>) target(%dma_start3A_439 : memref<128x16xf32, #tpu.memory_space<vmem>>) offsets(%dma_start3A_442 : memref<128xi32, #tpu.memory_space<vmem>>) semaphore(%dma_start3A_447 : memref<!tpu.dma_semaphore, #tpu.memory_space<semaphore_mem>>)
      } else {
      }
      %add3A_258 = arith.constant 4 : i32
      %add3A_259 = arith.addi %mul3A_209, %add3A_258 : i32
      %lt3A_260 = arith.cmpi slt, %add3A_259, %select_n3A : i32
      %gt3A_261 = arith.constant 0 : i32
      %gt3A_262 = arith.cmpi sgt, %scan3A_207, %gt3A_261 : i32
      %and3A_263 = arith.andi %lt3A_260, %gt3A_262 : i1
      %convert_element_type3A_264 = arith.extui %and3A_263 : i1 to i32
      %cond3A_265 = arith.constant 0 : i32
      %cond3A_266 = arith.cmpi ne, %convert_element_type3A_264, %cond3A_265 : i32
      scf.if %cond3A_266 {
        %dma_wait3A_434 = arith.constant 4 : i32
        %dma_wait3A_435 = arith.constant 0 : i32
        %dma_wait3A_436 = arith.constant 4 : i32
        %dma_wait3A_437 = arith.constant 0 : i32
        %dma_wait3A_438 = arith.constant 0 : i32
        %dma_wait3A_439 = tpu.memref_slice %arg7[%dma_wait3A_434, %dma_wait3A_437, %dma_wait3A_438] : memref<12x128x16xf32, #tpu.memory_space<vmem>> -> memref<1x128x16xf32, #tpu.memory_space<vmem>>
        %dma_wait3A_440 = tpu.memref_squeeze %dma_wait3A_439 : memref<1x128x16xf32, #tpu.memory_space<vmem>> -> memref<128x16xf32, #tpu.memory_space<vmem>>
        %dma_wait3A_441 = arith.constant 0 : i32
        %dma_wait3A_442 = tpu.memref_slice %arg6[%dma_wait3A_435, %dma_wait3A_441] : memref<79x128xi32, #tpu.memory_space<vmem>> -> memref<1x128xi32, #tpu.memory_space<vmem>>
        %dma_wait3A_443 = tpu.memref_squeeze %dma_wait3A_442 : memref<1x128xi32, #tpu.memory_space<vmem>> -> memref<128xi32, #tpu.memory_space<vmem>>
        %dma_wait3A_444 = arith.constant 0 : i32
        %dma_wait3A_445 = arith.constant 0 : i32
        %dma_wait3A_446 = tpu.memref_slice %arg9[%dma_wait3A_444, %dma_wait3A_445] : memref<10240x16xf32, #tpu.memory_space<vmem_shared>> -> memref<10240x16xf32, #tpu.memory_space<vmem_shared>>
        %dma_wait3A_447 = tpu.memref_slice %arg11[%dma_wait3A_436] : memref<12x!tpu.dma_semaphore, #tpu.memory_space<semaphore_mem>> -> memref<1x!tpu.dma_semaphore, #tpu.memory_space<semaphore_mem>>
        %dma_wait3A_448 = tpu.memref_squeeze %dma_wait3A_447 : memref<1x!tpu.dma_semaphore, #tpu.memory_space<semaphore_mem>> -> memref<!tpu.dma_semaphore, #tpu.memory_space<semaphore_mem>>
        tpu.wait_indirect_dma semaphore(%dma_wait3A_448 : memref<!tpu.dma_semaphore, #tpu.memory_space<semaphore_mem>>) src(%dma_wait3A_440 : memref<128x16xf32, #tpu.memory_space<vmem>>) dst(%dma_wait3A_446 : memref<10240x16xf32, #tpu.memory_space<vmem_shared>>)
      } else {
      }
      %lt3A_267 = arith.cmpi slt, %add3A_259, %select_n3A : i32
      %convert_element_type3A_268 = arith.extui %lt3A_267 : i1 to i32
      %cond3A_269 = arith.constant 0 : i32
      %cond3A_270 = arith.cmpi ne, %convert_element_type3A_268, %cond3A_269 : i32
      scf.if %cond3A_270 {
        %add3A_434 = arith.addi %add3A_259, %sub3A : i32
        %dma_start3A = arith.constant 4 : i32
        %dma_start3A_435 = arith.constant 4 : i32
        %dma_start3A_436 = arith.constant 0 : i32
        %dma_start3A_437 = arith.constant 0 : i32
        %dma_start3A_438 = tpu.memref_slice %arg7[%dma_start3A, %dma_start3A_436, %dma_start3A_437] : memref<12x128x16xf32, #tpu.memory_space<vmem>> -> memref<1x128x16xf32, #tpu.memory_space<vmem>>
        %dma_start3A_439 = tpu.memref_squeeze %dma_start3A_438 : memref<1x128x16xf32, #tpu.memory_space<vmem>> -> memref<128x16xf32, #tpu.memory_space<vmem>>
        %dma_start3A_440 = arith.constant 0 : i32
        %dma_start3A_441 = tpu.memref_slice %arg5[%add3A_434, %dma_start3A_440] : memref<79x128xi32, #tpu.memory_space<vmem>> -> memref<1x128xi32, #tpu.memory_space<vmem>>
        %dma_start3A_442 = tpu.memref_squeeze %dma_start3A_441 : memref<1x128xi32, #tpu.memory_space<vmem>> -> memref<128xi32, #tpu.memory_space<vmem>>
        %dma_start3A_443 = arith.constant 0 : i32
        %dma_start3A_444 = arith.constant 0 : i32
        %dma_start3A_445 = tpu.memref_slice %arg3[%dma_start3A_443, %dma_start3A_444] : memref<10000x16xf32, #tpu.memory_space<hbm>> -> memref<10000x16xf32, #tpu.memory_space<hbm>>
        %dma_start3A_446 = tpu.memref_slice %arg10[%dma_start3A_435] : memref<12x!tpu.dma_semaphore, #tpu.memory_space<semaphore_mem>> -> memref<1x!tpu.dma_semaphore, #tpu.memory_space<semaphore_mem>>
        %dma_start3A_447 = tpu.memref_squeeze %dma_start3A_446 : memref<1x!tpu.dma_semaphore, #tpu.memory_space<semaphore_mem>> -> memref<!tpu.dma_semaphore, #tpu.memory_space<semaphore_mem>>
        tpu.enqueue_indirect_dma source(%dma_start3A_445 : memref<10000x16xf32, #tpu.memory_space<hbm>>) target(%dma_start3A_439 : memref<128x16xf32, #tpu.memory_space<vmem>>) offsets(%dma_start3A_442 : memref<128xi32, #tpu.memory_space<vmem>>) semaphore(%dma_start3A_447 : memref<!tpu.dma_semaphore, #tpu.memory_space<semaphore_mem>>)
      } else {
      }
      %add3A_271 = arith.constant 5 : i32
      %add3A_272 = arith.addi %mul3A_209, %add3A_271 : i32
      %lt3A_273 = arith.cmpi slt, %add3A_272, %select_n3A : i32
      %gt3A_274 = arith.constant 0 : i32
      %gt3A_275 = arith.cmpi sgt, %scan3A_207, %gt3A_274 : i32
      %and3A_276 = arith.andi %lt3A_273, %gt3A_275 : i1
      %convert_element_type3A_277 = arith.extui %and3A_276 : i1 to i32
      %cond3A_278 = arith.constant 0 : i32
      %cond3A_279 = arith.cmpi ne, %convert_element_type3A_277, %cond3A_278 : i32
      scf.if %cond3A_279 {
        %dma_wait3A_434 = arith.constant 5 : i32
        %dma_wait3A_435 = arith.constant 0 : i32
        %dma_wait3A_436 = arith.constant 5 : i32
        %dma_wait3A_437 = arith.constant 0 : i32
        %dma_wait3A_438 = arith.constant 0 : i32
        %dma_wait3A_439 = tpu.memref_slice %arg7[%dma_wait3A_434, %dma_wait3A_437, %dma_wait3A_438] : memref<12x128x16xf32, #tpu.memory_space<vmem>> -> memref<1x128x16xf32, #tpu.memory_space<vmem>>
        %dma_wait3A_440 = tpu.memref_squeeze %dma_wait3A_439 : memref<1x128x16xf32, #tpu.memory_space<vmem>> -> memref<128x16xf32, #tpu.memory_space<vmem>>
        %dma_wait3A_441 = arith.constant 0 : i32
        %dma_wait3A_442 = tpu.memref_slice %arg6[%dma_wait3A_435, %dma_wait3A_441] : memref<79x128xi32, #tpu.memory_space<vmem>> -> memref<1x128xi32, #tpu.memory_space<vmem>>
        %dma_wait3A_443 = tpu.memref_squeeze %dma_wait3A_442 : memref<1x128xi32, #tpu.memory_space<vmem>> -> memref<128xi32, #tpu.memory_space<vmem>>
        %dma_wait3A_444 = arith.constant 0 : i32
        %dma_wait3A_445 = arith.constant 0 : i32
        %dma_wait3A_446 = tpu.memref_slice %arg9[%dma_wait3A_444, %dma_wait3A_445] : memref<10240x16xf32, #tpu.memory_space<vmem_shared>> -> memref<10240x16xf32, #tpu.memory_space<vmem_shared>>
        %dma_wait3A_447 = tpu.memref_slice %arg11[%dma_wait3A_436] : memref<12x!tpu.dma_semaphore, #tpu.memory_space<semaphore_mem>> -> memref<1x!tpu.dma_semaphore, #tpu.memory_space<semaphore_mem>>
        %dma_wait3A_448 = tpu.memref_squeeze %dma_wait3A_447 : memref<1x!tpu.dma_semaphore, #tpu.memory_space<semaphore_mem>> -> memref<!tpu.dma_semaphore, #tpu.memory_space<semaphore_mem>>
        tpu.wait_indirect_dma semaphore(%dma_wait3A_448 : memref<!tpu.dma_semaphore, #tpu.memory_space<semaphore_mem>>) src(%dma_wait3A_440 : memref<128x16xf32, #tpu.memory_space<vmem>>) dst(%dma_wait3A_446 : memref<10240x16xf32, #tpu.memory_space<vmem_shared>>)
      } else {
      }
      %lt3A_280 = arith.cmpi slt, %add3A_272, %select_n3A : i32
      %convert_element_type3A_281 = arith.extui %lt3A_280 : i1 to i32
      %cond3A_282 = arith.constant 0 : i32
      %cond3A_283 = arith.cmpi ne, %convert_element_type3A_281, %cond3A_282 : i32
      scf.if %cond3A_283 {
        %add3A_434 = arith.addi %add3A_272, %sub3A : i32
        %dma_start3A = arith.constant 5 : i32
        %dma_start3A_435 = arith.constant 5 : i32
        %dma_start3A_436 = arith.constant 0 : i32
        %dma_start3A_437 = arith.constant 0 : i32
        %dma_start3A_438 = tpu.memref_slice %arg7[%dma_start3A, %dma_start3A_436, %dma_start3A_437] : memref<12x128x16xf32, #tpu.memory_space<vmem>> -> memref<1x128x16xf32, #tpu.memory_space<vmem>>
        %dma_start3A_439 = tpu.memref_squeeze %dma_start3A_438 : memref<1x128x16xf32, #tpu.memory_space<vmem>> -> memref<128x16xf32, #tpu.memory_space<vmem>>
        %dma_start3A_440 = arith.constant 0 : i32
        %dma_start3A_441 = tpu.memref_slice %arg5[%add3A_434, %dma_start3A_440] : memref<79x128xi32, #tpu.memory_space<vmem>> -> memref<1x128xi32, #tpu.memory_space<vmem>>
        %dma_start3A_442 = tpu.memref_squeeze %dma_start3A_441 : memref<1x128xi32, #tpu.memory_space<vmem>> -> memref<128xi32, #tpu.memory_space<vmem>>
        %dma_start3A_443 = arith.constant 0 : i32
        %dma_start3A_444 = arith.constant 0 : i32
        %dma_start3A_445 = tpu.memref_slice %arg3[%dma_start3A_443, %dma_start3A_444] : memref<10000x16xf32, #tpu.memory_space<hbm>> -> memref<10000x16xf32, #tpu.memory_space<hbm>>
        %dma_start3A_446 = tpu.memref_slice %arg10[%dma_start3A_435] : memref<12x!tpu.dma_semaphore, #tpu.memory_space<semaphore_mem>> -> memref<1x!tpu.dma_semaphore, #tpu.memory_space<semaphore_mem>>
        %dma_start3A_447 = tpu.memref_squeeze %dma_start3A_446 : memref<1x!tpu.dma_semaphore, #tpu.memory_space<semaphore_mem>> -> memref<!tpu.dma_semaphore, #tpu.memory_space<semaphore_mem>>
        tpu.enqueue_indirect_dma source(%dma_start3A_445 : memref<10000x16xf32, #tpu.memory_space<hbm>>) target(%dma_start3A_439 : memref<128x16xf32, #tpu.memory_space<vmem>>) offsets(%dma_start3A_442 : memref<128xi32, #tpu.memory_space<vmem>>) semaphore(%dma_start3A_447 : memref<!tpu.dma_semaphore, #tpu.memory_space<semaphore_mem>>)
      } else {
      }
      %add3A_284 = arith.constant 6 : i32
      %add3A_285 = arith.addi %mul3A_209, %add3A_284 : i32
      %lt3A_286 = arith.cmpi slt, %add3A_285, %select_n3A : i32
      %gt3A_287 = arith.constant 0 : i32
      %gt3A_288 = arith.cmpi sgt, %scan3A_207, %gt3A_287 : i32
      %and3A_289 = arith.andi %lt3A_286, %gt3A_288 : i1
      %convert_element_type3A_290 = arith.extui %and3A_289 : i1 to i32
      %cond3A_291 = arith.constant 0 : i32
      %cond3A_292 = arith.cmpi ne, %convert_element_type3A_290, %cond3A_291 : i32
      scf.if %cond3A_292 {
        %dma_wait3A_434 = arith.constant 6 : i32
        %dma_wait3A_435 = arith.constant 0 : i32
        %dma_wait3A_436 = arith.constant 6 : i32
        %dma_wait3A_437 = arith.constant 0 : i32
        %dma_wait3A_438 = arith.constant 0 : i32
        %dma_wait3A_439 = tpu.memref_slice %arg7[%dma_wait3A_434, %dma_wait3A_437, %dma_wait3A_438] : memref<12x128x16xf32, #tpu.memory_space<vmem>> -> memref<1x128x16xf32, #tpu.memory_space<vmem>>
        %dma_wait3A_440 = tpu.memref_squeeze %dma_wait3A_439 : memref<1x128x16xf32, #tpu.memory_space<vmem>> -> memref<128x16xf32, #tpu.memory_space<vmem>>
        %dma_wait3A_441 = arith.constant 0 : i32
        %dma_wait3A_442 = tpu.memref_slice %arg6[%dma_wait3A_435, %dma_wait3A_441] : memref<79x128xi32, #tpu.memory_space<vmem>> -> memref<1x128xi32, #tpu.memory_space<vmem>>
        %dma_wait3A_443 = tpu.memref_squeeze %dma_wait3A_442 : memref<1x128xi32, #tpu.memory_space<vmem>> -> memref<128xi32, #tpu.memory_space<vmem>>
        %dma_wait3A_444 = arith.constant 0 : i32
        %dma_wait3A_445 = arith.constant 0 : i32
        %dma_wait3A_446 = tpu.memref_slice %arg9[%dma_wait3A_444, %dma_wait3A_445] : memref<10240x16xf32, #tpu.memory_space<vmem_shared>> -> memref<10240x16xf32, #tpu.memory_space<vmem_shared>>
        %dma_wait3A_447 = tpu.memref_slice %arg11[%dma_wait3A_436] : memref<12x!tpu.dma_semaphore, #tpu.memory_space<semaphore_mem>> -> memref<1x!tpu.dma_semaphore, #tpu.memory_space<semaphore_mem>>
        %dma_wait3A_448 = tpu.memref_squeeze %dma_wait3A_447 : memref<1x!tpu.dma_semaphore, #tpu.memory_space<semaphore_mem>> -> memref<!tpu.dma_semaphore, #tpu.memory_space<semaphore_mem>>
        tpu.wait_indirect_dma semaphore(%dma_wait3A_448 : memref<!tpu.dma_semaphore, #tpu.memory_space<semaphore_mem>>) src(%dma_wait3A_440 : memref<128x16xf32, #tpu.memory_space<vmem>>) dst(%dma_wait3A_446 : memref<10240x16xf32, #tpu.memory_space<vmem_shared>>)
      } else {
      }
      %lt3A_293 = arith.cmpi slt, %add3A_285, %select_n3A : i32
      %convert_element_type3A_294 = arith.extui %lt3A_293 : i1 to i32
      %cond3A_295 = arith.constant 0 : i32
      %cond3A_296 = arith.cmpi ne, %convert_element_type3A_294, %cond3A_295 : i32
      scf.if %cond3A_296 {
        %add3A_434 = arith.addi %add3A_285, %sub3A : i32
        %dma_start3A = arith.constant 6 : i32
        %dma_start3A_435 = arith.constant 6 : i32
        %dma_start3A_436 = arith.constant 0 : i32
        %dma_start3A_437 = arith.constant 0 : i32
        %dma_start3A_438 = tpu.memref_slice %arg7[%dma_start3A, %dma_start3A_436, %dma_start3A_437] : memref<12x128x16xf32, #tpu.memory_space<vmem>> -> memref<1x128x16xf32, #tpu.memory_space<vmem>>
        %dma_start3A_439 = tpu.memref_squeeze %dma_start3A_438 : memref<1x128x16xf32, #tpu.memory_space<vmem>> -> memref<128x16xf32, #tpu.memory_space<vmem>>
        %dma_start3A_440 = arith.constant 0 : i32
        %dma_start3A_441 = tpu.memref_slice %arg5[%add3A_434, %dma_start3A_440] : memref<79x128xi32, #tpu.memory_space<vmem>> -> memref<1x128xi32, #tpu.memory_space<vmem>>
        %dma_start3A_442 = tpu.memref_squeeze %dma_start3A_441 : memref<1x128xi32, #tpu.memory_space<vmem>> -> memref<128xi32, #tpu.memory_space<vmem>>
        %dma_start3A_443 = arith.constant 0 : i32
        %dma_start3A_444 = arith.constant 0 : i32
        %dma_start3A_445 = tpu.memref_slice %arg3[%dma_start3A_443, %dma_start3A_444] : memref<10000x16xf32, #tpu.memory_space<hbm>> -> memref<10000x16xf32, #tpu.memory_space<hbm>>
        %dma_start3A_446 = tpu.memref_slice %arg10[%dma_start3A_435] : memref<12x!tpu.dma_semaphore, #tpu.memory_space<semaphore_mem>> -> memref<1x!tpu.dma_semaphore, #tpu.memory_space<semaphore_mem>>
        %dma_start3A_447 = tpu.memref_squeeze %dma_start3A_446 : memref<1x!tpu.dma_semaphore, #tpu.memory_space<semaphore_mem>> -> memref<!tpu.dma_semaphore, #tpu.memory_space<semaphore_mem>>
        tpu.enqueue_indirect_dma source(%dma_start3A_445 : memref<10000x16xf32, #tpu.memory_space<hbm>>) target(%dma_start3A_439 : memref<128x16xf32, #tpu.memory_space<vmem>>) offsets(%dma_start3A_442 : memref<128xi32, #tpu.memory_space<vmem>>) semaphore(%dma_start3A_447 : memref<!tpu.dma_semaphore, #tpu.memory_space<semaphore_mem>>)
      } else {
      }
      %add3A_297 = arith.constant 7 : i32
      %add3A_298 = arith.addi %mul3A_209, %add3A_297 : i32
      %lt3A_299 = arith.cmpi slt, %add3A_298, %select_n3A : i32
      %gt3A_300 = arith.constant 0 : i32
      %gt3A_301 = arith.cmpi sgt, %scan3A_207, %gt3A_300 : i32
      %and3A_302 = arith.andi %lt3A_299, %gt3A_301 : i1
      %convert_element_type3A_303 = arith.extui %and3A_302 : i1 to i32
      %cond3A_304 = arith.constant 0 : i32
      %cond3A_305 = arith.cmpi ne, %convert_element_type3A_303, %cond3A_304 : i32
      scf.if %cond3A_305 {
        %dma_wait3A_434 = arith.constant 7 : i32
        %dma_wait3A_435 = arith.constant 0 : i32
        %dma_wait3A_436 = arith.constant 7 : i32
        %dma_wait3A_437 = arith.constant 0 : i32
        %dma_wait3A_438 = arith.constant 0 : i32
        %dma_wait3A_439 = tpu.memref_slice %arg7[%dma_wait3A_434, %dma_wait3A_437, %dma_wait3A_438] : memref<12x128x16xf32, #tpu.memory_space<vmem>> -> memref<1x128x16xf32, #tpu.memory_space<vmem>>
        %dma_wait3A_440 = tpu.memref_squeeze %dma_wait3A_439 : memref<1x128x16xf32, #tpu.memory_space<vmem>> -> memref<128x16xf32, #tpu.memory_space<vmem>>
        %dma_wait3A_441 = arith.constant 0 : i32
        %dma_wait3A_442 = tpu.memref_slice %arg6[%dma_wait3A_435, %dma_wait3A_441] : memref<79x128xi32, #tpu.memory_space<vmem>> -> memref<1x128xi32, #tpu.memory_space<vmem>>
        %dma_wait3A_443 = tpu.memref_squeeze %dma_wait3A_442 : memref<1x128xi32, #tpu.memory_space<vmem>> -> memref<128xi32, #tpu.memory_space<vmem>>
        %dma_wait3A_444 = arith.constant 0 : i32
        %dma_wait3A_445 = arith.constant 0 : i32
        %dma_wait3A_446 = tpu.memref_slice %arg9[%dma_wait3A_444, %dma_wait3A_445] : memref<10240x16xf32, #tpu.memory_space<vmem_shared>> -> memref<10240x16xf32, #tpu.memory_space<vmem_shared>>
        %dma_wait3A_447 = tpu.memref_slice %arg11[%dma_wait3A_436] : memref<12x!tpu.dma_semaphore, #tpu.memory_space<semaphore_mem>> -> memref<1x!tpu.dma_semaphore, #tpu.memory_space<semaphore_mem>>
        %dma_wait3A_448 = tpu.memref_squeeze %dma_wait3A_447 : memref<1x!tpu.dma_semaphore, #tpu.memory_space<semaphore_mem>> -> memref<!tpu.dma_semaphore, #tpu.memory_space<semaphore_mem>>
        tpu.wait_indirect_dma semaphore(%dma_wait3A_448 : memref<!tpu.dma_semaphore, #tpu.memory_space<semaphore_mem>>) src(%dma_wait3A_440 : memref<128x16xf32, #tpu.memory_space<vmem>>) dst(%dma_wait3A_446 : memref<10240x16xf32, #tpu.memory_space<vmem_shared>>)
      } else {
      }
      %lt3A_306 = arith.cmpi slt, %add3A_298, %select_n3A : i32
      %convert_element_type3A_307 = arith.extui %lt3A_306 : i1 to i32
      %cond3A_308 = arith.constant 0 : i32
      %cond3A_309 = arith.cmpi ne, %convert_element_type3A_307, %cond3A_308 : i32
      scf.if %cond3A_309 {
        %add3A_434 = arith.addi %add3A_298, %sub3A : i32
        %dma_start3A = arith.constant 7 : i32
        %dma_start3A_435 = arith.constant 7 : i32
        %dma_start3A_436 = arith.constant 0 : i32
        %dma_start3A_437 = arith.constant 0 : i32
        %dma_start3A_438 = tpu.memref_slice %arg7[%dma_start3A, %dma_start3A_436, %dma_start3A_437] : memref<12x128x16xf32, #tpu.memory_space<vmem>> -> memref<1x128x16xf32, #tpu.memory_space<vmem>>
        %dma_start3A_439 = tpu.memref_squeeze %dma_start3A_438 : memref<1x128x16xf32, #tpu.memory_space<vmem>> -> memref<128x16xf32, #tpu.memory_space<vmem>>
        %dma_start3A_440 = arith.constant 0 : i32
        %dma_start3A_441 = tpu.memref_slice %arg5[%add3A_434, %dma_start3A_440] : memref<79x128xi32, #tpu.memory_space<vmem>> -> memref<1x128xi32, #tpu.memory_space<vmem>>
        %dma_start3A_442 = tpu.memref_squeeze %dma_start3A_441 : memref<1x128xi32, #tpu.memory_space<vmem>> -> memref<128xi32, #tpu.memory_space<vmem>>
        %dma_start3A_443 = arith.constant 0 : i32
        %dma_start3A_444 = arith.constant 0 : i32
        %dma_start3A_445 = tpu.memref_slice %arg3[%dma_start3A_443, %dma_start3A_444] : memref<10000x16xf32, #tpu.memory_space<hbm>> -> memref<10000x16xf32, #tpu.memory_space<hbm>>
        %dma_start3A_446 = tpu.memref_slice %arg10[%dma_start3A_435] : memref<12x!tpu.dma_semaphore, #tpu.memory_space<semaphore_mem>> -> memref<1x!tpu.dma_semaphore, #tpu.memory_space<semaphore_mem>>
        %dma_start3A_447 = tpu.memref_squeeze %dma_start3A_446 : memref<1x!tpu.dma_semaphore, #tpu.memory_space<semaphore_mem>> -> memref<!tpu.dma_semaphore, #tpu.memory_space<semaphore_mem>>
        tpu.enqueue_indirect_dma source(%dma_start3A_445 : memref<10000x16xf32, #tpu.memory_space<hbm>>) target(%dma_start3A_439 : memref<128x16xf32, #tpu.memory_space<vmem>>) offsets(%dma_start3A_442 : memref<128xi32, #tpu.memory_space<vmem>>) semaphore(%dma_start3A_447 : memref<!tpu.dma_semaphore, #tpu.memory_space<semaphore_mem>>)
      } else {
      }
      %add3A_310 = arith.constant 8 : i32
      %add3A_311 = arith.addi %mul3A_209, %add3A_310 : i32
      %lt3A_312 = arith.cmpi slt, %add3A_311, %select_n3A : i32
      %gt3A_313 = arith.constant 0 : i32
      %gt3A_314 = arith.cmpi sgt, %scan3A_207, %gt3A_313 : i32
      %and3A_315 = arith.andi %lt3A_312, %gt3A_314 : i1
      %convert_element_type3A_316 = arith.extui %and3A_315 : i1 to i32
      %cond3A_317 = arith.constant 0 : i32
      %cond3A_318 = arith.cmpi ne, %convert_element_type3A_316, %cond3A_317 : i32
      scf.if %cond3A_318 {
        %dma_wait3A_434 = arith.constant 8 : i32
        %dma_wait3A_435 = arith.constant 0 : i32
        %dma_wait3A_436 = arith.constant 8 : i32
        %dma_wait3A_437 = arith.constant 0 : i32
        %dma_wait3A_438 = arith.constant 0 : i32
        %dma_wait3A_439 = tpu.memref_slice %arg7[%dma_wait3A_434, %dma_wait3A_437, %dma_wait3A_438] : memref<12x128x16xf32, #tpu.memory_space<vmem>> -> memref<1x128x16xf32, #tpu.memory_space<vmem>>
        %dma_wait3A_440 = tpu.memref_squeeze %dma_wait3A_439 : memref<1x128x16xf32, #tpu.memory_space<vmem>> -> memref<128x16xf32, #tpu.memory_space<vmem>>
        %dma_wait3A_441 = arith.constant 0 : i32
        %dma_wait3A_442 = tpu.memref_slice %arg6[%dma_wait3A_435, %dma_wait3A_441] : memref<79x128xi32, #tpu.memory_space<vmem>> -> memref<1x128xi32, #tpu.memory_space<vmem>>
        %dma_wait3A_443 = tpu.memref_squeeze %dma_wait3A_442 : memref<1x128xi32, #tpu.memory_space<vmem>> -> memref<128xi32, #tpu.memory_space<vmem>>
        %dma_wait3A_444 = arith.constant 0 : i32
        %dma_wait3A_445 = arith.constant 0 : i32
        %dma_wait3A_446 = tpu.memref_slice %arg9[%dma_wait3A_444, %dma_wait3A_445] : memref<10240x16xf32, #tpu.memory_space<vmem_shared>> -> memref<10240x16xf32, #tpu.memory_space<vmem_shared>>
        %dma_wait3A_447 = tpu.memref_slice %arg11[%dma_wait3A_436] : memref<12x!tpu.dma_semaphore, #tpu.memory_space<semaphore_mem>> -> memref<1x!tpu.dma_semaphore, #tpu.memory_space<semaphore_mem>>
        %dma_wait3A_448 = tpu.memref_squeeze %dma_wait3A_447 : memref<1x!tpu.dma_semaphore, #tpu.memory_space<semaphore_mem>> -> memref<!tpu.dma_semaphore, #tpu.memory_space<semaphore_mem>>
        tpu.wait_indirect_dma semaphore(%dma_wait3A_448 : memref<!tpu.dma_semaphore, #tpu.memory_space<semaphore_mem>>) src(%dma_wait3A_440 : memref<128x16xf32, #tpu.memory_space<vmem>>) dst(%dma_wait3A_446 : memref<10240x16xf32, #tpu.memory_space<vmem_shared>>)
      } else {
      }
      %lt3A_319 = arith.cmpi slt, %add3A_311, %select_n3A : i32
      %convert_element_type3A_320 = arith.extui %lt3A_319 : i1 to i32
      %cond3A_321 = arith.constant 0 : i32
      %cond3A_322 = arith.cmpi ne, %convert_element_type3A_320, %cond3A_321 : i32
      scf.if %cond3A_322 {
        %add3A_434 = arith.addi %add3A_311, %sub3A : i32
        %dma_start3A = arith.constant 8 : i32
        %dma_start3A_435 = arith.constant 8 : i32
        %dma_start3A_436 = arith.constant 0 : i32
        %dma_start3A_437 = arith.constant 0 : i32
        %dma_start3A_438 = tpu.memref_slice %arg7[%dma_start3A, %dma_start3A_436, %dma_start3A_437] : memref<12x128x16xf32, #tpu.memory_space<vmem>> -> memref<1x128x16xf32, #tpu.memory_space<vmem>>
        %dma_start3A_439 = tpu.memref_squeeze %dma_start3A_438 : memref<1x128x16xf32, #tpu.memory_space<vmem>> -> memref<128x16xf32, #tpu.memory_space<vmem>>
        %dma_start3A_440 = arith.constant 0 : i32
        %dma_start3A_441 = tpu.memref_slice %arg5[%add3A_434, %dma_start3A_440] : memref<79x128xi32, #tpu.memory_space<vmem>> -> memref<1x128xi32, #tpu.memory_space<vmem>>
        %dma_start3A_442 = tpu.memref_squeeze %dma_start3A_441 : memref<1x128xi32, #tpu.memory_space<vmem>> -> memref<128xi32, #tpu.memory_space<vmem>>
        %dma_start3A_443 = arith.constant 0 : i32
        %dma_start3A_444 = arith.constant 0 : i32
        %dma_start3A_445 = tpu.memref_slice %arg3[%dma_start3A_443, %dma_start3A_444] : memref<10000x16xf32, #tpu.memory_space<hbm>> -> memref<10000x16xf32, #tpu.memory_space<hbm>>
        %dma_start3A_446 = tpu.memref_slice %arg10[%dma_start3A_435] : memref<12x!tpu.dma_semaphore, #tpu.memory_space<semaphore_mem>> -> memref<1x!tpu.dma_semaphore, #tpu.memory_space<semaphore_mem>>
        %dma_start3A_447 = tpu.memref_squeeze %dma_start3A_446 : memref<1x!tpu.dma_semaphore, #tpu.memory_space<semaphore_mem>> -> memref<!tpu.dma_semaphore, #tpu.memory_space<semaphore_mem>>
        tpu.enqueue_indirect_dma source(%dma_start3A_445 : memref<10000x16xf32, #tpu.memory_space<hbm>>) target(%dma_start3A_439 : memref<128x16xf32, #tpu.memory_space<vmem>>) offsets(%dma_start3A_442 : memref<128xi32, #tpu.memory_space<vmem>>) semaphore(%dma_start3A_447 : memref<!tpu.dma_semaphore, #tpu.memory_space<semaphore_mem>>)
      } else {
      }
      %add3A_323 = arith.constant 9 : i32
      %add3A_324 = arith.addi %mul3A_209, %add3A_323 : i32
      %lt3A_325 = arith.cmpi slt, %add3A_324, %select_n3A : i32
      %gt3A_326 = arith.constant 0 : i32
      %gt3A_327 = arith.cmpi sgt, %scan3A_207, %gt3A_326 : i32
      %and3A_328 = arith.andi %lt3A_325, %gt3A_327 : i1
      %convert_element_type3A_329 = arith.extui %and3A_328 : i1 to i32
      %cond3A_330 = arith.constant 0 : i32
      %cond3A_331 = arith.cmpi ne, %convert_element_type3A_329, %cond3A_330 : i32
      scf.if %cond3A_331 {
        %dma_wait3A_434 = arith.constant 9 : i32
        %dma_wait3A_435 = arith.constant 0 : i32
        %dma_wait3A_436 = arith.constant 9 : i32
        %dma_wait3A_437 = arith.constant 0 : i32
        %dma_wait3A_438 = arith.constant 0 : i32
        %dma_wait3A_439 = tpu.memref_slice %arg7[%dma_wait3A_434, %dma_wait3A_437, %dma_wait3A_438] : memref<12x128x16xf32, #tpu.memory_space<vmem>> -> memref<1x128x16xf32, #tpu.memory_space<vmem>>
        %dma_wait3A_440 = tpu.memref_squeeze %dma_wait3A_439 : memref<1x128x16xf32, #tpu.memory_space<vmem>> -> memref<128x16xf32, #tpu.memory_space<vmem>>
        %dma_wait3A_441 = arith.constant 0 : i32
        %dma_wait3A_442 = tpu.memref_slice %arg6[%dma_wait3A_435, %dma_wait3A_441] : memref<79x128xi32, #tpu.memory_space<vmem>> -> memref<1x128xi32, #tpu.memory_space<vmem>>
        %dma_wait3A_443 = tpu.memref_squeeze %dma_wait3A_442 : memref<1x128xi32, #tpu.memory_space<vmem>> -> memref<128xi32, #tpu.memory_space<vmem>>
        %dma_wait3A_444 = arith.constant 0 : i32
        %dma_wait3A_445 = arith.constant 0 : i32
        %dma_wait3A_446 = tpu.memref_slice %arg9[%dma_wait3A_444, %dma_wait3A_445] : memref<10240x16xf32, #tpu.memory_space<vmem_shared>> -> memref<10240x16xf32, #tpu.memory_space<vmem_shared>>
        %dma_wait3A_447 = tpu.memref_slice %arg11[%dma_wait3A_436] : memref<12x!tpu.dma_semaphore, #tpu.memory_space<semaphore_mem>> -> memref<1x!tpu.dma_semaphore, #tpu.memory_space<semaphore_mem>>
        %dma_wait3A_448 = tpu.memref_squeeze %dma_wait3A_447 : memref<1x!tpu.dma_semaphore, #tpu.memory_space<semaphore_mem>> -> memref<!tpu.dma_semaphore, #tpu.memory_space<semaphore_mem>>
        tpu.wait_indirect_dma semaphore(%dma_wait3A_448 : memref<!tpu.dma_semaphore, #tpu.memory_space<semaphore_mem>>) src(%dma_wait3A_440 : memref<128x16xf32, #tpu.memory_space<vmem>>) dst(%dma_wait3A_446 : memref<10240x16xf32, #tpu.memory_space<vmem_shared>>)
      } else {
      }
      %lt3A_332 = arith.cmpi slt, %add3A_324, %select_n3A : i32
      %convert_element_type3A_333 = arith.extui %lt3A_332 : i1 to i32
      %cond3A_334 = arith.constant 0 : i32
      %cond3A_335 = arith.cmpi ne, %convert_element_type3A_333, %cond3A_334 : i32
      scf.if %cond3A_335 {
        %add3A_434 = arith.addi %add3A_324, %sub3A : i32
        %dma_start3A = arith.constant 9 : i32
        %dma_start3A_435 = arith.constant 9 : i32
        %dma_start3A_436 = arith.constant 0 : i32
        %dma_start3A_437 = arith.constant 0 : i32
        %dma_start3A_438 = tpu.memref_slice %arg7[%dma_start3A, %dma_start3A_436, %dma_start3A_437] : memref<12x128x16xf32, #tpu.memory_space<vmem>> -> memref<1x128x16xf32, #tpu.memory_space<vmem>>
        %dma_start3A_439 = tpu.memref_squeeze %dma_start3A_438 : memref<1x128x16xf32, #tpu.memory_space<vmem>> -> memref<128x16xf32, #tpu.memory_space<vmem>>
        %dma_start3A_440 = arith.constant 0 : i32
        %dma_start3A_441 = tpu.memref_slice %arg5[%add3A_434, %dma_start3A_440] : memref<79x128xi32, #tpu.memory_space<vmem>> -> memref<1x128xi32, #tpu.memory_space<vmem>>
        %dma_start3A_442 = tpu.memref_squeeze %dma_start3A_441 : memref<1x128xi32, #tpu.memory_space<vmem>> -> memref<128xi32, #tpu.memory_space<vmem>>
        %dma_start3A_443 = arith.constant 0 : i32
        %dma_start3A_444 = arith.constant 0 : i32
        %dma_start3A_445 = tpu.memref_slice %arg3[%dma_start3A_443, %dma_start3A_444] : memref<10000x16xf32, #tpu.memory_space<hbm>> -> memref<10000x16xf32, #tpu.memory_space<hbm>>
        %dma_start3A_446 = tpu.memref_slice %arg10[%dma_start3A_435] : memref<12x!tpu.dma_semaphore, #tpu.memory_space<semaphore_mem>> -> memref<1x!tpu.dma_semaphore, #tpu.memory_space<semaphore_mem>>
        %dma_start3A_447 = tpu.memref_squeeze %dma_start3A_446 : memref<1x!tpu.dma_semaphore, #tpu.memory_space<semaphore_mem>> -> memref<!tpu.dma_semaphore, #tpu.memory_space<semaphore_mem>>
        tpu.enqueue_indirect_dma source(%dma_start3A_445 : memref<10000x16xf32, #tpu.memory_space<hbm>>) target(%dma_start3A_439 : memref<128x16xf32, #tpu.memory_space<vmem>>) offsets(%dma_start3A_442 : memref<128xi32, #tpu.memory_space<vmem>>) semaphore(%dma_start3A_447 : memref<!tpu.dma_semaphore, #tpu.memory_space<semaphore_mem>>)
      } else {
      }
      %add3A_336 = arith.constant 10 : i32
      %add3A_337 = arith.addi %mul3A_209, %add3A_336 : i32
      %lt3A_338 = arith.cmpi slt, %add3A_337, %select_n3A : i32
      %gt3A_339 = arith.constant 0 : i32
      %gt3A_340 = arith.cmpi sgt, %scan3A_207, %gt3A_339 : i32
      %and3A_341 = arith.andi %lt3A_338, %gt3A_340 : i1
      %convert_element_type3A_342 = arith.extui %and3A_341 : i1 to i32
      %cond3A_343 = arith.constant 0 : i32
      %cond3A_344 = arith.cmpi ne, %convert_element_type3A_342, %cond3A_343 : i32
      scf.if %cond3A_344 {
        %dma_wait3A_434 = arith.constant 10 : i32
        %dma_wait3A_435 = arith.constant 0 : i32
        %dma_wait3A_436 = arith.constant 10 : i32
        %dma_wait3A_437 = arith.constant 0 : i32
        %dma_wait3A_438 = arith.constant 0 : i32
        %dma_wait3A_439 = tpu.memref_slice %arg7[%dma_wait3A_434, %dma_wait3A_437, %dma_wait3A_438] : memref<12x128x16xf32, #tpu.memory_space<vmem>> -> memref<1x128x16xf32, #tpu.memory_space<vmem>>
        %dma_wait3A_440 = tpu.memref_squeeze %dma_wait3A_439 : memref<1x128x16xf32, #tpu.memory_space<vmem>> -> memref<128x16xf32, #tpu.memory_space<vmem>>
        %dma_wait3A_441 = arith.constant 0 : i32
        %dma_wait3A_442 = tpu.memref_slice %arg6[%dma_wait3A_435, %dma_wait3A_441] : memref<79x128xi32, #tpu.memory_space<vmem>> -> memref<1x128xi32, #tpu.memory_space<vmem>>
        %dma_wait3A_443 = tpu.memref_squeeze %dma_wait3A_442 : memref<1x128xi32, #tpu.memory_space<vmem>> -> memref<128xi32, #tpu.memory_space<vmem>>
        %dma_wait3A_444 = arith.constant 0 : i32
        %dma_wait3A_445 = arith.constant 0 : i32
        %dma_wait3A_446 = tpu.memref_slice %arg9[%dma_wait3A_444, %dma_wait3A_445] : memref<10240x16xf32, #tpu.memory_space<vmem_shared>> -> memref<10240x16xf32, #tpu.memory_space<vmem_shared>>
        %dma_wait3A_447 = tpu.memref_slice %arg11[%dma_wait3A_436] : memref<12x!tpu.dma_semaphore, #tpu.memory_space<semaphore_mem>> -> memref<1x!tpu.dma_semaphore, #tpu.memory_space<semaphore_mem>>
        %dma_wait3A_448 = tpu.memref_squeeze %dma_wait3A_447 : memref<1x!tpu.dma_semaphore, #tpu.memory_space<semaphore_mem>> -> memref<!tpu.dma_semaphore, #tpu.memory_space<semaphore_mem>>
        tpu.wait_indirect_dma semaphore(%dma_wait3A_448 : memref<!tpu.dma_semaphore, #tpu.memory_space<semaphore_mem>>) src(%dma_wait3A_440 : memref<128x16xf32, #tpu.memory_space<vmem>>) dst(%dma_wait3A_446 : memref<10240x16xf32, #tpu.memory_space<vmem_shared>>)
      } else {
      }
      %lt3A_345 = arith.cmpi slt, %add3A_337, %select_n3A : i32
      %convert_element_type3A_346 = arith.extui %lt3A_345 : i1 to i32
      %cond3A_347 = arith.constant 0 : i32
      %cond3A_348 = arith.cmpi ne, %convert_element_type3A_346, %cond3A_347 : i32
      scf.if %cond3A_348 {
        %add3A_434 = arith.addi %add3A_337, %sub3A : i32
        %dma_start3A = arith.constant 10 : i32
        %dma_start3A_435 = arith.constant 10 : i32
        %dma_start3A_436 = arith.constant 0 : i32
        %dma_start3A_437 = arith.constant 0 : i32
        %dma_start3A_438 = tpu.memref_slice %arg7[%dma_start3A, %dma_start3A_436, %dma_start3A_437] : memref<12x128x16xf32, #tpu.memory_space<vmem>> -> memref<1x128x16xf32, #tpu.memory_space<vmem>>
        %dma_start3A_439 = tpu.memref_squeeze %dma_start3A_438 : memref<1x128x16xf32, #tpu.memory_space<vmem>> -> memref<128x16xf32, #tpu.memory_space<vmem>>
        %dma_start3A_440 = arith.constant 0 : i32
        %dma_start3A_441 = tpu.memref_slice %arg5[%add3A_434, %dma_start3A_440] : memref<79x128xi32, #tpu.memory_space<vmem>> -> memref<1x128xi32, #tpu.memory_space<vmem>>
        %dma_start3A_442 = tpu.memref_squeeze %dma_start3A_441 : memref<1x128xi32, #tpu.memory_space<vmem>> -> memref<128xi32, #tpu.memory_space<vmem>>
        %dma_start3A_443 = arith.constant 0 : i32
        %dma_start3A_444 = arith.constant 0 : i32
        %dma_start3A_445 = tpu.memref_slice %arg3[%dma_start3A_443, %dma_start3A_444] : memref<10000x16xf32, #tpu.memory_space<hbm>> -> memref<10000x16xf32, #tpu.memory_space<hbm>>
        %dma_start3A_446 = tpu.memref_slice %arg10[%dma_start3A_435] : memref<12x!tpu.dma_semaphore, #tpu.memory_space<semaphore_mem>> -> memref<1x!tpu.dma_semaphore, #tpu.memory_space<semaphore_mem>>
        %dma_start3A_447 = tpu.memref_squeeze %dma_start3A_446 : memref<1x!tpu.dma_semaphore, #tpu.memory_space<semaphore_mem>> -> memref<!tpu.dma_semaphore, #tpu.memory_space<semaphore_mem>>
        tpu.enqueue_indirect_dma source(%dma_start3A_445 : memref<10000x16xf32, #tpu.memory_space<hbm>>) target(%dma_start3A_439 : memref<128x16xf32, #tpu.memory_space<vmem>>) offsets(%dma_start3A_442 : memref<128xi32, #tpu.memory_space<vmem>>) semaphore(%dma_start3A_447 : memref<!tpu.dma_semaphore, #tpu.memory_space<semaphore_mem>>)
      } else {
      }
      %add3A_349 = arith.constant 11 : i32
      %add3A_350 = arith.addi %mul3A_209, %add3A_349 : i32
      %lt3A_351 = arith.cmpi slt, %add3A_350, %select_n3A : i32
      %gt3A_352 = arith.constant 0 : i32
      %gt3A_353 = arith.cmpi sgt, %scan3A_207, %gt3A_352 : i32
      %and3A_354 = arith.andi %lt3A_351, %gt3A_353 : i1
      %convert_element_type3A_355 = arith.extui %and3A_354 : i1 to i32
      %cond3A_356 = arith.constant 0 : i32
      %cond3A_357 = arith.cmpi ne, %convert_element_type3A_355, %cond3A_356 : i32
      scf.if %cond3A_357 {
        %dma_wait3A_434 = arith.constant 11 : i32
        %dma_wait3A_435 = arith.constant 0 : i32
        %dma_wait3A_436 = arith.constant 11 : i32
        %dma_wait3A_437 = arith.constant 0 : i32
        %dma_wait3A_438 = arith.constant 0 : i32
        %dma_wait3A_439 = tpu.memref_slice %arg7[%dma_wait3A_434, %dma_wait3A_437, %dma_wait3A_438] : memref<12x128x16xf32, #tpu.memory_space<vmem>> -> memref<1x128x16xf32, #tpu.memory_space<vmem>>
        %dma_wait3A_440 = tpu.memref_squeeze %dma_wait3A_439 : memref<1x128x16xf32, #tpu.memory_space<vmem>> -> memref<128x16xf32, #tpu.memory_space<vmem>>
        %dma_wait3A_441 = arith.constant 0 : i32
        %dma_wait3A_442 = tpu.memref_slice %arg6[%dma_wait3A_435, %dma_wait3A_441] : memref<79x128xi32, #tpu.memory_space<vmem>> -> memref<1x128xi32, #tpu.memory_space<vmem>>
        %dma_wait3A_443 = tpu.memref_squeeze %dma_wait3A_442 : memref<1x128xi32, #tpu.memory_space<vmem>> -> memref<128xi32, #tpu.memory_space<vmem>>
        %dma_wait3A_444 = arith.constant 0 : i32
        %dma_wait3A_445 = arith.constant 0 : i32
        %dma_wait3A_446 = tpu.memref_slice %arg9[%dma_wait3A_444, %dma_wait3A_445] : memref<10240x16xf32, #tpu.memory_space<vmem_shared>> -> memref<10240x16xf32, #tpu.memory_space<vmem_shared>>
        %dma_wait3A_447 = tpu.memref_slice %arg11[%dma_wait3A_436] : memref<12x!tpu.dma_semaphore, #tpu.memory_space<semaphore_mem>> -> memref<1x!tpu.dma_semaphore, #tpu.memory_space<semaphore_mem>>
        %dma_wait3A_448 = tpu.memref_squeeze %dma_wait3A_447 : memref<1x!tpu.dma_semaphore, #tpu.memory_space<semaphore_mem>> -> memref<!tpu.dma_semaphore, #tpu.memory_space<semaphore_mem>>
        tpu.wait_indirect_dma semaphore(%dma_wait3A_448 : memref<!tpu.dma_semaphore, #tpu.memory_space<semaphore_mem>>) src(%dma_wait3A_440 : memref<128x16xf32, #tpu.memory_space<vmem>>) dst(%dma_wait3A_446 : memref<10240x16xf32, #tpu.memory_space<vmem_shared>>)
      } else {
      }
      %lt3A_358 = arith.cmpi slt, %add3A_350, %select_n3A : i32
      %convert_element_type3A_359 = arith.extui %lt3A_358 : i1 to i32
      %cond3A_360 = arith.constant 0 : i32
      %cond3A_361 = arith.cmpi ne, %convert_element_type3A_359, %cond3A_360 : i32
      scf.if %cond3A_361 {
        %add3A_434 = arith.addi %add3A_350, %sub3A : i32
        %dma_start3A = arith.constant 11 : i32
        %dma_start3A_435 = arith.constant 11 : i32
        %dma_start3A_436 = arith.constant 0 : i32
        %dma_start3A_437 = arith.constant 0 : i32
        %dma_start3A_438 = tpu.memref_slice %arg7[%dma_start3A, %dma_start3A_436, %dma_start3A_437] : memref<12x128x16xf32, #tpu.memory_space<vmem>> -> memref<1x128x16xf32, #tpu.memory_space<vmem>>
        %dma_start3A_439 = tpu.memref_squeeze %dma_start3A_438 : memref<1x128x16xf32, #tpu.memory_space<vmem>> -> memref<128x16xf32, #tpu.memory_space<vmem>>
        %dma_start3A_440 = arith.constant 0 : i32
        %dma_start3A_441 = tpu.memref_slice %arg5[%add3A_434, %dma_start3A_440] : memref<79x128xi32, #tpu.memory_space<vmem>> -> memref<1x128xi32, #tpu.memory_space<vmem>>
        %dma_start3A_442 = tpu.memref_squeeze %dma_start3A_441 : memref<1x128xi32, #tpu.memory_space<vmem>> -> memref<128xi32, #tpu.memory_space<vmem>>
        %dma_start3A_443 = arith.constant 0 : i32
        %dma_start3A_444 = arith.constant 0 : i32
        %dma_start3A_445 = tpu.memref_slice %arg3[%dma_start3A_443, %dma_start3A_444] : memref<10000x16xf32, #tpu.memory_space<hbm>> -> memref<10000x16xf32, #tpu.memory_space<hbm>>
        %dma_start3A_446 = tpu.memref_slice %arg10[%dma_start3A_435] : memref<12x!tpu.dma_semaphore, #tpu.memory_space<semaphore_mem>> -> memref<1x!tpu.dma_semaphore, #tpu.memory_space<semaphore_mem>>
        %dma_start3A_447 = tpu.memref_squeeze %dma_start3A_446 : memref<1x!tpu.dma_semaphore, #tpu.memory_space<semaphore_mem>> -> memref<!tpu.dma_semaphore, #tpu.memory_space<semaphore_mem>>
        tpu.enqueue_indirect_dma source(%dma_start3A_445 : memref<10000x16xf32, #tpu.memory_space<hbm>>) target(%dma_start3A_439 : memref<128x16xf32, #tpu.memory_space<vmem>>) offsets(%dma_start3A_442 : memref<128xi32, #tpu.memory_space<vmem>>) semaphore(%dma_start3A_447 : memref<!tpu.dma_semaphore, #tpu.memory_space<semaphore_mem>>)
      } else {
      }
      %add3A_362 = arith.constant 0 : i32
      %add3A_363 = arith.addi %mul3A_209, %add3A_362 : i32
      %lt3A_364 = arith.cmpi slt, %add3A_363, %select_n3A : i32
      %convert_element_type3A_365 = arith.extui %lt3A_364 : i1 to i32
      %cond3A_366 = arith.constant 0 : i32
      %cond3A_367 = arith.cmpi ne, %convert_element_type3A_365, %cond3A_366 : i32
      scf.if %cond3A_367 {
        %dma_wait3A_434 = arith.constant 0 : i32
        %dma_wait3A_435 = arith.constant 0 : i32
        %dma_wait3A_436 = arith.constant 0 : i32
        %dma_wait3A_437 = arith.constant 0 : i32
        %dma_wait3A_438 = arith.constant 0 : i32
        %dma_wait3A_439 = tpu.memref_slice %arg7[%dma_wait3A_435, %dma_wait3A_437, %dma_wait3A_438] : memref<12x128x16xf32, #tpu.memory_space<vmem>> -> memref<1x128x16xf32, #tpu.memory_space<vmem>>
        %dma_wait3A_440 = tpu.memref_squeeze %dma_wait3A_439 : memref<1x128x16xf32, #tpu.memory_space<vmem>> -> memref<128x16xf32, #tpu.memory_space<vmem>>
        %dma_wait3A_441 = arith.constant 0 : i32
        %dma_wait3A_442 = tpu.memref_slice %arg5[%dma_wait3A_434, %dma_wait3A_441] : memref<79x128xi32, #tpu.memory_space<vmem>> -> memref<1x128xi32, #tpu.memory_space<vmem>>
        %dma_wait3A_443 = tpu.memref_squeeze %dma_wait3A_442 : memref<1x128xi32, #tpu.memory_space<vmem>> -> memref<128xi32, #tpu.memory_space<vmem>>
        %dma_wait3A_444 = arith.constant 0 : i32
        %dma_wait3A_445 = arith.constant 0 : i32
        %dma_wait3A_446 = tpu.memref_slice %arg3[%dma_wait3A_444, %dma_wait3A_445] : memref<10000x16xf32, #tpu.memory_space<hbm>> -> memref<10000x16xf32, #tpu.memory_space<hbm>>
        %dma_wait3A_447 = tpu.memref_slice %arg10[%dma_wait3A_436] : memref<12x!tpu.dma_semaphore, #tpu.memory_space<semaphore_mem>> -> memref<1x!tpu.dma_semaphore, #tpu.memory_space<semaphore_mem>>
        %dma_wait3A_448 = tpu.memref_squeeze %dma_wait3A_447 : memref<1x!tpu.dma_semaphore, #tpu.memory_space<semaphore_mem>> -> memref<!tpu.dma_semaphore, #tpu.memory_space<semaphore_mem>>
        tpu.wait_indirect_dma semaphore(%dma_wait3A_448 : memref<!tpu.dma_semaphore, #tpu.memory_space<semaphore_mem>>) src(%dma_wait3A_446 : memref<10000x16xf32, #tpu.memory_space<hbm>>) dst(%dma_wait3A_440 : memref<128x16xf32, #tpu.memory_space<vmem>>)
        %add3A_449 = arith.addi %add3A_363, %sub3A : i32
        %dma_start3A = arith.constant 0 : i32
        %dma_start3A_450 = arith.constant 0 : i32
        %dma_start3A_451 = arith.constant 0 : i32
        %dma_start3A_452 = arith.constant 0 : i32
        %dma_start3A_453 = tpu.memref_slice %arg7[%dma_start3A, %dma_start3A_451, %dma_start3A_452] : memref<12x128x16xf32, #tpu.memory_space<vmem>> -> memref<1x128x16xf32, #tpu.memory_space<vmem>>
        %dma_start3A_454 = tpu.memref_squeeze %dma_start3A_453 : memref<1x128x16xf32, #tpu.memory_space<vmem>> -> memref<128x16xf32, #tpu.memory_space<vmem>>
        %dma_start3A_455 = arith.constant 0 : i32
        %dma_start3A_456 = tpu.memref_slice %arg6[%add3A_449, %dma_start3A_455] : memref<79x128xi32, #tpu.memory_space<vmem>> -> memref<1x128xi32, #tpu.memory_space<vmem>>
        %dma_start3A_457 = tpu.memref_squeeze %dma_start3A_456 : memref<1x128xi32, #tpu.memory_space<vmem>> -> memref<128xi32, #tpu.memory_space<vmem>>
        %dma_start3A_458 = arith.constant 0 : i32
        %dma_start3A_459 = arith.constant 0 : i32
        %dma_start3A_460 = tpu.memref_slice %arg9[%dma_start3A_458, %dma_start3A_459] : memref<10240x16xf32, #tpu.memory_space<vmem_shared>> -> memref<10240x16xf32, #tpu.memory_space<vmem_shared>>
        %dma_start3A_461 = tpu.memref_slice %arg11[%dma_start3A_450] : memref<12x!tpu.dma_semaphore, #tpu.memory_space<semaphore_mem>> -> memref<1x!tpu.dma_semaphore, #tpu.memory_space<semaphore_mem>>
        %dma_start3A_462 = tpu.memref_squeeze %dma_start3A_461 : memref<1x!tpu.dma_semaphore, #tpu.memory_space<semaphore_mem>> -> memref<!tpu.dma_semaphore, #tpu.memory_space<semaphore_mem>>
        tpu.enqueue_indirect_dma source(%dma_start3A_454 : memref<128x16xf32, #tpu.memory_space<vmem>>) target(%dma_start3A_460 : memref<10240x16xf32, #tpu.memory_space<vmem_shared>>) offsets(%dma_start3A_457 : memref<128xi32, #tpu.memory_space<vmem>>) semaphore(%dma_start3A_462 : memref<!tpu.dma_semaphore, #tpu.memory_space<semaphore_mem>>) {add = true}
      } else {
      }
      %add3A_368 = arith.constant 1 : i32
      %add3A_369 = arith.addi %mul3A_209, %add3A_368 : i32
      %lt3A_370 = arith.cmpi slt, %add3A_369, %select_n3A : i32
      %convert_element_type3A_371 = arith.extui %lt3A_370 : i1 to i32
      %cond3A_372 = arith.constant 0 : i32
      %cond3A_373 = arith.cmpi ne, %convert_element_type3A_371, %cond3A_372 : i32
      scf.if %cond3A_373 {
        %dma_wait3A_434 = arith.constant 0 : i32
        %dma_wait3A_435 = arith.constant 1 : i32
        %dma_wait3A_436 = arith.constant 1 : i32
        %dma_wait3A_437 = arith.constant 0 : i32
        %dma_wait3A_438 = arith.constant 0 : i32
        %dma_wait3A_439 = tpu.memref_slice %arg7[%dma_wait3A_435, %dma_wait3A_437, %dma_wait3A_438] : memref<12x128x16xf32, #tpu.memory_space<vmem>> -> memref<1x128x16xf32, #tpu.memory_space<vmem>>
        %dma_wait3A_440 = tpu.memref_squeeze %dma_wait3A_439 : memref<1x128x16xf32, #tpu.memory_space<vmem>> -> memref<128x16xf32, #tpu.memory_space<vmem>>
        %dma_wait3A_441 = arith.constant 0 : i32
        %dma_wait3A_442 = tpu.memref_slice %arg5[%dma_wait3A_434, %dma_wait3A_441] : memref<79x128xi32, #tpu.memory_space<vmem>> -> memref<1x128xi32, #tpu.memory_space<vmem>>
        %dma_wait3A_443 = tpu.memref_squeeze %dma_wait3A_442 : memref<1x128xi32, #tpu.memory_space<vmem>> -> memref<128xi32, #tpu.memory_space<vmem>>
        %dma_wait3A_444 = arith.constant 0 : i32
        %dma_wait3A_445 = arith.constant 0 : i32
        %dma_wait3A_446 = tpu.memref_slice %arg3[%dma_wait3A_444, %dma_wait3A_445] : memref<10000x16xf32, #tpu.memory_space<hbm>> -> memref<10000x16xf32, #tpu.memory_space<hbm>>
        %dma_wait3A_447 = tpu.memref_slice %arg10[%dma_wait3A_436] : memref<12x!tpu.dma_semaphore, #tpu.memory_space<semaphore_mem>> -> memref<1x!tpu.dma_semaphore, #tpu.memory_space<semaphore_mem>>
        %dma_wait3A_448 = tpu.memref_squeeze %dma_wait3A_447 : memref<1x!tpu.dma_semaphore, #tpu.memory_space<semaphore_mem>> -> memref<!tpu.dma_semaphore, #tpu.memory_space<semaphore_mem>>
        tpu.wait_indirect_dma semaphore(%dma_wait3A_448 : memref<!tpu.dma_semaphore, #tpu.memory_space<semaphore_mem>>) src(%dma_wait3A_446 : memref<10000x16xf32, #tpu.memory_space<hbm>>) dst(%dma_wait3A_440 : memref<128x16xf32, #tpu.memory_space<vmem>>)
        %add3A_449 = arith.addi %add3A_369, %sub3A : i32
        %dma_start3A = arith.constant 1 : i32
        %dma_start3A_450 = arith.constant 1 : i32
        %dma_start3A_451 = arith.constant 0 : i32
        %dma_start3A_452 = arith.constant 0 : i32
        %dma_start3A_453 = tpu.memref_slice %arg7[%dma_start3A, %dma_start3A_451, %dma_start3A_452] : memref<12x128x16xf32, #tpu.memory_space<vmem>> -> memref<1x128x16xf32, #tpu.memory_space<vmem>>
        %dma_start3A_454 = tpu.memref_squeeze %dma_start3A_453 : memref<1x128x16xf32, #tpu.memory_space<vmem>> -> memref<128x16xf32, #tpu.memory_space<vmem>>
        %dma_start3A_455 = arith.constant 0 : i32
        %dma_start3A_456 = tpu.memref_slice %arg6[%add3A_449, %dma_start3A_455] : memref<79x128xi32, #tpu.memory_space<vmem>> -> memref<1x128xi32, #tpu.memory_space<vmem>>
        %dma_start3A_457 = tpu.memref_squeeze %dma_start3A_456 : memref<1x128xi32, #tpu.memory_space<vmem>> -> memref<128xi32, #tpu.memory_space<vmem>>
        %dma_start3A_458 = arith.constant 0 : i32
        %dma_start3A_459 = arith.constant 0 : i32
        %dma_start3A_460 = tpu.memref_slice %arg9[%dma_start3A_458, %dma_start3A_459] : memref<10240x16xf32, #tpu.memory_space<vmem_shared>> -> memref<10240x16xf32, #tpu.memory_space<vmem_shared>>
        %dma_start3A_461 = tpu.memref_slice %arg11[%dma_start3A_450] : memref<12x!tpu.dma_semaphore, #tpu.memory_space<semaphore_mem>> -> memref<1x!tpu.dma_semaphore, #tpu.memory_space<semaphore_mem>>
        %dma_start3A_462 = tpu.memref_squeeze %dma_start3A_461 : memref<1x!tpu.dma_semaphore, #tpu.memory_space<semaphore_mem>> -> memref<!tpu.dma_semaphore, #tpu.memory_space<semaphore_mem>>
        tpu.enqueue_indirect_dma source(%dma_start3A_454 : memref<128x16xf32, #tpu.memory_space<vmem>>) target(%dma_start3A_460 : memref<10240x16xf32, #tpu.memory_space<vmem_shared>>) offsets(%dma_start3A_457 : memref<128xi32, #tpu.memory_space<vmem>>) semaphore(%dma_start3A_462 : memref<!tpu.dma_semaphore, #tpu.memory_space<semaphore_mem>>) {add = true}
      } else {
      }
      %add3A_374 = arith.constant 2 : i32
      %add3A_375 = arith.addi %mul3A_209, %add3A_374 : i32
      %lt3A_376 = arith.cmpi slt, %add3A_375, %select_n3A : i32
      %convert_element_type3A_377 = arith.extui %lt3A_376 : i1 to i32
      %cond3A_378 = arith.constant 0 : i32
      %cond3A_379 = arith.cmpi ne, %convert_element_type3A_377, %cond3A_378 : i32
      scf.if %cond3A_379 {
        %dma_wait3A_434 = arith.constant 0 : i32
        %dma_wait3A_435 = arith.constant 2 : i32
        %dma_wait3A_436 = arith.constant 2 : i32
        %dma_wait3A_437 = arith.constant 0 : i32
        %dma_wait3A_438 = arith.constant 0 : i32
        %dma_wait3A_439 = tpu.memref_slice %arg7[%dma_wait3A_435, %dma_wait3A_437, %dma_wait3A_438] : memref<12x128x16xf32, #tpu.memory_space<vmem>> -> memref<1x128x16xf32, #tpu.memory_space<vmem>>
        %dma_wait3A_440 = tpu.memref_squeeze %dma_wait3A_439 : memref<1x128x16xf32, #tpu.memory_space<vmem>> -> memref<128x16xf32, #tpu.memory_space<vmem>>
        %dma_wait3A_441 = arith.constant 0 : i32
        %dma_wait3A_442 = tpu.memref_slice %arg5[%dma_wait3A_434, %dma_wait3A_441] : memref<79x128xi32, #tpu.memory_space<vmem>> -> memref<1x128xi32, #tpu.memory_space<vmem>>
        %dma_wait3A_443 = tpu.memref_squeeze %dma_wait3A_442 : memref<1x128xi32, #tpu.memory_space<vmem>> -> memref<128xi32, #tpu.memory_space<vmem>>
        %dma_wait3A_444 = arith.constant 0 : i32
        %dma_wait3A_445 = arith.constant 0 : i32
        %dma_wait3A_446 = tpu.memref_slice %arg3[%dma_wait3A_444, %dma_wait3A_445] : memref<10000x16xf32, #tpu.memory_space<hbm>> -> memref<10000x16xf32, #tpu.memory_space<hbm>>
        %dma_wait3A_447 = tpu.memref_slice %arg10[%dma_wait3A_436] : memref<12x!tpu.dma_semaphore, #tpu.memory_space<semaphore_mem>> -> memref<1x!tpu.dma_semaphore, #tpu.memory_space<semaphore_mem>>
        %dma_wait3A_448 = tpu.memref_squeeze %dma_wait3A_447 : memref<1x!tpu.dma_semaphore, #tpu.memory_space<semaphore_mem>> -> memref<!tpu.dma_semaphore, #tpu.memory_space<semaphore_mem>>
        tpu.wait_indirect_dma semaphore(%dma_wait3A_448 : memref<!tpu.dma_semaphore, #tpu.memory_space<semaphore_mem>>) src(%dma_wait3A_446 : memref<10000x16xf32, #tpu.memory_space<hbm>>) dst(%dma_wait3A_440 : memref<128x16xf32, #tpu.memory_space<vmem>>)
        %add3A_449 = arith.addi %add3A_375, %sub3A : i32
        %dma_start3A = arith.constant 2 : i32
        %dma_start3A_450 = arith.constant 2 : i32
        %dma_start3A_451 = arith.constant 0 : i32
        %dma_start3A_452 = arith.constant 0 : i32
        %dma_start3A_453 = tpu.memref_slice %arg7[%dma_start3A, %dma_start3A_451, %dma_start3A_452] : memref<12x128x16xf32, #tpu.memory_space<vmem>> -> memref<1x128x16xf32, #tpu.memory_space<vmem>>
        %dma_start3A_454 = tpu.memref_squeeze %dma_start3A_453 : memref<1x128x16xf32, #tpu.memory_space<vmem>> -> memref<128x16xf32, #tpu.memory_space<vmem>>
        %dma_start3A_455 = arith.constant 0 : i32
        %dma_start3A_456 = tpu.memref_slice %arg6[%add3A_449, %dma_start3A_455] : memref<79x128xi32, #tpu.memory_space<vmem>> -> memref<1x128xi32, #tpu.memory_space<vmem>>
        %dma_start3A_457 = tpu.memref_squeeze %dma_start3A_456 : memref<1x128xi32, #tpu.memory_space<vmem>> -> memref<128xi32, #tpu.memory_space<vmem>>
        %dma_start3A_458 = arith.constant 0 : i32
        %dma_start3A_459 = arith.constant 0 : i32
        %dma_start3A_460 = tpu.memref_slice %arg9[%dma_start3A_458, %dma_start3A_459] : memref<10240x16xf32, #tpu.memory_space<vmem_shared>> -> memref<10240x16xf32, #tpu.memory_space<vmem_shared>>
        %dma_start3A_461 = tpu.memref_slice %arg11[%dma_start3A_450] : memref<12x!tpu.dma_semaphore, #tpu.memory_space<semaphore_mem>> -> memref<1x!tpu.dma_semaphore, #tpu.memory_space<semaphore_mem>>
        %dma_start3A_462 = tpu.memref_squeeze %dma_start3A_461 : memref<1x!tpu.dma_semaphore, #tpu.memory_space<semaphore_mem>> -> memref<!tpu.dma_semaphore, #tpu.memory_space<semaphore_mem>>
        tpu.enqueue_indirect_dma source(%dma_start3A_454 : memref<128x16xf32, #tpu.memory_space<vmem>>) target(%dma_start3A_460 : memref<10240x16xf32, #tpu.memory_space<vmem_shared>>) offsets(%dma_start3A_457 : memref<128xi32, #tpu.memory_space<vmem>>) semaphore(%dma_start3A_462 : memref<!tpu.dma_semaphore, #tpu.memory_space<semaphore_mem>>) {add = true}
      } else {
      }
      %add3A_380 = arith.constant 3 : i32
      %add3A_381 = arith.addi %mul3A_209, %add3A_380 : i32
      %lt3A_382 = arith.cmpi slt, %add3A_381, %select_n3A : i32
      %convert_element_type3A_383 = arith.extui %lt3A_382 : i1 to i32
      %cond3A_384 = arith.constant 0 : i32
      %cond3A_385 = arith.cmpi ne, %convert_element_type3A_383, %cond3A_384 : i32
      scf.if %cond3A_385 {
        %dma_wait3A_434 = arith.constant 0 : i32
        %dma_wait3A_435 = arith.constant 3 : i32
        %dma_wait3A_436 = arith.constant 3 : i32
        %dma_wait3A_437 = arith.constant 0 : i32
        %dma_wait3A_438 = arith.constant 0 : i32
        %dma_wait3A_439 = tpu.memref_slice %arg7[%dma_wait3A_435, %dma_wait3A_437, %dma_wait3A_438] : memref<12x128x16xf32, #tpu.memory_space<vmem>> -> memref<1x128x16xf32, #tpu.memory_space<vmem>>
        %dma_wait3A_440 = tpu.memref_squeeze %dma_wait3A_439 : memref<1x128x16xf32, #tpu.memory_space<vmem>> -> memref<128x16xf32, #tpu.memory_space<vmem>>
        %dma_wait3A_441 = arith.constant 0 : i32
        %dma_wait3A_442 = tpu.memref_slice %arg5[%dma_wait3A_434, %dma_wait3A_441] : memref<79x128xi32, #tpu.memory_space<vmem>> -> memref<1x128xi32, #tpu.memory_space<vmem>>
        %dma_wait3A_443 = tpu.memref_squeeze %dma_wait3A_442 : memref<1x128xi32, #tpu.memory_space<vmem>> -> memref<128xi32, #tpu.memory_space<vmem>>
        %dma_wait3A_444 = arith.constant 0 : i32
        %dma_wait3A_445 = arith.constant 0 : i32
        %dma_wait3A_446 = tpu.memref_slice %arg3[%dma_wait3A_444, %dma_wait3A_445] : memref<10000x16xf32, #tpu.memory_space<hbm>> -> memref<10000x16xf32, #tpu.memory_space<hbm>>
        %dma_wait3A_447 = tpu.memref_slice %arg10[%dma_wait3A_436] : memref<12x!tpu.dma_semaphore, #tpu.memory_space<semaphore_mem>> -> memref<1x!tpu.dma_semaphore, #tpu.memory_space<semaphore_mem>>
        %dma_wait3A_448 = tpu.memref_squeeze %dma_wait3A_447 : memref<1x!tpu.dma_semaphore, #tpu.memory_space<semaphore_mem>> -> memref<!tpu.dma_semaphore, #tpu.memory_space<semaphore_mem>>
        tpu.wait_indirect_dma semaphore(%dma_wait3A_448 : memref<!tpu.dma_semaphore, #tpu.memory_space<semaphore_mem>>) src(%dma_wait3A_446 : memref<10000x16xf32, #tpu.memory_space<hbm>>) dst(%dma_wait3A_440 : memref<128x16xf32, #tpu.memory_space<vmem>>)
        %add3A_449 = arith.addi %add3A_381, %sub3A : i32
        %dma_start3A = arith.constant 3 : i32
        %dma_start3A_450 = arith.constant 3 : i32
        %dma_start3A_451 = arith.constant 0 : i32
        %dma_start3A_452 = arith.constant 0 : i32
        %dma_start3A_453 = tpu.memref_slice %arg7[%dma_start3A, %dma_start3A_451, %dma_start3A_452] : memref<12x128x16xf32, #tpu.memory_space<vmem>> -> memref<1x128x16xf32, #tpu.memory_space<vmem>>
        %dma_start3A_454 = tpu.memref_squeeze %dma_start3A_453 : memref<1x128x16xf32, #tpu.memory_space<vmem>> -> memref<128x16xf32, #tpu.memory_space<vmem>>
        %dma_start3A_455 = arith.constant 0 : i32
        %dma_start3A_456 = tpu.memref_slice %arg6[%add3A_449, %dma_start3A_455] : memref<79x128xi32, #tpu.memory_space<vmem>> -> memref<1x128xi32, #tpu.memory_space<vmem>>
        %dma_start3A_457 = tpu.memref_squeeze %dma_start3A_456 : memref<1x128xi32, #tpu.memory_space<vmem>> -> memref<128xi32, #tpu.memory_space<vmem>>
        %dma_start3A_458 = arith.constant 0 : i32
        %dma_start3A_459 = arith.constant 0 : i32
        %dma_start3A_460 = tpu.memref_slice %arg9[%dma_start3A_458, %dma_start3A_459] : memref<10240x16xf32, #tpu.memory_space<vmem_shared>> -> memref<10240x16xf32, #tpu.memory_space<vmem_shared>>
        %dma_start3A_461 = tpu.memref_slice %arg11[%dma_start3A_450] : memref<12x!tpu.dma_semaphore, #tpu.memory_space<semaphore_mem>> -> memref<1x!tpu.dma_semaphore, #tpu.memory_space<semaphore_mem>>
        %dma_start3A_462 = tpu.memref_squeeze %dma_start3A_461 : memref<1x!tpu.dma_semaphore, #tpu.memory_space<semaphore_mem>> -> memref<!tpu.dma_semaphore, #tpu.memory_space<semaphore_mem>>
        tpu.enqueue_indirect_dma source(%dma_start3A_454 : memref<128x16xf32, #tpu.memory_space<vmem>>) target(%dma_start3A_460 : memref<10240x16xf32, #tpu.memory_space<vmem_shared>>) offsets(%dma_start3A_457 : memref<128xi32, #tpu.memory_space<vmem>>) semaphore(%dma_start3A_462 : memref<!tpu.dma_semaphore, #tpu.memory_space<semaphore_mem>>) {add = true}
      } else {
      }
      %add3A_386 = arith.constant 4 : i32
      %add3A_387 = arith.addi %mul3A_209, %add3A_386 : i32
      %lt3A_388 = arith.cmpi slt, %add3A_387, %select_n3A : i32
      %convert_element_type3A_389 = arith.extui %lt3A_388 : i1 to i32
      %cond3A_390 = arith.constant 0 : i32
      %cond3A_391 = arith.cmpi ne, %convert_element_type3A_389, %cond3A_390 : i32
      scf.if %cond3A_391 {
        %dma_wait3A_434 = arith.constant 0 : i32
        %dma_wait3A_435 = arith.constant 4 : i32
        %dma_wait3A_436 = arith.constant 4 : i32
        %dma_wait3A_437 = arith.constant 0 : i32
        %dma_wait3A_438 = arith.constant 0 : i32
        %dma_wait3A_439 = tpu.memref_slice %arg7[%dma_wait3A_435, %dma_wait3A_437, %dma_wait3A_438] : memref<12x128x16xf32, #tpu.memory_space<vmem>> -> memref<1x128x16xf32, #tpu.memory_space<vmem>>
        %dma_wait3A_440 = tpu.memref_squeeze %dma_wait3A_439 : memref<1x128x16xf32, #tpu.memory_space<vmem>> -> memref<128x16xf32, #tpu.memory_space<vmem>>
        %dma_wait3A_441 = arith.constant 0 : i32
        %dma_wait3A_442 = tpu.memref_slice %arg5[%dma_wait3A_434, %dma_wait3A_441] : memref<79x128xi32, #tpu.memory_space<vmem>> -> memref<1x128xi32, #tpu.memory_space<vmem>>
        %dma_wait3A_443 = tpu.memref_squeeze %dma_wait3A_442 : memref<1x128xi32, #tpu.memory_space<vmem>> -> memref<128xi32, #tpu.memory_space<vmem>>
        %dma_wait3A_444 = arith.constant 0 : i32
        %dma_wait3A_445 = arith.constant 0 : i32
        %dma_wait3A_446 = tpu.memref_slice %arg3[%dma_wait3A_444, %dma_wait3A_445] : memref<10000x16xf32, #tpu.memory_space<hbm>> -> memref<10000x16xf32, #tpu.memory_space<hbm>>
        %dma_wait3A_447 = tpu.memref_slice %arg10[%dma_wait3A_436] : memref<12x!tpu.dma_semaphore, #tpu.memory_space<semaphore_mem>> -> memref<1x!tpu.dma_semaphore, #tpu.memory_space<semaphore_mem>>
        %dma_wait3A_448 = tpu.memref_squeeze %dma_wait3A_447 : memref<1x!tpu.dma_semaphore, #tpu.memory_space<semaphore_mem>> -> memref<!tpu.dma_semaphore, #tpu.memory_space<semaphore_mem>>
        tpu.wait_indirect_dma semaphore(%dma_wait3A_448 : memref<!tpu.dma_semaphore, #tpu.memory_space<semaphore_mem>>) src(%dma_wait3A_446 : memref<10000x16xf32, #tpu.memory_space<hbm>>) dst(%dma_wait3A_440 : memref<128x16xf32, #tpu.memory_space<vmem>>)
        %add3A_449 = arith.addi %add3A_387, %sub3A : i32
        %dma_start3A = arith.constant 4 : i32
        %dma_start3A_450 = arith.constant 4 : i32
        %dma_start3A_451 = arith.constant 0 : i32
        %dma_start3A_452 = arith.constant 0 : i32
        %dma_start3A_453 = tpu.memref_slice %arg7[%dma_start3A, %dma_start3A_451, %dma_start3A_452] : memref<12x128x16xf32, #tpu.memory_space<vmem>> -> memref<1x128x16xf32, #tpu.memory_space<vmem>>
        %dma_start3A_454 = tpu.memref_squeeze %dma_start3A_453 : memref<1x128x16xf32, #tpu.memory_space<vmem>> -> memref<128x16xf32, #tpu.memory_space<vmem>>
        %dma_start3A_455 = arith.constant 0 : i32
        %dma_start3A_456 = tpu.memref_slice %arg6[%add3A_449, %dma_start3A_455] : memref<79x128xi32, #tpu.memory_space<vmem>> -> memref<1x128xi32, #tpu.memory_space<vmem>>
        %dma_start3A_457 = tpu.memref_squeeze %dma_start3A_456 : memref<1x128xi32, #tpu.memory_space<vmem>> -> memref<128xi32, #tpu.memory_space<vmem>>
        %dma_start3A_458 = arith.constant 0 : i32
        %dma_start3A_459 = arith.constant 0 : i32
        %dma_start3A_460 = tpu.memref_slice %arg9[%dma_start3A_458, %dma_start3A_459] : memref<10240x16xf32, #tpu.memory_space<vmem_shared>> -> memref<10240x16xf32, #tpu.memory_space<vmem_shared>>
        %dma_start3A_461 = tpu.memref_slice %arg11[%dma_start3A_450] : memref<12x!tpu.dma_semaphore, #tpu.memory_space<semaphore_mem>> -> memref<1x!tpu.dma_semaphore, #tpu.memory_space<semaphore_mem>>
        %dma_start3A_462 = tpu.memref_squeeze %dma_start3A_461 : memref<1x!tpu.dma_semaphore, #tpu.memory_space<semaphore_mem>> -> memref<!tpu.dma_semaphore, #tpu.memory_space<semaphore_mem>>
        tpu.enqueue_indirect_dma source(%dma_start3A_454 : memref<128x16xf32, #tpu.memory_space<vmem>>) target(%dma_start3A_460 : memref<10240x16xf32, #tpu.memory_space<vmem_shared>>) offsets(%dma_start3A_457 : memref<128xi32, #tpu.memory_space<vmem>>) semaphore(%dma_start3A_462 : memref<!tpu.dma_semaphore, #tpu.memory_space<semaphore_mem>>) {add = true}
      } else {
      }
      %add3A_392 = arith.constant 5 : i32
      %add3A_393 = arith.addi %mul3A_209, %add3A_392 : i32
      %lt3A_394 = arith.cmpi slt, %add3A_393, %select_n3A : i32
      %convert_element_type3A_395 = arith.extui %lt3A_394 : i1 to i32
      %cond3A_396 = arith.constant 0 : i32
      %cond3A_397 = arith.cmpi ne, %convert_element_type3A_395, %cond3A_396 : i32
      scf.if %cond3A_397 {
        %dma_wait3A_434 = arith.constant 0 : i32
        %dma_wait3A_435 = arith.constant 5 : i32
        %dma_wait3A_436 = arith.constant 5 : i32
        %dma_wait3A_437 = arith.constant 0 : i32
        %dma_wait3A_438 = arith.constant 0 : i32
        %dma_wait3A_439 = tpu.memref_slice %arg7[%dma_wait3A_435, %dma_wait3A_437, %dma_wait3A_438] : memref<12x128x16xf32, #tpu.memory_space<vmem>> -> memref<1x128x16xf32, #tpu.memory_space<vmem>>
        %dma_wait3A_440 = tpu.memref_squeeze %dma_wait3A_439 : memref<1x128x16xf32, #tpu.memory_space<vmem>> -> memref<128x16xf32, #tpu.memory_space<vmem>>
        %dma_wait3A_441 = arith.constant 0 : i32
        %dma_wait3A_442 = tpu.memref_slice %arg5[%dma_wait3A_434, %dma_wait3A_441] : memref<79x128xi32, #tpu.memory_space<vmem>> -> memref<1x128xi32, #tpu.memory_space<vmem>>
        %dma_wait3A_443 = tpu.memref_squeeze %dma_wait3A_442 : memref<1x128xi32, #tpu.memory_space<vmem>> -> memref<128xi32, #tpu.memory_space<vmem>>
        %dma_wait3A_444 = arith.constant 0 : i32
        %dma_wait3A_445 = arith.constant 0 : i32
        %dma_wait3A_446 = tpu.memref_slice %arg3[%dma_wait3A_444, %dma_wait3A_445] : memref<10000x16xf32, #tpu.memory_space<hbm>> -> memref<10000x16xf32, #tpu.memory_space<hbm>>
        %dma_wait3A_447 = tpu.memref_slice %arg10[%dma_wait3A_436] : memref<12x!tpu.dma_semaphore, #tpu.memory_space<semaphore_mem>> -> memref<1x!tpu.dma_semaphore, #tpu.memory_space<semaphore_mem>>
        %dma_wait3A_448 = tpu.memref_squeeze %dma_wait3A_447 : memref<1x!tpu.dma_semaphore, #tpu.memory_space<semaphore_mem>> -> memref<!tpu.dma_semaphore, #tpu.memory_space<semaphore_mem>>
        tpu.wait_indirect_dma semaphore(%dma_wait3A_448 : memref<!tpu.dma_semaphore, #tpu.memory_space<semaphore_mem>>) src(%dma_wait3A_446 : memref<10000x16xf32, #tpu.memory_space<hbm>>) dst(%dma_wait3A_440 : memref<128x16xf32, #tpu.memory_space<vmem>>)
        %add3A_449 = arith.addi %add3A_393, %sub3A : i32
        %dma_start3A = arith.constant 5 : i32
        %dma_start3A_450 = arith.constant 5 : i32
        %dma_start3A_451 = arith.constant 0 : i32
        %dma_start3A_452 = arith.constant 0 : i32
        %dma_start3A_453 = tpu.memref_slice %arg7[%dma_start3A, %dma_start3A_451, %dma_start3A_452] : memref<12x128x16xf32, #tpu.memory_space<vmem>> -> memref<1x128x16xf32, #tpu.memory_space<vmem>>
        %dma_start3A_454 = tpu.memref_squeeze %dma_start3A_453 : memref<1x128x16xf32, #tpu.memory_space<vmem>> -> memref<128x16xf32, #tpu.memory_space<vmem>>
        %dma_start3A_455 = arith.constant 0 : i32
        %dma_start3A_456 = tpu.memref_slice %arg6[%add3A_449, %dma_start3A_455] : memref<79x128xi32, #tpu.memory_space<vmem>> -> memref<1x128xi32, #tpu.memory_space<vmem>>
        %dma_start3A_457 = tpu.memref_squeeze %dma_start3A_456 : memref<1x128xi32, #tpu.memory_space<vmem>> -> memref<128xi32, #tpu.memory_space<vmem>>
        %dma_start3A_458 = arith.constant 0 : i32
        %dma_start3A_459 = arith.constant 0 : i32
        %dma_start3A_460 = tpu.memref_slice %arg9[%dma_start3A_458, %dma_start3A_459] : memref<10240x16xf32, #tpu.memory_space<vmem_shared>> -> memref<10240x16xf32, #tpu.memory_space<vmem_shared>>
        %dma_start3A_461 = tpu.memref_slice %arg11[%dma_start3A_450] : memref<12x!tpu.dma_semaphore, #tpu.memory_space<semaphore_mem>> -> memref<1x!tpu.dma_semaphore, #tpu.memory_space<semaphore_mem>>
        %dma_start3A_462 = tpu.memref_squeeze %dma_start3A_461 : memref<1x!tpu.dma_semaphore, #tpu.memory_space<semaphore_mem>> -> memref<!tpu.dma_semaphore, #tpu.memory_space<semaphore_mem>>
        tpu.enqueue_indirect_dma source(%dma_start3A_454 : memref<128x16xf32, #tpu.memory_space<vmem>>) target(%dma_start3A_460 : memref<10240x16xf32, #tpu.memory_space<vmem_shared>>) offsets(%dma_start3A_457 : memref<128xi32, #tpu.memory_space<vmem>>) semaphore(%dma_start3A_462 : memref<!tpu.dma_semaphore, #tpu.memory_space<semaphore_mem>>) {add = true}
      } else {
      }
      %add3A_398 = arith.constant 6 : i32
      %add3A_399 = arith.addi %mul3A_209, %add3A_398 : i32
      %lt3A_400 = arith.cmpi slt, %add3A_399, %select_n3A : i32
      %convert_element_type3A_401 = arith.extui %lt3A_400 : i1 to i32
      %cond3A_402 = arith.constant 0 : i32
      %cond3A_403 = arith.cmpi ne, %convert_element_type3A_401, %cond3A_402 : i32
      scf.if %cond3A_403 {
        %dma_wait3A_434 = arith.constant 0 : i32
        %dma_wait3A_435 = arith.constant 6 : i32
        %dma_wait3A_436 = arith.constant 6 : i32
        %dma_wait3A_437 = arith.constant 0 : i32
        %dma_wait3A_438 = arith.constant 0 : i32
        %dma_wait3A_439 = tpu.memref_slice %arg7[%dma_wait3A_435, %dma_wait3A_437, %dma_wait3A_438] : memref<12x128x16xf32, #tpu.memory_space<vmem>> -> memref<1x128x16xf32, #tpu.memory_space<vmem>>
        %dma_wait3A_440 = tpu.memref_squeeze %dma_wait3A_439 : memref<1x128x16xf32, #tpu.memory_space<vmem>> -> memref<128x16xf32, #tpu.memory_space<vmem>>
        %dma_wait3A_441 = arith.constant 0 : i32
        %dma_wait3A_442 = tpu.memref_slice %arg5[%dma_wait3A_434, %dma_wait3A_441] : memref<79x128xi32, #tpu.memory_space<vmem>> -> memref<1x128xi32, #tpu.memory_space<vmem>>
        %dma_wait3A_443 = tpu.memref_squeeze %dma_wait3A_442 : memref<1x128xi32, #tpu.memory_space<vmem>> -> memref<128xi32, #tpu.memory_space<vmem>>
        %dma_wait3A_444 = arith.constant 0 : i32
        %dma_wait3A_445 = arith.constant 0 : i32
        %dma_wait3A_446 = tpu.memref_slice %arg3[%dma_wait3A_444, %dma_wait3A_445] : memref<10000x16xf32, #tpu.memory_space<hbm>> -> memref<10000x16xf32, #tpu.memory_space<hbm>>
        %dma_wait3A_447 = tpu.memref_slice %arg10[%dma_wait3A_436] : memref<12x!tpu.dma_semaphore, #tpu.memory_space<semaphore_mem>> -> memref<1x!tpu.dma_semaphore, #tpu.memory_space<semaphore_mem>>
        %dma_wait3A_448 = tpu.memref_squeeze %dma_wait3A_447 : memref<1x!tpu.dma_semaphore, #tpu.memory_space<semaphore_mem>> -> memref<!tpu.dma_semaphore, #tpu.memory_space<semaphore_mem>>
        tpu.wait_indirect_dma semaphore(%dma_wait3A_448 : memref<!tpu.dma_semaphore, #tpu.memory_space<semaphore_mem>>) src(%dma_wait3A_446 : memref<10000x16xf32, #tpu.memory_space<hbm>>) dst(%dma_wait3A_440 : memref<128x16xf32, #tpu.memory_space<vmem>>)
        %add3A_449 = arith.addi %add3A_399, %sub3A : i32
        %dma_start3A = arith.constant 6 : i32
        %dma_start3A_450 = arith.constant 6 : i32
        %dma_start3A_451 = arith.constant 0 : i32
        %dma_start3A_452 = arith.constant 0 : i32
        %dma_start3A_453 = tpu.memref_slice %arg7[%dma_start3A, %dma_start3A_451, %dma_start3A_452] : memref<12x128x16xf32, #tpu.memory_space<vmem>> -> memref<1x128x16xf32, #tpu.memory_space<vmem>>
        %dma_start3A_454 = tpu.memref_squeeze %dma_start3A_453 : memref<1x128x16xf32, #tpu.memory_space<vmem>> -> memref<128x16xf32, #tpu.memory_space<vmem>>
        %dma_start3A_455 = arith.constant 0 : i32
        %dma_start3A_456 = tpu.memref_slice %arg6[%add3A_449, %dma_start3A_455] : memref<79x128xi32, #tpu.memory_space<vmem>> -> memref<1x128xi32, #tpu.memory_space<vmem>>
        %dma_start3A_457 = tpu.memref_squeeze %dma_start3A_456 : memref<1x128xi32, #tpu.memory_space<vmem>> -> memref<128xi32, #tpu.memory_space<vmem>>
        %dma_start3A_458 = arith.constant 0 : i32
        %dma_start3A_459 = arith.constant 0 : i32
        %dma_start3A_460 = tpu.memref_slice %arg9[%dma_start3A_458, %dma_start3A_459] : memref<10240x16xf32, #tpu.memory_space<vmem_shared>> -> memref<10240x16xf32, #tpu.memory_space<vmem_shared>>
        %dma_start3A_461 = tpu.memref_slice %arg11[%dma_start3A_450] : memref<12x!tpu.dma_semaphore, #tpu.memory_space<semaphore_mem>> -> memref<1x!tpu.dma_semaphore, #tpu.memory_space<semaphore_mem>>
        %dma_start3A_462 = tpu.memref_squeeze %dma_start3A_461 : memref<1x!tpu.dma_semaphore, #tpu.memory_space<semaphore_mem>> -> memref<!tpu.dma_semaphore, #tpu.memory_space<semaphore_mem>>
        tpu.enqueue_indirect_dma source(%dma_start3A_454 : memref<128x16xf32, #tpu.memory_space<vmem>>) target(%dma_start3A_460 : memref<10240x16xf32, #tpu.memory_space<vmem_shared>>) offsets(%dma_start3A_457 : memref<128xi32, #tpu.memory_space<vmem>>) semaphore(%dma_start3A_462 : memref<!tpu.dma_semaphore, #tpu.memory_space<semaphore_mem>>) {add = true}
      } else {
      }
      %add3A_404 = arith.constant 7 : i32
      %add3A_405 = arith.addi %mul3A_209, %add3A_404 : i32
      %lt3A_406 = arith.cmpi slt, %add3A_405, %select_n3A : i32
      %convert_element_type3A_407 = arith.extui %lt3A_406 : i1 to i32
      %cond3A_408 = arith.constant 0 : i32
      %cond3A_409 = arith.cmpi ne, %convert_element_type3A_407, %cond3A_408 : i32
      scf.if %cond3A_409 {
        %dma_wait3A_434 = arith.constant 0 : i32
        %dma_wait3A_435 = arith.constant 7 : i32
        %dma_wait3A_436 = arith.constant 7 : i32
        %dma_wait3A_437 = arith.constant 0 : i32
        %dma_wait3A_438 = arith.constant 0 : i32
        %dma_wait3A_439 = tpu.memref_slice %arg7[%dma_wait3A_435, %dma_wait3A_437, %dma_wait3A_438] : memref<12x128x16xf32, #tpu.memory_space<vmem>> -> memref<1x128x16xf32, #tpu.memory_space<vmem>>
        %dma_wait3A_440 = tpu.memref_squeeze %dma_wait3A_439 : memref<1x128x16xf32, #tpu.memory_space<vmem>> -> memref<128x16xf32, #tpu.memory_space<vmem>>
        %dma_wait3A_441 = arith.constant 0 : i32
        %dma_wait3A_442 = tpu.memref_slice %arg5[%dma_wait3A_434, %dma_wait3A_441] : memref<79x128xi32, #tpu.memory_space<vmem>> -> memref<1x128xi32, #tpu.memory_space<vmem>>
        %dma_wait3A_443 = tpu.memref_squeeze %dma_wait3A_442 : memref<1x128xi32, #tpu.memory_space<vmem>> -> memref<128xi32, #tpu.memory_space<vmem>>
        %dma_wait3A_444 = arith.constant 0 : i32
        %dma_wait3A_445 = arith.constant 0 : i32
        %dma_wait3A_446 = tpu.memref_slice %arg3[%dma_wait3A_444, %dma_wait3A_445] : memref<10000x16xf32, #tpu.memory_space<hbm>> -> memref<10000x16xf32, #tpu.memory_space<hbm>>
        %dma_wait3A_447 = tpu.memref_slice %arg10[%dma_wait3A_436] : memref<12x!tpu.dma_semaphore, #tpu.memory_space<semaphore_mem>> -> memref<1x!tpu.dma_semaphore, #tpu.memory_space<semaphore_mem>>
        %dma_wait3A_448 = tpu.memref_squeeze %dma_wait3A_447 : memref<1x!tpu.dma_semaphore, #tpu.memory_space<semaphore_mem>> -> memref<!tpu.dma_semaphore, #tpu.memory_space<semaphore_mem>>
        tpu.wait_indirect_dma semaphore(%dma_wait3A_448 : memref<!tpu.dma_semaphore, #tpu.memory_space<semaphore_mem>>) src(%dma_wait3A_446 : memref<10000x16xf32, #tpu.memory_space<hbm>>) dst(%dma_wait3A_440 : memref<128x16xf32, #tpu.memory_space<vmem>>)
        %add3A_449 = arith.addi %add3A_405, %sub3A : i32
        %dma_start3A = arith.constant 7 : i32
        %dma_start3A_450 = arith.constant 7 : i32
        %dma_start3A_451 = arith.constant 0 : i32
        %dma_start3A_452 = arith.constant 0 : i32
        %dma_start3A_453 = tpu.memref_slice %arg7[%dma_start3A, %dma_start3A_451, %dma_start3A_452] : memref<12x128x16xf32, #tpu.memory_space<vmem>> -> memref<1x128x16xf32, #tpu.memory_space<vmem>>
        %dma_start3A_454 = tpu.memref_squeeze %dma_start3A_453 : memref<1x128x16xf32, #tpu.memory_space<vmem>> -> memref<128x16xf32, #tpu.memory_space<vmem>>
        %dma_start3A_455 = arith.constant 0 : i32
        %dma_start3A_456 = tpu.memref_slice %arg6[%add3A_449, %dma_start3A_455] : memref<79x128xi32, #tpu.memory_space<vmem>> -> memref<1x128xi32, #tpu.memory_space<vmem>>
        %dma_start3A_457 = tpu.memref_squeeze %dma_start3A_456 : memref<1x128xi32, #tpu.memory_space<vmem>> -> memref<128xi32, #tpu.memory_space<vmem>>
        %dma_start3A_458 = arith.constant 0 : i32
        %dma_start3A_459 = arith.constant 0 : i32
        %dma_start3A_460 = tpu.memref_slice %arg9[%dma_start3A_458, %dma_start3A_459] : memref<10240x16xf32, #tpu.memory_space<vmem_shared>> -> memref<10240x16xf32, #tpu.memory_space<vmem_shared>>
        %dma_start3A_461 = tpu.memref_slice %arg11[%dma_start3A_450] : memref<12x!tpu.dma_semaphore, #tpu.memory_space<semaphore_mem>> -> memref<1x!tpu.dma_semaphore, #tpu.memory_space<semaphore_mem>>
        %dma_start3A_462 = tpu.memref_squeeze %dma_start3A_461 : memref<1x!tpu.dma_semaphore, #tpu.memory_space<semaphore_mem>> -> memref<!tpu.dma_semaphore, #tpu.memory_space<semaphore_mem>>
        tpu.enqueue_indirect_dma source(%dma_start3A_454 : memref<128x16xf32, #tpu.memory_space<vmem>>) target(%dma_start3A_460 : memref<10240x16xf32, #tpu.memory_space<vmem_shared>>) offsets(%dma_start3A_457 : memref<128xi32, #tpu.memory_space<vmem>>) semaphore(%dma_start3A_462 : memref<!tpu.dma_semaphore, #tpu.memory_space<semaphore_mem>>) {add = true}
      } else {
      }
      %add3A_410 = arith.constant 8 : i32
      %add3A_411 = arith.addi %mul3A_209, %add3A_410 : i32
      %lt3A_412 = arith.cmpi slt, %add3A_411, %select_n3A : i32
      %convert_element_type3A_413 = arith.extui %lt3A_412 : i1 to i32
      %cond3A_414 = arith.constant 0 : i32
      %cond3A_415 = arith.cmpi ne, %convert_element_type3A_413, %cond3A_414 : i32
      scf.if %cond3A_415 {
        %dma_wait3A_434 = arith.constant 0 : i32
        %dma_wait3A_435 = arith.constant 8 : i32
        %dma_wait3A_436 = arith.constant 8 : i32
        %dma_wait3A_437 = arith.constant 0 : i32
        %dma_wait3A_438 = arith.constant 0 : i32
        %dma_wait3A_439 = tpu.memref_slice %arg7[%dma_wait3A_435, %dma_wait3A_437, %dma_wait3A_438] : memref<12x128x16xf32, #tpu.memory_space<vmem>> -> memref<1x128x16xf32, #tpu.memory_space<vmem>>
        %dma_wait3A_440 = tpu.memref_squeeze %dma_wait3A_439 : memref<1x128x16xf32, #tpu.memory_space<vmem>> -> memref<128x16xf32, #tpu.memory_space<vmem>>
        %dma_wait3A_441 = arith.constant 0 : i32
        %dma_wait3A_442 = tpu.memref_slice %arg5[%dma_wait3A_434, %dma_wait3A_441] : memref<79x128xi32, #tpu.memory_space<vmem>> -> memref<1x128xi32, #tpu.memory_space<vmem>>
        %dma_wait3A_443 = tpu.memref_squeeze %dma_wait3A_442 : memref<1x128xi32, #tpu.memory_space<vmem>> -> memref<128xi32, #tpu.memory_space<vmem>>
        %dma_wait3A_444 = arith.constant 0 : i32
        %dma_wait3A_445 = arith.constant 0 : i32
        %dma_wait3A_446 = tpu.memref_slice %arg3[%dma_wait3A_444, %dma_wait3A_445] : memref<10000x16xf32, #tpu.memory_space<hbm>> -> memref<10000x16xf32, #tpu.memory_space<hbm>>
        %dma_wait3A_447 = tpu.memref_slice %arg10[%dma_wait3A_436] : memref<12x!tpu.dma_semaphore, #tpu.memory_space<semaphore_mem>> -> memref<1x!tpu.dma_semaphore, #tpu.memory_space<semaphore_mem>>
        %dma_wait3A_448 = tpu.memref_squeeze %dma_wait3A_447 : memref<1x!tpu.dma_semaphore, #tpu.memory_space<semaphore_mem>> -> memref<!tpu.dma_semaphore, #tpu.memory_space<semaphore_mem>>
        tpu.wait_indirect_dma semaphore(%dma_wait3A_448 : memref<!tpu.dma_semaphore, #tpu.memory_space<semaphore_mem>>) src(%dma_wait3A_446 : memref<10000x16xf32, #tpu.memory_space<hbm>>) dst(%dma_wait3A_440 : memref<128x16xf32, #tpu.memory_space<vmem>>)
        %add3A_449 = arith.addi %add3A_411, %sub3A : i32
        %dma_start3A = arith.constant 8 : i32
        %dma_start3A_450 = arith.constant 8 : i32
        %dma_start3A_451 = arith.constant 0 : i32
        %dma_start3A_452 = arith.constant 0 : i32
        %dma_start3A_453 = tpu.memref_slice %arg7[%dma_start3A, %dma_start3A_451, %dma_start3A_452] : memref<12x128x16xf32, #tpu.memory_space<vmem>> -> memref<1x128x16xf32, #tpu.memory_space<vmem>>
        %dma_start3A_454 = tpu.memref_squeeze %dma_start3A_453 : memref<1x128x16xf32, #tpu.memory_space<vmem>> -> memref<128x16xf32, #tpu.memory_space<vmem>>
        %dma_start3A_455 = arith.constant 0 : i32
        %dma_start3A_456 = tpu.memref_slice %arg6[%add3A_449, %dma_start3A_455] : memref<79x128xi32, #tpu.memory_space<vmem>> -> memref<1x128xi32, #tpu.memory_space<vmem>>
        %dma_start3A_457 = tpu.memref_squeeze %dma_start3A_456 : memref<1x128xi32, #tpu.memory_space<vmem>> -> memref<128xi32, #tpu.memory_space<vmem>>
        %dma_start3A_458 = arith.constant 0 : i32
        %dma_start3A_459 = arith.constant 0 : i32
        %dma_start3A_460 = tpu.memref_slice %arg9[%dma_start3A_458, %dma_start3A_459] : memref<10240x16xf32, #tpu.memory_space<vmem_shared>> -> memref<10240x16xf32, #tpu.memory_space<vmem_shared>>
        %dma_start3A_461 = tpu.memref_slice %arg11[%dma_start3A_450] : memref<12x!tpu.dma_semaphore, #tpu.memory_space<semaphore_mem>> -> memref<1x!tpu.dma_semaphore, #tpu.memory_space<semaphore_mem>>
        %dma_start3A_462 = tpu.memref_squeeze %dma_start3A_461 : memref<1x!tpu.dma_semaphore, #tpu.memory_space<semaphore_mem>> -> memref<!tpu.dma_semaphore, #tpu.memory_space<semaphore_mem>>
        tpu.enqueue_indirect_dma source(%dma_start3A_454 : memref<128x16xf32, #tpu.memory_space<vmem>>) target(%dma_start3A_460 : memref<10240x16xf32, #tpu.memory_space<vmem_shared>>) offsets(%dma_start3A_457 : memref<128xi32, #tpu.memory_space<vmem>>) semaphore(%dma_start3A_462 : memref<!tpu.dma_semaphore, #tpu.memory_space<semaphore_mem>>) {add = true}
      } else {
      }
      %add3A_416 = arith.constant 9 : i32
      %add3A_417 = arith.addi %mul3A_209, %add3A_416 : i32
      %lt3A_418 = arith.cmpi slt, %add3A_417, %select_n3A : i32
      %convert_element_type3A_419 = arith.extui %lt3A_418 : i1 to i32
      %cond3A_420 = arith.constant 0 : i32
      %cond3A_421 = arith.cmpi ne, %convert_element_type3A_419, %cond3A_420 : i32
      scf.if %cond3A_421 {
        %dma_wait3A_434 = arith.constant 0 : i32
        %dma_wait3A_435 = arith.constant 9 : i32
        %dma_wait3A_436 = arith.constant 9 : i32
        %dma_wait3A_437 = arith.constant 0 : i32
        %dma_wait3A_438 = arith.constant 0 : i32
        %dma_wait3A_439 = tpu.memref_slice %arg7[%dma_wait3A_435, %dma_wait3A_437, %dma_wait3A_438] : memref<12x128x16xf32, #tpu.memory_space<vmem>> -> memref<1x128x16xf32, #tpu.memory_space<vmem>>
        %dma_wait3A_440 = tpu.memref_squeeze %dma_wait3A_439 : memref<1x128x16xf32, #tpu.memory_space<vmem>> -> memref<128x16xf32, #tpu.memory_space<vmem>>
        %dma_wait3A_441 = arith.constant 0 : i32
        %dma_wait3A_442 = tpu.memref_slice %arg5[%dma_wait3A_434, %dma_wait3A_441] : memref<79x128xi32, #tpu.memory_space<vmem>> -> memref<1x128xi32, #tpu.memory_space<vmem>>
        %dma_wait3A_443 = tpu.memref_squeeze %dma_wait3A_442 : memref<1x128xi32, #tpu.memory_space<vmem>> -> memref<128xi32, #tpu.memory_space<vmem>>
        %dma_wait3A_444 = arith.constant 0 : i32
        %dma_wait3A_445 = arith.constant 0 : i32
        %dma_wait3A_446 = tpu.memref_slice %arg3[%dma_wait3A_444, %dma_wait3A_445] : memref<10000x16xf32, #tpu.memory_space<hbm>> -> memref<10000x16xf32, #tpu.memory_space<hbm>>
        %dma_wait3A_447 = tpu.memref_slice %arg10[%dma_wait3A_436] : memref<12x!tpu.dma_semaphore, #tpu.memory_space<semaphore_mem>> -> memref<1x!tpu.dma_semaphore, #tpu.memory_space<semaphore_mem>>
        %dma_wait3A_448 = tpu.memref_squeeze %dma_wait3A_447 : memref<1x!tpu.dma_semaphore, #tpu.memory_space<semaphore_mem>> -> memref<!tpu.dma_semaphore, #tpu.memory_space<semaphore_mem>>
        tpu.wait_indirect_dma semaphore(%dma_wait3A_448 : memref<!tpu.dma_semaphore, #tpu.memory_space<semaphore_mem>>) src(%dma_wait3A_446 : memref<10000x16xf32, #tpu.memory_space<hbm>>) dst(%dma_wait3A_440 : memref<128x16xf32, #tpu.memory_space<vmem>>)
        %add3A_449 = arith.addi %add3A_417, %sub3A : i32
        %dma_start3A = arith.constant 9 : i32
        %dma_start3A_450 = arith.constant 9 : i32
        %dma_start3A_451 = arith.constant 0 : i32
        %dma_start3A_452 = arith.constant 0 : i32
        %dma_start3A_453 = tpu.memref_slice %arg7[%dma_start3A, %dma_start3A_451, %dma_start3A_452] : memref<12x128x16xf32, #tpu.memory_space<vmem>> -> memref<1x128x16xf32, #tpu.memory_space<vmem>>
        %dma_start3A_454 = tpu.memref_squeeze %dma_start3A_453 : memref<1x128x16xf32, #tpu.memory_space<vmem>> -> memref<128x16xf32, #tpu.memory_space<vmem>>
        %dma_start3A_455 = arith.constant 0 : i32
        %dma_start3A_456 = tpu.memref_slice %arg6[%add3A_449, %dma_start3A_455] : memref<79x128xi32, #tpu.memory_space<vmem>> -> memref<1x128xi32, #tpu.memory_space<vmem>>
        %dma_start3A_457 = tpu.memref_squeeze %dma_start3A_456 : memref<1x128xi32, #tpu.memory_space<vmem>> -> memref<128xi32, #tpu.memory_space<vmem>>
        %dma_start3A_458 = arith.constant 0 : i32
        %dma_start3A_459 = arith.constant 0 : i32
        %dma_start3A_460 = tpu.memref_slice %arg9[%dma_start3A_458, %dma_start3A_459] : memref<10240x16xf32, #tpu.memory_space<vmem_shared>> -> memref<10240x16xf32, #tpu.memory_space<vmem_shared>>
        %dma_start3A_461 = tpu.memref_slice %arg11[%dma_start3A_450] : memref<12x!tpu.dma_semaphore, #tpu.memory_space<semaphore_mem>> -> memref<1x!tpu.dma_semaphore, #tpu.memory_space<semaphore_mem>>
        %dma_start3A_462 = tpu.memref_squeeze %dma_start3A_461 : memref<1x!tpu.dma_semaphore, #tpu.memory_space<semaphore_mem>> -> memref<!tpu.dma_semaphore, #tpu.memory_space<semaphore_mem>>
        tpu.enqueue_indirect_dma source(%dma_start3A_454 : memref<128x16xf32, #tpu.memory_space<vmem>>) target(%dma_start3A_460 : memref<10240x16xf32, #tpu.memory_space<vmem_shared>>) offsets(%dma_start3A_457 : memref<128xi32, #tpu.memory_space<vmem>>) semaphore(%dma_start3A_462 : memref<!tpu.dma_semaphore, #tpu.memory_space<semaphore_mem>>) {add = true}
      } else {
      }
      %add3A_422 = arith.constant 10 : i32
      %add3A_423 = arith.addi %mul3A_209, %add3A_422 : i32
      %lt3A_424 = arith.cmpi slt, %add3A_423, %select_n3A : i32
      %convert_element_type3A_425 = arith.extui %lt3A_424 : i1 to i32
      %cond3A_426 = arith.constant 0 : i32
      %cond3A_427 = arith.cmpi ne, %convert_element_type3A_425, %cond3A_426 : i32
      scf.if %cond3A_427 {
        %dma_wait3A_434 = arith.constant 0 : i32
        %dma_wait3A_435 = arith.constant 10 : i32
        %dma_wait3A_436 = arith.constant 10 : i32
        %dma_wait3A_437 = arith.constant 0 : i32
        %dma_wait3A_438 = arith.constant 0 : i32
        %dma_wait3A_439 = tpu.memref_slice %arg7[%dma_wait3A_435, %dma_wait3A_437, %dma_wait3A_438] : memref<12x128x16xf32, #tpu.memory_space<vmem>> -> memref<1x128x16xf32, #tpu.memory_space<vmem>>
        %dma_wait3A_440 = tpu.memref_squeeze %dma_wait3A_439 : memref<1x128x16xf32, #tpu.memory_space<vmem>> -> memref<128x16xf32, #tpu.memory_space<vmem>>
        %dma_wait3A_441 = arith.constant 0 : i32
        %dma_wait3A_442 = tpu.memref_slice %arg5[%dma_wait3A_434, %dma_wait3A_441] : memref<79x128xi32, #tpu.memory_space<vmem>> -> memref<1x128xi32, #tpu.memory_space<vmem>>
        %dma_wait3A_443 = tpu.memref_squeeze %dma_wait3A_442 : memref<1x128xi32, #tpu.memory_space<vmem>> -> memref<128xi32, #tpu.memory_space<vmem>>
        %dma_wait3A_444 = arith.constant 0 : i32
        %dma_wait3A_445 = arith.constant 0 : i32
        %dma_wait3A_446 = tpu.memref_slice %arg3[%dma_wait3A_444, %dma_wait3A_445] : memref<10000x16xf32, #tpu.memory_space<hbm>> -> memref<10000x16xf32, #tpu.memory_space<hbm>>
        %dma_wait3A_447 = tpu.memref_slice %arg10[%dma_wait3A_436] : memref<12x!tpu.dma_semaphore, #tpu.memory_space<semaphore_mem>> -> memref<1x!tpu.dma_semaphore, #tpu.memory_space<semaphore_mem>>
        %dma_wait3A_448 = tpu.memref_squeeze %dma_wait3A_447 : memref<1x!tpu.dma_semaphore, #tpu.memory_space<semaphore_mem>> -> memref<!tpu.dma_semaphore, #tpu.memory_space<semaphore_mem>>
        tpu.wait_indirect_dma semaphore(%dma_wait3A_448 : memref<!tpu.dma_semaphore, #tpu.memory_space<semaphore_mem>>) src(%dma_wait3A_446 : memref<10000x16xf32, #tpu.memory_space<hbm>>) dst(%dma_wait3A_440 : memref<128x16xf32, #tpu.memory_space<vmem>>)
        %add3A_449 = arith.addi %add3A_423, %sub3A : i32
        %dma_start3A = arith.constant 10 : i32
        %dma_start3A_450 = arith.constant 10 : i32
        %dma_start3A_451 = arith.constant 0 : i32
        %dma_start3A_452 = arith.constant 0 : i32
        %dma_start3A_453 = tpu.memref_slice %arg7[%dma_start3A, %dma_start3A_451, %dma_start3A_452] : memref<12x128x16xf32, #tpu.memory_space<vmem>> -> memref<1x128x16xf32, #tpu.memory_space<vmem>>
        %dma_start3A_454 = tpu.memref_squeeze %dma_start3A_453 : memref<1x128x16xf32, #tpu.memory_space<vmem>> -> memref<128x16xf32, #tpu.memory_space<vmem>>
        %dma_start3A_455 = arith.constant 0 : i32
        %dma_start3A_456 = tpu.memref_slice %arg6[%add3A_449, %dma_start3A_455] : memref<79x128xi32, #tpu.memory_space<vmem>> -> memref<1x128xi32, #tpu.memory_space<vmem>>
        %dma_start3A_457 = tpu.memref_squeeze %dma_start3A_456 : memref<1x128xi32, #tpu.memory_space<vmem>> -> memref<128xi32, #tpu.memory_space<vmem>>
        %dma_start3A_458 = arith.constant 0 : i32
        %dma_start3A_459 = arith.constant 0 : i32
        %dma_start3A_460 = tpu.memref_slice %arg9[%dma_start3A_458, %dma_start3A_459] : memref<10240x16xf32, #tpu.memory_space<vmem_shared>> -> memref<10240x16xf32, #tpu.memory_space<vmem_shared>>
        %dma_start3A_461 = tpu.memref_slice %arg11[%dma_start3A_450] : memref<12x!tpu.dma_semaphore, #tpu.memory_space<semaphore_mem>> -> memref<1x!tpu.dma_semaphore, #tpu.memory_space<semaphore_mem>>
        %dma_start3A_462 = tpu.memref_squeeze %dma_start3A_461 : memref<1x!tpu.dma_semaphore, #tpu.memory_space<semaphore_mem>> -> memref<!tpu.dma_semaphore, #tpu.memory_space<semaphore_mem>>
        tpu.enqueue_indirect_dma source(%dma_start3A_454 : memref<128x16xf32, #tpu.memory_space<vmem>>) target(%dma_start3A_460 : memref<10240x16xf32, #tpu.memory_space<vmem_shared>>) offsets(%dma_start3A_457 : memref<128xi32, #tpu.memory_space<vmem>>) semaphore(%dma_start3A_462 : memref<!tpu.dma_semaphore, #tpu.memory_space<semaphore_mem>>) {add = true}
      } else {
      }
      %add3A_428 = arith.constant 11 : i32
      %add3A_429 = arith.addi %mul3A_209, %add3A_428 : i32
      %lt3A_430 = arith.cmpi slt, %add3A_429, %select_n3A : i32
      %convert_element_type3A_431 = arith.extui %lt3A_430 : i1 to i32
      %cond3A_432 = arith.constant 0 : i32
      %cond3A_433 = arith.cmpi ne, %convert_element_type3A_431, %cond3A_432 : i32
      scf.if %cond3A_433 {
        %dma_wait3A_434 = arith.constant 0 : i32
        %dma_wait3A_435 = arith.constant 11 : i32
        %dma_wait3A_436 = arith.constant 11 : i32
        %dma_wait3A_437 = arith.constant 0 : i32
        %dma_wait3A_438 = arith.constant 0 : i32
        %dma_wait3A_439 = tpu.memref_slice %arg7[%dma_wait3A_435, %dma_wait3A_437, %dma_wait3A_438] : memref<12x128x16xf32, #tpu.memory_space<vmem>> -> memref<1x128x16xf32, #tpu.memory_space<vmem>>
        %dma_wait3A_440 = tpu.memref_squeeze %dma_wait3A_439 : memref<1x128x16xf32, #tpu.memory_space<vmem>> -> memref<128x16xf32, #tpu.memory_space<vmem>>
        %dma_wait3A_441 = arith.constant 0 : i32
        %dma_wait3A_442 = tpu.memref_slice %arg5[%dma_wait3A_434, %dma_wait3A_441] : memref<79x128xi32, #tpu.memory_space<vmem>> -> memref<1x128xi32, #tpu.memory_space<vmem>>
        %dma_wait3A_443 = tpu.memref_squeeze %dma_wait3A_442 : memref<1x128xi32, #tpu.memory_space<vmem>> -> memref<128xi32, #tpu.memory_space<vmem>>
        %dma_wait3A_444 = arith.constant 0 : i32
        %dma_wait3A_445 = arith.constant 0 : i32
        %dma_wait3A_446 = tpu.memref_slice %arg3[%dma_wait3A_444, %dma_wait3A_445] : memref<10000x16xf32, #tpu.memory_space<hbm>> -> memref<10000x16xf32, #tpu.memory_space<hbm>>
        %dma_wait3A_447 = tpu.memref_slice %arg10[%dma_wait3A_436] : memref<12x!tpu.dma_semaphore, #tpu.memory_space<semaphore_mem>> -> memref<1x!tpu.dma_semaphore, #tpu.memory_space<semaphore_mem>>
        %dma_wait3A_448 = tpu.memref_squeeze %dma_wait3A_447 : memref<1x!tpu.dma_semaphore, #tpu.memory_space<semaphore_mem>> -> memref<!tpu.dma_semaphore, #tpu.memory_space<semaphore_mem>>
        tpu.wait_indirect_dma semaphore(%dma_wait3A_448 : memref<!tpu.dma_semaphore, #tpu.memory_space<semaphore_mem>>) src(%dma_wait3A_446 : memref<10000x16xf32, #tpu.memory_space<hbm>>) dst(%dma_wait3A_440 : memref<128x16xf32, #tpu.memory_space<vmem>>)
        %add3A_449 = arith.addi %add3A_429, %sub3A : i32
        %dma_start3A = arith.constant 11 : i32
        %dma_start3A_450 = arith.constant 11 : i32
        %dma_start3A_451 = arith.constant 0 : i32
        %dma_start3A_452 = arith.constant 0 : i32
        %dma_start3A_453 = tpu.memref_slice %arg7[%dma_start3A, %dma_start3A_451, %dma_start3A_452] : memref<12x128x16xf32, #tpu.memory_space<vmem>> -> memref<1x128x16xf32, #tpu.memory_space<vmem>>
        %dma_start3A_454 = tpu.memref_squeeze %dma_start3A_453 : memref<1x128x16xf32, #tpu.memory_space<vmem>> -> memref<128x16xf32, #tpu.memory_space<vmem>>
        %dma_start3A_455 = arith.constant 0 : i32
        %dma_start3A_456 = tpu.memref_slice %arg6[%add3A_449, %dma_start3A_455] : memref<79x128xi32, #tpu.memory_space<vmem>> -> memref<1x128xi32, #tpu.memory_space<vmem>>
        %dma_start3A_457 = tpu.memref_squeeze %dma_start3A_456 : memref<1x128xi32, #tpu.memory_space<vmem>> -> memref<128xi32, #tpu.memory_space<vmem>>
        %dma_start3A_458 = arith.constant 0 : i32
        %dma_start3A_459 = arith.constant 0 : i32
        %dma_start3A_460 = tpu.memref_slice %arg9[%dma_start3A_458, %dma_start3A_459] : memref<10240x16xf32, #tpu.memory_space<vmem_shared>> -> memref<10240x16xf32, #tpu.memory_space<vmem_shared>>
        %dma_start3A_461 = tpu.memref_slice %arg11[%dma_start3A_450] : memref<12x!tpu.dma_semaphore, #tpu.memory_space<semaphore_mem>> -> memref<1x!tpu.dma_semaphore, #tpu.memory_space<semaphore_mem>>
        %dma_start3A_462 = tpu.memref_squeeze %dma_start3A_461 : memref<1x!tpu.dma_semaphore, #tpu.memory_space<semaphore_mem>> -> memref<!tpu.dma_semaphore, #tpu.memory_space<semaphore_mem>>
        tpu.enqueue_indirect_dma source(%dma_start3A_454 : memref<128x16xf32, #tpu.memory_space<vmem>>) target(%dma_start3A_460 : memref<10240x16xf32, #tpu.memory_space<vmem_shared>>) offsets(%dma_start3A_457 : memref<128xi32, #tpu.memory_space<vmem>>) semaphore(%dma_start3A_462 : memref<!tpu.dma_semaphore, #tpu.memory_space<semaphore_mem>>) {add = true}
      } else {
      }
    }
    %scan3A_22 = arith.constant 7 : i32
    %dma_wait3A = arith.constant 0 : i32
    %dma_wait3A_23 = arith.constant 0 : i32
    %dma_wait3A_24 = arith.constant 0 : i32
    %dma_wait3A_25 = arith.constant 0 : i32
    %dma_wait3A_26 = arith.constant 0 : i32
    %dma_wait3A_27 = tpu.memref_slice %arg7[%dma_wait3A, %dma_wait3A_25, %dma_wait3A_26] : memref<12x128x16xf32, #tpu.memory_space<vmem>> -> memref<1x128x16xf32, #tpu.memory_space<vmem>>
    %dma_wait3A_28 = tpu.memref_squeeze %dma_wait3A_27 : memref<1x128x16xf32, #tpu.memory_space<vmem>> -> memref<128x16xf32, #tpu.memory_space<vmem>>
    %dma_wait3A_29 = arith.constant 0 : i32
    %dma_wait3A_30 = tpu.memref_slice %arg6[%dma_wait3A_23, %dma_wait3A_29] : memref<79x128xi32, #tpu.memory_space<vmem>> -> memref<1x128xi32, #tpu.memory_space<vmem>>
    %dma_wait3A_31 = tpu.memref_squeeze %dma_wait3A_30 : memref<1x128xi32, #tpu.memory_space<vmem>> -> memref<128xi32, #tpu.memory_space<vmem>>
    %dma_wait3A_32 = arith.constant 0 : i32
    %dma_wait3A_33 = arith.constant 0 : i32
    %dma_wait3A_34 = tpu.memref_slice %arg9[%dma_wait3A_32, %dma_wait3A_33] : memref<10240x16xf32, #tpu.memory_space<vmem_shared>> -> memref<10240x16xf32, #tpu.memory_space<vmem_shared>>
    %dma_wait3A_35 = tpu.memref_slice %arg11[%dma_wait3A_24] : memref<12x!tpu.dma_semaphore, #tpu.memory_space<semaphore_mem>> -> memref<1x!tpu.dma_semaphore, #tpu.memory_space<semaphore_mem>>
    %dma_wait3A_36 = tpu.memref_squeeze %dma_wait3A_35 : memref<1x!tpu.dma_semaphore, #tpu.memory_space<semaphore_mem>> -> memref<!tpu.dma_semaphore, #tpu.memory_space<semaphore_mem>>
    tpu.wait_indirect_dma semaphore(%dma_wait3A_36 : memref<!tpu.dma_semaphore, #tpu.memory_space<semaphore_mem>>) src(%dma_wait3A_28 : memref<128x16xf32, #tpu.memory_space<vmem>>) dst(%dma_wait3A_34 : memref<10240x16xf32, #tpu.memory_space<vmem_shared>>)
    %dma_wait3A_37 = arith.constant 1 : i32
    %dma_wait3A_38 = arith.constant 0 : i32
    %dma_wait3A_39 = arith.constant 1 : i32
    %dma_wait3A_40 = arith.constant 0 : i32
    %dma_wait3A_41 = arith.constant 0 : i32
    %dma_wait3A_42 = tpu.memref_slice %arg7[%dma_wait3A_37, %dma_wait3A_40, %dma_wait3A_41] : memref<12x128x16xf32, #tpu.memory_space<vmem>> -> memref<1x128x16xf32, #tpu.memory_space<vmem>>
    %dma_wait3A_43 = tpu.memref_squeeze %dma_wait3A_42 : memref<1x128x16xf32, #tpu.memory_space<vmem>> -> memref<128x16xf32, #tpu.memory_space<vmem>>
    %dma_wait3A_44 = arith.constant 0 : i32
    %dma_wait3A_45 = tpu.memref_slice %arg6[%dma_wait3A_38, %dma_wait3A_44] : memref<79x128xi32, #tpu.memory_space<vmem>> -> memref<1x128xi32, #tpu.memory_space<vmem>>
    %dma_wait3A_46 = tpu.memref_squeeze %dma_wait3A_45 : memref<1x128xi32, #tpu.memory_space<vmem>> -> memref<128xi32, #tpu.memory_space<vmem>>
    %dma_wait3A_47 = arith.constant 0 : i32
    %dma_wait3A_48 = arith.constant 0 : i32
    %dma_wait3A_49 = tpu.memref_slice %arg9[%dma_wait3A_47, %dma_wait3A_48] : memref<10240x16xf32, #tpu.memory_space<vmem_shared>> -> memref<10240x16xf32, #tpu.memory_space<vmem_shared>>
    %dma_wait3A_50 = tpu.memref_slice %arg11[%dma_wait3A_39] : memref<12x!tpu.dma_semaphore, #tpu.memory_space<semaphore_mem>> -> memref<1x!tpu.dma_semaphore, #tpu.memory_space<semaphore_mem>>
    %dma_wait3A_51 = tpu.memref_squeeze %dma_wait3A_50 : memref<1x!tpu.dma_semaphore, #tpu.memory_space<semaphore_mem>> -> memref<!tpu.dma_semaphore, #tpu.memory_space<semaphore_mem>>
    tpu.wait_indirect_dma semaphore(%dma_wait3A_51 : memref<!tpu.dma_semaphore, #tpu.memory_space<semaphore_mem>>) src(%dma_wait3A_43 : memref<128x16xf32, #tpu.memory_space<vmem>>) dst(%dma_wait3A_49 : memref<10240x16xf32, #tpu.memory_space<vmem_shared>>)
    %dma_wait3A_52 = arith.constant 2 : i32
    %dma_wait3A_53 = arith.constant 0 : i32
    %dma_wait3A_54 = arith.constant 2 : i32
    %dma_wait3A_55 = arith.constant 0 : i32
    %dma_wait3A_56 = arith.constant 0 : i32
    %dma_wait3A_57 = tpu.memref_slice %arg7[%dma_wait3A_52, %dma_wait3A_55, %dma_wait3A_56] : memref<12x128x16xf32, #tpu.memory_space<vmem>> -> memref<1x128x16xf32, #tpu.memory_space<vmem>>
    %dma_wait3A_58 = tpu.memref_squeeze %dma_wait3A_57 : memref<1x128x16xf32, #tpu.memory_space<vmem>> -> memref<128x16xf32, #tpu.memory_space<vmem>>
    %dma_wait3A_59 = arith.constant 0 : i32
    %dma_wait3A_60 = tpu.memref_slice %arg6[%dma_wait3A_53, %dma_wait3A_59] : memref<79x128xi32, #tpu.memory_space<vmem>> -> memref<1x128xi32, #tpu.memory_space<vmem>>
    %dma_wait3A_61 = tpu.memref_squeeze %dma_wait3A_60 : memref<1x128xi32, #tpu.memory_space<vmem>> -> memref<128xi32, #tpu.memory_space<vmem>>
    %dma_wait3A_62 = arith.constant 0 : i32
    %dma_wait3A_63 = arith.constant 0 : i32
    %dma_wait3A_64 = tpu.memref_slice %arg9[%dma_wait3A_62, %dma_wait3A_63] : memref<10240x16xf32, #tpu.memory_space<vmem_shared>> -> memref<10240x16xf32, #tpu.memory_space<vmem_shared>>
    %dma_wait3A_65 = tpu.memref_slice %arg11[%dma_wait3A_54] : memref<12x!tpu.dma_semaphore, #tpu.memory_space<semaphore_mem>> -> memref<1x!tpu.dma_semaphore, #tpu.memory_space<semaphore_mem>>
    %dma_wait3A_66 = tpu.memref_squeeze %dma_wait3A_65 : memref<1x!tpu.dma_semaphore, #tpu.memory_space<semaphore_mem>> -> memref<!tpu.dma_semaphore, #tpu.memory_space<semaphore_mem>>
    tpu.wait_indirect_dma semaphore(%dma_wait3A_66 : memref<!tpu.dma_semaphore, #tpu.memory_space<semaphore_mem>>) src(%dma_wait3A_58 : memref<128x16xf32, #tpu.memory_space<vmem>>) dst(%dma_wait3A_64 : memref<10240x16xf32, #tpu.memory_space<vmem_shared>>)
    %dma_wait3A_67 = arith.constant 3 : i32
    %dma_wait3A_68 = arith.constant 0 : i32
    %dma_wait3A_69 = arith.constant 3 : i32
    %dma_wait3A_70 = arith.constant 0 : i32
    %dma_wait3A_71 = arith.constant 0 : i32
    %dma_wait3A_72 = tpu.memref_slice %arg7[%dma_wait3A_67, %dma_wait3A_70, %dma_wait3A_71] : memref<12x128x16xf32, #tpu.memory_space<vmem>> -> memref<1x128x16xf32, #tpu.memory_space<vmem>>
    %dma_wait3A_73 = tpu.memref_squeeze %dma_wait3A_72 : memref<1x128x16xf32, #tpu.memory_space<vmem>> -> memref<128x16xf32, #tpu.memory_space<vmem>>
    %dma_wait3A_74 = arith.constant 0 : i32
    %dma_wait3A_75 = tpu.memref_slice %arg6[%dma_wait3A_68, %dma_wait3A_74] : memref<79x128xi32, #tpu.memory_space<vmem>> -> memref<1x128xi32, #tpu.memory_space<vmem>>
    %dma_wait3A_76 = tpu.memref_squeeze %dma_wait3A_75 : memref<1x128xi32, #tpu.memory_space<vmem>> -> memref<128xi32, #tpu.memory_space<vmem>>
    %dma_wait3A_77 = arith.constant 0 : i32
    %dma_wait3A_78 = arith.constant 0 : i32
    %dma_wait3A_79 = tpu.memref_slice %arg9[%dma_wait3A_77, %dma_wait3A_78] : memref<10240x16xf32, #tpu.memory_space<vmem_shared>> -> memref<10240x16xf32, #tpu.memory_space<vmem_shared>>
    %dma_wait3A_80 = tpu.memref_slice %arg11[%dma_wait3A_69] : memref<12x!tpu.dma_semaphore, #tpu.memory_space<semaphore_mem>> -> memref<1x!tpu.dma_semaphore, #tpu.memory_space<semaphore_mem>>
    %dma_wait3A_81 = tpu.memref_squeeze %dma_wait3A_80 : memref<1x!tpu.dma_semaphore, #tpu.memory_space<semaphore_mem>> -> memref<!tpu.dma_semaphore, #tpu.memory_space<semaphore_mem>>
    tpu.wait_indirect_dma semaphore(%dma_wait3A_81 : memref<!tpu.dma_semaphore, #tpu.memory_space<semaphore_mem>>) src(%dma_wait3A_73 : memref<128x16xf32, #tpu.memory_space<vmem>>) dst(%dma_wait3A_79 : memref<10240x16xf32, #tpu.memory_space<vmem_shared>>)
    %dma_wait3A_82 = arith.constant 4 : i32
    %dma_wait3A_83 = arith.constant 0 : i32
    %dma_wait3A_84 = arith.constant 4 : i32
    %dma_wait3A_85 = arith.constant 0 : i32
    %dma_wait3A_86 = arith.constant 0 : i32
    %dma_wait3A_87 = tpu.memref_slice %arg7[%dma_wait3A_82, %dma_wait3A_85, %dma_wait3A_86] : memref<12x128x16xf32, #tpu.memory_space<vmem>> -> memref<1x128x16xf32, #tpu.memory_space<vmem>>
    %dma_wait3A_88 = tpu.memref_squeeze %dma_wait3A_87 : memref<1x128x16xf32, #tpu.memory_space<vmem>> -> memref<128x16xf32, #tpu.memory_space<vmem>>
    %dma_wait3A_89 = arith.constant 0 : i32
    %dma_wait3A_90 = tpu.memref_slice %arg6[%dma_wait3A_83, %dma_wait3A_89] : memref<79x128xi32, #tpu.memory_space<vmem>> -> memref<1x128xi32, #tpu.memory_space<vmem>>
    %dma_wait3A_91 = tpu.memref_squeeze %dma_wait3A_90 : memref<1x128xi32, #tpu.memory_space<vmem>> -> memref<128xi32, #tpu.memory_space<vmem>>
    %dma_wait3A_92 = arith.constant 0 : i32
    %dma_wait3A_93 = arith.constant 0 : i32
    %dma_wait3A_94 = tpu.memref_slice %arg9[%dma_wait3A_92, %dma_wait3A_93] : memref<10240x16xf32, #tpu.memory_space<vmem_shared>> -> memref<10240x16xf32, #tpu.memory_space<vmem_shared>>
    %dma_wait3A_95 = tpu.memref_slice %arg11[%dma_wait3A_84] : memref<12x!tpu.dma_semaphore, #tpu.memory_space<semaphore_mem>> -> memref<1x!tpu.dma_semaphore, #tpu.memory_space<semaphore_mem>>
    %dma_wait3A_96 = tpu.memref_squeeze %dma_wait3A_95 : memref<1x!tpu.dma_semaphore, #tpu.memory_space<semaphore_mem>> -> memref<!tpu.dma_semaphore, #tpu.memory_space<semaphore_mem>>
    tpu.wait_indirect_dma semaphore(%dma_wait3A_96 : memref<!tpu.dma_semaphore, #tpu.memory_space<semaphore_mem>>) src(%dma_wait3A_88 : memref<128x16xf32, #tpu.memory_space<vmem>>) dst(%dma_wait3A_94 : memref<10240x16xf32, #tpu.memory_space<vmem_shared>>)
    %dma_wait3A_97 = arith.constant 5 : i32
    %dma_wait3A_98 = arith.constant 0 : i32
    %dma_wait3A_99 = arith.constant 5 : i32
    %dma_wait3A_100 = arith.constant 0 : i32
    %dma_wait3A_101 = arith.constant 0 : i32
    %dma_wait3A_102 = tpu.memref_slice %arg7[%dma_wait3A_97, %dma_wait3A_100, %dma_wait3A_101] : memref<12x128x16xf32, #tpu.memory_space<vmem>> -> memref<1x128x16xf32, #tpu.memory_space<vmem>>
    %dma_wait3A_103 = tpu.memref_squeeze %dma_wait3A_102 : memref<1x128x16xf32, #tpu.memory_space<vmem>> -> memref<128x16xf32, #tpu.memory_space<vmem>>
    %dma_wait3A_104 = arith.constant 0 : i32
    %dma_wait3A_105 = tpu.memref_slice %arg6[%dma_wait3A_98, %dma_wait3A_104] : memref<79x128xi32, #tpu.memory_space<vmem>> -> memref<1x128xi32, #tpu.memory_space<vmem>>
    %dma_wait3A_106 = tpu.memref_squeeze %dma_wait3A_105 : memref<1x128xi32, #tpu.memory_space<vmem>> -> memref<128xi32, #tpu.memory_space<vmem>>
    %dma_wait3A_107 = arith.constant 0 : i32
    %dma_wait3A_108 = arith.constant 0 : i32
    %dma_wait3A_109 = tpu.memref_slice %arg9[%dma_wait3A_107, %dma_wait3A_108] : memref<10240x16xf32, #tpu.memory_space<vmem_shared>> -> memref<10240x16xf32, #tpu.memory_space<vmem_shared>>
    %dma_wait3A_110 = tpu.memref_slice %arg11[%dma_wait3A_99] : memref<12x!tpu.dma_semaphore, #tpu.memory_space<semaphore_mem>> -> memref<1x!tpu.dma_semaphore, #tpu.memory_space<semaphore_mem>>
    %dma_wait3A_111 = tpu.memref_squeeze %dma_wait3A_110 : memref<1x!tpu.dma_semaphore, #tpu.memory_space<semaphore_mem>> -> memref<!tpu.dma_semaphore, #tpu.memory_space<semaphore_mem>>
    tpu.wait_indirect_dma semaphore(%dma_wait3A_111 : memref<!tpu.dma_semaphore, #tpu.memory_space<semaphore_mem>>) src(%dma_wait3A_103 : memref<128x16xf32, #tpu.memory_space<vmem>>) dst(%dma_wait3A_109 : memref<10240x16xf32, #tpu.memory_space<vmem_shared>>)
    %dma_wait3A_112 = arith.constant 6 : i32
    %dma_wait3A_113 = arith.constant 0 : i32
    %dma_wait3A_114 = arith.constant 6 : i32
    %dma_wait3A_115 = arith.constant 0 : i32
    %dma_wait3A_116 = arith.constant 0 : i32
    %dma_wait3A_117 = tpu.memref_slice %arg7[%dma_wait3A_112, %dma_wait3A_115, %dma_wait3A_116] : memref<12x128x16xf32, #tpu.memory_space<vmem>> -> memref<1x128x16xf32, #tpu.memory_space<vmem>>
    %dma_wait3A_118 = tpu.memref_squeeze %dma_wait3A_117 : memref<1x128x16xf32, #tpu.memory_space<vmem>> -> memref<128x16xf32, #tpu.memory_space<vmem>>
    %dma_wait3A_119 = arith.constant 0 : i32
    %dma_wait3A_120 = tpu.memref_slice %arg6[%dma_wait3A_113, %dma_wait3A_119] : memref<79x128xi32, #tpu.memory_space<vmem>> -> memref<1x128xi32, #tpu.memory_space<vmem>>
    %dma_wait3A_121 = tpu.memref_squeeze %dma_wait3A_120 : memref<1x128xi32, #tpu.memory_space<vmem>> -> memref<128xi32, #tpu.memory_space<vmem>>
    %dma_wait3A_122 = arith.constant 0 : i32
    %dma_wait3A_123 = arith.constant 0 : i32
    %dma_wait3A_124 = tpu.memref_slice %arg9[%dma_wait3A_122, %dma_wait3A_123] : memref<10240x16xf32, #tpu.memory_space<vmem_shared>> -> memref<10240x16xf32, #tpu.memory_space<vmem_shared>>
    %dma_wait3A_125 = tpu.memref_slice %arg11[%dma_wait3A_114] : memref<12x!tpu.dma_semaphore, #tpu.memory_space<semaphore_mem>> -> memref<1x!tpu.dma_semaphore, #tpu.memory_space<semaphore_mem>>
    %dma_wait3A_126 = tpu.memref_squeeze %dma_wait3A_125 : memref<1x!tpu.dma_semaphore, #tpu.memory_space<semaphore_mem>> -> memref<!tpu.dma_semaphore, #tpu.memory_space<semaphore_mem>>
    tpu.wait_indirect_dma semaphore(%dma_wait3A_126 : memref<!tpu.dma_semaphore, #tpu.memory_space<semaphore_mem>>) src(%dma_wait3A_118 : memref<128x16xf32, #tpu.memory_space<vmem>>) dst(%dma_wait3A_124 : memref<10240x16xf32, #tpu.memory_space<vmem_shared>>)
    %dma_wait3A_127 = arith.constant 7 : i32
    %dma_wait3A_128 = arith.constant 0 : i32
    %dma_wait3A_129 = arith.constant 7 : i32
    %dma_wait3A_130 = arith.constant 0 : i32
    %dma_wait3A_131 = arith.constant 0 : i32
    %dma_wait3A_132 = tpu.memref_slice %arg7[%dma_wait3A_127, %dma_wait3A_130, %dma_wait3A_131] : memref<12x128x16xf32, #tpu.memory_space<vmem>> -> memref<1x128x16xf32, #tpu.memory_space<vmem>>
    %dma_wait3A_133 = tpu.memref_squeeze %dma_wait3A_132 : memref<1x128x16xf32, #tpu.memory_space<vmem>> -> memref<128x16xf32, #tpu.memory_space<vmem>>
    %dma_wait3A_134 = arith.constant 0 : i32
    %dma_wait3A_135 = tpu.memref_slice %arg6[%dma_wait3A_128, %dma_wait3A_134] : memref<79x128xi32, #tpu.memory_space<vmem>> -> memref<1x128xi32, #tpu.memory_space<vmem>>
    %dma_wait3A_136 = tpu.memref_squeeze %dma_wait3A_135 : memref<1x128xi32, #tpu.memory_space<vmem>> -> memref<128xi32, #tpu.memory_space<vmem>>
    %dma_wait3A_137 = arith.constant 0 : i32
    %dma_wait3A_138 = arith.constant 0 : i32
    %dma_wait3A_139 = tpu.memref_slice %arg9[%dma_wait3A_137, %dma_wait3A_138] : memref<10240x16xf32, #tpu.memory_space<vmem_shared>> -> memref<10240x16xf32, #tpu.memory_space<vmem_shared>>
    %dma_wait3A_140 = tpu.memref_slice %arg11[%dma_wait3A_129] : memref<12x!tpu.dma_semaphore, #tpu.memory_space<semaphore_mem>> -> memref<1x!tpu.dma_semaphore, #tpu.memory_space<semaphore_mem>>
    %dma_wait3A_141 = tpu.memref_squeeze %dma_wait3A_140 : memref<1x!tpu.dma_semaphore, #tpu.memory_space<semaphore_mem>> -> memref<!tpu.dma_semaphore, #tpu.memory_space<semaphore_mem>>
    tpu.wait_indirect_dma semaphore(%dma_wait3A_141 : memref<!tpu.dma_semaphore, #tpu.memory_space<semaphore_mem>>) src(%dma_wait3A_133 : memref<128x16xf32, #tpu.memory_space<vmem>>) dst(%dma_wait3A_139 : memref<10240x16xf32, #tpu.memory_space<vmem_shared>>)
    %dma_wait3A_142 = arith.constant 8 : i32
    %dma_wait3A_143 = arith.constant 0 : i32
    %dma_wait3A_144 = arith.constant 8 : i32
    %dma_wait3A_145 = arith.constant 0 : i32
    %dma_wait3A_146 = arith.constant 0 : i32
    %dma_wait3A_147 = tpu.memref_slice %arg7[%dma_wait3A_142, %dma_wait3A_145, %dma_wait3A_146] : memref<12x128x16xf32, #tpu.memory_space<vmem>> -> memref<1x128x16xf32, #tpu.memory_space<vmem>>
    %dma_wait3A_148 = tpu.memref_squeeze %dma_wait3A_147 : memref<1x128x16xf32, #tpu.memory_space<vmem>> -> memref<128x16xf32, #tpu.memory_space<vmem>>
    %dma_wait3A_149 = arith.constant 0 : i32
    %dma_wait3A_150 = tpu.memref_slice %arg6[%dma_wait3A_143, %dma_wait3A_149] : memref<79x128xi32, #tpu.memory_space<vmem>> -> memref<1x128xi32, #tpu.memory_space<vmem>>
    %dma_wait3A_151 = tpu.memref_squeeze %dma_wait3A_150 : memref<1x128xi32, #tpu.memory_space<vmem>> -> memref<128xi32, #tpu.memory_space<vmem>>
    %dma_wait3A_152 = arith.constant 0 : i32
    %dma_wait3A_153 = arith.constant 0 : i32
    %dma_wait3A_154 = tpu.memref_slice %arg9[%dma_wait3A_152, %dma_wait3A_153] : memref<10240x16xf32, #tpu.memory_space<vmem_shared>> -> memref<10240x16xf32, #tpu.memory_space<vmem_shared>>
    %dma_wait3A_155 = tpu.memref_slice %arg11[%dma_wait3A_144] : memref<12x!tpu.dma_semaphore, #tpu.memory_space<semaphore_mem>> -> memref<1x!tpu.dma_semaphore, #tpu.memory_space<semaphore_mem>>
    %dma_wait3A_156 = tpu.memref_squeeze %dma_wait3A_155 : memref<1x!tpu.dma_semaphore, #tpu.memory_space<semaphore_mem>> -> memref<!tpu.dma_semaphore, #tpu.memory_space<semaphore_mem>>
    tpu.wait_indirect_dma semaphore(%dma_wait3A_156 : memref<!tpu.dma_semaphore, #tpu.memory_space<semaphore_mem>>) src(%dma_wait3A_148 : memref<128x16xf32, #tpu.memory_space<vmem>>) dst(%dma_wait3A_154 : memref<10240x16xf32, #tpu.memory_space<vmem_shared>>)
    %dma_wait3A_157 = arith.constant 9 : i32
    %dma_wait3A_158 = arith.constant 0 : i32
    %dma_wait3A_159 = arith.constant 9 : i32
    %dma_wait3A_160 = arith.constant 0 : i32
    %dma_wait3A_161 = arith.constant 0 : i32
    %dma_wait3A_162 = tpu.memref_slice %arg7[%dma_wait3A_157, %dma_wait3A_160, %dma_wait3A_161] : memref<12x128x16xf32, #tpu.memory_space<vmem>> -> memref<1x128x16xf32, #tpu.memory_space<vmem>>
    %dma_wait3A_163 = tpu.memref_squeeze %dma_wait3A_162 : memref<1x128x16xf32, #tpu.memory_space<vmem>> -> memref<128x16xf32, #tpu.memory_space<vmem>>
    %dma_wait3A_164 = arith.constant 0 : i32
    %dma_wait3A_165 = tpu.memref_slice %arg6[%dma_wait3A_158, %dma_wait3A_164] : memref<79x128xi32, #tpu.memory_space<vmem>> -> memref<1x128xi32, #tpu.memory_space<vmem>>
    %dma_wait3A_166 = tpu.memref_squeeze %dma_wait3A_165 : memref<1x128xi32, #tpu.memory_space<vmem>> -> memref<128xi32, #tpu.memory_space<vmem>>
    %dma_wait3A_167 = arith.constant 0 : i32
    %dma_wait3A_168 = arith.constant 0 : i32
    %dma_wait3A_169 = tpu.memref_slice %arg9[%dma_wait3A_167, %dma_wait3A_168] : memref<10240x16xf32, #tpu.memory_space<vmem_shared>> -> memref<10240x16xf32, #tpu.memory_space<vmem_shared>>
    %dma_wait3A_170 = tpu.memref_slice %arg11[%dma_wait3A_159] : memref<12x!tpu.dma_semaphore, #tpu.memory_space<semaphore_mem>> -> memref<1x!tpu.dma_semaphore, #tpu.memory_space<semaphore_mem>>
    %dma_wait3A_171 = tpu.memref_squeeze %dma_wait3A_170 : memref<1x!tpu.dma_semaphore, #tpu.memory_space<semaphore_mem>> -> memref<!tpu.dma_semaphore, #tpu.memory_space<semaphore_mem>>
    tpu.wait_indirect_dma semaphore(%dma_wait3A_171 : memref<!tpu.dma_semaphore, #tpu.memory_space<semaphore_mem>>) src(%dma_wait3A_163 : memref<128x16xf32, #tpu.memory_space<vmem>>) dst(%dma_wait3A_169 : memref<10240x16xf32, #tpu.memory_space<vmem_shared>>)
    %dma_wait3A_172 = arith.constant 10 : i32
    %dma_wait3A_173 = arith.constant 0 : i32
    %dma_wait3A_174 = arith.constant 10 : i32
    %dma_wait3A_175 = arith.constant 0 : i32
    %dma_wait3A_176 = arith.constant 0 : i32
    %dma_wait3A_177 = tpu.memref_slice %arg7[%dma_wait3A_172, %dma_wait3A_175, %dma_wait3A_176] : memref<12x128x16xf32, #tpu.memory_space<vmem>> -> memref<1x128x16xf32, #tpu.memory_space<vmem>>
    %dma_wait3A_178 = tpu.memref_squeeze %dma_wait3A_177 : memref<1x128x16xf32, #tpu.memory_space<vmem>> -> memref<128x16xf32, #tpu.memory_space<vmem>>
    %dma_wait3A_179 = arith.constant 0 : i32
    %dma_wait3A_180 = tpu.memref_slice %arg6[%dma_wait3A_173, %dma_wait3A_179] : memref<79x128xi32, #tpu.memory_space<vmem>> -> memref<1x128xi32, #tpu.memory_space<vmem>>
    %dma_wait3A_181 = tpu.memref_squeeze %dma_wait3A_180 : memref<1x128xi32, #tpu.memory_space<vmem>> -> memref<128xi32, #tpu.memory_space<vmem>>
    %dma_wait3A_182 = arith.constant 0 : i32
    %dma_wait3A_183 = arith.constant 0 : i32
    %dma_wait3A_184 = tpu.memref_slice %arg9[%dma_wait3A_182, %dma_wait3A_183] : memref<10240x16xf32, #tpu.memory_space<vmem_shared>> -> memref<10240x16xf32, #tpu.memory_space<vmem_shared>>
    %dma_wait3A_185 = tpu.memref_slice %arg11[%dma_wait3A_174] : memref<12x!tpu.dma_semaphore, #tpu.memory_space<semaphore_mem>> -> memref<1x!tpu.dma_semaphore, #tpu.memory_space<semaphore_mem>>
    %dma_wait3A_186 = tpu.memref_squeeze %dma_wait3A_185 : memref<1x!tpu.dma_semaphore, #tpu.memory_space<semaphore_mem>> -> memref<!tpu.dma_semaphore, #tpu.memory_space<semaphore_mem>>
    tpu.wait_indirect_dma semaphore(%dma_wait3A_186 : memref<!tpu.dma_semaphore, #tpu.memory_space<semaphore_mem>>) src(%dma_wait3A_178 : memref<128x16xf32, #tpu.memory_space<vmem>>) dst(%dma_wait3A_184 : memref<10240x16xf32, #tpu.memory_space<vmem_shared>>)
    %dma_wait3A_187 = arith.constant 11 : i32
    %dma_wait3A_188 = arith.constant 0 : i32
    %dma_wait3A_189 = arith.constant 11 : i32
    %dma_wait3A_190 = arith.constant 0 : i32
    %dma_wait3A_191 = arith.constant 0 : i32
    %dma_wait3A_192 = tpu.memref_slice %arg7[%dma_wait3A_187, %dma_wait3A_190, %dma_wait3A_191] : memref<12x128x16xf32, #tpu.memory_space<vmem>> -> memref<1x128x16xf32, #tpu.memory_space<vmem>>
    %dma_wait3A_193 = tpu.memref_squeeze %dma_wait3A_192 : memref<1x128x16xf32, #tpu.memory_space<vmem>> -> memref<128x16xf32, #tpu.memory_space<vmem>>
    %dma_wait3A_194 = arith.constant 0 : i32
    %dma_wait3A_195 = tpu.memref_slice %arg6[%dma_wait3A_188, %dma_wait3A_194] : memref<79x128xi32, #tpu.memory_space<vmem>> -> memref<1x128xi32, #tpu.memory_space<vmem>>
    %dma_wait3A_196 = tpu.memref_squeeze %dma_wait3A_195 : memref<1x128xi32, #tpu.memory_space<vmem>> -> memref<128xi32, #tpu.memory_space<vmem>>
    %dma_wait3A_197 = arith.constant 0 : i32
    %dma_wait3A_198 = arith.constant 0 : i32
    %dma_wait3A_199 = tpu.memref_slice %arg9[%dma_wait3A_197, %dma_wait3A_198] : memref<10240x16xf32, #tpu.memory_space<vmem_shared>> -> memref<10240x16xf32, #tpu.memory_space<vmem_shared>>
    %dma_wait3A_200 = tpu.memref_slice %arg11[%dma_wait3A_189] : memref<12x!tpu.dma_semaphore, #tpu.memory_space<semaphore_mem>> -> memref<1x!tpu.dma_semaphore, #tpu.memory_space<semaphore_mem>>
    %dma_wait3A_201 = tpu.memref_squeeze %dma_wait3A_200 : memref<1x!tpu.dma_semaphore, #tpu.memory_space<semaphore_mem>> -> memref<!tpu.dma_semaphore, #tpu.memory_space<semaphore_mem>>
    tpu.wait_indirect_dma semaphore(%dma_wait3A_201 : memref<!tpu.dma_semaphore, #tpu.memory_space<semaphore_mem>>) src(%dma_wait3A_193 : memref<128x16xf32, #tpu.memory_space<vmem>>) dst(%dma_wait3A_199 : memref<10240x16xf32, #tpu.memory_space<vmem_shared>>)
    %barrier3A_202 = arith.constant 0 : index
    tpu.barrier barrier_id(%barrier3A_202)
    %mul3A_203 = arith.constant 640 : i32
    %mul3A_204 = arith.muli %arg1, %mul3A_203 : i32
    %mul3A_205 = arith.constant 640 : i32
    %mul3A_206 = arith.muli %arg1, %mul3A_205 : i32
    "tpu.region"() ({
      %run_scoped3A_207 = tpu.sem_alloc : memref<!tpu.dma_semaphore, #tpu.memory_space<semaphore_mem>>
      %dma_start3A = arith.constant 0 : i32
      %dma_start3A_208 = tpu.memref_slice %arg4[%arg0, %mul3A_206, %dma_start3A] : memref<2x10240x16xf32, #tpu.memory_space<hbm>> -> memref<1x640x16xf32, #tpu.memory_space<hbm>>
      %dma_start3A_209 = tpu.memref_squeeze %dma_start3A_208 : memref<1x640x16xf32, #tpu.memory_space<hbm>> -> memref<640x16xf32, #tpu.memory_space<hbm>>
      %dma_start3A_210 = arith.constant 0 : i32
      %dma_start3A_211 = tpu.memref_slice %arg9[%mul3A_204, %dma_start3A_210] : memref<10240x16xf32, #tpu.memory_space<vmem_shared>> -> memref<640x16xf32, #tpu.memory_space<vmem_shared>>
      tpu.enqueue_dma source(%dma_start3A_211 : memref<640x16xf32, #tpu.memory_space<vmem_shared>>) target(%dma_start3A_209 : memref<640x16xf32, #tpu.memory_space<hbm>>) target_semaphore(%run_scoped3A_207 : memref<!tpu.dma_semaphore, #tpu.memory_space<semaphore_mem>>)
      %dma_wait3A_212 = arith.constant 0 : i32
      %dma_wait3A_213 = tpu.memref_slice %arg4[%arg0, %mul3A_206, %dma_wait3A_212] : memref<2x10240x16xf32, #tpu.memory_space<hbm>> -> memref<1x640x16xf32, #tpu.memory_space<hbm>>
      %dma_wait3A_214 = tpu.memref_squeeze %dma_wait3A_213 : memref<1x640x16xf32, #tpu.memory_space<hbm>> -> memref<640x16xf32, #tpu.memory_space<hbm>>
      %dma_wait3A_215 = arith.constant 0 : i32
      %dma_wait3A_216 = tpu.memref_slice %arg9[%mul3A_204, %dma_wait3A_215] : memref<10240x16xf32, #tpu.memory_space<vmem_shared>> -> memref<640x16xf32, #tpu.memory_space<vmem_shared>>
      tpu.wait_dma2 semaphore(%run_scoped3A_207 : memref<!tpu.dma_semaphore, #tpu.memory_space<semaphore_mem>>) src(%dma_wait3A_216 : memref<640x16xf32, #tpu.memory_space<vmem_shared>>) dst(%dma_wait3A_214 : memref<640x16xf32, #tpu.memory_space<hbm>>)
      tpu.yield
    }) : () -> ()
    return
  }
}

module attributes {stable_mosaic.version = 14 : i64} {
  func.func @_tc_mm1(%arg0: i32, %arg1: memref<2000x128xf32, #tpu.memory_space<vmem>>, %arg2: memref<128x16xf32, #tpu.memory_space<vmem>>, %arg3: memref<2000x16xf32, #tpu.memory_space<vmem>>) attributes {dimension_semantics = [#tpu.dimension_semantics<arbitrary>], iteration_bounds = array<i64: 5>, scalar_prefetch = 0 : i64, scratch_operands = 0 : i64, tpu.core_type = #tpu.core_type<tc>, window_params = [{transform_indices = @transform_0, window_bounds = array<i64: 2000, 128>}, {pipeline_mode = #tpu.pipeline_mode<synchronous>, transform_indices = @transform_1, window_bounds = array<i64: 128, 16>}, {transform_indices = @transform_2, window_bounds = array<i64: 2000, 16>}]} {
    %get3A = arith.constant 0 : index
    %get3A_0 = arith.constant 0 : index
    %get3A_1 = vector.load %arg1[%get3A, %get3A_0] : memref<2000x128xf32, #tpu.memory_space<vmem>>, vector<2000x128xf32>
    %get3A_2 = arith.constant 0 : index
    %get3A_3 = arith.constant 0 : index
    %get3A_4 = vector.load %arg2[%get3A_2, %get3A_3] : memref<128x16xf32, #tpu.memory_space<vmem>>, vector<128x16xf32>
    %dot_general3A = arith.constant dense<0.000000e+00> : vector<2000x16xf32>
    %dot_general3A_5 = tpu.matmul %get3A_1, %get3A_4, %dot_general3A {dimension_numbers = #tpu.dot_dimension_numbers<[1], [0], [0], [1], [0, 0, 1, 1], [], []>, transpose_lhs_hint = false} : vector<2000x128xf32>, vector<128x16xf32>, vector<2000x16xf32> -> vector<2000x16xf32>
    %swap3A = arith.constant 0 : index
    %swap3A_6 = arith.constant 0 : index
    %swap3A_7 = vector.load %arg3[%swap3A, %swap3A_6] : memref<2000x16xf32, #tpu.memory_space<vmem>>, vector<2000x16xf32>
    tpu.vector_store %arg3[%swap3A, %swap3A_6], %dot_general3A_5 {strides = array<i32>} : memref<2000x16xf32, #tpu.memory_space<vmem>>, vector<2000x16xf32>,
    return
  }
  func.func @transform_0(%arg0: i32) -> (i32, i32) {
    %c0_i32 = arith.constant 0 : i32
    %c0_i32_0 = arith.constant 0 : i32
    return %arg0, %c0_i32 : i32, i32
  }
  func.func @transform_1(%arg0: i32) -> (i32, i32) {
    %c0_i32 = arith.constant 0 : i32
    %c0_i32_0 = arith.constant 0 : i32
    %c0_i32_1 = arith.constant 0 : i32
    return %c0_i32, %c0_i32_0 : i32, i32
  }
  func.func @transform_2(%arg0: i32) -> (i32, i32) {
    %c0_i32 = arith.constant 0 : i32
    %c0_i32_0 = arith.constant 0 : i32
    return %arg0, %c0_i32 : i32, i32
  }
}

module attributes {stable_mosaic.version = 14 : i64} {
  func.func @_tc_scale(%arg0: i32, %arg1: memref<2000x16xf32, #tpu.memory_space<vmem>>, %arg2: memref<2x2000x16xf32, #tpu.memory_space<vmem>>, %arg3: memref<2000x16xf32, #tpu.memory_space<vmem>>, %arg4: memref<2000x16xf32, #tpu.memory_space<vmem>>) attributes {dimension_semantics = [#tpu.dimension_semantics<arbitrary>], iteration_bounds = array<i64: 5>, scalar_prefetch = 0 : i64, scratch_operands = 0 : i64, tpu.core_type = #tpu.core_type<tc>, window_params = [{transform_indices = @transform_0, window_bounds = array<i64: 2000, 16>}, {transform_indices = @transform_1, window_bounds = array<i64: 2, 2000, 16>}, {transform_indices = @transform_2, window_bounds = array<i64: 2000, 16>}, {transform_indices = @transform_3, window_bounds = array<i64: 2000, 16>}]} {
    %get3A = arith.constant 0 : index
    %get3A_0 = arith.constant 0 : index
    %get3A_1 = arith.constant 0 : index
    %get3A_2 = vector.load %arg2[%get3A, %get3A_0, %get3A_1] : memref<2x2000x16xf32, #tpu.memory_space<vmem>>, vector<1x2000x16xf32>
    %get3A_3 = vector.shape_cast %get3A_2 : vector<1x2000x16xf32> to vector<2000x16xf32>
    %add3A = arith.constant 1.000000e+00 : f32
    %add3A_4 = vector.broadcast %add3A : f32 to vector<2000x16xf32>
    %add3A_5 = arith.addf %add3A_4, %get3A_3 : vector<2000x16xf32>
    %get3A_6 = arith.constant 1 : index
    %get3A_7 = arith.constant 0 : index
    %get3A_8 = arith.constant 0 : index
    %get3A_9 = vector.load %arg2[%get3A_6, %get3A_7, %get3A_8] : memref<2x2000x16xf32, #tpu.memory_space<vmem>>, vector<1x2000x16xf32>
    %get3A_10 = vector.shape_cast %get3A_9 : vector<1x2000x16xf32> to vector<2000x16xf32>
    %add3A_11 = arith.addf %add3A_5, %get3A_10 : vector<2000x16xf32>
    %rsqrt3A = math.rsqrt %add3A_11 : vector<2000x16xf32>
    %swap3A = arith.constant 0 : index
    %swap3A_12 = arith.constant 0 : index
    %swap3A_13 = vector.load %arg4[%swap3A, %swap3A_12] : memref<2000x16xf32, #tpu.memory_space<vmem>>, vector<2000x16xf32>
    tpu.vector_store %arg4[%swap3A, %swap3A_12], %rsqrt3A {strides = array<i32>} : memref<2000x16xf32, #tpu.memory_space<vmem>>, vector<2000x16xf32>,
    %get3A_14 = arith.constant 0 : index
    %get3A_15 = arith.constant 0 : index
    %get3A_16 = vector.load %arg1[%get3A_14, %get3A_15] : memref<2000x16xf32, #tpu.memory_space<vmem>>, vector<2000x16xf32>
    %mul3A = arith.mulf %rsqrt3A, %get3A_16 : vector<2000x16xf32>
    %swap3A_17 = arith.constant 0 : index
    %swap3A_18 = arith.constant 0 : index
    %swap3A_19 = vector.load %arg3[%swap3A_17, %swap3A_18] : memref<2000x16xf32, #tpu.memory_space<vmem>>, vector<2000x16xf32>
    tpu.vector_store %arg3[%swap3A_17, %swap3A_18], %mul3A {strides = array<i32>} : memref<2000x16xf32, #tpu.memory_space<vmem>>, vector<2000x16xf32>,
    return
  }
  func.func @transform_0(%arg0: i32) -> (i32, i32) {
    %c0_i32 = arith.constant 0 : i32
    %c0_i32_0 = arith.constant 0 : i32
    return %arg0, %c0_i32 : i32, i32
  }
  func.func @transform_1(%arg0: i32) -> (i32, i32, i32) {
    %c0_i32 = arith.constant 0 : i32
    %c0_i32_0 = arith.constant 0 : i32
    %c0_i32_1 = arith.constant 0 : i32
    return %c0_i32, %arg0, %c0_i32_0 : i32, i32, i32
  }
  func.func @transform_2(%arg0: i32) -> (i32, i32) {
    %c0_i32 = arith.constant 0 : i32
    %c0_i32_0 = arith.constant 0 : i32
    return %arg0, %c0_i32 : i32, i32
  }
  func.func @transform_3(%arg0: i32) -> (i32, i32) {
    %c0_i32 = arith.constant 0 : i32
    %c0_i32_0 = arith.constant 0 : i32
    return %arg0, %c0_i32 : i32, i32
  }
}

module attributes {stable_mosaic.version = 14 : i64} {
  func.func @_tc_mid(%arg0: i32, %arg1: memref<2x2000x16xf32, #tpu.memory_space<vmem>>, %arg2: memref<2000x16xf32, #tpu.memory_space<vmem>>, %arg3: memref<2000x16xf32, #tpu.memory_space<vmem>>, %arg4: memref<1x16xf32, #tpu.memory_space<vmem>>, %arg5: memref<16x16xf32, #tpu.memory_space<vmem>>, %arg6: memref<2000x16xf32, #tpu.memory_space<vmem>>) attributes {dimension_semantics = [#tpu.dimension_semantics<arbitrary>], iteration_bounds = array<i64: 5>, scalar_prefetch = 0 : i64, scratch_operands = 0 : i64, tpu.core_type = #tpu.core_type<tc>, window_params = [{transform_indices = @transform_0, window_bounds = array<i64: 2, 2000, 16>}, {transform_indices = @transform_1, window_bounds = array<i64: 2000, 16>}, {transform_indices = @transform_2, window_bounds = array<i64: 2000, 16>}, {pipeline_mode = #tpu.pipeline_mode<synchronous>, transform_indices = @transform_3, window_bounds = array<i64: 1, 16>}, {pipeline_mode = #tpu.pipeline_mode<synchronous>, transform_indices = @transform_4, window_bounds = array<i64: 16, 16>}, {transform_indices = @transform_5, window_bounds = array<i64: 2000, 16>}]} {
    %get3A = arith.constant 0 : index
    %get3A_0 = arith.constant 0 : index
    %get3A_1 = vector.load %arg3[%get3A, %get3A_0] : memref<2000x16xf32, #tpu.memory_space<vmem>>, vector<2000x16xf32>
    %get3A_2 = arith.constant 0 : index
    %get3A_3 = arith.constant 0 : index
    %get3A_4 = arith.constant 0 : index
    %get3A_5 = vector.load %arg1[%get3A_2, %get3A_3, %get3A_4] : memref<2x2000x16xf32, #tpu.memory_space<vmem>>, vector<1x2000x16xf32>
    %get3A_6 = vector.shape_cast %get3A_5 : vector<1x2000x16xf32> to vector<2000x16xf32>
    %get3A_7 = arith.constant 1 : index
    %get3A_8 = arith.constant 0 : index
    %get3A_9 = arith.constant 0 : index
    %get3A_10 = vector.load %arg1[%get3A_7, %get3A_8, %get3A_9] : memref<2x2000x16xf32, #tpu.memory_space<vmem>>, vector<1x2000x16xf32>
    %get3A_11 = vector.shape_cast %get3A_10 : vector<1x2000x16xf32> to vector<2000x16xf32>
    %add3A = arith.addf %get3A_6, %get3A_11 : vector<2000x16xf32>
    %get3A_12 = arith.constant 0 : index
    %get3A_13 = arith.constant 0 : index
    %get3A_14 = vector.load %arg2[%get3A_12, %get3A_13] : memref<2000x16xf32, #tpu.memory_space<vmem>>, vector<2000x16xf32>
    %add3A_15 = arith.addf %add3A, %get3A_14 : vector<2000x16xf32>
    %mul3A = arith.mulf %get3A_1, %add3A_15 : vector<2000x16xf32>
    %get3A_16 = arith.constant 0 : index
    %get3A_17 = arith.constant 0 : index
    %get3A_18 = vector.load %arg4[%get3A_16, %get3A_17] : memref<1x16xf32, #tpu.memory_space<vmem>>, vector<1x16xf32>
    %add3A_19 = vector.broadcast %get3A_18 : vector<1x16xf32> to vector<2000x16xf32>
    %add3A_20 = arith.addf %mul3A, %add3A_19 : vector<2000x16xf32>
    %get3A_21 = arith.constant 0 : index
    %get3A_22 = arith.constant 0 : index
    %get3A_23 = vector.load %arg5[%get3A_21, %get3A_22] : memref<16x16xf32, #tpu.memory_space<vmem>>, vector<16x16xf32>
    %dot_general3A = arith.constant dense<0.000000e+00> : vector<2000x16xf32>
    %dot_general3A_24 = tpu.matmul %add3A_20, %get3A_23, %dot_general3A {dimension_numbers = #tpu.dot_dimension_numbers<[1], [0], [0], [1], [0, 0, 1, 1], [], []>, transpose_lhs_hint = false} : vector<2000x16xf32>, vector<16x16xf32>, vector<2000x16xf32> -> vector<2000x16xf32>
    %mul3A_25 = arith.mulf %get3A_1, %dot_general3A_24 : vector<2000x16xf32>
    %swap3A = arith.constant 0 : index
    %swap3A_26 = arith.constant 0 : index
    %swap3A_27 = vector.load %arg6[%swap3A, %swap3A_26] : memref<2000x16xf32, #tpu.memory_space<vmem>>, vector<2000x16xf32>
    tpu.vector_store %arg6[%swap3A, %swap3A_26], %mul3A_25 {strides = array<i32>} : memref<2000x16xf32, #tpu.memory_space<vmem>>, vector<2000x16xf32>,
    return
  }
  func.func @transform_0(%arg0: i32) -> (i32, i32, i32) {
    %c0_i32 = arith.constant 0 : i32
    %c0_i32_0 = arith.constant 0 : i32
    %c0_i32_1 = arith.constant 0 : i32
    return %c0_i32, %arg0, %c0_i32_0 : i32, i32, i32
  }
  func.func @transform_1(%arg0: i32) -> (i32, i32) {
    %c0_i32 = arith.constant 0 : i32
    %c0_i32_0 = arith.constant 0 : i32
    return %arg0, %c0_i32 : i32, i32
  }
  func.func @transform_2(%arg0: i32) -> (i32, i32) {
    %c0_i32 = arith.constant 0 : i32
    %c0_i32_0 = arith.constant 0 : i32
    return %arg0, %c0_i32 : i32, i32
  }
  func.func @transform_3(%arg0: i32) -> (i32, i32) {
    %c0_i32 = arith.constant 0 : i32
    %c0_i32_0 = arith.constant 0 : i32
    %c0_i32_1 = arith.constant 0 : i32
    return %c0_i32, %c0_i32_0 : i32, i32
  }
  func.func @transform_4(%arg0: i32) -> (i32, i32) {
    %c0_i32 = arith.constant 0 : i32
    %c0_i32_0 = arith.constant 0 : i32
    %c0_i32_1 = arith.constant 0 : i32
    return %c0_i32, %c0_i32_0 : i32, i32
  }
  func.func @transform_5(%arg0: i32) -> (i32, i32) {
    %c0_i32 = arith.constant 0 : i32
    %c0_i32_0 = arith.constant 0 : i32
    return %arg0, %c0_i32 : i32, i32
  }
}

module attributes {stable_mosaic.version = 14 : i64} {
  func.func @_tc_last(%arg0: i32, %arg1: memref<2x2000x16xf32, #tpu.memory_space<vmem>>, %arg2: memref<2000x16xf32, #tpu.memory_space<vmem>>, %arg3: memref<2000x16xf32, #tpu.memory_space<vmem>>, %arg4: memref<1x16xf32, #tpu.memory_space<vmem>>, %arg5: memref<2000x16xf32, #tpu.memory_space<vmem>>) attributes {dimension_semantics = [#tpu.dimension_semantics<arbitrary>], iteration_bounds = array<i64: 5>, scalar_prefetch = 0 : i64, scratch_operands = 0 : i64, tpu.core_type = #tpu.core_type<tc>, window_params = [{transform_indices = @transform_0, window_bounds = array<i64: 2, 2000, 16>}, {transform_indices = @transform_1, window_bounds = array<i64: 2000, 16>}, {transform_indices = @transform_2, window_bounds = array<i64: 2000, 16>}, {pipeline_mode = #tpu.pipeline_mode<synchronous>, transform_indices = @transform_3, window_bounds = array<i64: 1, 16>}, {transform_indices = @transform_4, window_bounds = array<i64: 2000, 16>}]} {
    %get3A = arith.constant 0 : index
    %get3A_0 = arith.constant 0 : index
    %get3A_1 = vector.load %arg3[%get3A, %get3A_0] : memref<2000x16xf32, #tpu.memory_space<vmem>>, vector<2000x16xf32>
    %get3A_2 = arith.constant 0 : index
    %get3A_3 = arith.constant 0 : index
    %get3A_4 = arith.constant 0 : index
    %get3A_5 = vector.load %arg1[%get3A_2, %get3A_3, %get3A_4] : memref<2x2000x16xf32, #tpu.memory_space<vmem>>, vector<1x2000x16xf32>
    %get3A_6 = vector.shape_cast %get3A_5 : vector<1x2000x16xf32> to vector<2000x16xf32>
    %get3A_7 = arith.constant 1 : index
    %get3A_8 = arith.constant 0 : index
    %get3A_9 = arith.constant 0 : index
    %get3A_10 = vector.load %arg1[%get3A_7, %get3A_8, %get3A_9] : memref<2x2000x16xf32, #tpu.memory_space<vmem>>, vector<1x2000x16xf32>
    %get3A_11 = vector.shape_cast %get3A_10 : vector<1x2000x16xf32> to vector<2000x16xf32>
    %add3A = arith.addf %get3A_6, %get3A_11 : vector<2000x16xf32>
    %get3A_12 = arith.constant 0 : index
    %get3A_13 = arith.constant 0 : index
    %get3A_14 = vector.load %arg2[%get3A_12, %get3A_13] : memref<2000x16xf32, #tpu.memory_space<vmem>>, vector<2000x16xf32>
    %add3A_15 = arith.addf %add3A, %get3A_14 : vector<2000x16xf32>
    %mul3A = arith.mulf %get3A_1, %add3A_15 : vector<2000x16xf32>
    %get3A_16 = arith.constant 0 : index
    %get3A_17 = arith.constant 0 : index
    %get3A_18 = vector.load %arg4[%get3A_16, %get3A_17] : memref<1x16xf32, #tpu.memory_space<vmem>>, vector<1x16xf32>
    %add3A_19 = vector.broadcast %get3A_18 : vector<1x16xf32> to vector<2000x16xf32>
    %add3A_20 = arith.addf %mul3A, %add3A_19 : vector<2000x16xf32>
    %reduce_max3A = arith.constant dense<0xFF800000> : vector<2000xf32>
    %reduce_max3A_21 = vector.multi_reduction <maximumf>, %add3A_20, %reduce_max3A [1] : vector<2000x16xf32> to vector<2000xf32>
    %broadcast_in_dim3A = vector.shape_cast %reduce_max3A_21 : vector<2000xf32> to vector<2000x1xf32>
    %sub3A = vector.broadcast %broadcast_in_dim3A : vector<2000x1xf32> to vector<2000x16xf32>
    %sub3A_22 = arith.subf %add3A_20, %sub3A : vector<2000x16xf32>
    %exp3A = math.exp %sub3A_22 : vector<2000x16xf32>
    %reduce_sum3A = arith.constant dense<0.000000e+00> : vector<2000xf32>
    %reduce_sum3A_23 = vector.multi_reduction <add>, %exp3A, %reduce_sum3A [1] : vector<2000x16xf32> to vector<2000xf32>
    %broadcast_in_dim3A_24 = vector.shape_cast %reduce_sum3A_23 : vector<2000xf32> to vector<2000x1xf32>
    %log3A = math.log %broadcast_in_dim3A_24 : vector<2000x1xf32>
    %add3A_25 = arith.addf %log3A, %broadcast_in_dim3A : vector<2000x1xf32>
    %sub3A_26 = vector.broadcast %add3A_25 : vector<2000x1xf32> to vector<2000x16xf32>
    %sub3A_27 = arith.subf %add3A_20, %sub3A_26 : vector<2000x16xf32>
    %swap3A = arith.constant 0 : index
    %swap3A_28 = arith.constant 0 : index
    %swap3A_29 = vector.load %arg5[%swap3A, %swap3A_28] : memref<2000x16xf32, #tpu.memory_space<vmem>>, vector<2000x16xf32>
    tpu.vector_store %arg5[%swap3A, %swap3A_28], %sub3A_27 {strides = array<i32>} : memref<2000x16xf32, #tpu.memory_space<vmem>>, vector<2000x16xf32>,
    return
  }
  func.func @transform_0(%arg0: i32) -> (i32, i32, i32) {
    %c0_i32 = arith.constant 0 : i32
    %c0_i32_0 = arith.constant 0 : i32
    %c0_i32_1 = arith.constant 0 : i32
    return %c0_i32, %arg0, %c0_i32_0 : i32, i32, i32
  }
  func.func @transform_1(%arg0: i32) -> (i32, i32) {
    %c0_i32 = arith.constant 0 : i32
    %c0_i32_0 = arith.constant 0 : i32
    return %arg0, %c0_i32 : i32, i32
  }
  func.func @transform_2(%arg0: i32) -> (i32, i32) {
    %c0_i32 = arith.constant 0 : i32
    %c0_i32_0 = arith.constant 0 : i32
    return %arg0, %c0_i32 : i32, i32
  }
  func.func @transform_3(%arg0: i32) -> (i32, i32) {
    %c0_i32 = arith.constant 0 : i32
    %c0_i32_0 = arith.constant 0 : i32
    %c0_i32_1 = arith.constant 0 : i32
    return %c0_i32, %c0_i32_0 : i32, i32
  }
  func.func @transform_4(%arg0: i32) -> (i32, i32) {
    %c0_i32 = arith.constant 0 : i32
    %c0_i32_0 = arith.constant 0 : i32
    return %arg0, %c0_i32 : i32, i32
  }
}

</mosaic_0001>

<sc_bundles>
// kernel: kernel.12.cloned.1.call-start
scs
__scs_entry_jumppad:
0x0: {  	(pc) =	sbr.rel $0x88, $3  }
0x1: {  	(tag) =	ssettag $0x0;
	lr =	simm.s32 $0x1  }
0x2: {  	[smem:$0x3F9B] =	sst lr;
	_ =	strace $0xD0000000  }
0x3: {  	_ = 	snop  }
0x4: {  	_ = 	snop  }
0x5: {  	_ = 	snop  }
0x6: {  	_ = 	snop  }
0x7: {  	_ = 	snop  }
__scs_overlays_trampoline_lowered:
0x8: {  	[smem:$0x3FAA] =	sst s0  }
0x9: {  	[smem:$0x3FAB] =	sst s1  }
0xa: {  	[smem:$0x3FAC] =	sst s2  }
0xb: {  	[smem:$0x3FAD] =	sst s3  }
0xc: {  	[smem:$0x3FAE] =	sst s4  }
0xd: {  	[smem:$0x3FAF] =	sst s5  }
0xe: {  	[smem:$0x3FB0] =	sst s6  }
0xf: {  	[smem:$0x3FB1] =	sst s7  }
0x10: {  	[smem:$0x3FB2] =	sst s8  }
0x11: {  	[smem:$0x3FB3] =	sst s9;
	s0 =	simm.s32 @!p0 $0x0  }
0x12: {  	s1 =	sld [smem:$0x3F99];
	s0 =	simm.s32 @p0 $0x1  }
0x13: {  	[smem:$0x3FB4] =	sst s0;
	s0 =	simm.s32 @!p1 $0x0  }
0x14: {  	s2 =	sld [smem:$0x3F98];
	s0 =	simm.s32 @p1 $0x1  }
0x15: {  	[smem:$0x3FB5] =	sst s0;
	s0 =	simm.s32 @!p2 $0x0  }
0x16: {  	s3 =	sld [smem:$0x3FDB];
	s0 =	simm.s32 @p2 $0x1  }
0x17: {  	s4 =	simm.s32 $0x1BF5;
	[smem:$0x3FB7] =	sst s0  }
0x18: {  	s0 =	sld [smem:$0x3F9A];
	_ =	swait.ge [sflag:s4], $0x0  }
0x19: {  	s7 =	sld [smem:$0x3F9B]  }
0x1a: {  	s8 =	sadd.s32 $0xFFFFE003, lr  }
0x1b: {  	s9 =	sadd.s32 $0xFFFFFEF7, lr;
	s5 =	simm.s32 $0xFFFFFFFF;
	p2 =	slt.u32 s8, $0xFFFFF086  }
0x1c: {  	p1 =	slt.u32 s9, $0xF7A;
	s5 =	simm.s32 @!p2 $0x0  }
0x1d: {  	s5 =	simm.s32 @p1 $0x1;
	p0 =	seq.s32 s7, s2  }
0x1e: {  	s7 =	smul.u32 @!p0 $0xF7A, s2;
	p2 =	seq.s32 @!p0 s5, $0x0  }
0x1f: {  	s9 =	smul.u32 $0xF7A, s1;
	s8 =	simm.s32 @!p0 $0x1BF5;
	p2 =	por !p2, p0  }
0x20: {  	[sflag:s8] =	ssyncset.s32 @!p0 $0xFFFFF086;
	s6 =	sadd.s32 @!p0 s3, s7;
	s7 =	simm.s32 @!p0 $0x108  }
0x21: {  	s3 =	sadd.s32 s3, s9;
	s6 =	sadd.s32 @!p0 $0x88, s6;
	s7 =	simm.s32 @p2 $0x1082  }
0x22: {  	[simem:s7], [sflag:s8] =	dma.local @!p0 [hbm:s6], $0xF7A  }
0x23: {  	s9 =	sor.u32 $0xD0000000, s2;
	s6 =	simm.s32 $0x108;
	_ =	swait.ge @!p0 [sflag:s8], $0x0  }
0x24: {  	s3 =	sadd.s32 $0x88, s3;
	s6 =	simm.s32 @!p1 $0x1082;
	[sflag:s4] =	ssyncset.s32 $0xFFFFF086  }
0x25: {  	[simem:s6], [sflag:s4] =	dma.local [hbm:s3], $0xF7A  }
0x26: {  	[smem:$0x3F9B] =	sst s1;
	(tag) =	ssettag s2;
	_ =	strace s9  }
0x27: {  	s1 =	sld [smem:$0x3FAB]  }
0x28: {  	s2 =	sld [smem:$0x3FAC]  }
0x29: {  	s4 =	sld [smem:$0x3FAE]  }
0x2a: {  	p0 =	seq.s32 s5, $0x0;
	s5 =	sld [smem:$0x3FAF]  }
0x2b: {  	s6 =	sld [smem:$0x3FB0]  }
0x2c: {  	s7 =	sld [smem:$0x3FB1]  }
0x2d: {  	s3 =	simm.s32 $0x108;
	s8 =	sld [smem:$0x3FB2]  }
0x2e: {  	s3 =	simm.s32 @!p0 $0x1082;
	s9 =	sld [smem:$0x3FB3]  }
0x2f: {  	lr =	sadd.s32 s0, s3;
	s0 =	sld [smem:$0x3FAA]  }
0x30: {  	s3 =	sld [smem:$0x3FAD]  }
0x31: {  	[smem:$0x3FB6] =	sst s10  }
0x32: {  	s10 =	sld [smem:$0x3FB4];
	_ =	sdelay $0x3  }
0x33: {  	p0 =	seq.s32 s10, $0x1;
	s10 =	sld [smem:$0x3FB6];
	_ =	sdelay $0x3  }
0x34: {  	[smem:$0x3FB6] =	sst s10  }
0x35: {  	s10 =	sld [smem:$0x3FB5];
	_ =	sdelay $0x3  }
0x36: {  	p1 =	seq.s32 s10, $0x1;
	s10 =	sld [smem:$0x3FB6];
	_ =	sdelay $0x3  }
0x37: {  	[smem:$0x3FB6] =	sst s10  }
0x38: {  	s10 =	sld [smem:$0x3FB7]  }
0x39: {  	_ = 	snop;
	(pc) =	sbr.ind lr, $3  }
0x3a: {  	_ = 	snop  }
0x3b: {  	_ = 	snop  }
0x3c: {  	p2 =	seq.s32 s10, $0x1;
	s10 =	sld [smem:$0x3FB6]  }
0x3d: {  	_ =	shalt  }
0x3e: {  	_ =	shalt  }
0x3f: {  	_ =	shalt  }
0x40: {  	_ =	shalt  }
0x41: {  	_ =	shalt  }
0x42: {  	_ =	shalt  }
0x43: {  	_ =	shalt  }
0x44: {  	_ =	shalt  }
0x45: {  	_ =	shalt  }
0x46: {  	_ =	shalt  }
0x47: {  	_ =	shalt  }
0x48: {  	_ =	shalt  }
0x49: {  	_ =	shalt  }
0x4a: {  	_ =	shalt  }
0x4b: {  	_ =	shalt  }
0x4c: {  	_ =	shalt  }
0x4d: {  	_ =	shalt  }
0x4e: {  	_ =	shalt  }
0x4f: {  	_ =	shalt  }
0x50: {  	_ =	shalt  }
0x51: {  	_ =	shalt  }
0x52: {  	_ =	shalt  }
0x53: {  	_ =	shalt  }
0x54: {  	_ =	shalt  }
0x55: {  	_ =	shalt  }
0x56: {  	_ =	shalt  }
0x57: {  	_ =	shalt  }
0x58: {  	_ =	shalt  }
0x59: {  	_ =	shalt  }
0x5a: {  	_ =	shalt  }
0x5b: {  	_ =	shalt  }
0x5c: {  	_ =	shalt  }
0x5d: {  	_ =	shalt  }
0x5e: {  	_ =	shalt  }
0x5f: {  	_ =	shalt  }
0x60: {  	_ =	shalt  }
0x61: {  	_ =	shalt  }
0x62: {  	_ =	shalt  }
0x63: {  	_ =	shalt  }
0x64: {  	_ =	shalt  }
0x65: {  	_ =	shalt  }
0x66: {  	_ =	shalt  }
0x67: {  	_ =	shalt  }
0x68: {  	_ =	shalt  }
0x69: {  	_ =	shalt  }
0x6a: {  	_ =	shalt  }
0x6b: {  	_ =	shalt  }
0x6c: {  	_ =	shalt  }
0x6d: {  	_ =	shalt  }
0x6e: {  	_ =	shalt  }
0x6f: {  	_ =	shalt  }
0x70: {  	_ =	shalt  }
0x71: {  	_ =	shalt  }
0x72: {  	_ =	shalt  }
0x73: {  	_ =	shalt  }
0x74: {  	_ =	shalt  }
0x75: {  	_ =	shalt  }
0x76: {  	_ =	shalt  }
0x77: {  	_ =	shalt  }
0x78: {  	_ =	shalt  }
0x79: {  	_ =	shalt  }
0x7a: {  	_ =	shalt  }
0x7b: {  	_ =	shalt  }
0x7c: {  	_ =	shalt  }
0x7d: {  	_ =	shalt  }
0x7e: {  	_ =	shalt  }
0x7f: {  	_ =	shalt  }
0x80: {  	_ =	shalt  }
0x81: {  	_ =	shalt  }
0x82: {  	_ =	shalt  }
0x83: {  	_ =	shalt  }
0x84: {  	_ =	shalt  }
0x85: {  	_ =	shalt  }
0x86: {  	_ =	shalt  }
0x87: {  	_ =	shalt  }
.Lfunc_end0:
.L_simem_size_0:
called_computation.1_lowered:
.L_overlay_start_0:
0x88: {  	s2 =	sld [smem:$0x3FD9]  }
0x89: {  	s3 =	sld [smem:$0x3FFE];
	_ =	sdelay $0x1  }
0x8a: {  	s1 =	srdreg.scid  }
0x8b: {  	s0 =	sand.u32 $0x1, s1  }
0x8c: {  	s17 =	sshll.u32 s0, $0xA;
	s2 =	sadd.s32 s3, s2  }
0x8d: {  	s2 =	sadd.s32 s2, s17  }
0x8e: {  	[smem:$0x3FC2] =	sst s2  }
0x8f: {  	_ = 	snop  }
0x90: {  	s2 =	sld [smem:$0x3FD0];
	(tm) =	ssettm $0x1  }
0x91: {  	s18 =	sld [smem:$0x3FFB];
	_ =	sdelay $0x3  }
0x92: {  	_ =	strace s18  }
0x93: {  	s3 =	sld [smem:$0x3FFC];
	_ =	sdelay $0x3  }
0x94: {  	_ =	strace s3  }
0x95: {  	s3 =	sld [smem:$0x3FFD];
	_ =	sdelay $0x3  }
0x96: {  	_ =	strace s3  }
0x97: {  	_ =	strace $0x8FFFFFFF  }
0x98: {  	s19 =	sld [smem:$0x3FDB];
	_ =	sdelay $0x1  }
0x99: {  	s4 =	simm.s32 $_scs_section_size  }
0x9a: {  	s5 =	simm.s32 $_size__tile_overlayer_lowered;
	s6 =	simm.s32 $_tile_overlayer_lowered  }
0x9b: {  	s22 =	simm.s32 $0x1BFF;
	s21 =	sshll.u32 s6, $0x1;
	s3 =	sadd.s32 s4, s19  }
0x9c: {  	s7 =	simm.s32 $0x0;
	s20 =	sshll.u32 s5, $0x1;
	s5 =	sadd.s32 s21, s3  }
0x9d: {  	[timem:s7], [sflag:s22] =	dma.local [hbm:s5], s20  }
0x9e: {  	_ =	swait.ge [sflag:s22], s20  }
0x9f: {  	s4 =	ssub.s32 $0x0, s20;
	[sflag:s22] =	ssyncset.done $0x0  }
0xa0: {  	[sflag:s22] =	ssyncadd.s32 s4;
	_ =	sdelay $0x1  }
0xa1: {  	s23 =	simm.s32 $0x1B8B  }
0xa2: {  	_ =	swait.ge [sflag:s23], $0x1  }
0xa3: {  	[sflag:s23] =	ssyncset.done $0x0  }
0xa4: {  	s25 =	simm.s32 $0x1B8E;
	s24 =	sld [smem:$0x3FFE];
	[sflag:s23] =	ssyncadd.s32 $0xFFFFFFFF  }
0xa5: {  	s26 =	simm.s32 $execute0_lowered;
	[smem:$0x3FD2] =	sst s25  }
0xa6: {  	s5 =	sshll.u32 s26, $0x1;
	_ =	strace $0x80000049;
	[dreg:$0x1] =	wrdreg $0xFFFFFFFF  }
0xa7: {  	s28 =	simm.s32 $_size_execute0_lowered;
	s3 =	sadd.s32 s3, s5;
	[dreg:$0x0] =	wrdreg $0x0  }
0xa8: {  	s5 =	sshll.u32 s28, $0x1;
	[dreg:$0x2] =	wrdreg s3  }
0xa9: {  	[dreg:$0x3] =	wrdreg s5  }
0xaa: {  	[dreg:$0x4] =	wrdreg $0xC0  }
0xab: {  	_ =	task [dreg:s7], $0x5FFFF  }
0xac: {  	[dreg:$0x1] =	wrdreg $0xFFFFFFFF  }
0xad: {  	[dreg:$0x0] =	wrdreg $0x60  }
0xae: {  	[dreg:$0x2] =	wrdreg s24  }
0xaf: {  	[dreg:$0x3] =	wrdreg s2  }
0xb0: {  	[dreg:$0x4] =	wrdreg $0xD7000  }
0xb1: {  	[dreg:$0x5] =	wrdreg $0x9  }
0xb2: {  	_ =	task.clear_ibuf [dreg:s7], $0x6FFFF;
	_ =	strace $0x90000049  }
0xb3: {  	s29 =	simm.s32 $0x9;
	_ =	strace $0x8000004B  }
0xb4: {  	_ =	swait.ge [sflag:s29], $0x1  }
0xb5: {  	[sflag:s29] =	ssyncadd.s32 $0xFFFFFFFF  }
0xb6: {  	_ =	strace $0x9000004B  }
0xb7: {  	_ =	sfence  }
0xb8: {  	s30 =	sld [smem:$0x0];
	_ =	sdelay $0x2  }
0xb9: {  	s31 =	sshll.u32 s1, $0xD;
	s1 =	sshrl.u32 s1, $0x2  }
0xba: {  	s3 =	sand.u32 $0x4000, s31;
	s1 =	sadd.s32 s1, s30  }
0xbb: {  	s0 =	sor.u32 s3, s0;
	s1 =	sshll.u32 s1, $0x11  }
0xbc: {  	s0 =	sor.u32 s1, s0  }
0xbd: {  	s0 =	sadd.s32 $0x8F2B, s0  }
0xbe: {  	[sflag:s0] =	ssyncadd.remote.s32 $0x1  }
0xbf: {  	_ =	sfence.sel $0xFFFF  }
0xc0: {  	[dreg:$0x0] =	wrdreg $0xFFFFFFFF;
	(pc) =	sbr.abs _section_cstart, $3  }
0xc1: {  	[dreg:$0x1] =	wrdreg $0xFFFFFFFF  }
0xc2: {  	_ =	task.clear_ibuf [dreg:s7], $0x2FFFF;
	_ =	strace $0x9FFFFFFF  }
0xc3: {  	(tm) =	ssettm $0x7FFFFFFF  }
tec
execute0_lowered:
.L_overlay_start_1:
0x0: {  	(tag) =	ssettag $0x1  }
0x1: {  	s0 =	srdreg.scid  }
0x2: {  	s1 =	rddreg [dreg:$0x0];
	s14 =	stileid.u32  }
0x3: {  	s16 =	rddreg [dreg:$0x1];
	s8 =	smul.u32 $0x2800, s14  }
0x4: {  	s18 =	rddreg [dreg:$0x2];
	s28 =	simm.s32 $0x4F;
	s15 =	smul.u32 $0x4E, s14  }
0x5: {  	s25 =	simm.s32 $0x4F00;
	s0 =	sand.u32 $0x1, s0;
	s19 =	smul.u32 $0x9C00, s14  }
0x6: {  	s26 =	simm.s32 $0x5700;
	s29 =	simm.s32 $0x5F00;
	s30 =	smul.u32 $0x28000, s0  }
0x7: {  	s3 =	sshll.u32 s0, $0x4;
	s12 =	ssub.s32 $0x2, s0;
	s2 =	smul.u32 $0x9C000, s0  }
0x8: {  	s0 =	smul.u32 $0x4E0, s0;
	s4 =	sor.u32 s14, s3;
	s3 =	simm.s32 $0x0  }
0x9: {  	s13 =	sshrl.u32 s12, $0x1;
	s5 =	smul.u32 $0x4E, s4;
	s7 =	smin.u32 s4, $0x4  }
0xa: {  	[smem:$0x7FF] =	sst s3;
	p0 =	slt.u32 s4, $0x4;
	s31 =	ssub.s32 s12, s13  }
0xb: {  	s12 =	sadd.s32 s8, s18;
	s20 =	sadd.s32 s19, s2;
	s4 =	simm.s32 $0x19  }
0xc: {  	s19 =	simm.s32 $0x80;
	_ =	strace $0x8000004A;
	[dreg:$0x8] =	wrdreg s25  }
0xd: {  	s2 =	simm.s32 $0x7700;
	s28 =	simm.s32 @!p0 $0x4E;
	[dreg:$0x9] =	wrdreg s26  }
0xe: {  	s0 =	sor.u32 s0, s7;
	s24 =	smax.u32 s31, $0x1;
	[dreg:$0xa] =	wrdreg s29  }
0xf: {  	s31 =	simm.s32 $0x6F00;
	s25 =	simm.s32 $0x5;
	s26 =	simm.s32 $0x6  }
0x10: {  	[dreg:$0x13] =	wrdreg s12;
	s6 =	sadd.s32 s7, s5;
	s5 =	sadd.s32 s8, s30  }
0x11: {  	[dreg:$0x17] =	wrdreg s24;
	s30 =	simm.s32 $0x6700;
	s9 =	smin.u32 s6, $0x975  }
0x12: {  	[dreg:$0xc] =	wrdreg s31;
	s11 =	sshrl.u32 s5, $0x3;
	s10 =	sshll.u32 s9, $0x4  }
0x13: {  	[dreg:$0xb] =	wrdreg s30;
	s6 =	ssub.s32 s6, s9;
	s10 =	sadd.s32 s10, s1  }
0x14: {  	s1 =	sadd.s32 s11, s1;
	[dreg:$0x10] =	wrdreg s6;
	s11 =	sadd.s32 $0x1E00, s10  }
0x15: {  	s0 =	sadd.s32 s15, s0;
	s13 =	sadd.s32 $0xBA40, s10;
	[dreg:$0x14] =	wrdreg s11  }
0x16: {  	s9 =	sshll.u32 s6, $0x9;
	s1 =	sadd.s32 $0x15800, s1;
	[dreg:$0x15] =	wrdreg s13  }
0x17: {  	s7 =	sshll.u32 s7, $0x9;
	s5 =	sshra.s32 s9, $0x2;
	[dreg:$0x16] =	wrdreg s1  }
0x18: {  	s0 =	smin.u32 s0, $0x975;
	s17 =	sadd.s32 $0x80, s5;
	[dreg:$0xe] =	wrdreg s5  }
0x19: {  	s0 =	sshll.u32 s0, $0x9;
	s21 =	sadd.s32 $0x100, s5;
	[dreg:$0x4] =	wrdreg s17  }
0x1a: {  	s1 =	sadd.s32 s7, s20;
	s22 =	sadd.s32 $0x180, s5;
	[dreg:$0x5] =	wrdreg s21  }
0x1b: {  	s23 =	sadd.s32 $0x200, s5;
	s0 =	ssub.s32 s1, s0;
	[dreg:$0x6] =	wrdreg s22  }
0x1c: {  	s24 =	simm.s32 $0x4;
	[dreg:$0x7] =	wrdreg s23;
	s11 =	sshra.s32 s0, $0x2  }
0x1d: {  	s20 =	simm.s32 $0x3;
	s14 =	sadd.s32 $0x2780, s11;
	[dreg:$0xd] =	wrdreg s11  }
0x1e: {  	v0 =	vimm.f32 $0.0e+00;
	s21 =	simm.s32 $0x1;
	s22 =	simm.s32 $0x2;
	[dreg:$0xf] =	wrdreg s14  }
.LBB2_1:
0x1f: {  	s0 =	simm.s32 $0x40;
	s1 =	simm.s32 $0x0  }
.LBB2_2:
0x20: {  	p0 =	sne.s32 s0, $0x9FC0;
	[tilespmem:s1+$0xAF00] =	vst v0;
	s1 =	smov.u32 s0;
	s0 =	sadd.s32 $0x40, s0  }
.Ltmp0:
0x21: {  	(pc) =	sbr.rel @p0 .LBB2_2-.Ltmp0, $2  }
0x22: {  	_ =	sdelay $0x2  }
0x23: {  	s1 =	sshra.s32 s1, $0x2  }
0x24: {  	[dreg:$0x12] =	wrdreg s3;
	[tilespmem:s1+$0xAF00] =	vst v0;
	s0 =	simm.s32 $0xAF00  }
0x25: {  	[spmem:s12] =	stream.linear.scatter [tilespmem:s0], [sflag:$0x19], $0x2800, $0x38;
	[tilespmem:$0xFF00] =	vst v63  }
0x26: {  	_ =	swait.ge [sflag:s4], $0x2800  }
0x27: {  	[sflag:s4] =	ssyncset.done $0x0  }
0x28: {  	s8 =	simm.s32 $0x0;
	s9 =	rddreg [dreg:$0x14];
	[sflag:s4] =	ssyncadd.s32 $0xFFFFD800  }
0x29: {  	[tilespmem:s8], [sflag:$0x19] =	stream.linear.gather [hbm4b:s9+s8], $0x2780, $0x38;
	[tilespmem:$0xFF00] =	vst v63  }
0x2a: {  	_ =	swait.ge [sflag:s4], $0x2780  }
0x2b: {  	[sflag:s4] =	ssyncset.done $0x0  }
0x2c: {  	s12 =	simm.s32 $0x2780;
	s10 =	rddreg [dreg:$0x15];
	[sflag:s4] =	ssyncadd.s32 $0xFFFFD880  }
0x2d: {  	[tilespmem:s12], [sflag:$0x19] =	stream.linear.gather [hbm4b:s10+s8], $0x2780, $0x38;
	[tilespmem:$0xFF00] =	vst v63  }
0x2e: {  	_ =	swait.ge [sflag:s4], $0x2780  }
0x2f: {  	[sflag:s4] =	ssyncset.done $0x0  }
0x30: {  	p5 =	por $0x0, $0x0;
	[sflag:s4] =	ssyncadd.s32 $0xFFFFD880  }
0x31: {  	s0 =	simm.s32 @p5 $0xD;
	[bflag:$0x0] =	sbarrier.arrive $0xFFFF  }
0x32: {  	_ =	swait.ge @p5 [sflag:s0], $0x800  }
0x33: {  	s1 =	sadd.s32 @p5 $0x0, s11;
	s7 =	simm.s32 @p5 $0x4F00;
	[sflag:s0] =	ssyncset.done @p5 $0x0  }
0x34: {  	s4 =	simm.s32 @p5 $0x80;
	[sflag:s0] =	ssyncadd.s32 @p5 $0xFFFFF800;
	s0 =	simm.s32 @p5 $0xE  }
0x35: {  	[tilespmem:s7], [sflag:$0x1] =	stream.indirect.gather @p5 [hbm4b:s16+s4], $0x10, s1, s4, $0xb8;
	[tilespmem:$0xFF00] =	vst v63  }
0x36: {  	_ =	swait.ge @p5 [sflag:s0], $0x800  }
0x37: {  	s9 =	simm.s32 @p5 $0xF;
	[sflag:s0] =	ssyncset.done @p5 $0x0  }
0x38: {  	s8 =	simm.s32 @p5 $0x5700;
	s7 =	sadd.s32 @p5 $0x80, s1;
	[sflag:s0] =	ssyncadd.s32 @p5 $0xFFFFF800  }
0x39: {  	[tilespmem:s8], [sflag:$0x2] =	stream.indirect.gather @p5 [hbm4b:s16+s4], $0x10, s7, s4, $0xb8;
	[tilespmem:$0xFF00] =	vst v63  }
0x3a: {  	_ =	swait.ge @p5 [sflag:s9], $0x800  }
0x3b: {  	s0 =	sadd.s32 @p5 $0x100, s1;
	[sflag:s9] =	ssyncset.done @p5 $0x0  }
0x3c: {  	s7 =	simm.s32 @p5 $0x5F00;
	s8 =	simm.s32 @p5 $0x10;
	[sflag:s9] =	ssyncadd.s32 @p5 $0xFFFFF800  }
0x3d: {  	[tilespmem:s7], [sflag:$0x3] =	stream.indirect.gather @p5 [hbm4b:s16+s4], $0x10, s0, s4, $0xb8;
	[tilespmem:$0xFF00] =	vst v63  }
0x3e: {  	_ =	swait.ge @p5 [sflag:s8], $0x800  }
0x3f: {  	s0 =	sadd.s32 @p5 $0x180, s1;
	[sflag:s8] =	ssyncset.done @p5 $0x0  }
0x40: {  	s7 =	simm.s32 @p5 $0x11;
	[sflag:s8] =	ssyncadd.s32 @p5 $0xFFFFF800;
	s8 =	simm.s32 @p5 $0x6700  }
0x41: {  	[tilespmem:s8], [sflag:$0x4] =	stream.indirect.gather @p5 [hbm4b:s16+s4], $0x10, s0, s4, $0xb8;
	[tilespmem:$0xFF00] =	vst v63  }
0x42: {  	_ =	swait.ge @p5 [sflag:s7], $0x800  }
0x43: {  	s0 =	sadd.s32 @p5 $0x200, s1;
	[sflag:s7] =	ssyncset.done @p5 $0x0  }
0x44: {  	s1 =	simm.s32 @p5 $0x6F00;
	[sflag:s7] =	ssyncadd.s32 @p5 $0xFFFFF800;
	s7 =	simm.s32 @p5 $0x12  }
0x45: {  	[tilespmem:s1], [sflag:$0x5] =	stream.indirect.gather @p5 [hbm4b:s16+s4], $0x10, s0, s4, $0xb8;
	[tilespmem:$0xFF00] =	vst v63  }
0x46: {  	_ =	swait.ge @p5 [sflag:s7], $0x800  }
0x47: {  	p6 =	por $0x1, $0x1;
	p4 =	sle.u32 s28, $0x7;
	[sflag:s7] =	ssyncset.done @p5 $0x0  }
0x48: {  	s1 =	simm.s32 @!p5 $0x4F00;
	[sflag:s7] =	ssyncadd.s32 @p5 $0xFFFFF800;
	s7 =	simm.s32 @!p5 $0x80  }
0x49: {  	[tilespmem:s1], [sflag:$0x1] =	stream.indirect.gather @!p5 [hbm4b:s16+s7], $0x10, s5, s7, $0xb8;
	[tilespmem:$0xFF00] =	vst v63  }
0x4a: {  	p3 =	sle.u32 s28, $0x6;
	s4 =	rddreg [dreg:$0x4];
	s1 =	simm.s32 @!p5 $0x5700  }
0x4b: {  	[tilespmem:s1], [sflag:$0x2] =	stream.indirect.gather @!p5 [hbm4b:s16+s7], $0x10, s4, s7, $0xb8;
	[tilespmem:$0xFF00] =	vst v63  }
0x4c: {  	p0 =	sle.u32 @!p6 s28, $0x6;
	s8 =	rddreg [dreg:$0x5];
	s1 =	simm.s32 @!p5 $0x5F00  }
0x4d: {  	[tilespmem:s1], [sflag:$0x3] =	stream.indirect.gather @!p5 [hbm4b:s16+s7], $0x10, s8, s7, $0xb8;
	[tilespmem:$0xFF00] =	vst v63  }
0x4e: {  	s0 =	simm.s32 @p5 $0x5;
	s4 =	rddreg [dreg:$0x6];
	s8 =	simm.s32 @!p5 $0x6700  }
0x4f: {  	[tilespmem:s8], [sflag:$0x4] =	stream.indirect.gather @!p5 [hbm4b:s16+s7], $0x10, s4, s7, $0xb8;
	[tilespmem:$0xFF00] =	vst v63  }
0x50: {  	s0 =	simm.s32 @!p5 $0x5;
	s1 =	rddreg [dreg:$0x7];
	s4 =	simm.s32 @!p5 $0x6F00  }
0x51: {  	[tilespmem:s4], [sflag:$0x5] =	stream.indirect.gather @!p5 [hbm4b:s16+s7], $0x10, s1, s7, $0xb8;
	[tilespmem:$0xFF00] =	vst v63  }
0x52: {  	p1 =	sle.u32 @!p6 s28, $0x7;
	s0 =	sadd.s32 s6, s0;
	s1 =	simm.s32 @!p3 $0x0  }
0x53: {  	p2 =	por p0, p6;
	s0 =	sshll.u32 s0, $0x9;
	s1 =	simm.s32 @p3 $0x1  }
0x54: {  	s7 =	sshra.s32 s0, $0x2;
	s0 =	simm.s32 @!p2 $0x13;
	[smem:$0x7FC] =	sst s1  }
0x55: {  	[tilespmem:s2], [sflag:$0x6] =	stream.indirect.gather [hbm4b:s16+s19], $0x10, s7, s19, $0xb8;
	[tilespmem:$0xFF00] =	vst v63  }
0x56: {  	p0 =	por p1, p6;
	s10 =	simm.s32 @!p3 $0x80;
	_ =	swait.ge @!p2 [sflag:s0], $0x800  }
0x57: {  	s4 =	simm.s32 @!p3 $0x7F00;
	s1 =	sadd.s32 @!p3 $0x0, s11;
	[sflag:s0] =	ssyncset.done @!p2 $0x0  }
0x58: {  	s1 =	sadd.s32 @!p3 $0x300, s1;
	[sflag:s0] =	ssyncadd.s32 @!p2 $0xFFFFF800;
	s0 =	simm.s32 @!p4 $0x0  }
0x59: {  	[tilespmem:s4], [sflag:$0x7] =	stream.indirect.gather @!p3 [hbm4b:s16+s10], $0x10, s1, s10, $0xb8;
	[tilespmem:$0xFF00] =	vst v63  }
0x5a: {  	p1 =	sle.u32 @!p6 s28, $0x8;
	s8 =	simm.s32 @!p0 $0x14;
	s0 =	simm.s32 @p4 $0x1  }
0x5b: {  	p2 =	sle.u32 @!p6 s28, $0x9;
	p3 =	por p4, p4;
	[smem:$0x7FB] =	sst s0  }
0x5c: {  	s0 =	sadd.s32 @!p4 $0x0, s11;
	s23 =	simm.s32 @!p3 $0x8700;
	s29 =	simm.s32 @!p3 $0x80  }
0x5d: {  	_ =	swait.ge @!p0 [sflag:s8], $0x800;
	s0 =	sadd.s32 @!p4 $0x380, s0;
	p4 =	sle.u32 s28, $0x8  }
0x5e: {  	[sflag:s8] =	ssyncset.done @!p0 $0x0;
	s30 =	simm.s32 @!p4 $0x80;
	s31 =	simm.s32 @!p4 $0x8F00  }
0x5f: {  	[sflag:s8] =	ssyncadd.s32 @!p0 $0xFFFFF800;
	p0 =	por p1, p6;
	p1 =	por p2, p6  }
0x60: {  	p2 =	sle.u32 s28, $0x9;
	p6 =	sle.u32 s28, $0xA;
	s1 =	simm.s32 @!p0 $0x15  }
0x61: {  	[tilespmem:s23], [sflag:$0x8] =	stream.indirect.gather @!p3 [hbm4b:s16+s29], $0x10, s0, s29, $0xb8;
	[tilespmem:$0xFF00] =	vst v63  }
0x62: {  	s0 =	sadd.s32 @!p4 $0x0, s11;
	p3 =	por $0x1, $0x1;
	_ =	swait.ge @!p0 [sflag:s1], $0x800  }
0x63: {  	s8 =	simm.s32 @!p1 $0x16;
	s17 =	simm.s32 @!p2 $0x80;
	[sflag:s1] =	ssyncset.done @!p0 $0x0  }
0x64: {  	s15 =	simm.s32 @!p6 $0x80;
	s0 =	sadd.s32 @!p4 $0x400, s0;
	[sflag:s1] =	ssyncadd.s32 @!p0 $0xFFFFF800  }
0x65: {  	[tilespmem:s31], [sflag:$0x9] =	stream.indirect.gather @!p4 [hbm4b:s16+s30], $0x10, s0, s30, $0xb8;
	[tilespmem:$0xFF00] =	vst v63  }
0x66: {  	p0 =	sle.u32 @!p3 s28, $0xA;
	s1 =	simm.s32 @!p2 $0x9700;
	_ =	swait.ge @!p1 [sflag:s8], $0x800  }
0x67: {  	s0 =	sadd.s32 @!p2 $0x0, s11;
	p0 =	por p0, p3;
	[sflag:s8] =	ssyncset.done @!p1 $0x0  }
0x68: {  	s0 =	sadd.s32 @!p2 $0x480, s0;
	[sflag:s8] =	ssyncadd.s32 @!p1 $0xFFFFF800;
	s8 =	simm.s32 @!p0 $0x17  }
0x69: {  	[tilespmem:s1], [sflag:$0xA] =	stream.indirect.gather @!p2 [hbm4b:s16+s17], $0x10, s0, s17, $0xb8;
	[tilespmem:$0xFF00] =	vst v63  }
0x6a: {  	p1 =	sle.u32 @!p3 s28, $0xB;
	s0 =	sadd.s32 @!p6 $0x0, s11;
	_ =	swait.ge @!p0 [sflag:s8], $0x800  }
0x6b: {  	p1 =	por p1, p3;
	s0 =	sadd.s32 @!p6 $0x500, s0;
	[sflag:s8] =	ssyncset.done @!p0 $0x0  }
0x6c: {  	s9 =	simm.s32 @!p1 $0x18;
	[sflag:s8] =	ssyncadd.s32 @!p0 $0xFFFFF800;
	s8 =	simm.s32 @!p6 $0x9F00  }
0x6d: {  	[tilespmem:s8], [sflag:$0xB] =	stream.indirect.gather @!p6 [hbm4b:s16+s15], $0x10, s0, s15, $0xb8;
	[tilespmem:$0xFF00] =	vst v63  }
0x6e: {  	_ =	swait.ge @!p1 [sflag:s9], $0x800  }
0x6f: {  	p0 =	por p4, p4;
	p4 =	sle.u32 s28, $0xB;
	[sflag:s9] =	ssyncset.done @!p1 $0x0  }
0x70: {  	s13 =	sld [smem:$0x7FB];
	[sflag:s9] =	ssyncadd.s32 @!p1 $0xFFFFF800;
	s9 =	sadd.s32 @!p4 $0x0, s11  }
0x71: {  	s0 =	simm.s32 @!p4 $0xA700;
	s11 =	sadd.s32 @!p4 $0x580, s9;
	s9 =	simm.s32 @!p4 $0x80  }
0x72: {  	[tilespmem:s0], [sflag:$0xC] =	stream.indirect.gather @!p4 [hbm4b:s16+s9], $0x10, s11, s9, $0xb8;
	[tilespmem:$0xFF00] =	vst v63  }
0x73: {  	p1 =	seq.s32 s13, $0x1;
	s13 =	simm.s32 @p5 $0x1  }
0x74: {  	s12 =	sadd.s32 $0x0, s14;
	_ =	swait.ge [sflag:s21], $0x800;
	s13 =	simm.s32 @!p5 $0x1  }
0x75: {  	s5 =	smov.u32 s16;
	[sflag:s21] =	ssyncset.done $0x0;
	s16 =	sadd.s32 s6, s13  }
0x76: {  	s3 =	rddreg [dreg:$0x8];
	[sflag:s21] =	ssyncadd.s32 $0xFFFFF800;
	s11 =	sshll.u32 s16, $0x9  }
0x77: {  	[spmem:s18] =	stream.indirect.scatter.add.f32 [tilespmem:s3], [sflag:$0xD], $0x10, s12, s19, $0xb8;
	[tilespmem:$0xFF00] =	vst v63  }
0x78: {  	s16 =	simm.s32 @p5 $0x2;
	s11 =	sshra.s32 s11, $0x2;
	_ =	swait.ge [sflag:s22], $0x800  }
0x79: {  	s16 =	simm.s32 @!p5 $0x2;
	s11 =	sadd.s32 $0x2780, s11;
	[sflag:s22] =	ssyncset.done $0x0  }
0x7a: {  	s3 =	sadd.s32 s6, s16;
	s21 =	rddreg [dreg:$0x9];
	[sflag:s22] =	ssyncadd.s32 $0xFFFFF800  }
0x7b: {  	[spmem:s18] =	stream.indirect.scatter.add.f32 [tilespmem:s21], [sflag:$0xE], $0x10, s11, s19, $0xb8;
	[tilespmem:$0xFF00] =	vst v63  }
0x7c: {  	s16 =	simm.s32 @p5 $0x3;
	s11 =	sshll.u32 s3, $0x9  }
0x7d: {  	s16 =	simm.s32 @!p5 $0x3;
	_ =	swait.ge [sflag:s20], $0x800;
	s11 =	sshra.s32 s11, $0x2  }
0x7e: {  	s12 =	rddreg [dreg:$0xa];
	[sflag:s20] =	ssyncset.done $0x0;
	s11 =	sadd.s32 $0x2780, s11  }
0x7f: {  	[sflag:s20] =	ssyncadd.s32 $0xFFFFF800;
	s20 =	sadd.s32 s6, s16;
	s16 =	simm.s32 @p5 $0x4  }
0x80: {  	[spmem:s18] =	stream.indirect.scatter.add.f32 [tilespmem:s12], [sflag:$0xF], $0x10, s11, s19, $0xb8;
	[tilespmem:$0xFF00] =	vst v63  }
0x81: {  	s11 =	sshll.u32 s20, $0x9;
	s16 =	simm.s32 @!p5 $0x4;
	_ =	swait.ge [sflag:s24], $0x800  }
0x82: {  	s11 =	sshra.s32 s11, $0x2;
	s22 =	sadd.s32 s6, s16;
	[sflag:s24] =	ssyncset.done $0x0  }
0x83: {  	s21 =	rddreg [dreg:$0xb];
	s11 =	sadd.s32 $0x2780, s11;
	[sflag:s24] =	ssyncadd.s32 $0xFFFFF800  }
0x84: {  	[spmem:s18] =	stream.indirect.scatter.add.f32 [tilespmem:s21], [sflag:$0x10], $0x10, s11, s19, $0xb8;
	[tilespmem:$0xFF00] =	vst v63  }
0x85: {  	s11 =	sshll.u32 s22, $0x9;
	_ =	swait.ge [sflag:s25], $0x800  }
0x86: {  	s11 =	sshra.s32 s11, $0x2;
	[sflag:s25] =	ssyncset.done $0x0  }
0x87: {  	s24 =	rddreg [dreg:$0xc];
	s11 =	sadd.s32 $0x2780, s11;
	[sflag:s25] =	ssyncadd.s32 $0xFFFFF800  }
0x88: {  	[spmem:s18] =	stream.indirect.scatter.add.f32 [tilespmem:s24], [sflag:$0x11], $0x10, s11, s19, $0xb8;
	[tilespmem:$0xFF00] =	vst v63  }
0x89: {  	_ =	swait.ge [sflag:s26], $0x800  }
0x8a: {  	[sflag:s26] =	ssyncset.done $0x0  }
0x8b: {  	[sflag:s26] =	ssyncadd.s32 $0xFFFFF800;
	s26 =	sld [smem:$0x7FC]  }
0x8c: {  	s7 =	sadd.s32 $0x2780, s7  }
0x8d: {  	[spmem:s18] =	stream.indirect.scatter.add.f32 [tilespmem:s2], [sflag:$0x12], $0x10, s7, s19, $0xb8;
	[tilespmem:$0xFF00] =	vst v63  }
0x8e: {  	p5 =	seq.s32 s26, $0x1  }
0x8f: {  	p3 =	por p2, p2;
	p2 =	por p6, p6;
	s11 =	simm.s32 @!p5 $0x7  }
0x90: {  	s13 =	simm.s32 $0x1800;
	s2 =	simm.s32 @!p0 $0x0;
	_ =	swait.ge @!p5 [sflag:s11], $0x800  }
0x91: {  	s2 =	simm.s32 @p0 $0x1;
	s7 =	sadd.s32 @!p5 $0x0, s14;
	[sflag:s11] =	ssyncset.done @!p5 $0x0  }
0x92: {  	s26 =	simm.s32 $0x17;
	s7 =	sadd.s32 @!p5 $0x300, s7;
	[sflag:s11] =	ssyncadd.s32 @!p5 $0xFFFFF800  }
0x93: {  	[spmem:s18] =	stream.indirect.scatter.add.f32 @!p5 [tilespmem:s4], [sflag:$0x13], $0x10, s7, s10, $0xb8;
	[tilespmem:$0xFF00] =	vst v63  }
0x94: {  	[smem:$0x7FD] =	sst s2;
	s4 =	sadd.s32 @!p0 $0x0, s14;
	s7 =	sadd.s32 @!p3 $0x0, s14  }
0x95: {  	p5 =	por p1, p1;
	s10 =	sadd.s32 @!p0 $0x400, s4;
	s4 =	sadd.s32 @!p1 $0x0, s14  }
0x96: {  	s22 =	sadd.s32 @!p3 $0x480, s7;
	s7 =	sadd.s32 @!p6 $0x0, s14;
	s25 =	sadd.s32 @!p1 $0x380, s4  }
0x97: {  	s4 =	sadd.s32 @!p4 $0x0, s14;
	s24 =	sadd.s32 @!p6 $0x500, s7;
	s7 =	simm.s32 @!p1 $0x8  }
0x98: {  	s19 =	sadd.s32 @!p4 $0x580, s4;
	_ =	swait.ge @!p1 [sflag:s7], $0x800;
	s4 =	simm.s32 @!p3 $0xA  }
.LBB2_4:
0x99: {  	[sflag:s7] =	ssyncset.done @!p5 $0x0;
	s2 =	sld [smem:$0x7FD]  }
0x9a: {  	p6 =	sne.s32 s13, $0x0;
	s3 =	rddreg [dreg:$0xd];
	[sflag:s7] =	ssyncadd.s32 @!p5 $0xFFFFF800  }
0x9b: {  	[spmem:s18] =	stream.indirect.scatter.add.f32 @!p5 [tilespmem:s23], [sflag:$0x14], $0x10, s25, s29, $0xb8;
	[tilespmem:$0xFF00] =	vst v63  }
0x9c: {  	s14 =	smov.u32 s18;
	s16 =	sshra.s32 @p6 s13, $0x2;
	p0 =	seq.s32 s2, $0x1  }
0x9d: {  	s6 =	sadd.s32 @p6 $0xFFFFFFFA, s26;
	s7 =	sadd.s32 @p6 $0xFFFFFFF6, s26;
	s11 =	simm.s32 @!p0 $0x9  }
0x9e: {  	s25 =	sadd.s32 @p6 s16, s3;
	s6 =	simm.s32 @!p6 $0x5;
	_ =	swait.ge @!p0 [sflag:s11], $0x800  }
0x9f: {  	s7 =	simm.s32 @!p6 $0x1;
	p5 =	seq.s32 s13, $0x0;
	[sflag:s11] =	ssyncset.done @!p0 $0x0  }
0xa0: {  	s23 =	sadd.s32 @p6 $0x80, s25;
	s21 =	sadd.s32 @p6 $0x100, s25;
	[sflag:s11] =	ssyncadd.s32 @!p0 $0xFFFFF800  }
0xa1: {  	[spmem:s14] =	stream.indirect.scatter.add.f32 @!p0 [tilespmem:s31], [sflag:$0x15], $0x10, s10, s30, $0xb8;
	[tilespmem:$0xFF00] =	vst v63  }
0xa2: {  	s20 =	sadd.s32 @p6 $0x180, s25;
	s11 =	rddreg [dreg:$0x10];
	_ =	swait.ge @!p3 [sflag:s4], $0x800  }
0xa3: {  	s18 =	sadd.s32 @p6 $0x200, s25;
	s6 =	sadd.s32 s11, s6;
	[sflag:s4] =	ssyncset.done @!p3 $0x0  }
0xa4: {  	s16 =	sadd.s32 s11, s7;
	[sflag:s4] =	ssyncadd.s32 @!p3 $0xFFFFF800;
	s4 =	simm.s32 @!p2 $0xB  }
0xa5: {  	[spmem:s14] =	stream.indirect.scatter.add.f32 @!p3 [tilespmem:s1], [sflag:$0x16], $0x10, s22, s17, $0xb8;
	[tilespmem:$0xFF00] =	vst v63  }
0xa6: {  	s12 =	sshll.u32 s6, $0x9;
	s6 =	sshll.u32 s16, $0x9;
	_ =	swait.ge @!p2 [sflag:s4], $0x800  }
0xa7: {  	s16 =	sadd.s32 @p6 $0xFFFFFFF9, s26;
	s17 =	sshra.s32 s6, $0x2;
	[sflag:s4] =	ssyncset.done @!p2 $0x0  }
0xa8: {  	[dreg:$0x11] =	wrdreg s17;
	[sflag:s4] =	ssyncadd.s32 @!p2 $0xFFFFF800;
	s4 =	simm.s32 @!p4 $0xC  }
0xa9: {  	[spmem:s14] =	stream.indirect.scatter.add.f32 @!p2 [tilespmem:s8], [sflag:$0x17], $0x10, s24, s15, $0xb8;
	[tilespmem:$0xFF00] =	vst v63  }
0xaa: {  	s16 =	simm.s32 @!p6 $0x4;
	s1 =	sadd.s32 @p6 $0xFFFFFFF7, s26;
	_ =	swait.ge @!p4 [sflag:s4], $0x800  }
0xab: {  	s6 =	simm.s32 @p6 $0xD;
	s1 =	simm.s32 @!p6 $0x2;
	[sflag:s4] =	ssyncset.done @!p4 $0x0  }
0xac: {  	s22 =	sadd.s32 $0xFFFFFFFC, s26;
	s1 =	sadd.s32 s11, s1;
	[sflag:s4] =	ssyncadd.s32 @!p4 $0xFFFFF800  }
0xad: {  	[spmem:s14] =	stream.indirect.scatter.add.f32 @!p4 [tilespmem:s0], [sflag:$0x18], $0x10, s19, s9, $0xb8;
	[tilespmem:$0xFF00] =	vst v63  }
0xae: {  	s17 =	simm.s32 @p6 $0x11;
	s1 =	sshll.u32 s1, $0x9;
	_ =	swait.ge @p6 [sflag:s6], $0x800  }
0xaf: {  	s15 =	sadd.s32 @p6 $0xFFFFFFF8, s26;
	s8 =	simm.s32 @p6 $0x80;
	[sflag:s6] =	ssyncset.done @p6 $0x0  }
0xb0: {  	s0 =	simm.s32 @p6 $0x4F00;
	[sflag:s6] =	ssyncadd.s32 @p6 $0xFFFFF800;
	s6 =	simm.s32 @p6 $0xE  }
0xb1: {  	[tilespmem:s0], [sflag:$0x1] =	stream.indirect.gather @p6 [hbm4b:s5+s8], $0x10, s25, s8, $0xb8;
	[tilespmem:$0xFF00] =	vst v63  }
0xb2: {  	s7 =	sshra.s32 s1, $0x2;
	s1 =	sadd.s32 $0xFFFFFFFD, s26;
	_ =	swait.ge @p6 [sflag:s6], $0x800  }
0xb3: {  	s15 =	simm.s32 @!p6 $0x3;
	p2 =	sge.u32 @!p5 s1, s28;
	[sflag:s6] =	ssyncset.done @p6 $0x0  }
0xb4: {  	s9 =	simm.s32 @p6 $0xF;
	s0 =	simm.s32 @p6 $0x5700;
	[sflag:s6] =	ssyncadd.s32 @p6 $0xFFFFF800  }
0xb5: {  	[tilespmem:s0], [sflag:$0x2] =	stream.indirect.gather @p6 [hbm4b:s5+s8], $0x10, s23, s8, $0xb8;
	[tilespmem:$0xFF00] =	vst v63  }
0xb6: {  	s19 =	sadd.s32 s11, s15;
	s15 =	sadd.s32 $0xFFFFFFFF, s26;
	_ =	swait.ge @p6 [sflag:s9], $0x800  }
0xb7: {  	s4 =	sshll.u32 s19, $0x9;
	s19 =	sadd.s32 $0xFFFFFFFE, s26;
	[sflag:s9] =	ssyncset.done @p6 $0x0  }
0xb8: {  	s0 =	simm.s32 @p6 $0x5F00;
	[sflag:s9] =	ssyncadd.s32 @p6 $0xFFFFF800;
	s9 =	sadd.s32 $0xFFFFFFFB, s26  }
0xb9: {  	[tilespmem:s0], [sflag:$0x3] =	stream.indirect.gather @p6 [hbm4b:s5+s8], $0x10, s21, s8, $0xb8;
	[tilespmem:$0xFF00] =	vst v63  }
0xba: {  	p1 =	sge.u32 s19, s28;
	p3 =	sge.u32 @!p5 s19, s28;
	p0 =	sge.u32 @!p5 s9, s28  }
0xbb: {  	s2 =	simm.s32 @!p3 $0x0;
	s6 =	simm.s32 @p6 $0x10;
	s0 =	simm.s32 @!p0 $0x0  }
0xbc: {  	_ =	swait.ge @p6 [sflag:s6], $0x800;
	s0 =	simm.s32 @p0 $0x1;
	p0 =	sge.u32 @!p5 s15, s28  }
0xbd: {  	s2 =	simm.s32 @p3 $0x1;
	[smem:$0x7F4] =	sst s0;
	s0 =	simm.s32 @!p0 $0x0  }
0xbe: {  	s25 =	simm.s32 $0x7700;
	p4 =	sge.u32 s9, s28;
	s0 =	simm.s32 @p0 $0x1  }
0xbf: {  	[sflag:s6] =	ssyncset.done @p6 $0x0;
	[smem:$0x7F7] =	sst s0;
	s0 =	simm.s32 @!p2 $0x0  }
0xc0: {  	[sflag:s6] =	ssyncadd.s32 @p6 $0xFFFFF800;
	s6 =	simm.s32 @!p6 $0x4F00;
	s0 =	simm.s32 @p2 $0x1  }
0xc1: {  	p2 =	sge.u32 s22, s28;
	[smem:$0x7F6] =	sst s0;
	s0 =	simm.s32 @p6 $0x6700  }
0xc2: {  	[tilespmem:s0], [sflag:$0x4] =	stream.indirect.gather @p6 [hbm4b:s5+s8], $0x10, s20, s8, $0xb8;
	[tilespmem:$0xFF00] =	vst v63  }
0xc3: {  	p0 =	sge.u32 @!p5 s22, s28;
	s0 =	sshra.s32 @!p2 s13, $0x2;
	_ =	swait.ge @p6 [sflag:s17], $0x800  }
0xc4: {  	s20 =	simm.s32 @p6 $0x12;
	[smem:$0x7F5] =	sst s2;
	s2 =	simm.s32 @!p2 $0x0  }
0xc5: {  	s19 =	sadd.s32 @!p2 s0, s3;
	[sflag:s17] =	ssyncset.done @p6 $0x0;
	s2 =	simm.s32 @p2 $0x1  }
0xc6: {  	[sflag:s17] =	ssyncadd.s32 @p6 $0xFFFFF800;
	s17 =	simm.s32 @p6 $0x6F00;
	[smem:$0x7FB] =	sst s2  }
0xc7: {  	[tilespmem:s17], [sflag:$0x5] =	stream.indirect.gather @p6 [hbm4b:s5+s8], $0x10, s18, s8, $0xb8;
	[tilespmem:$0xFF00] =	vst v63  }
0xc8: {  	s18 =	simm.s32 @!p6 $0x5700;
	s2 =	simm.s32 @!p1 $0x0;
	_ =	swait.ge @p6 [sflag:s20], $0x800  }
0xc9: {  	s2 =	simm.s32 @p1 $0x1;
	[sflag:s20] =	ssyncset.done @p6 $0x0;
	s9 =	rddreg [dreg:$0x4]  }
0xca: {  	s8 =	rddreg [dreg:$0xe];
	[sflag:s20] =	ssyncadd.s32 @p6 $0xFFFFF800;
	s20 =	simm.s32 @!p6 $0x80  }
0xcb: {  	[tilespmem:s6], [sflag:$0x1] =	stream.indirect.gather @!p6 [hbm4b:s5+s20], $0x10, s8, s20, $0xb8;
	[tilespmem:$0xFF00] =	vst v63  }
0xcc: {  	s17 =	sadd.s32 @!p2 $0x380, s19;
	[smem:$0x7F8] =	sst s2;
	s8 =	sshra.s32 @!p1 s13, $0x2  }
0xcd: {  	[tilespmem:s18], [sflag:$0x2] =	stream.indirect.gather @!p6 [hbm4b:s5+s20], $0x10, s9, s20, $0xb8;
	[tilespmem:$0xFF00] =	vst v63  }
0xce: {  	s6 =	rddreg [dreg:$0x5];
	s19 =	sadd.s32 @!p1 s8, s3;
	s9 =	simm.s32 @!p6 $0x5F00  }
0xcf: {  	[tilespmem:s9], [sflag:$0x3] =	stream.indirect.gather @!p6 [hbm4b:s5+s20], $0x10, s6, s20, $0xb8;
	[tilespmem:$0xFF00] =	vst v63  }
0xd0: {  	s22 =	sld [smem:$0x7F4];
	s9 =	sadd.s32 @!p1 $0x480, s19;
	p1 =	sge.u32 s15, s28  }
0xd1: {  	s21 =	sshra.s32 @!p4 s13, $0x2;
	s18 =	rddreg [dreg:$0x6];
	s2 =	simm.s32 @!p1 $0x0  }
0xd2: {  	s6 =	rddreg [dreg:$0x7];
	s15 =	simm.s32 @!p6 $0x6700;
	s2 =	simm.s32 @p1 $0x1  }
0xd3: {  	[tilespmem:s15], [sflag:$0x4] =	stream.indirect.gather @!p6 [hbm4b:s5+s20], $0x10, s18, s20, $0xb8;
	[tilespmem:$0xFF00] =	vst v63  }
0xd4: {  	p3 =	seq.s32 s22, $0x1;
	s15 =	simm.s32 @!p6 $0x6F00;
	[smem:$0x7F9] =	sst s2  }
0xd5: {  	[tilespmem:s15], [sflag:$0x5] =	stream.indirect.gather @!p6 [hbm4b:s5+s20], $0x10, s6, s20, $0xb8;
	[tilespmem:$0xFF00] =	vst v63  }
0xd6: {  	s2 =	rddreg [dreg:$0xf];
	p6 =	por p3, p5;
	p3 =	sge.u32 s1, s28  }
0xd7: {  	s23 =	sadd.s32 @!p4 s21, s3;
	s24 =	sadd.s32 @!p4 s21, s2;
	s1 =	simm.s32 @!p3 $0x0  }
0xd8: {  	s21 =	sshra.s32 s12, $0x2;
	s20 =	simm.s32 $0x80;
	s1 =	simm.s32 @p3 $0x1  }
0xd9: {  	[tilespmem:s25], [sflag:$0x6] =	stream.indirect.gather [hbm4b:s5+s20], $0x10, s21, s20, $0xb8;
	[tilespmem:$0xFF00] =	vst v63  }
0xda: {  	s10 =	simm.s32 @!p6 $0x13;
	[smem:$0x7FD] =	sst s1  }
0xdb: {  	_ =	swait.ge @!p6 [sflag:s10], $0x800  }
0xdc: {  	s12 =	simm.s32 @!p4 $0x7F00;
	[sflag:s10] =	ssyncset.done @!p6 $0x0  }
0xdd: {  	s15 =	sadd.s32 @!p4 $0x300, s23;
	[sflag:s10] =	ssyncadd.s32 @!p6 $0xFFFFF800;
	s10 =	simm.s32 @!p4 $0x80  }
0xde: {  	[tilespmem:s12], [sflag:$0x7] =	stream.indirect.gather @!p4 [hbm4b:s5+s10], $0x10, s15, s10, $0xb8;
	[tilespmem:$0xFF00] =	vst v63  }
0xdf: {  	s19 =	sshra.s32 @!p1 s13, $0x2;
	s10 =	simm.s32 @!p4 $0x0  }
0xe0: {  	p0 =	por p0, p5;
	s18 =	sadd.s32 @!p1 s19, s3;
	s10 =	simm.s32 @p4 $0x1  }
0xe1: {  	s6 =	simm.s32 @!p0 $0x14;
	s1 =	sshra.s32 @!p3 s13, $0x2;
	[smem:$0x7FA] =	sst s10  }
0xe2: {  	s22 =	sadd.s32 @!p1 $0x500, s18;
	s18 =	sadd.s32 @!p3 s1, s3;
	_ =	swait.ge @!p0 [sflag:s6], $0x800  }
0xe3: {  	s25 =	sadd.s32 @!p3 $0x400, s18;
	s18 =	sld [smem:$0x7F6]  }
0xe4: {  	s15 =	sld [smem:$0x7FB]  }
0xe5: {  	p2 =	por p4, p4  }
0xe6: {  	s12 =	sld [smem:$0x7F5];
	[sflag:s6] =	ssyncset.done @!p0 $0x0;
	p1 =	seq.s32 s18, $0x1  }
0xe7: {  	[sflag:s6] =	ssyncadd.s32 @!p0 $0xFFFFF800;
	p4 =	seq.s32 s15, $0x1;
	p1 =	por p1, p5  }
0xe8: {  	s23 =	simm.s32 @!p4 $0x8700;
	s29 =	simm.s32 @!p4 $0x80;
	s6 =	simm.s32 @!p1 $0x15  }
0xe9: {  	[tilespmem:s23], [sflag:$0x8] =	stream.indirect.gather @!p4 [hbm4b:s5+s29], $0x10, s17, s29, $0xb8;
	[tilespmem:$0xFF00] =	vst v63  }
0xea: {  	p6 =	seq.s32 s12, $0x1;
	_ =	swait.ge @!p1 [sflag:s6], $0x800  }
0xeb: {  	s30 =	simm.s32 @!p3 $0x80;
	p6 =	por p6, p5;
	[sflag:s6] =	ssyncset.done @!p1 $0x0  }
0xec: {  	s31 =	simm.s32 @!p3 $0x8F00;
	s15 =	simm.s32 @!p6 $0x16;
	[sflag:s6] =	ssyncadd.s32 @!p1 $0xFFFFF800  }
0xed: {  	[tilespmem:s31], [sflag:$0x9] =	stream.indirect.gather @!p3 [hbm4b:s5+s30], $0x10, s25, s30, $0xb8;
	[tilespmem:$0xFF00] =	vst v63  }
0xee: {  	s12 =	sld [smem:$0x7F7];
	_ =	swait.ge @!p6 [sflag:s15], $0x800  }
0xef: {  	s18 =	sadd.s32 @!p2 $0x300, s24;
	s24 =	sld [smem:$0x7F8]  }
0xf0: {  	s1 =	sadd.s32 @!p3 s1, s2;
	s17 =	sld [smem:$0x7FB]  }
0xf1: {  	s10 =	sadd.s32 @!p3 $0x400, s1;
	p4 =	seq.s32 s12, $0x1  }
0xf2: {  	p4 =	por p4, p5;
	[sflag:s15] =	ssyncset.done @!p6 $0x0;
	p3 =	seq.s32 s24, $0x1  }
0xf3: {  	[sflag:s15] =	ssyncadd.s32 @!p6 $0xFFFFF800;
	p2 =	seq.s32 s17, $0x1;
	s6 =	sadd.s32 @!p3 s8, s2  }
0xf4: {  	s1 =	simm.s32 @!p3 $0x9700;
	s8 =	simm.s32 @!p4 $0x17;
	s17 =	simm.s32 @!p3 $0x80  }
0xf5: {  	[tilespmem:s1], [sflag:$0xA] =	stream.indirect.gather @!p3 [hbm4b:s5+s17], $0x10, s9, s17, $0xb8;
	[tilespmem:$0xFF00] =	vst v63  }
0xf6: {  	_ =	swait.ge @!p4 [sflag:s8], $0x800  }
0xf7: {  	p6 =	sge.u32 @!p5 s26, s28;
	s25 =	sld [smem:$0x7F9]  }
0xf8: {  	s12 =	simm.s32 $0x1;
	p6 =	por p6, p5  }
0xf9: {  	s0 =	sadd.s32 @!p2 s0, s2;
	s9 =	simm.s32 @!p6 $0x18;
	[sflag:s8] =	ssyncset.done @!p4 $0x0  }
0xfa: {  	[sflag:s8] =	ssyncadd.s32 @!p4 $0xFFFFF800;
	p4 =	sge.u32 s26, s28;
	p0 =	seq.s32 s25, $0x1  }
0xfb: {  	s24 =	sshra.s32 @!p4 s13, $0x2;
	s15 =	simm.s32 @!p0 $0x80;
	s8 =	simm.s32 @!p0 $0x9F00  }
0xfc: {  	[tilespmem:s8], [sflag:$0xB] =	stream.indirect.gather @!p0 [hbm4b:s5+s15], $0x10, s22, s15, $0xb8;
	[tilespmem:$0xFF00] =	vst v63  }
0xfd: {  	s25 =	sadd.s32 @!p2 $0x380, s0;
	s0 =	simm.s32 @!p4 $0xA700;
	_ =	swait.ge @!p6 [sflag:s9], $0x800  }
0xfe: {  	s22 =	sadd.s32 @!p3 $0x480, s6;
	s6 =	sadd.s32 @!p4 s24, s3;
	[sflag:s9] =	ssyncset.done @!p6 $0x0  }
0xff: {  	s6 =	sadd.s32 @!p4 $0x580, s6;
	[sflag:s9] =	ssyncadd.s32 @!p6 $0xFFFFF800;
	s9 =	simm.s32 @!p4 $0x80  }
0x100: {  	[tilespmem:s0], [sflag:$0xC] =	stream.indirect.gather @!p4 [hbm4b:s5+s9], $0x10, s6, s9, $0xb8;
	[tilespmem:$0xFF00] =	vst v63  }
0x101: {  	_ =	swait.ge [sflag:s12], $0x800  }
0x102: {  	s6 =	sadd.s32 @!p0 s19, s2;
	s19 =	sadd.s32 @!p4 s24, s2;
	[sflag:s12] =	ssyncset.done $0x0  }
0x103: {  	s24 =	sadd.s32 @!p0 $0x500, s6;
	[sflag:s12] =	ssyncadd.s32 $0xFFFFF800;
	s12 =	sshra.s32 s13, $0x2  }
0x104: {  	s6 =	simm.s32 $0x2;
	s3 =	rddreg [dreg:$0x8];
	s12 =	sadd.s32 s12, s2  }
0x105: {  	[spmem:s14] =	stream.indirect.scatter.add.f32 [tilespmem:s3], [sflag:$0xD], $0x10, s12, s20, $0xb8;
	[tilespmem:$0xFF00] =	vst v63  }
0x106: {  	_ =	swait.ge [sflag:s6], $0x800  }
0x107: {  	s2 =	sadd.s32 s11, s16;
	s12 =	rddreg [dreg:$0x9]  }
0x108: {  	s11 =	sshll.u32 s2, $0x9;
	[sflag:s6] =	ssyncset.done $0x0;
	s16 =	rddreg [dreg:$0x11]  }
0x109: {  	[sflag:s6] =	ssyncadd.s32 $0xFFFFF800;
	s2 =	sadd.s32 $0x2780, s16;
	s6 =	simm.s32 $0x3  }
0x10a: {  	[spmem:s14] =	stream.indirect.scatter.add.f32 [tilespmem:s12], [sflag:$0xE], $0x10, s2, s20, $0xb8;
	[tilespmem:$0xFF00] =	vst v63  }
0x10b: {  	_ =	swait.ge [sflag:s6], $0x800  }
0x10c: {  	s7 =	sadd.s32 $0x2780, s7;
	s3 =	sshra.s32 s11, $0x2;
	[sflag:s6] =	ssyncset.done $0x0  }
0x10d: {  	s12 =	simm.s32 $0x4;
	s11 =	rddreg [dreg:$0xa];
	[sflag:s6] =	ssyncadd.s32 $0xFFFFF800  }
0x10e: {  	[spmem:s14] =	stream.indirect.scatter.add.f32 [tilespmem:s11], [sflag:$0xF], $0x10, s7, s20, $0xb8;
	[tilespmem:$0xFF00] =	vst v63  }
0x10f: {  	_ =	swait.ge [sflag:s12], $0x800  }
0x110: {  	s4 =	sshra.s32 s4, $0x2;
	[sflag:s12] =	ssyncset.done $0x0  }
0x111: {  	s4 =	sadd.s32 $0x2780, s4;
	s16 =	rddreg [dreg:$0xb];
	[sflag:s12] =	ssyncadd.s32 $0xFFFFF800  }
0x112: {  	[spmem:s14] =	stream.indirect.scatter.add.f32 [tilespmem:s16], [sflag:$0x10], $0x10, s4, s20, $0xb8;
	[tilespmem:$0xFF00] =	vst v63  }
0x113: {  	s4 =	simm.s32 $0x5  }
0x114: {  	_ =	swait.ge [sflag:s4], $0x800  }
0x115: {  	s3 =	sadd.s32 $0x2780, s3;
	[sflag:s4] =	ssyncset.done $0x0  }
0x116: {  	s7 =	simm.s32 $0x6;
	s6 =	rddreg [dreg:$0xc];
	[sflag:s4] =	ssyncadd.s32 $0xFFFFF800  }
0x117: {  	[spmem:s14] =	stream.indirect.scatter.add.f32 [tilespmem:s6], [sflag:$0x11], $0x10, s3, s20, $0xb8;
	[tilespmem:$0xFF00] =	vst v63  }
0x118: {  	_ =	swait.ge [sflag:s7], $0x800  }
0x119: {  	[sflag:s7] =	ssyncset.done $0x0;
	s12 =	sld [smem:$0x7FA]  }
0x11a: {  	s11 =	sadd.s32 $0x2780, s21;
	s16 =	simm.s32 $0x7700;
	[sflag:s7] =	ssyncadd.s32 $0xFFFFF800  }
0x11b: {  	[spmem:s14] =	stream.indirect.scatter.add.f32 [tilespmem:s16], [sflag:$0x12], $0x10, s11, s20, $0xb8;
	[tilespmem:$0xFF00] =	vst v63  }
0x11c: {  	p2 =	por p0, p0;
	p0 =	seq.s32 s12, $0x1  }
0x11d: {  	s13 =	sadd.s32 $0x1800, s13;
	s4 =	simm.s32 @!p0 $0x7  }
0x11e: {  	p6 =	sne.s32 s13, $0xA800;
	_ =	swait.ge @!p0 [sflag:s4], $0x800  }
0x11f: {  	s2 =	simm.s32 @!p0 $0x80;
	[sflag:s4] =	ssyncset.done @!p0 $0x0;
	s21 =	sld [smem:$0x7FB]  }
.Ltmp1:
0x120: {  	s3 =	simm.s32 @!p0 $0x7F00;
	[sflag:s4] =	ssyncadd.s32 @!p0 $0xFFFFF800;
	(pc) =	sbr.rel @p6 .LBB2_4-.Ltmp1, $4  }
0x121: {  	[spmem:s14] =	stream.indirect.scatter.add.f32 @!p0 [tilespmem:s3], [sflag:$0x13], $0x10, s18, s2, $0xb8;
	[tilespmem:$0xFF00] =	vst v63  }
0x122: {  	s26 =	sadd.s32 $0xC, s26;
	p1 =	seq.s32 s21, $0x1  }
0x123: {  	s19 =	sadd.s32 @!p4 $0x580, s19;
	s4 =	simm.s32 @!p3 $0xA;
	s7 =	simm.s32 @!p1 $0x8  }
0x124: {  	s18 =	smov.u32 s14;
	p5 =	por p1, p1;
	_ =	swait.ge @!p1 [sflag:s7], $0x800  }
0x125: {  	[sflag:s7] =	ssyncset.done @!p5 $0x0;
	s2 =	sld [smem:$0x7FD]  }
0x126: {  	[sflag:s7] =	ssyncadd.s32 @!p5 $0xFFFFF800  }
0x127: {  	[spmem:s18] =	stream.indirect.scatter.add.f32 @!p5 [tilespmem:s23], [sflag:$0x14], $0x10, s25, s29, $0xb8;
	[tilespmem:$0xFF00] =	vst v63  }
0x128: {  	p0 =	seq.s32 s2, $0x1  }
0x129: {  	s3 =	simm.s32 @!p0 $0x9  }
0x12a: {  	_ =	swait.ge @!p0 [sflag:s3], $0x800  }
0x12b: {  	[sflag:s3] =	ssyncset.done @!p0 $0x0  }
0x12c: {  	[sflag:s3] =	ssyncadd.s32 @!p0 $0xFFFFF800  }
0x12d: {  	[spmem:s18] =	stream.indirect.scatter.add.f32 @!p0 [tilespmem:s31], [sflag:$0x15], $0x10, s10, s30, $0xb8;
	[tilespmem:$0xFF00] =	vst v63  }
0x12e: {  	_ =	swait.ge @!p3 [sflag:s4], $0x800  }
0x12f: {  	[sflag:s4] =	ssyncset.done @!p3 $0x0  }
0x130: {  	[sflag:s4] =	ssyncadd.s32 @!p3 $0xFFFFF800  }
0x131: {  	[spmem:s18] =	stream.indirect.scatter.add.f32 @!p3 [tilespmem:s1], [sflag:$0x16], $0x10, s22, s17, $0xb8;
	[tilespmem:$0xFF00] =	vst v63  }
0x132: {  	s1 =	simm.s32 @!p2 $0xB  }
0x133: {  	_ =	swait.ge @!p2 [sflag:s1], $0x800  }
0x134: {  	[sflag:s1] =	ssyncset.done @!p2 $0x0  }
0x135: {  	[sflag:s1] =	ssyncadd.s32 @!p2 $0xFFFFF800;
	s1 =	simm.s32 @!p4 $0xC  }
0x136: {  	[spmem:s18] =	stream.indirect.scatter.add.f32 @!p2 [tilespmem:s8], [sflag:$0x17], $0x10, s24, s15, $0xb8;
	[tilespmem:$0xFF00] =	vst v63  }
0x137: {  	_ =	swait.ge @!p4 [sflag:s1], $0x800  }
0x138: {  	[sflag:s1] =	ssyncset.done @!p4 $0x0  }
0x139: {  	s12 =	simm.s32 $0xD;
	[sflag:s1] =	ssyncadd.s32 @!p4 $0xFFFFF800  }
0x13a: {  	[spmem:s18] =	stream.indirect.scatter.add.f32 @!p4 [tilespmem:s0], [sflag:$0x18], $0x10, s19, s9, $0xb8;
	[tilespmem:$0xFF00] =	vst v63  }
0x13b: {  	_ =	swait.ge [sflag:s12], $0x800  }
0x13c: {  	[sflag:s12] =	ssyncset.done $0x0  }
0x13d: {  	s13 =	simm.s32 $0xE;
	[sflag:s12] =	ssyncadd.s32 $0xFFFFF800  }
0x13e: {  	_ =	swait.ge [sflag:s13], $0x800  }
0x13f: {  	[sflag:s13] =	ssyncset.done $0x0  }
0x140: {  	s14 =	simm.s32 $0xF;
	[sflag:s13] =	ssyncadd.s32 $0xFFFFF800  }
0x141: {  	_ =	swait.ge [sflag:s14], $0x800  }
0x142: {  	[sflag:s14] =	ssyncset.done $0x0  }
0x143: {  	s15 =	simm.s32 $0x10;
	[sflag:s14] =	ssyncadd.s32 $0xFFFFF800  }
0x144: {  	_ =	swait.ge [sflag:s15], $0x800  }
0x145: {  	[sflag:s15] =	ssyncset.done $0x0  }
0x146: {  	s16 =	simm.s32 $0x11;
	[sflag:s15] =	ssyncadd.s32 $0xFFFFF800  }
0x147: {  	_ =	swait.ge [sflag:s16], $0x800  }
0x148: {  	[sflag:s16] =	ssyncset.done $0x0  }
0x149: {  	s17 =	simm.s32 $0x12;
	[sflag:s16] =	ssyncadd.s32 $0xFFFFF800  }
0x14a: {  	_ =	swait.ge [sflag:s17], $0x800  }
0x14b: {  	[sflag:s17] =	ssyncset.done $0x0  }
0x14c: {  	s19 =	simm.s32 $0x13;
	[sflag:s17] =	ssyncadd.s32 $0xFFFFF800  }
0x14d: {  	_ =	swait.ge [sflag:s19], $0x800  }
0x14e: {  	[sflag:s19] =	ssyncset.done $0x0  }
0x14f: {  	s20 =	simm.s32 $0x14;
	[sflag:s19] =	ssyncadd.s32 $0xFFFFF800  }
0x150: {  	_ =	swait.ge [sflag:s20], $0x800  }
0x151: {  	[sflag:s20] =	ssyncset.done $0x0  }
0x152: {  	s21 =	simm.s32 $0x15;
	[sflag:s20] =	ssyncadd.s32 $0xFFFFF800  }
0x153: {  	_ =	swait.ge [sflag:s21], $0x800  }
0x154: {  	[sflag:s21] =	ssyncset.done $0x0  }
0x155: {  	s22 =	simm.s32 $0x16;
	[sflag:s21] =	ssyncadd.s32 $0xFFFFF800  }
0x156: {  	_ =	swait.ge [sflag:s22], $0x800  }
0x157: {  	[sflag:s22] =	ssyncset.done $0x0  }
0x158: {  	s23 =	simm.s32 $0x17;
	[sflag:s22] =	ssyncadd.s32 $0xFFFFF800  }
0x159: {  	_ =	swait.ge [sflag:s23], $0x800  }
0x15a: {  	[sflag:s23] =	ssyncset.done $0x0  }
0x15b: {  	s24 =	simm.s32 $0x18;
	[sflag:s23] =	ssyncadd.s32 $0xFFFFF800  }
0x15c: {  	_ =	swait.ge [sflag:s24], $0x800  }
0x15d: {  	[sflag:s24] =	ssyncset.done $0x0  }
0x15e: {  	[sflag:s24] =	ssyncadd.s32 $0xFFFFF800  }
0x15f: {  	s25 =	stileid.u32;
	[bflag:$0x0] =	sbarrier.arrive $0xFFFF  }
0x160: {  	s4 =	simm.s32 $0x19;
	s0 =	sshll.u32 s25, $0x6;
	s12 =	rddreg [dreg:$0x13]  }
0x161: {  	s0 =	sor.u32 $0x1C19, s0;
	s29 =	rddreg [dreg:$0x16];
	s26 =	sshrl.u32 s12, $0x3  }
0x162: {  	[hbm:s29], [sflag:s0] =	dma.local [spmem:s26], $0x500  }
0x163: {  	_ =	swait.ge [sflag:s4], $0x500  }
0x164: {  	s30 =	rddreg [dreg:$0x12]  }
0x165: {  	s31 =	rddreg [dreg:$0x17];
	s3 =	sadd.s32 $0x1, s30  }
0x166: {  	s2 =	simm.s32 $0x7700;
	p0 =	sne.s32 s3, s31  }
.Ltmp2:
0x167: {  	s25 =	simm.s32 $0x5;
	s16 =	smov.u32 s5;
	(pc) =	sbr.rel @p0 .LBB2_1-.Ltmp2, $4  }
0x168: {  	s19 =	simm.s32 $0x80;
	s20 =	simm.s32 $0x3;
	s6 =	rddreg [dreg:$0x10]  }
0x169: {  	s21 =	simm.s32 $0x1;
	s22 =	simm.s32 $0x2;
	s5 =	rddreg [dreg:$0xe]  }
0x16a: {  	s24 =	simm.s32 $0x4;
	[sflag:s4] =	ssyncset.done $0x0;
	s11 =	rddreg [dreg:$0xd]  }
0x16b: {  	s26 =	simm.s32 $0x6;
	s14 =	rddreg [dreg:$0xf];
	[sflag:s4] =	ssyncadd.s32 $0xFFFFFB00  }
0x16c: {  	_ =	sfence.sel $0x180000  }
0x16d: {  	[bflag:$0x0] =	sbarrier.arrive $0xFFFF  }
0x16e: {  	_ =	strace $0x9000004A  }
0x16f: {  	s0 =	stileid.u32;
	[bflag:$0x2] =	sbarrier.arrive $0xFFFF  }
0x170: {  	p0 =	sne.s32 s0, $0x0;
	s0 =	rddreg [dreg:$0x3]  }
0x171: {  	s0 =	sadd.s32 @!p0 $0x100000, s0  }
0x172: {  	[sflag:s0] =	ssyncadd.tile.s32 @!p0 $0x1;
	_ =	shalt  }
.Lfunc_end2:
_tile_overlayer_lowered:
.L_overlay_start_2:
0x173: {  	(tag) =	ssettag $0x2  }
0x174: {  	s0 =	rddreg [dreg:$0x0];
	s2 =	stileid.u32  }
0x175: {  	s1 =	rddreg [dreg:$0x1];
	p0 =	sne.s32 s2, $0x0  }
0x176: {  	s3 =	rddreg [dreg:$0x2];
	[bflag:$0x3] =	sbarrier.arrive $0xFFFF;
	s2 =	simm.s32 @!p0 $0x1C19  }
0x177: {  	[timem:s3], [sflag:s2] =	dma.local @!p0 [hbm:s0], s1  }
0x178: {  	s0 =	simm.s32 @!p0 $0x19  }
0x179: {  	_ =	swait.ge @!p0 [sflag:s0], s1  }
0x17a: {  	s1 =	ssub.s32 @!p0 $0x0, s1;
	[sflag:s0] =	ssyncset.done @!p0 $0x0  }
0x17b: {  	[sflag:s0] =	ssyncadd.s32 @!p0 s1  }
0x17c: {  	[bflag:$0x3] =	sbarrier.arrive $0xFFFF  }
0x17d: {  	_ =	shalt  }

// kernel: kernel.15.cloned.1.call-start
scs
__scs_entry_jumppad:
0x0: {  	(pc) =	sbr.rel $0x88, $3  }
0x1: {  	(tag) =	ssettag $0x0;
	lr =	simm.s32 $0x1  }
0x2: {  	[smem:$0x3F9B] =	sst lr;
	_ =	strace $0xD0000000  }
0x3: {  	_ = 	snop  }
0x4: {  	_ = 	snop  }
0x5: {  	_ = 	snop  }
0x6: {  	_ = 	snop  }
0x7: {  	_ = 	snop  }
__scs_overlays_trampoline_lowered:
0x8: {  	[smem:$0x3FAA] =	sst s0  }
0x9: {  	[smem:$0x3FAB] =	sst s1  }
0xa: {  	[smem:$0x3FAC] =	sst s2  }
0xb: {  	[smem:$0x3FAD] =	sst s3  }
0xc: {  	[smem:$0x3FAE] =	sst s4  }
0xd: {  	[smem:$0x3FAF] =	sst s5  }
0xe: {  	[smem:$0x3FB0] =	sst s6  }
0xf: {  	[smem:$0x3FB1] =	sst s7  }
0x10: {  	[smem:$0x3FB2] =	sst s8  }
0x11: {  	[smem:$0x3FB3] =	sst s9;
	s0 =	simm.s32 @!p0 $0x0  }
0x12: {  	s1 =	sld [smem:$0x3F99];
	s0 =	simm.s32 @p0 $0x1  }
0x13: {  	[smem:$0x3FB4] =	sst s0;
	s0 =	simm.s32 @!p1 $0x0  }
0x14: {  	s2 =	sld [smem:$0x3F98];
	s0 =	simm.s32 @p1 $0x1  }
0x15: {  	[smem:$0x3FB5] =	sst s0;
	s0 =	simm.s32 @!p2 $0x0  }
0x16: {  	s3 =	sld [smem:$0x3FDB];
	s0 =	simm.s32 @p2 $0x1  }
0x17: {  	s4 =	simm.s32 $0x1BF5;
	[smem:$0x3FB7] =	sst s0  }
0x18: {  	s0 =	sld [smem:$0x3F9A];
	_ =	swait.ge [sflag:s4], $0x0  }
0x19: {  	s7 =	sld [smem:$0x3F9B]  }
0x1a: {  	s8 =	sadd.s32 $0xFFFFE003, lr  }
0x1b: {  	s9 =	sadd.s32 $0xFFFFFEF7, lr;
	s5 =	simm.s32 $0xFFFFFFFF;
	p2 =	slt.u32 s8, $0xFFFFF086  }
0x1c: {  	p1 =	slt.u32 s9, $0xF7A;
	s5 =	simm.s32 @!p2 $0x0  }
0x1d: {  	s5 =	simm.s32 @p1 $0x1;
	p0 =	seq.s32 s7, s2  }
0x1e: {  	s7 =	smul.u32 @!p0 $0xF7A, s2;
	p2 =	seq.s32 @!p0 s5, $0x0  }
0x1f: {  	s9 =	smul.u32 $0xF7A, s1;
	s8 =	simm.s32 @!p0 $0x1BF5;
	p2 =	por !p2, p0  }
0x20: {  	[sflag:s8] =	ssyncset.s32 @!p0 $0xFFFFF086;
	s6 =	sadd.s32 @!p0 s3, s7;
	s7 =	simm.s32 @!p0 $0x108  }
0x21: {  	s3 =	sadd.s32 s3, s9;
	s6 =	sadd.s32 @!p0 $0x88, s6;
	s7 =	simm.s32 @p2 $0x1082  }
0x22: {  	[simem:s7], [sflag:s8] =	dma.local @!p0 [hbm:s6], $0xF7A  }
0x23: {  	s9 =	sor.u32 $0xD0000000, s2;
	s6 =	simm.s32 $0x108;
	_ =	swait.ge @!p0 [sflag:s8], $0x0  }
0x24: {  	s3 =	sadd.s32 $0x88, s3;
	s6 =	simm.s32 @!p1 $0x1082;
	[sflag:s4] =	ssyncset.s32 $0xFFFFF086  }
0x25: {  	[simem:s6], [sflag:s4] =	dma.local [hbm:s3], $0xF7A  }
0x26: {  	[smem:$0x3F9B] =	sst s1;
	(tag) =	ssettag s2;
	_ =	strace s9  }
0x27: {  	s1 =	sld [smem:$0x3FAB]  }
0x28: {  	s2 =	sld [smem:$0x3FAC]  }
0x29: {  	s4 =	sld [smem:$0x3FAE]  }
0x2a: {  	p0 =	seq.s32 s5, $0x0;
	s5 =	sld [smem:$0x3FAF]  }
0x2b: {  	s6 =	sld [smem:$0x3FB0]  }
0x2c: {  	s7 =	sld [smem:$0x3FB1]  }
0x2d: {  	s3 =	simm.s32 $0x108;
	s8 =	sld [smem:$0x3FB2]  }
0x2e: {  	s3 =	simm.s32 @!p0 $0x1082;
	s9 =	sld [smem:$0x3FB3]  }
0x2f: {  	lr =	sadd.s32 s0, s3;
	s0 =	sld [smem:$0x3FAA]  }
0x30: {  	s3 =	sld [smem:$0x3FAD]  }
0x31: {  	[smem:$0x3FB6] =	sst s10  }
0x32: {  	s10 =	sld [smem:$0x3FB4];
	_ =	sdelay $0x3  }
0x33: {  	p0 =	seq.s32 s10, $0x1;
	s10 =	sld [smem:$0x3FB6];
	_ =	sdelay $0x3  }
0x34: {  	[smem:$0x3FB6] =	sst s10  }
0x35: {  	s10 =	sld [smem:$0x3FB5];
	_ =	sdelay $0x3  }
0x36: {  	p1 =	seq.s32 s10, $0x1;
	s10 =	sld [smem:$0x3FB6];
	_ =	sdelay $0x3  }
0x37: {  	[smem:$0x3FB6] =	sst s10  }
0x38: {  	s10 =	sld [smem:$0x3FB7]  }
0x39: {  	_ = 	snop;
	(pc) =	sbr.ind lr, $3  }
0x3a: {  	_ = 	snop  }
0x3b: {  	_ = 	snop  }
0x3c: {  	p2 =	seq.s32 s10, $0x1;
	s10 =	sld [smem:$0x3FB6]  }
0x3d: {  	_ =	shalt  }
0x3e: {  	_ =	shalt  }
0x3f: {  	_ =	shalt  }
0x40: {  	_ =	shalt  }
0x41: {  	_ =	shalt  }
0x42: {  	_ =	shalt  }
0x43: {  	_ =	shalt  }
0x44: {  	_ =	shalt  }
0x45: {  	_ =	shalt  }
0x46: {  	_ =	shalt  }
0x47: {  	_ =	shalt  }
0x48: {  	_ =	shalt  }
0x49: {  	_ =	shalt  }
0x4a: {  	_ =	shalt  }
0x4b: {  	_ =	shalt  }
0x4c: {  	_ =	shalt  }
0x4d: {  	_ =	shalt  }
0x4e: {  	_ =	shalt  }
0x4f: {  	_ =	shalt  }
0x50: {  	_ =	shalt  }
0x51: {  	_ =	shalt  }
0x52: {  	_ =	shalt  }
0x53: {  	_ =	shalt  }
0x54: {  	_ =	shalt  }
0x55: {  	_ =	shalt  }
0x56: {  	_ =	shalt  }
0x57: {  	_ =	shalt  }
0x58: {  	_ =	shalt  }
0x59: {  	_ =	shalt  }
0x5a: {  	_ =	shalt  }
0x5b: {  	_ =	shalt  }
0x5c: {  	_ =	shalt  }
0x5d: {  	_ =	shalt  }
0x5e: {  	_ =	shalt  }
0x5f: {  	_ =	shalt  }
0x60: {  	_ =	shalt  }
0x61: {  	_ =	shalt  }
0x62: {  	_ =	shalt  }
0x63: {  	_ =	shalt  }
0x64: {  	_ =	shalt  }
0x65: {  	_ =	shalt  }
0x66: {  	_ =	shalt  }
0x67: {  	_ =	shalt  }
0x68: {  	_ =	shalt  }
0x69: {  	_ =	shalt  }
0x6a: {  	_ =	shalt  }
0x6b: {  	_ =	shalt  }
0x6c: {  	_ =	shalt  }
0x6d: {  	_ =	shalt  }
0x6e: {  	_ =	shalt  }
0x6f: {  	_ =	shalt  }
0x70: {  	_ =	shalt  }
0x71: {  	_ =	shalt  }
0x72: {  	_ =	shalt  }
0x73: {  	_ =	shalt  }
0x74: {  	_ =	shalt  }
0x75: {  	_ =	shalt  }
0x76: {  	_ =	shalt  }
0x77: {  	_ =	shalt  }
0x78: {  	_ =	shalt  }
0x79: {  	_ =	shalt  }
0x7a: {  	_ =	shalt  }
0x7b: {  	_ =	shalt  }
0x7c: {  	_ =	shalt  }
0x7d: {  	_ =	shalt  }
0x7e: {  	_ =	shalt  }
0x7f: {  	_ =	shalt  }
0x80: {  	_ =	shalt  }
0x81: {  	_ =	shalt  }
0x82: {  	_ =	shalt  }
0x83: {  	_ =	shalt  }
0x84: {  	_ =	shalt  }
0x85: {  	_ =	shalt  }
0x86: {  	_ =	shalt  }
0x87: {  	_ =	shalt  }
.Lfunc_end0:
.L_simem_size_0:
called_computation.2_lowered:
.L_overlay_start_0:
0x88: {  	s2 =	sld [smem:$0x3FD9]  }
0x89: {  	s3 =	sld [smem:$0x3FFE];
	_ =	sdelay $0x1  }
0x8a: {  	s1 =	srdreg.scid  }
0x8b: {  	s0 =	sand.u32 $0x1, s1  }
0x8c: {  	s17 =	sshll.u32 s0, $0xA;
	s2 =	sadd.s32 s3, s2  }
0x8d: {  	s2 =	sadd.s32 s2, s17  }
0x8e: {  	[smem:$0x3FC2] =	sst s2  }
0x8f: {  	_ = 	snop  }
0x90: {  	s2 =	sld [smem:$0x3FD0];
	(tm) =	ssettm $0x1  }
0x91: {  	s18 =	sld [smem:$0x3FFB];
	_ =	sdelay $0x3  }
0x92: {  	_ =	strace s18  }
0x93: {  	s3 =	sld [smem:$0x3FFC];
	_ =	sdelay $0x3  }
0x94: {  	_ =	strace s3  }
0x95: {  	s3 =	sld [smem:$0x3FFD];
	_ =	sdelay $0x3  }
0x96: {  	_ =	strace s3  }
0x97: {  	_ =	strace $0x8FFFFFFF  }
0x98: {  	s19 =	sld [smem:$0x3FDB];
	_ =	sdelay $0x1  }
0x99: {  	s4 =	simm.s32 $_scs_section_size  }
0x9a: {  	s5 =	simm.s32 $_size__tile_overlayer_lowered;
	s6 =	simm.s32 $_tile_overlayer_lowered  }
0x9b: {  	s22 =	simm.s32 $0x1BFF;
	s21 =	sshll.u32 s6, $0x1;
	s3 =	sadd.s32 s4, s19  }
0x9c: {  	s7 =	simm.s32 $0x0;
	s20 =	sshll.u32 s5, $0x1;
	s5 =	sadd.s32 s21, s3  }
0x9d: {  	[timem:s7], [sflag:s22] =	dma.local [hbm:s5], s20  }
0x9e: {  	_ =	swait.ge [sflag:s22], s20  }
0x9f: {  	s4 =	ssub.s32 $0x0, s20;
	[sflag:s22] =	ssyncset.done $0x0  }
0xa0: {  	[sflag:s22] =	ssyncadd.s32 s4;
	_ =	sdelay $0x1  }
0xa1: {  	s23 =	simm.s32 $0x1B8B  }
0xa2: {  	_ =	swait.ge [sflag:s23], $0x1  }
0xa3: {  	[sflag:s23] =	ssyncset.done $0x0  }
0xa4: {  	s25 =	simm.s32 $0x1B8E;
	s24 =	sld [smem:$0x3FFE];
	[sflag:s23] =	ssyncadd.s32 $0xFFFFFFFF  }
0xa5: {  	s26 =	simm.s32 $execute0_lowered;
	[smem:$0x3FD2] =	sst s25  }
0xa6: {  	s5 =	sshll.u32 s26, $0x1;
	_ =	strace $0x8000004C;
	[dreg:$0x1] =	wrdreg $0xFFFFFFFF  }
0xa7: {  	s28 =	simm.s32 $_size_execute0_lowered;
	s3 =	sadd.s32 s3, s5;
	[dreg:$0x0] =	wrdreg $0x0  }
0xa8: {  	s5 =	sshll.u32 s28, $0x1;
	[dreg:$0x2] =	wrdreg s3  }
0xa9: {  	[dreg:$0x3] =	wrdreg s5  }
0xaa: {  	[dreg:$0x4] =	wrdreg $0xC0  }
0xab: {  	_ =	task [dreg:s7], $0x5FFFF  }
0xac: {  	[dreg:$0x1] =	wrdreg $0xFFFFFFFF  }
0xad: {  	[dreg:$0x0] =	wrdreg $0x60  }
0xae: {  	[dreg:$0x2] =	wrdreg s24  }
0xaf: {  	[dreg:$0x3] =	wrdreg s2  }
0xb0: {  	[dreg:$0x4] =	wrdreg $0xD7000  }
0xb1: {  	[dreg:$0x5] =	wrdreg $0x9  }
0xb2: {  	_ =	task.clear_ibuf [dreg:s7], $0x6FFFF;
	_ =	strace $0x9000004C  }
0xb3: {  	s29 =	simm.s32 $0x9;
	_ =	strace $0x8000004E  }
0xb4: {  	_ =	swait.ge [sflag:s29], $0x1  }
0xb5: {  	[sflag:s29] =	ssyncadd.s32 $0xFFFFFFFF  }
0xb6: {  	_ =	strace $0x9000004E  }
0xb7: {  	_ =	sfence  }
0xb8: {  	s30 =	sld [smem:$0x0];
	_ =	sdelay $0x2  }
0xb9: {  	s31 =	sshll.u32 s1, $0xD;
	s1 =	sshrl.u32 s1, $0x2  }
0xba: {  	s3 =	sand.u32 $0x4000, s31;
	s1 =	sadd.s32 s1, s30  }
0xbb: {  	s0 =	sor.u32 s3, s0;
	s1 =	sshll.u32 s1, $0x11  }
0xbc: {  	s0 =	sor.u32 s1, s0  }
0xbd: {  	s0 =	sadd.s32 $0x8F2B, s0  }
0xbe: {  	[sflag:s0] =	ssyncadd.remote.s32 $0x1  }
0xbf: {  	_ =	sfence.sel $0xFFFF  }
0xc0: {  	[dreg:$0x0] =	wrdreg $0xFFFFFFFF;
	(pc) =	sbr.abs _section_cstart, $3  }
0xc1: {  	[dreg:$0x1] =	wrdreg $0xFFFFFFFF  }
0xc2: {  	_ =	task.clear_ibuf [dreg:s7], $0x2FFFF;
	_ =	strace $0x9FFFFFFF  }
0xc3: {  	(tm) =	ssettm $0x7FFFFFFF  }
tec
execute0_lowered:
.L_overlay_start_1:
0x0: {  	(tag) =	ssettag $0x1  }
0x1: {  	s0 =	srdreg.scid  }
0x2: {  	s1 =	rddreg [dreg:$0x0];
	s14 =	stileid.u32  }
0x3: {  	s16 =	rddreg [dreg:$0x1];
	s8 =	smul.u32 $0x2800, s14  }
0x4: {  	s18 =	rddreg [dreg:$0x2];
	s28 =	simm.s32 $0x4F;
	s15 =	smul.u32 $0x4E, s14  }
0x5: {  	s25 =	simm.s32 $0x4F00;
	s0 =	sand.u32 $0x1, s0;
	s19 =	smul.u32 $0x9C00, s14  }
0x6: {  	s26 =	simm.s32 $0x5700;
	s29 =	simm.s32 $0x5F00;
	s30 =	smul.u32 $0x28000, s0  }
0x7: {  	s3 =	sshll.u32 s0, $0x4;
	s12 =	ssub.s32 $0x2, s0;
	s2 =	smul.u32 $0x9C000, s0  }
0x8: {  	s0 =	smul.u32 $0x4E0, s0;
	s4 =	sor.u32 s14, s3;
	s3 =	simm.s32 $0x0  }
0x9: {  	s13 =	sshrl.u32 s12, $0x1;
	s5 =	smul.u32 $0x4E, s4;
	s7 =	smin.u32 s4, $0x4  }
0xa: {  	[smem:$0x7FF] =	sst s3;
	p0 =	slt.u32 s4, $0x4;
	s31 =	ssub.s32 s12, s13  }
0xb: {  	s12 =	sadd.s32 s8, s18;
	s20 =	sadd.s32 s19, s2;
	s4 =	simm.s32 $0x19  }
0xc: {  	s19 =	simm.s32 $0x80;
	_ =	strace $0x8000004D;
	[dreg:$0x8] =	wrdreg s25  }
0xd: {  	s2 =	simm.s32 $0x7700;
	s28 =	simm.s32 @!p0 $0x4E;
	[dreg:$0x9] =	wrdreg s26  }
0xe: {  	s0 =	sor.u32 s0, s7;
	s24 =	smax.u32 s31, $0x1;
	[dreg:$0xa] =	wrdreg s29  }
0xf: {  	s31 =	simm.s32 $0x6F00;
	s25 =	simm.s32 $0x5;
	s26 =	simm.s32 $0x6  }
0x10: {  	[dreg:$0x13] =	wrdreg s12;
	s6 =	sadd.s32 s7, s5;
	s5 =	sadd.s32 s8, s30  }
0x11: {  	[dreg:$0x17] =	wrdreg s24;
	s30 =	simm.s32 $0x6700;
	s9 =	smin.u32 s6, $0x975  }
0x12: {  	[dreg:$0xc] =	wrdreg s31;
	s11 =	sshrl.u32 s5, $0x3;
	s10 =	sshll.u32 s9, $0x4  }
0x13: {  	[dreg:$0xb] =	wrdreg s30;
	s6 =	ssub.s32 s6, s9;
	s10 =	sadd.s32 s10, s1  }
0x14: {  	s1 =	sadd.s32 s11, s1;
	[dreg:$0x10] =	wrdreg s6;
	s11 =	sadd.s32 $0x1E00, s10  }
0x15: {  	s0 =	sadd.s32 s15, s0;
	s13 =	sadd.s32 $0xBA40, s10;
	[dreg:$0x14] =	wrdreg s11  }
0x16: {  	s9 =	sshll.u32 s6, $0x9;
	s1 =	sadd.s32 $0x15800, s1;
	[dreg:$0x15] =	wrdreg s13  }
0x17: {  	s7 =	sshll.u32 s7, $0x9;
	s5 =	sshra.s32 s9, $0x2;
	[dreg:$0x16] =	wrdreg s1  }
0x18: {  	s0 =	smin.u32 s0, $0x975;
	s17 =	sadd.s32 $0x80, s5;
	[dreg:$0xe] =	wrdreg s5  }
0x19: {  	s0 =	sshll.u32 s0, $0x9;
	s21 =	sadd.s32 $0x100, s5;
	[dreg:$0x4] =	wrdreg s17  }
0x1a: {  	s1 =	sadd.s32 s7, s20;
	s22 =	sadd.s32 $0x180, s5;
	[dreg:$0x5] =	wrdreg s21  }
0x1b: {  	s23 =	sadd.s32 $0x200, s5;
	s0 =	ssub.s32 s1, s0;
	[dreg:$0x6] =	wrdreg s22  }
0x1c: {  	s24 =	simm.s32 $0x4;
	[dreg:$0x7] =	wrdreg s23;
	s11 =	sshra.s32 s0, $0x2  }
0x1d: {  	s20 =	simm.s32 $0x3;
	s14 =	sadd.s32 $0x2780, s11;
	[dreg:$0xd] =	wrdreg s11  }
0x1e: {  	v0 =	vimm.f32 $0.0e+00;
	s21 =	simm.s32 $0x1;
	s22 =	simm.s32 $0x2;
	[dreg:$0xf] =	wrdreg s14  }
.LBB2_1:
0x1f: {  	s0 =	simm.s32 $0x40;
	s1 =	simm.s32 $0x0  }
.LBB2_2:
0x20: {  	p0 =	sne.s32 s0, $0x9FC0;
	[tilespmem:s1+$0xAF00] =	vst v0;
	s1 =	smov.u32 s0;
	s0 =	sadd.s32 $0x40, s0  }
.Ltmp0:
0x21: {  	(pc) =	sbr.rel @p0 .LBB2_2-.Ltmp0, $2  }
0x22: {  	_ =	sdelay $0x2  }
0x23: {  	s1 =	sshra.s32 s1, $0x2  }
0x24: {  	[dreg:$0x12] =	wrdreg s3;
	[tilespmem:s1+$0xAF00] =	vst v0;
	s0 =	simm.s32 $0xAF00  }
0x25: {  	[spmem:s12] =	stream.linear.scatter [tilespmem:s0], [sflag:$0x19], $0x2800, $0x38;
	[tilespmem:$0xFF00] =	vst v63  }
0x26: {  	_ =	swait.ge [sflag:s4], $0x2800  }
0x27: {  	[sflag:s4] =	ssyncset.done $0x0  }
0x28: {  	s8 =	simm.s32 $0x0;
	s9 =	rddreg [dreg:$0x14];
	[sflag:s4] =	ssyncadd.s32 $0xFFFFD800  }
0x29: {  	[tilespmem:s8], [sflag:$0x19] =	stream.linear.gather [hbm4b:s9+s8], $0x2780, $0x38;
	[tilespmem:$0xFF00] =	vst v63  }
0x2a: {  	_ =	swait.ge [sflag:s4], $0x2780  }
0x2b: {  	[sflag:s4] =	ssyncset.done $0x0  }
0x2c: {  	s12 =	simm.s32 $0x2780;
	s10 =	rddreg [dreg:$0x15];
	[sflag:s4] =	ssyncadd.s32 $0xFFFFD880  }
0x2d: {  	[tilespmem:s12], [sflag:$0x19] =	stream.linear.gather [hbm4b:s10+s8], $0x2780, $0x38;
	[tilespmem:$0xFF00] =	vst v63  }
0x2e: {  	_ =	swait.ge [sflag:s4], $0x2780  }
0x2f: {  	[sflag:s4] =	ssyncset.done $0x0  }
0x30: {  	p5 =	por $0x0, $0x0;
	[sflag:s4] =	ssyncadd.s32 $0xFFFFD880  }
0x31: {  	s0 =	simm.s32 @p5 $0xD;
	[bflag:$0x0] =	sbarrier.arrive $0xFFFF  }
0x32: {  	_ =	swait.ge @p5 [sflag:s0], $0x800  }
0x33: {  	s1 =	sadd.s32 @p5 $0x0, s11;
	s7 =	simm.s32 @p5 $0x4F00;
	[sflag:s0] =	ssyncset.done @p5 $0x0  }
0x34: {  	s4 =	simm.s32 @p5 $0x80;
	[sflag:s0] =	ssyncadd.s32 @p5 $0xFFFFF800;
	s0 =	simm.s32 @p5 $0xE  }
0x35: {  	[tilespmem:s7], [sflag:$0x1] =	stream.indirect.gather @p5 [hbm4b:s16+s4], $0x10, s1, s4, $0xb8;
	[tilespmem:$0xFF00] =	vst v63  }
0x36: {  	_ =	swait.ge @p5 [sflag:s0], $0x800  }
0x37: {  	s9 =	simm.s32 @p5 $0xF;
	[sflag:s0] =	ssyncset.done @p5 $0x0  }
0x38: {  	s8 =	simm.s32 @p5 $0x5700;
	s7 =	sadd.s32 @p5 $0x80, s1;
	[sflag:s0] =	ssyncadd.s32 @p5 $0xFFFFF800  }
0x39: {  	[tilespmem:s8], [sflag:$0x2] =	stream.indirect.gather @p5 [hbm4b:s16+s4], $0x10, s7, s4, $0xb8;
	[tilespmem:$0xFF00] =	vst v63  }
0x3a: {  	_ =	swait.ge @p5 [sflag:s9], $0x800  }
0x3b: {  	s0 =	sadd.s32 @p5 $0x100, s1;
	[sflag:s9] =	ssyncset.done @p5 $0x0  }
0x3c: {  	s7 =	simm.s32 @p5 $0x5F00;
	s8 =	simm.s32 @p5 $0x10;
	[sflag:s9] =	ssyncadd.s32 @p5 $0xFFFFF800  }
0x3d: {  	[tilespmem:s7], [sflag:$0x3] =	stream.indirect.gather @p5 [hbm4b:s16+s4], $0x10, s0, s4, $0xb8;
	[tilespmem:$0xFF00] =	vst v63  }
0x3e: {  	_ =	swait.ge @p5 [sflag:s8], $0x800  }
0x3f: {  	s0 =	sadd.s32 @p5 $0x180, s1;
	[sflag:s8] =	ssyncset.done @p5 $0x0  }
0x40: {  	s7 =	simm.s32 @p5 $0x11;
	[sflag:s8] =	ssyncadd.s32 @p5 $0xFFFFF800;
	s8 =	simm.s32 @p5 $0x6700  }
0x41: {  	[tilespmem:s8], [sflag:$0x4] =	stream.indirect.gather @p5 [hbm4b:s16+s4], $0x10, s0, s4, $0xb8;
	[tilespmem:$0xFF00] =	vst v63  }
0x42: {  	_ =	swait.ge @p5 [sflag:s7], $0x800  }
0x43: {  	s0 =	sadd.s32 @p5 $0x200, s1;
	[sflag:s7] =	ssyncset.done @p5 $0x0  }
0x44: {  	s1 =	simm.s32 @p5 $0x6F00;
	[sflag:s7] =	ssyncadd.s32 @p5 $0xFFFFF800;
	s7 =	simm.s32 @p5 $0x12  }
0x45: {  	[tilespmem:s1], [sflag:$0x5] =	stream.indirect.gather @p5 [hbm4b:s16+s4], $0x10, s0, s4, $0xb8;
	[tilespmem:$0xFF00] =	vst v63  }
0x46: {  	_ =	swait.ge @p5 [sflag:s7], $0x800  }
0x47: {  	p6 =	por $0x1, $0x1;
	p4 =	sle.u32 s28, $0x7;
	[sflag:s7] =	ssyncset.done @p5 $0x0  }
0x48: {  	s1 =	simm.s32 @!p5 $0x4F00;
	[sflag:s7] =	ssyncadd.s32 @p5 $0xFFFFF800;
	s7 =	simm.s32 @!p5 $0x80  }
0x49: {  	[tilespmem:s1], [sflag:$0x1] =	stream.indirect.gather @!p5 [hbm4b:s16+s7], $0x10, s5, s7, $0xb8;
	[tilespmem:$0xFF00] =	vst v63  }
0x4a: {  	p3 =	sle.u32 s28, $0x6;
	s4 =	rddreg [dreg:$0x4];
	s1 =	simm.s32 @!p5 $0x5700  }
0x4b: {  	[tilespmem:s1], [sflag:$0x2] =	stream.indirect.gather @!p5 [hbm4b:s16+s7], $0x10, s4, s7, $0xb8;
	[tilespmem:$0xFF00] =	vst v63  }
0x4c: {  	p0 =	sle.u32 @!p6 s28, $0x6;
	s8 =	rddreg [dreg:$0x5];
	s1 =	simm.s32 @!p5 $0x5F00  }
0x4d: {  	[tilespmem:s1], [sflag:$0x3] =	stream.indirect.gather @!p5 [hbm4b:s16+s7], $0x10, s8, s7, $0xb8;
	[tilespmem:$0xFF00] =	vst v63  }
0x4e: {  	s0 =	simm.s32 @p5 $0x5;
	s4 =	rddreg [dreg:$0x6];
	s8 =	simm.s32 @!p5 $0x6700  }
0x4f: {  	[tilespmem:s8], [sflag:$0x4] =	stream.indirect.gather @!p5 [hbm4b:s16+s7], $0x10, s4, s7, $0xb8;
	[tilespmem:$0xFF00] =	vst v63  }
0x50: {  	s0 =	simm.s32 @!p5 $0x5;
	s1 =	rddreg [dreg:$0x7];
	s4 =	simm.s32 @!p5 $0x6F00  }
0x51: {  	[tilespmem:s4], [sflag:$0x5] =	stream.indirect.gather @!p5 [hbm4b:s16+s7], $0x10, s1, s7, $0xb8;
	[tilespmem:$0xFF00] =	vst v63  }
0x52: {  	p1 =	sle.u32 @!p6 s28, $0x7;
	s0 =	sadd.s32 s6, s0;
	s1 =	simm.s32 @!p3 $0x0  }
0x53: {  	p2 =	por p0, p6;
	s0 =	sshll.u32 s0, $0x9;
	s1 =	simm.s32 @p3 $0x1  }
0x54: {  	s7 =	sshra.s32 s0, $0x2;
	s0 =	simm.s32 @!p2 $0x13;
	[smem:$0x7FC] =	sst s1  }
0x55: {  	[tilespmem:s2], [sflag:$0x6] =	stream.indirect.gather [hbm4b:s16+s19], $0x10, s7, s19, $0xb8;
	[tilespmem:$0xFF00] =	vst v63  }
0x56: {  	p0 =	por p1, p6;
	s10 =	simm.s32 @!p3 $0x80;
	_ =	swait.ge @!p2 [sflag:s0], $0x800  }
0x57: {  	s4 =	simm.s32 @!p3 $0x7F00;
	s1 =	sadd.s32 @!p3 $0x0, s11;
	[sflag:s0] =	ssyncset.done @!p2 $0x0  }
0x58: {  	s1 =	sadd.s32 @!p3 $0x300, s1;
	[sflag:s0] =	ssyncadd.s32 @!p2 $0xFFFFF800;
	s0 =	simm.s32 @!p4 $0x0  }
0x59: {  	[tilespmem:s4], [sflag:$0x7] =	stream.indirect.gather @!p3 [hbm4b:s16+s10], $0x10, s1, s10, $0xb8;
	[tilespmem:$0xFF00] =	vst v63  }
0x5a: {  	p1 =	sle.u32 @!p6 s28, $0x8;
	s8 =	simm.s32 @!p0 $0x14;
	s0 =	simm.s32 @p4 $0x1  }
0x5b: {  	p2 =	sle.u32 @!p6 s28, $0x9;
	p3 =	por p4, p4;
	[smem:$0x7FB] =	sst s0  }
0x5c: {  	s0 =	sadd.s32 @!p4 $0x0, s11;
	s23 =	simm.s32 @!p3 $0x8700;
	s29 =	simm.s32 @!p3 $0x80  }
0x5d: {  	_ =	swait.ge @!p0 [sflag:s8], $0x800;
	s0 =	sadd.s32 @!p4 $0x380, s0;
	p4 =	sle.u32 s28, $0x8  }
0x5e: {  	[sflag:s8] =	ssyncset.done @!p0 $0x0;
	s30 =	simm.s32 @!p4 $0x80;
	s31 =	simm.s32 @!p4 $0x8F00  }
0x5f: {  	[sflag:s8] =	ssyncadd.s32 @!p0 $0xFFFFF800;
	p0 =	por p1, p6;
	p1 =	por p2, p6  }
0x60: {  	p2 =	sle.u32 s28, $0x9;
	p6 =	sle.u32 s28, $0xA;
	s1 =	simm.s32 @!p0 $0x15  }
0x61: {  	[tilespmem:s23], [sflag:$0x8] =	stream.indirect.gather @!p3 [hbm4b:s16+s29], $0x10, s0, s29, $0xb8;
	[tilespmem:$0xFF00] =	vst v63  }
0x62: {  	s0 =	sadd.s32 @!p4 $0x0, s11;
	p3 =	por $0x1, $0x1;
	_ =	swait.ge @!p0 [sflag:s1], $0x800  }
0x63: {  	s8 =	simm.s32 @!p1 $0x16;
	s17 =	simm.s32 @!p2 $0x80;
	[sflag:s1] =	ssyncset.done @!p0 $0x0  }
0x64: {  	s15 =	simm.s32 @!p6 $0x80;
	s0 =	sadd.s32 @!p4 $0x400, s0;
	[sflag:s1] =	ssyncadd.s32 @!p0 $0xFFFFF800  }
0x65: {  	[tilespmem:s31], [sflag:$0x9] =	stream.indirect.gather @!p4 [hbm4b:s16+s30], $0x10, s0, s30, $0xb8;
	[tilespmem:$0xFF00] =	vst v63  }
0x66: {  	p0 =	sle.u32 @!p3 s28, $0xA;
	s1 =	simm.s32 @!p2 $0x9700;
	_ =	swait.ge @!p1 [sflag:s8], $0x800  }
0x67: {  	s0 =	sadd.s32 @!p2 $0x0, s11;
	p0 =	por p0, p3;
	[sflag:s8] =	ssyncset.done @!p1 $0x0  }
0x68: {  	s0 =	sadd.s32 @!p2 $0x480, s0;
	[sflag:s8] =	ssyncadd.s32 @!p1 $0xFFFFF800;
	s8 =	simm.s32 @!p0 $0x17  }
0x69: {  	[tilespmem:s1], [sflag:$0xA] =	stream.indirect.gather @!p2 [hbm4b:s16+s17], $0x10, s0, s17, $0xb8;
	[tilespmem:$0xFF00] =	vst v63  }
0x6a: {  	p1 =	sle.u32 @!p3 s28, $0xB;
	s0 =	sadd.s32 @!p6 $0x0, s11;
	_ =	swait.ge @!p0 [sflag:s8], $0x800  }
0x6b: {  	p1 =	por p1, p3;
	s0 =	sadd.s32 @!p6 $0x500, s0;
	[sflag:s8] =	ssyncset.done @!p0 $0x0  }
0x6c: {  	s9 =	simm.s32 @!p1 $0x18;
	[sflag:s8] =	ssyncadd.s32 @!p0 $0xFFFFF800;
	s8 =	simm.s32 @!p6 $0x9F00  }
0x6d: {  	[tilespmem:s8], [sflag:$0xB] =	stream.indirect.gather @!p6 [hbm4b:s16+s15], $0x10, s0, s15, $0xb8;
	[tilespmem:$0xFF00] =	vst v63  }
0x6e: {  	_ =	swait.ge @!p1 [sflag:s9], $0x800  }
0x6f: {  	p0 =	por p4, p4;
	p4 =	sle.u32 s28, $0xB;
	[sflag:s9] =	ssyncset.done @!p1 $0x0  }
0x70: {  	s13 =	sld [smem:$0x7FB];
	[sflag:s9] =	ssyncadd.s32 @!p1 $0xFFFFF800;
	s9 =	sadd.s32 @!p4 $0x0, s11  }
0x71: {  	s0 =	simm.s32 @!p4 $0xA700;
	s11 =	sadd.s32 @!p4 $0x580, s9;
	s9 =	simm.s32 @!p4 $0x80  }
0x72: {  	[tilespmem:s0], [sflag:$0xC] =	stream.indirect.gather @!p4 [hbm4b:s16+s9], $0x10, s11, s9, $0xb8;
	[tilespmem:$0xFF00] =	vst v63  }
0x73: {  	p1 =	seq.s32 s13, $0x1;
	s13 =	simm.s32 @p5 $0x1  }
0x74: {  	s12 =	sadd.s32 $0x0, s14;
	_ =	swait.ge [sflag:s21], $0x800;
	s13 =	simm.s32 @!p5 $0x1  }
0x75: {  	s5 =	smov.u32 s16;
	[sflag:s21] =	ssyncset.done $0x0;
	s16 =	sadd.s32 s6, s13  }
0x76: {  	s3 =	rddreg [dreg:$0x8];
	[sflag:s21] =	ssyncadd.s32 $0xFFFFF800;
	s11 =	sshll.u32 s16, $0x9  }
0x77: {  	[spmem:s18] =	stream.indirect.scatter.add.f32 [tilespmem:s3], [sflag:$0xD], $0x10, s12, s19, $0xb8;
	[tilespmem:$0xFF00] =	vst v63  }
0x78: {  	s16 =	simm.s32 @p5 $0x2;
	s11 =	sshra.s32 s11, $0x2;
	_ =	swait.ge [sflag:s22], $0x800  }
0x79: {  	s16 =	simm.s32 @!p5 $0x2;
	s11 =	sadd.s32 $0x2780, s11;
	[sflag:s22] =	ssyncset.done $0x0  }
0x7a: {  	s3 =	sadd.s32 s6, s16;
	s21 =	rddreg [dreg:$0x9];
	[sflag:s22] =	ssyncadd.s32 $0xFFFFF800  }
0x7b: {  	[spmem:s18] =	stream.indirect.scatter.add.f32 [tilespmem:s21], [sflag:$0xE], $0x10, s11, s19, $0xb8;
	[tilespmem:$0xFF00] =	vst v63  }
0x7c: {  	s16 =	simm.s32 @p5 $0x3;
	s11 =	sshll.u32 s3, $0x9  }
0x7d: {  	s16 =	simm.s32 @!p5 $0x3;
	_ =	swait.ge [sflag:s20], $0x800;
	s11 =	sshra.s32 s11, $0x2  }
0x7e: {  	s12 =	rddreg [dreg:$0xa];
	[sflag:s20] =	ssyncset.done $0x0;
	s11 =	sadd.s32 $0x2780, s11  }
0x7f: {  	[sflag:s20] =	ssyncadd.s32 $0xFFFFF800;
	s20 =	sadd.s32 s6, s16;
	s16 =	simm.s32 @p5 $0x4  }
0x80: {  	[spmem:s18] =	stream.indirect.scatter.add.f32 [tilespmem:s12], [sflag:$0xF], $0x10, s11, s19, $0xb8;
	[tilespmem:$0xFF00] =	vst v63  }
0x81: {  	s11 =	sshll.u32 s20, $0x9;
	s16 =	simm.s32 @!p5 $0x4;
	_ =	swait.ge [sflag:s24], $0x800  }
0x82: {  	s11 =	sshra.s32 s11, $0x2;
	s22 =	sadd.s32 s6, s16;
	[sflag:s24] =	ssyncset.done $0x0  }
0x83: {  	s21 =	rddreg [dreg:$0xb];
	s11 =	sadd.s32 $0x2780, s11;
	[sflag:s24] =	ssyncadd.s32 $0xFFFFF800  }
0x84: {  	[spmem:s18] =	stream.indirect.scatter.add.f32 [tilespmem:s21], [sflag:$0x10], $0x10, s11, s19, $0xb8;
	[tilespmem:$0xFF00] =	vst v63  }
0x85: {  	s11 =	sshll.u32 s22, $0x9;
	_ =	swait.ge [sflag:s25], $0x800  }
0x86: {  	s11 =	sshra.s32 s11, $0x2;
	[sflag:s25] =	ssyncset.done $0x0  }
0x87: {  	s24 =	rddreg [dreg:$0xc];
	s11 =	sadd.s32 $0x2780, s11;
	[sflag:s25] =	ssyncadd.s32 $0xFFFFF800  }
0x88: {  	[spmem:s18] =	stream.indirect.scatter.add.f32 [tilespmem:s24], [sflag:$0x11], $0x10, s11, s19, $0xb8;
	[tilespmem:$0xFF00] =	vst v63  }
0x89: {  	_ =	swait.ge [sflag:s26], $0x800  }
0x8a: {  	[sflag:s26] =	ssyncset.done $0x0  }
0x8b: {  	[sflag:s26] =	ssyncadd.s32 $0xFFFFF800;
	s26 =	sld [smem:$0x7FC]  }
0x8c: {  	s7 =	sadd.s32 $0x2780, s7  }
0x8d: {  	[spmem:s18] =	stream.indirect.scatter.add.f32 [tilespmem:s2], [sflag:$0x12], $0x10, s7, s19, $0xb8;
	[tilespmem:$0xFF00] =	vst v63  }
0x8e: {  	p5 =	seq.s32 s26, $0x1  }
0x8f: {  	p3 =	por p2, p2;
	p2 =	por p6, p6;
	s11 =	simm.s32 @!p5 $0x7  }
0x90: {  	s13 =	simm.s32 $0x1800;
	s2 =	simm.s32 @!p0 $0x0;
	_ =	swait.ge @!p5 [sflag:s11], $0x800  }
0x91: {  	s2 =	simm.s32 @p0 $0x1;
	s7 =	sadd.s32 @!p5 $0x0, s14;
	[sflag:s11] =	ssyncset.done @!p5 $0x0  }
0x92: {  	s26 =	simm.s32 $0x17;
	s7 =	sadd.s32 @!p5 $0x300, s7;
	[sflag:s11] =	ssyncadd.s32 @!p5 $0xFFFFF800  }
0x93: {  	[spmem:s18] =	stream.indirect.scatter.add.f32 @!p5 [tilespmem:s4], [sflag:$0x13], $0x10, s7, s10, $0xb8;
	[tilespmem:$0xFF00] =	vst v63  }
0x94: {  	[smem:$0x7FD] =	sst s2;
	s4 =	sadd.s32 @!p0 $0x0, s14;
	s7 =	sadd.s32 @!p3 $0x0, s14  }
0x95: {  	p5 =	por p1, p1;
	s10 =	sadd.s32 @!p0 $0x400, s4;
	s4 =	sadd.s32 @!p1 $0x0, s14  }
0x96: {  	s22 =	sadd.s32 @!p3 $0x480, s7;
	s7 =	sadd.s32 @!p6 $0x0, s14;
	s25 =	sadd.s32 @!p1 $0x380, s4  }
0x97: {  	s4 =	sadd.s32 @!p4 $0x0, s14;
	s24 =	sadd.s32 @!p6 $0x500, s7;
	s7 =	simm.s32 @!p1 $0x8  }
0x98: {  	s19 =	sadd.s32 @!p4 $0x580, s4;
	_ =	swait.ge @!p1 [sflag:s7], $0x800;
	s4 =	simm.s32 @!p3 $0xA  }
.LBB2_4:
0x99: {  	[sflag:s7] =	ssyncset.done @!p5 $0x0;
	s2 =	sld [smem:$0x7FD]  }
0x9a: {  	p6 =	sne.s32 s13, $0x0;
	s3 =	rddreg [dreg:$0xd];
	[sflag:s7] =	ssyncadd.s32 @!p5 $0xFFFFF800  }
0x9b: {  	[spmem:s18] =	stream.indirect.scatter.add.f32 @!p5 [tilespmem:s23], [sflag:$0x14], $0x10, s25, s29, $0xb8;
	[tilespmem:$0xFF00] =	vst v63  }
0x9c: {  	s14 =	smov.u32 s18;
	s16 =	sshra.s32 @p6 s13, $0x2;
	p0 =	seq.s32 s2, $0x1  }
0x9d: {  	s6 =	sadd.s32 @p6 $0xFFFFFFFA, s26;
	s7 =	sadd.s32 @p6 $0xFFFFFFF6, s26;
	s11 =	simm.s32 @!p0 $0x9  }
0x9e: {  	s25 =	sadd.s32 @p6 s16, s3;
	s6 =	simm.s32 @!p6 $0x5;
	_ =	swait.ge @!p0 [sflag:s11], $0x800  }
0x9f: {  	s7 =	simm.s32 @!p6 $0x1;
	p5 =	seq.s32 s13, $0x0;
	[sflag:s11] =	ssyncset.done @!p0 $0x0  }
0xa0: {  	s23 =	sadd.s32 @p6 $0x80, s25;
	s21 =	sadd.s32 @p6 $0x100, s25;
	[sflag:s11] =	ssyncadd.s32 @!p0 $0xFFFFF800  }
0xa1: {  	[spmem:s14] =	stream.indirect.scatter.add.f32 @!p0 [tilespmem:s31], [sflag:$0x15], $0x10, s10, s30, $0xb8;
	[tilespmem:$0xFF00] =	vst v63  }
0xa2: {  	s20 =	sadd.s32 @p6 $0x180, s25;
	s11 =	rddreg [dreg:$0x10];
	_ =	swait.ge @!p3 [sflag:s4], $0x800  }
0xa3: {  	s18 =	sadd.s32 @p6 $0x200, s25;
	s6 =	sadd.s32 s11, s6;
	[sflag:s4] =	ssyncset.done @!p3 $0x0  }
0xa4: {  	s16 =	sadd.s32 s11, s7;
	[sflag:s4] =	ssyncadd.s32 @!p3 $0xFFFFF800;
	s4 =	simm.s32 @!p2 $0xB  }
0xa5: {  	[spmem:s14] =	stream.indirect.scatter.add.f32 @!p3 [tilespmem:s1], [sflag:$0x16], $0x10, s22, s17, $0xb8;
	[tilespmem:$0xFF00] =	vst v63  }
0xa6: {  	s12 =	sshll.u32 s6, $0x9;
	s6 =	sshll.u32 s16, $0x9;
	_ =	swait.ge @!p2 [sflag:s4], $0x800  }
0xa7: {  	s16 =	sadd.s32 @p6 $0xFFFFFFF9, s26;
	s17 =	sshra.s32 s6, $0x2;
	[sflag:s4] =	ssyncset.done @!p2 $0x0  }
0xa8: {  	[dreg:$0x11] =	wrdreg s17;
	[sflag:s4] =	ssyncadd.s32 @!p2 $0xFFFFF800;
	s4 =	simm.s32 @!p4 $0xC  }
0xa9: {  	[spmem:s14] =	stream.indirect.scatter.add.f32 @!p2 [tilespmem:s8], [sflag:$0x17], $0x10, s24, s15, $0xb8;
	[tilespmem:$0xFF00] =	vst v63  }
0xaa: {  	s16 =	simm.s32 @!p6 $0x4;
	s1 =	sadd.s32 @p6 $0xFFFFFFF7, s26;
	_ =	swait.ge @!p4 [sflag:s4], $0x800  }
0xab: {  	s6 =	simm.s32 @p6 $0xD;
	s1 =	simm.s32 @!p6 $0x2;
	[sflag:s4] =	ssyncset.done @!p4 $0x0  }
0xac: {  	s22 =	sadd.s32 $0xFFFFFFFC, s26;
	s1 =	sadd.s32 s11, s1;
	[sflag:s4] =	ssyncadd.s32 @!p4 $0xFFFFF800  }
0xad: {  	[spmem:s14] =	stream.indirect.scatter.add.f32 @!p4 [tilespmem:s0], [sflag:$0x18], $0x10, s19, s9, $0xb8;
	[tilespmem:$0xFF00] =	vst v63  }
0xae: {  	s17 =	simm.s32 @p6 $0x11;
	s1 =	sshll.u32 s1, $0x9;
	_ =	swait.ge @p6 [sflag:s6], $0x800  }
0xaf: {  	s15 =	sadd.s32 @p6 $0xFFFFFFF8, s26;
	s8 =	simm.s32 @p6 $0x80;
	[sflag:s6] =	ssyncset.done @p6 $0x0  }
0xb0: {  	s0 =	simm.s32 @p6 $0x4F00;
	[sflag:s6] =	ssyncadd.s32 @p6 $0xFFFFF800;
	s6 =	simm.s32 @p6 $0xE  }
0xb1: {  	[tilespmem:s0], [sflag:$0x1] =	stream.indirect.gather @p6 [hbm4b:s5+s8], $0x10, s25, s8, $0xb8;
	[tilespmem:$0xFF00] =	vst v63  }
0xb2: {  	s7 =	sshra.s32 s1, $0x2;
	s1 =	sadd.s32 $0xFFFFFFFD, s26;
	_ =	swait.ge @p6 [sflag:s6], $0x800  }
0xb3: {  	s15 =	simm.s32 @!p6 $0x3;
	p2 =	sge.u32 @!p5 s1, s28;
	[sflag:s6] =	ssyncset.done @p6 $0x0  }
0xb4: {  	s9 =	simm.s32 @p6 $0xF;
	s0 =	simm.s32 @p6 $0x5700;
	[sflag:s6] =	ssyncadd.s32 @p6 $0xFFFFF800  }
0xb5: {  	[tilespmem:s0], [sflag:$0x2] =	stream.indirect.gather @p6 [hbm4b:s5+s8], $0x10, s23, s8, $0xb8;
	[tilespmem:$0xFF00] =	vst v63  }
0xb6: {  	s19 =	sadd.s32 s11, s15;
	s15 =	sadd.s32 $0xFFFFFFFF, s26;
	_ =	swait.ge @p6 [sflag:s9], $0x800  }
0xb7: {  	s4 =	sshll.u32 s19, $0x9;
	s19 =	sadd.s32 $0xFFFFFFFE, s26;
	[sflag:s9] =	ssyncset.done @p6 $0x0  }
0xb8: {  	s0 =	simm.s32 @p6 $0x5F00;
	[sflag:s9] =	ssyncadd.s32 @p6 $0xFFFFF800;
	s9 =	sadd.s32 $0xFFFFFFFB, s26  }
0xb9: {  	[tilespmem:s0], [sflag:$0x3] =	stream.indirect.gather @p6 [hbm4b:s5+s8], $0x10, s21, s8, $0xb8;
	[tilespmem:$0xFF00] =	vst v63  }
0xba: {  	p1 =	sge.u32 s19, s28;
	p3 =	sge.u32 @!p5 s19, s28;
	p0 =	sge.u32 @!p5 s9, s28  }
0xbb: {  	s2 =	simm.s32 @!p3 $0x0;
	s6 =	simm.s32 @p6 $0x10;
	s0 =	simm.s32 @!p0 $0x0  }
0xbc: {  	_ =	swait.ge @p6 [sflag:s6], $0x800;
	s0 =	simm.s32 @p0 $0x1;
	p0 =	sge.u32 @!p5 s15, s28  }
0xbd: {  	s2 =	simm.s32 @p3 $0x1;
	[smem:$0x7F4] =	sst s0;
	s0 =	simm.s32 @!p0 $0x0  }
0xbe: {  	s25 =	simm.s32 $0x7700;
	p4 =	sge.u32 s9, s28;
	s0 =	simm.s32 @p0 $0x1  }
0xbf: {  	[sflag:s6] =	ssyncset.done @p6 $0x0;
	[smem:$0x7F7] =	sst s0;
	s0 =	simm.s32 @!p2 $0x0  }
0xc0: {  	[sflag:s6] =	ssyncadd.s32 @p6 $0xFFFFF800;
	s6 =	simm.s32 @!p6 $0x4F00;
	s0 =	simm.s32 @p2 $0x1  }
0xc1: {  	p2 =	sge.u32 s22, s28;
	[smem:$0x7F6] =	sst s0;
	s0 =	simm.s32 @p6 $0x6700  }
0xc2: {  	[tilespmem:s0], [sflag:$0x4] =	stream.indirect.gather @p6 [hbm4b:s5+s8], $0x10, s20, s8, $0xb8;
	[tilespmem:$0xFF00] =	vst v63  }
0xc3: {  	p0 =	sge.u32 @!p5 s22, s28;
	s0 =	sshra.s32 @!p2 s13, $0x2;
	_ =	swait.ge @p6 [sflag:s17], $0x800  }
0xc4: {  	s20 =	simm.s32 @p6 $0x12;
	[smem:$0x7F5] =	sst s2;
	s2 =	simm.s32 @!p2 $0x0  }
0xc5: {  	s19 =	sadd.s32 @!p2 s0, s3;
	[sflag:s17] =	ssyncset.done @p6 $0x0;
	s2 =	simm.s32 @p2 $0x1  }
0xc6: {  	[sflag:s17] =	ssyncadd.s32 @p6 $0xFFFFF800;
	s17 =	simm.s32 @p6 $0x6F00;
	[smem:$0x7FB] =	sst s2  }
0xc7: {  	[tilespmem:s17], [sflag:$0x5] =	stream.indirect.gather @p6 [hbm4b:s5+s8], $0x10, s18, s8, $0xb8;
	[tilespmem:$0xFF00] =	vst v63  }
0xc8: {  	s18 =	simm.s32 @!p6 $0x5700;
	s2 =	simm.s32 @!p1 $0x0;
	_ =	swait.ge @p6 [sflag:s20], $0x800  }
0xc9: {  	s2 =	simm.s32 @p1 $0x1;
	[sflag:s20] =	ssyncset.done @p6 $0x0;
	s9 =	rddreg [dreg:$0x4]  }
0xca: {  	s8 =	rddreg [dreg:$0xe];
	[sflag:s20] =	ssyncadd.s32 @p6 $0xFFFFF800;
	s20 =	simm.s32 @!p6 $0x80  }
0xcb: {  	[tilespmem:s6], [sflag:$0x1] =	stream.indirect.gather @!p6 [hbm4b:s5+s20], $0x10, s8, s20, $0xb8;
	[tilespmem:$0xFF00] =	vst v63  }
0xcc: {  	s17 =	sadd.s32 @!p2 $0x380, s19;
	[smem:$0x7F8] =	sst s2;
	s8 =	sshra.s32 @!p1 s13, $0x2  }
0xcd: {  	[tilespmem:s18], [sflag:$0x2] =	stream.indirect.gather @!p6 [hbm4b:s5+s20], $0x10, s9, s20, $0xb8;
	[tilespmem:$0xFF00] =	vst v63  }
0xce: {  	s6 =	rddreg [dreg:$0x5];
	s19 =	sadd.s32 @!p1 s8, s3;
	s9 =	simm.s32 @!p6 $0x5F00  }
0xcf: {  	[tilespmem:s9], [sflag:$0x3] =	stream.indirect.gather @!p6 [hbm4b:s5+s20], $0x10, s6, s20, $0xb8;
	[tilespmem:$0xFF00] =	vst v63  }
0xd0: {  	s22 =	sld [smem:$0x7F4];
	s9 =	sadd.s32 @!p1 $0x480, s19;
	p1 =	sge.u32 s15, s28  }
0xd1: {  	s21 =	sshra.s32 @!p4 s13, $0x2;
	s18 =	rddreg [dreg:$0x6];
	s2 =	simm.s32 @!p1 $0x0  }
0xd2: {  	s6 =	rddreg [dreg:$0x7];
	s15 =	simm.s32 @!p6 $0x6700;
	s2 =	simm.s32 @p1 $0x1  }
0xd3: {  	[tilespmem:s15], [sflag:$0x4] =	stream.indirect.gather @!p6 [hbm4b:s5+s20], $0x10, s18, s20, $0xb8;
	[tilespmem:$0xFF00] =	vst v63  }
0xd4: {  	p3 =	seq.s32 s22, $0x1;
	s15 =	simm.s32 @!p6 $0x6F00;
	[smem:$0x7F9] =	sst s2  }
0xd5: {  	[tilespmem:s15], [sflag:$0x5] =	stream.indirect.gather @!p6 [hbm4b:s5+s20], $0x10, s6, s20, $0xb8;
	[tilespmem:$0xFF00] =	vst v63  }
0xd6: {  	s2 =	rddreg [dreg:$0xf];
	p6 =	por p3, p5;
	p3 =	sge.u32 s1, s28  }
0xd7: {  	s23 =	sadd.s32 @!p4 s21, s3;
	s24 =	sadd.s32 @!p4 s21, s2;
	s1 =	simm.s32 @!p3 $0x0  }
0xd8: {  	s21 =	sshra.s32 s12, $0x2;
	s20 =	simm.s32 $0x80;
	s1 =	simm.s32 @p3 $0x1  }
0xd9: {  	[tilespmem:s25], [sflag:$0x6] =	stream.indirect.gather [hbm4b:s5+s20], $0x10, s21, s20, $0xb8;
	[tilespmem:$0xFF00] =	vst v63  }
0xda: {  	s10 =	simm.s32 @!p6 $0x13;
	[smem:$0x7FD] =	sst s1  }
0xdb: {  	_ =	swait.ge @!p6 [sflag:s10], $0x800  }
0xdc: {  	s12 =	simm.s32 @!p4 $0x7F00;
	[sflag:s10] =	ssyncset.done @!p6 $0x0  }
0xdd: {  	s15 =	sadd.s32 @!p4 $0x300, s23;
	[sflag:s10] =	ssyncadd.s32 @!p6 $0xFFFFF800;
	s10 =	simm.s32 @!p4 $0x80  }
0xde: {  	[tilespmem:s12], [sflag:$0x7] =	stream.indirect.gather @!p4 [hbm4b:s5+s10], $0x10, s15, s10, $0xb8;
	[tilespmem:$0xFF00] =	vst v63  }
0xdf: {  	s19 =	sshra.s32 @!p1 s13, $0x2;
	s10 =	simm.s32 @!p4 $0x0  }
0xe0: {  	p0 =	por p0, p5;
	s18 =	sadd.s32 @!p1 s19, s3;
	s10 =	simm.s32 @p4 $0x1  }
0xe1: {  	s6 =	simm.s32 @!p0 $0x14;
	s1 =	sshra.s32 @!p3 s13, $0x2;
	[smem:$0x7FA] =	sst s10  }
0xe2: {  	s22 =	sadd.s32 @!p1 $0x500, s18;
	s18 =	sadd.s32 @!p3 s1, s3;
	_ =	swait.ge @!p0 [sflag:s6], $0x800  }
0xe3: {  	s25 =	sadd.s32 @!p3 $0x400, s18;
	s18 =	sld [smem:$0x7F6]  }
0xe4: {  	s15 =	sld [smem:$0x7FB]  }
0xe5: {  	p2 =	por p4, p4  }
0xe6: {  	s12 =	sld [smem:$0x7F5];
	[sflag:s6] =	ssyncset.done @!p0 $0x0;
	p1 =	seq.s32 s18, $0x1  }
0xe7: {  	[sflag:s6] =	ssyncadd.s32 @!p0 $0xFFFFF800;
	p4 =	seq.s32 s15, $0x1;
	p1 =	por p1, p5  }
0xe8: {  	s23 =	simm.s32 @!p4 $0x8700;
	s29 =	simm.s32 @!p4 $0x80;
	s6 =	simm.s32 @!p1 $0x15  }
0xe9: {  	[tilespmem:s23], [sflag:$0x8] =	stream.indirect.gather @!p4 [hbm4b:s5+s29], $0x10, s17, s29, $0xb8;
	[tilespmem:$0xFF00] =	vst v63  }
0xea: {  	p6 =	seq.s32 s12, $0x1;
	_ =	swait.ge @!p1 [sflag:s6], $0x800  }
0xeb: {  	s30 =	simm.s32 @!p3 $0x80;
	p6 =	por p6, p5;
	[sflag:s6] =	ssyncset.done @!p1 $0x0  }
0xec: {  	s31 =	simm.s32 @!p3 $0x8F00;
	s15 =	simm.s32 @!p6 $0x16;
	[sflag:s6] =	ssyncadd.s32 @!p1 $0xFFFFF800  }
0xed: {  	[tilespmem:s31], [sflag:$0x9] =	stream.indirect.gather @!p3 [hbm4b:s5+s30], $0x10, s25, s30, $0xb8;
	[tilespmem:$0xFF00] =	vst v63  }
0xee: {  	s12 =	sld [smem:$0x7F7];
	_ =	swait.ge @!p6 [sflag:s15], $0x800  }
0xef: {  	s18 =	sadd.s32 @!p2 $0x300, s24;
	s24 =	sld [smem:$0x7F8]  }
0xf0: {  	s1 =	sadd.s32 @!p3 s1, s2;
	s17 =	sld [smem:$0x7FB]  }
0xf1: {  	s10 =	sadd.s32 @!p3 $0x400, s1;
	p4 =	seq.s32 s12, $0x1  }
0xf2: {  	p4 =	por p4, p5;
	[sflag:s15] =	ssyncset.done @!p6 $0x0;
	p3 =	seq.s32 s24, $0x1  }
0xf3: {  	[sflag:s15] =	ssyncadd.s32 @!p6 $0xFFFFF800;
	p2 =	seq.s32 s17, $0x1;
	s6 =	sadd.s32 @!p3 s8, s2  }
0xf4: {  	s1 =	simm.s32 @!p3 $0x9700;
	s8 =	simm.s32 @!p4 $0x17;
	s17 =	simm.s32 @!p3 $0x80  }
0xf5: {  	[tilespmem:s1], [sflag:$0xA] =	stream.indirect.gather @!p3 [hbm4b:s5+s17], $0x10, s9, s17, $0xb8;
	[tilespmem:$0xFF00] =	vst v63  }
0xf6: {  	_ =	swait.ge @!p4 [sflag:s8], $0x800  }
0xf7: {  	p6 =	sge.u32 @!p5 s26, s28;
	s25 =	sld [smem:$0x7F9]  }
0xf8: {  	s12 =	simm.s32 $0x1;
	p6 =	por p6, p5  }
0xf9: {  	s0 =	sadd.s32 @!p2 s0, s2;
	s9 =	simm.s32 @!p6 $0x18;
	[sflag:s8] =	ssyncset.done @!p4 $0x0  }
0xfa: {  	[sflag:s8] =	ssyncadd.s32 @!p4 $0xFFFFF800;
	p4 =	sge.u32 s26, s28;
	p0 =	seq.s32 s25, $0x1  }
0xfb: {  	s24 =	sshra.s32 @!p4 s13, $0x2;
	s15 =	simm.s32 @!p0 $0x80;
	s8 =	simm.s32 @!p0 $0x9F00  }
0xfc: {  	[tilespmem:s8], [sflag:$0xB] =	stream.indirect.gather @!p0 [hbm4b:s5+s15], $0x10, s22, s15, $0xb8;
	[tilespmem:$0xFF00] =	vst v63  }
0xfd: {  	s25 =	sadd.s32 @!p2 $0x380, s0;
	s0 =	simm.s32 @!p4 $0xA700;
	_ =	swait.ge @!p6 [sflag:s9], $0x800  }
0xfe: {  	s22 =	sadd.s32 @!p3 $0x480, s6;
	s6 =	sadd.s32 @!p4 s24, s3;
	[sflag:s9] =	ssyncset.done @!p6 $0x0  }
0xff: {  	s6 =	sadd.s32 @!p4 $0x580, s6;
	[sflag:s9] =	ssyncadd.s32 @!p6 $0xFFFFF800;
	s9 =	simm.s32 @!p4 $0x80  }
0x100: {  	[tilespmem:s0], [sflag:$0xC] =	stream.indirect.gather @!p4 [hbm4b:s5+s9], $0x10, s6, s9, $0xb8;
	[tilespmem:$0xFF00] =	vst v63  }
0x101: {  	_ =	swait.ge [sflag:s12], $0x800  }
0x102: {  	s6 =	sadd.s32 @!p0 s19, s2;
	s19 =	sadd.s32 @!p4 s24, s2;
	[sflag:s12] =	ssyncset.done $0x0  }
0x103: {  	s24 =	sadd.s32 @!p0 $0x500, s6;
	[sflag:s12] =	ssyncadd.s32 $0xFFFFF800;
	s12 =	sshra.s32 s13, $0x2  }
0x104: {  	s6 =	simm.s32 $0x2;
	s3 =	rddreg [dreg:$0x8];
	s12 =	sadd.s32 s12, s2  }
0x105: {  	[spmem:s14] =	stream.indirect.scatter.add.f32 [tilespmem:s3], [sflag:$0xD], $0x10, s12, s20, $0xb8;
	[tilespmem:$0xFF00] =	vst v63  }
0x106: {  	_ =	swait.ge [sflag:s6], $0x800  }
0x107: {  	s2 =	sadd.s32 s11, s16;
	s12 =	rddreg [dreg:$0x9]  }
0x108: {  	s11 =	sshll.u32 s2, $0x9;
	[sflag:s6] =	ssyncset.done $0x0;
	s16 =	rddreg [dreg:$0x11]  }
0x109: {  	[sflag:s6] =	ssyncadd.s32 $0xFFFFF800;
	s2 =	sadd.s32 $0x2780, s16;
	s6 =	simm.s32 $0x3  }
0x10a: {  	[spmem:s14] =	stream.indirect.scatter.add.f32 [tilespmem:s12], [sflag:$0xE], $0x10, s2, s20, $0xb8;
	[tilespmem:$0xFF00] =	vst v63  }
0x10b: {  	_ =	swait.ge [sflag:s6], $0x800  }
0x10c: {  	s7 =	sadd.s32 $0x2780, s7;
	s3 =	sshra.s32 s11, $0x2;
	[sflag:s6] =	ssyncset.done $0x0  }
0x10d: {  	s12 =	simm.s32 $0x4;
	s11 =	rddreg [dreg:$0xa];
	[sflag:s6] =	ssyncadd.s32 $0xFFFFF800  }
0x10e: {  	[spmem:s14] =	stream.indirect.scatter.add.f32 [tilespmem:s11], [sflag:$0xF], $0x10, s7, s20, $0xb8;
	[tilespmem:$0xFF00] =	vst v63  }
0x10f: {  	_ =	swait.ge [sflag:s12], $0x800  }
0x110: {  	s4 =	sshra.s32 s4, $0x2;
	[sflag:s12] =	ssyncset.done $0x0  }
0x111: {  	s4 =	sadd.s32 $0x2780, s4;
	s16 =	rddreg [dreg:$0xb];
	[sflag:s12] =	ssyncadd.s32 $0xFFFFF800  }
0x112: {  	[spmem:s14] =	stream.indirect.scatter.add.f32 [tilespmem:s16], [sflag:$0x10], $0x10, s4, s20, $0xb8;
	[tilespmem:$0xFF00] =	vst v63  }
0x113: {  	s4 =	simm.s32 $0x5  }
0x114: {  	_ =	swait.ge [sflag:s4], $0x800  }
0x115: {  	s3 =	sadd.s32 $0x2780, s3;
	[sflag:s4] =	ssyncset.done $0x0  }
0x116: {  	s7 =	simm.s32 $0x6;
	s6 =	rddreg [dreg:$0xc];
	[sflag:s4] =	ssyncadd.s32 $0xFFFFF800  }
0x117: {  	[spmem:s14] =	stream.indirect.scatter.add.f32 [tilespmem:s6], [sflag:$0x11], $0x10, s3, s20, $0xb8;
	[tilespmem:$0xFF00] =	vst v63  }
0x118: {  	_ =	swait.ge [sflag:s7], $0x800  }
0x119: {  	[sflag:s7] =	ssyncset.done $0x0;
	s12 =	sld [smem:$0x7FA]  }
0x11a: {  	s11 =	sadd.s32 $0x2780, s21;
	s16 =	simm.s32 $0x7700;
	[sflag:s7] =	ssyncadd.s32 $0xFFFFF800  }
0x11b: {  	[spmem:s14] =	stream.indirect.scatter.add.f32 [tilespmem:s16], [sflag:$0x12], $0x10, s11, s20, $0xb8;
	[tilespmem:$0xFF00] =	vst v63  }
0x11c: {  	p2 =	por p0, p0;
	p0 =	seq.s32 s12, $0x1  }
0x11d: {  	s13 =	sadd.s32 $0x1800, s13;
	s4 =	simm.s32 @!p0 $0x7  }
0x11e: {  	p6 =	sne.s32 s13, $0xA800;
	_ =	swait.ge @!p0 [sflag:s4], $0x800  }
0x11f: {  	s2 =	simm.s32 @!p0 $0x80;
	[sflag:s4] =	ssyncset.done @!p0 $0x0;
	s21 =	sld [smem:$0x7FB]  }
.Ltmp1:
0x120: {  	s3 =	simm.s32 @!p0 $0x7F00;
	[sflag:s4] =	ssyncadd.s32 @!p0 $0xFFFFF800;
	(pc) =	sbr.rel @p6 .LBB2_4-.Ltmp1, $4  }
0x121: {  	[spmem:s14] =	stream.indirect.scatter.add.f32 @!p0 [tilespmem:s3], [sflag:$0x13], $0x10, s18, s2, $0xb8;
	[tilespmem:$0xFF00] =	vst v63  }
0x122: {  	s26 =	sadd.s32 $0xC, s26;
	p1 =	seq.s32 s21, $0x1  }
0x123: {  	s19 =	sadd.s32 @!p4 $0x580, s19;
	s4 =	simm.s32 @!p3 $0xA;
	s7 =	simm.s32 @!p1 $0x8  }
0x124: {  	s18 =	smov.u32 s14;
	p5 =	por p1, p1;
	_ =	swait.ge @!p1 [sflag:s7], $0x800  }
0x125: {  	[sflag:s7] =	ssyncset.done @!p5 $0x0;
	s2 =	sld [smem:$0x7FD]  }
0x126: {  	[sflag:s7] =	ssyncadd.s32 @!p5 $0xFFFFF800  }
0x127: {  	[spmem:s18] =	stream.indirect.scatter.add.f32 @!p5 [tilespmem:s23], [sflag:$0x14], $0x10, s25, s29, $0xb8;
	[tilespmem:$0xFF00] =	vst v63  }
0x128: {  	p0 =	seq.s32 s2, $0x1  }
0x129: {  	s3 =	simm.s32 @!p0 $0x9  }
0x12a: {  	_ =	swait.ge @!p0 [sflag:s3], $0x800  }
0x12b: {  	[sflag:s3] =	ssyncset.done @!p0 $0x0  }
0x12c: {  	[sflag:s3] =	ssyncadd.s32 @!p0 $0xFFFFF800  }
0x12d: {  	[spmem:s18] =	stream.indirect.scatter.add.f32 @!p0 [tilespmem:s31], [sflag:$0x15], $0x10, s10, s30, $0xb8;
	[tilespmem:$0xFF00] =	vst v63  }
0x12e: {  	_ =	swait.ge @!p3 [sflag:s4], $0x800  }
0x12f: {  	[sflag:s4] =	ssyncset.done @!p3 $0x0  }
0x130: {  	[sflag:s4] =	ssyncadd.s32 @!p3 $0xFFFFF800  }
0x131: {  	[spmem:s18] =	stream.indirect.scatter.add.f32 @!p3 [tilespmem:s1], [sflag:$0x16], $0x10, s22, s17, $0xb8;
	[tilespmem:$0xFF00] =	vst v63  }
0x132: {  	s1 =	simm.s32 @!p2 $0xB  }
0x133: {  	_ =	swait.ge @!p2 [sflag:s1], $0x800  }
0x134: {  	[sflag:s1] =	ssyncset.done @!p2 $0x0  }
0x135: {  	[sflag:s1] =	ssyncadd.s32 @!p2 $0xFFFFF800;
	s1 =	simm.s32 @!p4 $0xC  }
0x136: {  	[spmem:s18] =	stream.indirect.scatter.add.f32 @!p2 [tilespmem:s8], [sflag:$0x17], $0x10, s24, s15, $0xb8;
	[tilespmem:$0xFF00] =	vst v63  }
0x137: {  	_ =	swait.ge @!p4 [sflag:s1], $0x800  }
0x138: {  	[sflag:s1] =	ssyncset.done @!p4 $0x0  }
0x139: {  	s12 =	simm.s32 $0xD;
	[sflag:s1] =	ssyncadd.s32 @!p4 $0xFFFFF800  }
0x13a: {  	[spmem:s18] =	stream.indirect.scatter.add.f32 @!p4 [tilespmem:s0], [sflag:$0x18], $0x10, s19, s9, $0xb8;
	[tilespmem:$0xFF00] =	vst v63  }
0x13b: {  	_ =	swait.ge [sflag:s12], $0x800  }
0x13c: {  	[sflag:s12] =	ssyncset.done $0x0  }
0x13d: {  	s13 =	simm.s32 $0xE;
	[sflag:s12] =	ssyncadd.s32 $0xFFFFF800  }
0x13e: {  	_ =	swait.ge [sflag:s13], $0x800  }
0x13f: {  	[sflag:s13] =	ssyncset.done $0x0  }
0x140: {  	s14 =	simm.s32 $0xF;
	[sflag:s13] =	ssyncadd.s32 $0xFFFFF800  }
0x141: {  	_ =	swait.ge [sflag:s14], $0x800  }
0x142: {  	[sflag:s14] =	ssyncset.done $0x0  }
0x143: {  	s15 =	simm.s32 $0x10;
	[sflag:s14] =	ssyncadd.s32 $0xFFFFF800  }
0x144: {  	_ =	swait.ge [sflag:s15], $0x800  }
0x145: {  	[sflag:s15] =	ssyncset.done $0x0  }
0x146: {  	s16 =	simm.s32 $0x11;
	[sflag:s15] =	ssyncadd.s32 $0xFFFFF800  }
0x147: {  	_ =	swait.ge [sflag:s16], $0x800  }
0x148: {  	[sflag:s16] =	ssyncset.done $0x0  }
0x149: {  	s17 =	simm.s32 $0x12;
	[sflag:s16] =	ssyncadd.s32 $0xFFFFF800  }
0x14a: {  	_ =	swait.ge [sflag:s17], $0x800  }
0x14b: {  	[sflag:s17] =	ssyncset.done $0x0  }
0x14c: {  	s19 =	simm.s32 $0x13;
	[sflag:s17] =	ssyncadd.s32 $0xFFFFF800  }
0x14d: {  	_ =	swait.ge [sflag:s19], $0x800  }
0x14e: {  	[sflag:s19] =	ssyncset.done $0x0  }
0x14f: {  	s20 =	simm.s32 $0x14;
	[sflag:s19] =	ssyncadd.s32 $0xFFFFF800  }
0x150: {  	_ =	swait.ge [sflag:s20], $0x800  }
0x151: {  	[sflag:s20] =	ssyncset.done $0x0  }
0x152: {  	s21 =	simm.s32 $0x15;
	[sflag:s20] =	ssyncadd.s32 $0xFFFFF800  }
0x153: {  	_ =	swait.ge [sflag:s21], $0x800  }
0x154: {  	[sflag:s21] =	ssyncset.done $0x0  }
0x155: {  	s22 =	simm.s32 $0x16;
	[sflag:s21] =	ssyncadd.s32 $0xFFFFF800  }
0x156: {  	_ =	swait.ge [sflag:s22], $0x800  }
0x157: {  	[sflag:s22] =	ssyncset.done $0x0  }
0x158: {  	s23 =	simm.s32 $0x17;
	[sflag:s22] =	ssyncadd.s32 $0xFFFFF800  }
0x159: {  	_ =	swait.ge [sflag:s23], $0x800  }
0x15a: {  	[sflag:s23] =	ssyncset.done $0x0  }
0x15b: {  	s24 =	simm.s32 $0x18;
	[sflag:s23] =	ssyncadd.s32 $0xFFFFF800  }
0x15c: {  	_ =	swait.ge [sflag:s24], $0x800  }
0x15d: {  	[sflag:s24] =	ssyncset.done $0x0  }
0x15e: {  	[sflag:s24] =	ssyncadd.s32 $0xFFFFF800  }
0x15f: {  	s25 =	stileid.u32;
	[bflag:$0x0] =	sbarrier.arrive $0xFFFF  }
0x160: {  	s4 =	simm.s32 $0x19;
	s0 =	sshll.u32 s25, $0x6;
	s12 =	rddreg [dreg:$0x13]  }
0x161: {  	s0 =	sor.u32 $0x1C19, s0;
	s29 =	rddreg [dreg:$0x16];
	s26 =	sshrl.u32 s12, $0x3  }
0x162: {  	[hbm:s29], [sflag:s0] =	dma.local [spmem:s26], $0x500  }
0x163: {  	_ =	swait.ge [sflag:s4], $0x500  }
0x164: {  	s30 =	rddreg [dreg:$0x12]  }
0x165: {  	s31 =	rddreg [dreg:$0x17];
	s3 =	sadd.s32 $0x1, s30  }
0x166: {  	s2 =	simm.s32 $0x7700;
	p0 =	sne.s32 s3, s31  }
.Ltmp2:
0x167: {  	s25 =	simm.s32 $0x5;
	s16 =	smov.u32 s5;
	(pc) =	sbr.rel @p0 .LBB2_1-.Ltmp2, $4  }
0x168: {  	s19 =	simm.s32 $0x80;
	s20 =	simm.s32 $0x3;
	s6 =	rddreg [dreg:$0x10]  }
0x169: {  	s21 =	simm.s32 $0x1;
	s22 =	simm.s32 $0x2;
	s5 =	rddreg [dreg:$0xe]  }
0x16a: {  	s24 =	simm.s32 $0x4;
	[sflag:s4] =	ssyncset.done $0x0;
	s11 =	rddreg [dreg:$0xd]  }
0x16b: {  	s26 =	simm.s32 $0x6;
	s14 =	rddreg [dreg:$0xf];
	[sflag:s4] =	ssyncadd.s32 $0xFFFFFB00  }
0x16c: {  	_ =	sfence.sel $0x180000  }
0x16d: {  	[bflag:$0x0] =	sbarrier.arrive $0xFFFF  }
0x16e: {  	_ =	strace $0x9000004D  }
0x16f: {  	s0 =	stileid.u32;
	[bflag:$0x2] =	sbarrier.arrive $0xFFFF  }
0x170: {  	p0 =	sne.s32 s0, $0x0;
	s0 =	rddreg [dreg:$0x3]  }
0x171: {  	s0 =	sadd.s32 @!p0 $0x100000, s0  }
0x172: {  	[sflag:s0] =	ssyncadd.tile.s32 @!p0 $0x1;
	_ =	shalt  }
.Lfunc_end2:
_tile_overlayer_lowered:
.L_overlay_start_2:
0x173: {  	(tag) =	ssettag $0x2  }
0x174: {  	s0 =	rddreg [dreg:$0x0];
	s2 =	stileid.u32  }
0x175: {  	s1 =	rddreg [dreg:$0x1];
	p0 =	sne.s32 s2, $0x0  }
0x176: {  	s3 =	rddreg [dreg:$0x2];
	[bflag:$0x3] =	sbarrier.arrive $0xFFFF;
	s2 =	simm.s32 @!p0 $0x1C19  }
0x177: {  	[timem:s3], [sflag:s2] =	dma.local @!p0 [hbm:s0], s1  }
0x178: {  	s0 =	simm.s32 @!p0 $0x19  }
0x179: {  	_ =	swait.ge @!p0 [sflag:s0], s1  }
0x17a: {  	s1 =	ssub.s32 @!p0 $0x0, s1;
	[sflag:s0] =	ssyncset.done @!p0 $0x0  }
0x17b: {  	[sflag:s0] =	ssyncadd.s32 @!p0 s1  }
0x17c: {  	[bflag:$0x3] =	sbarrier.arrive $0xFFFF  }
0x17d: {  	_ =	shalt  }

// kernel: kernel.9.cloned.1.call-start
scs
__scs_entry_jumppad:
0x0: {  	(pc) =	sbr.rel $0x88, $3  }
0x1: {  	(tag) =	ssettag $0x0;
	lr =	simm.s32 $0x1  }
0x2: {  	[smem:$0x3F9B] =	sst lr;
	_ =	strace $0xD0000000  }
0x3: {  	_ = 	snop  }
0x4: {  	_ = 	snop  }
0x5: {  	_ = 	snop  }
0x6: {  	_ = 	snop  }
0x7: {  	_ = 	snop  }
__scs_overlays_trampoline_lowered:
0x8: {  	[smem:$0x3FAA] =	sst s0  }
0x9: {  	[smem:$0x3FAB] =	sst s1  }
0xa: {  	[smem:$0x3FAC] =	sst s2  }
0xb: {  	[smem:$0x3FAD] =	sst s3  }
0xc: {  	[smem:$0x3FAE] =	sst s4  }
0xd: {  	[smem:$0x3FAF] =	sst s5  }
0xe: {  	[smem:$0x3FB0] =	sst s6  }
0xf: {  	[smem:$0x3FB1] =	sst s7  }
0x10: {  	[smem:$0x3FB2] =	sst s8  }
0x11: {  	[smem:$0x3FB3] =	sst s9;
	s0 =	simm.s32 @!p0 $0x0  }
0x12: {  	s1 =	sld [smem:$0x3F99];
	s0 =	simm.s32 @p0 $0x1  }
0x13: {  	[smem:$0x3FB4] =	sst s0;
	s0 =	simm.s32 @!p1 $0x0  }
0x14: {  	s2 =	sld [smem:$0x3F98];
	s0 =	simm.s32 @p1 $0x1  }
0x15: {  	[smem:$0x3FB5] =	sst s0;
	s0 =	simm.s32 @!p2 $0x0  }
0x16: {  	s3 =	sld [smem:$0x3FDB];
	s0 =	simm.s32 @p2 $0x1  }
0x17: {  	s4 =	simm.s32 $0x1BF5;
	[smem:$0x3FB7] =	sst s0  }
0x18: {  	s0 =	sld [smem:$0x3F9A];
	_ =	swait.ge [sflag:s4], $0x0  }
0x19: {  	s7 =	sld [smem:$0x3F9B]  }
0x1a: {  	s8 =	sadd.s32 $0xFFFFE003, lr  }
0x1b: {  	s9 =	sadd.s32 $0xFFFFFEF7, lr;
	s5 =	simm.s32 $0xFFFFFFFF;
	p2 =	slt.u32 s8, $0xFFFFF086  }
0x1c: {  	p1 =	slt.u32 s9, $0xF7A;
	s5 =	simm.s32 @!p2 $0x0  }
0x1d: {  	s5 =	simm.s32 @p1 $0x1;
	p0 =	seq.s32 s7, s2  }
0x1e: {  	s7 =	smul.u32 @!p0 $0xF7A, s2;
	p2 =	seq.s32 @!p0 s5, $0x0  }
0x1f: {  	s9 =	smul.u32 $0xF7A, s1;
	s8 =	simm.s32 @!p0 $0x1BF5;
	p2 =	por !p2, p0  }
0x20: {  	[sflag:s8] =	ssyncset.s32 @!p0 $0xFFFFF086;
	s6 =	sadd.s32 @!p0 s3, s7;
	s7 =	simm.s32 @!p0 $0x108  }
0x21: {  	s3 =	sadd.s32 s3, s9;
	s6 =	sadd.s32 @!p0 $0x88, s6;
	s7 =	simm.s32 @p2 $0x1082  }
0x22: {  	[simem:s7], [sflag:s8] =	dma.local @!p0 [hbm:s6], $0xF7A  }
0x23: {  	s9 =	sor.u32 $0xD0000000, s2;
	s6 =	simm.s32 $0x108;
	_ =	swait.ge @!p0 [sflag:s8], $0x0  }
0x24: {  	s3 =	sadd.s32 $0x88, s3;
	s6 =	simm.s32 @!p1 $0x1082;
	[sflag:s4] =	ssyncset.s32 $0xFFFFF086  }
0x25: {  	[simem:s6], [sflag:s4] =	dma.local [hbm:s3], $0xF7A  }
0x26: {  	[smem:$0x3F9B] =	sst s1;
	(tag) =	ssettag s2;
	_ =	strace s9  }
0x27: {  	s1 =	sld [smem:$0x3FAB]  }
0x28: {  	s2 =	sld [smem:$0x3FAC]  }
0x29: {  	s4 =	sld [smem:$0x3FAE]  }
0x2a: {  	p0 =	seq.s32 s5, $0x0;
	s5 =	sld [smem:$0x3FAF]  }
0x2b: {  	s6 =	sld [smem:$0x3FB0]  }
0x2c: {  	s7 =	sld [smem:$0x3FB1]  }
0x2d: {  	s3 =	simm.s32 $0x108;
	s8 =	sld [smem:$0x3FB2]  }
0x2e: {  	s3 =	simm.s32 @!p0 $0x1082;
	s9 =	sld [smem:$0x3FB3]  }
0x2f: {  	lr =	sadd.s32 s0, s3;
	s0 =	sld [smem:$0x3FAA]  }
0x30: {  	s3 =	sld [smem:$0x3FAD]  }
0x31: {  	[smem:$0x3FB6] =	sst s10  }
0x32: {  	s10 =	sld [smem:$0x3FB4];
	_ =	sdelay $0x3  }
0x33: {  	p0 =	seq.s32 s10, $0x1;
	s10 =	sld [smem:$0x3FB6];
	_ =	sdelay $0x3  }
0x34: {  	[smem:$0x3FB6] =	sst s10  }
0x35: {  	s10 =	sld [smem:$0x3FB5];
	_ =	sdelay $0x3  }
0x36: {  	p1 =	seq.s32 s10, $0x1;
	s10 =	sld [smem:$0x3FB6];
	_ =	sdelay $0x3  }
0x37: {  	[smem:$0x3FB6] =	sst s10  }
0x38: {  	s10 =	sld [smem:$0x3FB7]  }
0x39: {  	_ = 	snop;
	(pc) =	sbr.ind lr, $3  }
0x3a: {  	_ = 	snop  }
0x3b: {  	_ = 	snop  }
0x3c: {  	p2 =	seq.s32 s10, $0x1;
	s10 =	sld [smem:$0x3FB6]  }
0x3d: {  	_ =	shalt  }
0x3e: {  	_ =	shalt  }
0x3f: {  	_ =	shalt  }
0x40: {  	_ =	shalt  }
0x41: {  	_ =	shalt  }
0x42: {  	_ =	shalt  }
0x43: {  	_ =	shalt  }
0x44: {  	_ =	shalt  }
0x45: {  	_ =	shalt  }
0x46: {  	_ =	shalt  }
0x47: {  	_ =	shalt  }
0x48: {  	_ =	shalt  }
0x49: {  	_ =	shalt  }
0x4a: {  	_ =	shalt  }
0x4b: {  	_ =	shalt  }
0x4c: {  	_ =	shalt  }
0x4d: {  	_ =	shalt  }
0x4e: {  	_ =	shalt  }
0x4f: {  	_ =	shalt  }
0x50: {  	_ =	shalt  }
0x51: {  	_ =	shalt  }
0x52: {  	_ =	shalt  }
0x53: {  	_ =	shalt  }
0x54: {  	_ =	shalt  }
0x55: {  	_ =	shalt  }
0x56: {  	_ =	shalt  }
0x57: {  	_ =	shalt  }
0x58: {  	_ =	shalt  }
0x59: {  	_ =	shalt  }
0x5a: {  	_ =	shalt  }
0x5b: {  	_ =	shalt  }
0x5c: {  	_ =	shalt  }
0x5d: {  	_ =	shalt  }
0x5e: {  	_ =	shalt  }
0x5f: {  	_ =	shalt  }
0x60: {  	_ =	shalt  }
0x61: {  	_ =	shalt  }
0x62: {  	_ =	shalt  }
0x63: {  	_ =	shalt  }
0x64: {  	_ =	shalt  }
0x65: {  	_ =	shalt  }
0x66: {  	_ =	shalt  }
0x67: {  	_ =	shalt  }
0x68: {  	_ =	shalt  }
0x69: {  	_ =	shalt  }
0x6a: {  	_ =	shalt  }
0x6b: {  	_ =	shalt  }
0x6c: {  	_ =	shalt  }
0x6d: {  	_ =	shalt  }
0x6e: {  	_ =	shalt  }
0x6f: {  	_ =	shalt  }
0x70: {  	_ =	shalt  }
0x71: {  	_ =	shalt  }
0x72: {  	_ =	shalt  }
0x73: {  	_ =	shalt  }
0x74: {  	_ =	shalt  }
0x75: {  	_ =	shalt  }
0x76: {  	_ =	shalt  }
0x77: {  	_ =	shalt  }
0x78: {  	_ =	shalt  }
0x79: {  	_ =	shalt  }
0x7a: {  	_ =	shalt  }
0x7b: {  	_ =	shalt  }
0x7c: {  	_ =	shalt  }
0x7d: {  	_ =	shalt  }
0x7e: {  	_ =	shalt  }
0x7f: {  	_ =	shalt  }
0x80: {  	_ =	shalt  }
0x81: {  	_ =	shalt  }
0x82: {  	_ =	shalt  }
0x83: {  	_ =	shalt  }
0x84: {  	_ =	shalt  }
0x85: {  	_ =	shalt  }
0x86: {  	_ =	shalt  }
0x87: {  	_ =	shalt  }
.Lfunc_end0:
.L_simem_size_0:
called_computation_lowered:
.L_overlay_start_0:
0x88: {  	s2 =	sld [smem:$0x3FD9]  }
0x89: {  	s3 =	sld [smem:$0x3FFE];
	_ =	sdelay $0x1  }
0x8a: {  	s1 =	srdreg.scid  }
0x8b: {  	s0 =	sand.u32 $0x1, s1  }
0x8c: {  	s16 =	sshll.u32 s0, $0xA;
	s2 =	sadd.s32 s3, s2  }
0x8d: {  	s2 =	sadd.s32 s2, s16  }
0x8e: {  	[smem:$0x3FC2] =	sst s2  }
0x8f: {  	_ = 	snop  }
0x90: {  	(tm) =	ssettm $0x1  }
0x91: {  	s17 =	sld [smem:$0x3FFB];
	_ =	sdelay $0x3  }
0x92: {  	_ =	strace s17  }
0x93: {  	s2 =	sld [smem:$0x3FFC];
	_ =	sdelay $0x3  }
0x94: {  	_ =	strace s2  }
0x95: {  	s2 =	sld [smem:$0x3FFD];
	_ =	sdelay $0x3  }
0x96: {  	_ =	strace s2  }
0x97: {  	_ =	strace $0x8FFFFFFF  }
0x98: {  	s18 =	sld [smem:$0x3FDB];
	_ =	sdelay $0x1  }
0x99: {  	s19 =	simm.s32 $_scs_section_size  }
0x9a: {  	s4 =	simm.s32 $_size__tile_overlayer_lowered;
	s5 =	simm.s32 $_tile_overlayer_lowered  }
0x9b: {  	s22 =	simm.s32 $0x1BFF;
	s21 =	sshll.u32 s5, $0x1;
	s2 =	sadd.s32 s19, s18  }
0x9c: {  	s6 =	simm.s32 $0x0;
	s20 =	sshll.u32 s4, $0x1;
	s4 =	sadd.s32 s21, s2  }
0x9d: {  	[timem:s6], [sflag:s22] =	dma.local [hbm:s4], s20  }
0x9e: {  	_ =	swait.ge [sflag:s22], s20  }
0x9f: {  	s3 =	ssub.s32 $0x0, s20;
	[sflag:s22] =	ssyncset.done $0x0  }
0xa0: {  	[sflag:s22] =	ssyncadd.s32 s3;
	_ =	sdelay $0x1  }
0xa1: {  	s23 =	simm.s32 $0x1B8B  }
0xa2: {  	_ =	swait.ge [sflag:s23], $0x1  }
0xa3: {  	[sflag:s23] =	ssyncset.done $0x0  }
0xa4: {  	s25 =	simm.s32 $0x1B8E;
	s24 =	sld [smem:$0x3FFE];
	[sflag:s23] =	ssyncadd.s32 $0xFFFFFFFF  }
0xa5: {  	s26 =	simm.s32 $execute0_lowered;
	[smem:$0x3FD2] =	sst s25  }
0xa6: {  	s4 =	sshll.u32 s26, $0x1;
	_ =	strace $0x80000046;
	[dreg:$0x1] =	wrdreg $0xFFFFFFFF  }
0xa7: {  	s28 =	simm.s32 $_size_execute0_lowered;
	s2 =	sadd.s32 s2, s4;
	[dreg:$0x0] =	wrdreg $0x0  }
0xa8: {  	s4 =	sshll.u32 s28, $0x1;
	[dreg:$0x2] =	wrdreg s2  }
0xa9: {  	[dreg:$0x3] =	wrdreg s4  }
0xaa: {  	[dreg:$0x4] =	wrdreg $0xC0  }
0xab: {  	_ =	task [dreg:s6], $0x5FFFF  }
0xac: {  	[dreg:$0x1] =	wrdreg $0xFFFFFFFF  }
0xad: {  	[dreg:$0x0] =	wrdreg $0x60  }
0xae: {  	[dreg:$0x2] =	wrdreg s24  }
0xaf: {  	[dreg:$0x3] =	wrdreg $0x57800  }
0xb0: {  	[dreg:$0x4] =	wrdreg $0x9  }
0xb1: {  	_ =	task.clear_ibuf [dreg:s6], $0x5FFFF;
	_ =	strace $0x90000046  }
0xb2: {  	s29 =	simm.s32 $0x9;
	_ =	strace $0x80000048  }
0xb3: {  	_ =	swait.ge [sflag:s29], $0x1  }
0xb4: {  	[sflag:s29] =	ssyncadd.s32 $0xFFFFFFFF  }
0xb5: {  	_ =	strace $0x90000048  }
0xb6: {  	_ =	sfence  }
0xb7: {  	s30 =	sld [smem:$0x0];
	_ =	sdelay $0x2  }
0xb8: {  	s31 =	sshll.u32 s1, $0xD;
	s1 =	sshrl.u32 s1, $0x2  }
0xb9: {  	s3 =	sand.u32 $0x4000, s31;
	s1 =	sadd.s32 s1, s30  }
0xba: {  	s0 =	sor.u32 s3, s0;
	s1 =	sshll.u32 s1, $0x11  }
0xbb: {  	s0 =	sor.u32 s1, s0  }
0xbc: {  	s0 =	sadd.s32 $0x8F2B, s0  }
0xbd: {  	[sflag:s0] =	ssyncadd.remote.s32 $0x1  }
0xbe: {  	_ =	sfence.sel $0xFFFF  }
0xbf: {  	[dreg:$0x0] =	wrdreg $0xFFFFFFFF;
	(pc) =	sbr.abs _section_cstart, $3  }
0xc0: {  	[dreg:$0x1] =	wrdreg $0xFFFFFFFF  }
0xc1: {  	_ =	task.clear_ibuf [dreg:s6], $0x2FFFF;
	_ =	strace $0x9FFFFFFF  }
0xc2: {  	(tm) =	ssettm $0x7FFFFFFF  }
0xc3: {  	_ =	shalt  }
tec
execute0_lowered:
.L_overlay_start_1:
0x0: {  	(tag) =	ssettag $0x1  }
0x1: {  	s0 =	srdreg.scid  }
0x2: {  	s4 =	sand.u32 $0x1, s0;
	s0 =	stileid.u32  }
0x3: {  	s7 =	rddreg [dreg:$0x0];
	s8 =	smul.u32 $0x2800, s0  }
0x4: {  	s2 =	rddreg [dreg:$0x1];
	s3 =	simm.s32 $0x0;
	s10 =	smul.u32 $0x28000, s4  }
0x5: {  	[smem:$0x7FF] =	sst s3;
	s1 =	sshll.u32 s4, $0x4;
	s29 =	smul.u32 $0x4E0, s4  }
0x6: {  	s11 =	ssub.s32 $0x2, s4;
	s30 =	smul.u32 $0x4E, s0;
	s4 =	simm.s32 $0x4F  }
0x7: {  	s5 =	sor.u32 s0, s1;
	s1 =	rddreg [dreg:$0x2];
	_ =	strace $0x80000047  }
0x8: {  	s12 =	sshrl.u32 s11, $0x1;
	s6 =	smul.u32 $0x4E, s5;
	s9 =	smin.u32 s5, $0x4  }
0x9: {  	s10 =	sadd.s32 s8, s10;
	p0 =	slt.u32 s5, $0x4;
	s31 =	ssub.s32 s11, s12  }
0xa: {  	s5 =	sadd.s32 s8, s2;
	s11 =	simm.s32 $0x2;
	s6 =	sadd.s32 s9, s6  }
0xb: {  	s10 =	sshrl.u32 s10, $0x3;
	s9 =	sor.u32 s29, s9;
	s6 =	smin.u32 s6, $0x975  }
0xc: {  	s4 =	simm.s32 @!p0 $0x4E;
	s9 =	sadd.s32 s30, s9;
	s6 =	sshll.u32 s6, $0x4  }
0xd: {  	s8 =	smax.u32 s31, $0x1;
	s9 =	smax.u32 s9, $0x975;
	s6 =	sadd.s32 s6, s7  }
0xe: {  	s7 =	sadd.s32 s10, s7;
	s9 =	sshll.u32 s9, $0x7;
	s10 =	simm.s32 $0x2F80  }
0xf: {  	v0 =	vimm.f32 $1.000000000e+00;
	v1 =	vimm.f32 $0.0e+00;
	s6 =	sadd.s32 $0xBA40, s6;
	s7 =	sadd.s32 $0x15800, s7;
	s9 =	sadd.s32 $0xFFFB4580, s9  }
.LBB2_1:
0x10: {  	s12 =	simm.s32 $0x0  }
.LBB2_2:
0x11: {  	p0 =	sne.s32 s12, $0x1FC0  }
.Ltmp0:
0x12: {  	_ = 	snop;
	(pc) =	sbr.rel @p0 .LBB2_2-.Ltmp0, $3  }
0x13: {  	_ =	sdelay $0x1  }
0x14: {  	s13 =	sshra.s32 s12, $0x2  }
0x15: {  	s12 =	sadd.s32 $0x40, s12;
	[tilespmem:s13+$0x2780] =	vst v0  }
0x16: {  	s12 =	simm.s32 $0x40;
	s13 =	simm.s32 $0x0  }
.LBB2_4:
0x17: {  	p0 =	sne.s32 s12, $0x9FC0;
	[tilespmem:s13+$0x2F80] =	vst v1;
	s13 =	smov.u32 s12;
	s12 =	sadd.s32 $0x40, s12  }
.Ltmp1:
0x18: {  	(pc) =	sbr.rel @p0 .LBB2_4-.Ltmp1, $2  }
0x19: {  	_ =	sdelay $0x2  }
0x1a: {  	s13 =	sshra.s32 s13, $0x2  }
0x1b: {  	[tilespmem:s13+$0x2F80] =	vst v1  }
0x1c: {  	[spmem:s5] =	stream.linear.scatter [tilespmem:s10], [sflag:$0x2], $0x2800, $0x38;
	[tilespmem:$0x7F80] =	vst v63  }
0x1d: {  	_ =	swait.ge [sflag:s11], $0x2800  }
0x1e: {  	[sflag:s11] =	ssyncset.done $0x0  }
0x1f: {  	s12 =	simm.s32 $0x0;
	[sflag:s11] =	ssyncadd.s32 $0xFFFFD800  }
0x20: {  	[tilespmem:s12], [sflag:$0x2] =	stream.linear.gather [hbm4b:s6+s12], $0x2780, $0x38;
	[tilespmem:$0x7F80] =	vst v63  }
0x21: {  	_ =	swait.ge [sflag:s11], $0x2780  }
0x22: {  	p0 =	sle.u32 s4, $0x0;
	s13 =	sadd.s32 $0x80, s9;
	[sflag:s11] =	ssyncset.done $0x0  }
0x23: {  	s14 =	smov.u32 s9;
	s15 =	simm.s32 @!p0 $0x80;
	[sflag:s11] =	ssyncadd.s32 $0xFFFFD880  }
0x24: {  	s16 =	simm.s32 @!p0 $0x2780;
	s12 =	simm.s32 $0x1;
	[bflag:$0x0] =	sbarrier.arrive $0xFFFF  }
.LBB2_6:
0x25: {  	[spmem:s2] =	stream.indirect.scatter.add.f32 @!p0 [tilespmem:s16], [sflag:$0x1], $0x10, s14, s15, $0xb8;
	[tilespmem:$0x7F80] =	vst v63  }
0x26: {  	s15 =	smov.u32 s12;
	s12 =	sadd.s32 $0x1, s12  }
0x27: {  	p1 =	sne.s32 s12, $0x4F  }
.Ltmp2:
0x28: {  	(pc) =	sbr.rel @p1 .LBB2_6-.Ltmp2, $3  }
0x29: {  	s14 =	smov.u32 s13;
	_ =	sdelay $0x1  }
0x2a: {  	p0 =	sge.u32 s15, s4  }
0x2b: {  	s13 =	sadd.s32 $0x80, s13;
	s15 =	simm.s32 @!p0 $0x80;
	s16 =	simm.s32 @!p0 $0x2780  }
0x2c: {  	[spmem:s2] =	stream.indirect.scatter.add.f32 @!p0 [tilespmem:s16], [sflag:$0x1], $0x10, s14, s15, $0xb8;
	[tilespmem:$0x7F80] =	vst v63  }
0x2d: {  	p0 =	sle.u32 s4, $0x0  }
0x2e: {  	s13 =	simm.s32 @!p0 $0x1  }
0x2f: {  	_ =	swait.ge @!p0 [sflag:s13], $0x800  }
0x30: {  	s12 =	simm.s32 $0x1;
	[sflag:s13] =	ssyncset.done @!p0 $0x0  }
.LBB2_8:
0x31: {  	[sflag:s13] =	ssyncadd.s32 @!p0 $0xFFFFF800;
	s13 =	smov.u32 s12;
	s12 =	sadd.s32 $0x1, s12  }
0x32: {  	p1 =	sne.s32 s12, $0x4F  }
.Ltmp3:
0x33: {  	(pc) =	sbr.rel @p1 .LBB2_8-.Ltmp3, $4  }
0x34: {  	p0 =	sge.u32 s13, s4  }
0x35: {  	s13 =	simm.s32 @!p0 $0x1  }
0x36: {  	_ =	swait.ge @!p0 [sflag:s13], $0x800  }
0x37: {  	[sflag:s13] =	ssyncset.done @!p0 $0x0  }
0x38: {  	[sflag:s13] =	ssyncadd.s32 @!p0 $0xFFFFF800;
	s3 =	sadd.s32 $0x1, s3  }
0x39: {  	s12 =	sshll.u32 s0, $0x6;
	s31 =	sshrl.u32 s5, $0x3;
	p0 =	sne.s32 s3, s8  }
.Ltmp4:
0x3a: {  	[bflag:$0x0] =	sbarrier.arrive $0xFFFF;
	s12 =	sor.u32 $0x1C02, s12;
	(pc) =	sbr.rel @p0 .LBB2_1-.Ltmp4, $4  }
0x3b: {  	[hbm:s7], [sflag:s12] =	dma.local [spmem:s31], $0x500  }
0x3c: {  	_ =	swait.ge [sflag:s11], $0x500  }
0x3d: {  	[sflag:s11] =	ssyncset.done $0x0  }
0x3e: {  	[sflag:s11] =	ssyncadd.s32 $0xFFFFFB00  }
0x3f: {  	_ =	sfence.sel $0x180000  }
0x40: {  	[bflag:$0x0] =	sbarrier.arrive $0xFFFF  }
0x41: {  	p0 =	sne.s32 s0, $0x0;
	_ =	strace $0x90000047  }
0x42: {  	s0 =	sadd.s32 @!p0 $0x100000, s1;
	[bflag:$0x2] =	sbarrier.arrive $0xFFFF  }
0x43: {  	[sflag:s0] =	ssyncadd.tile.s32 @!p0 $0x1;
	_ =	shalt  }
.Lfunc_end2:
_tile_overlayer_lowered:
.L_overlay_start_2:
0x44: {  	(tag) =	ssettag $0x2  }
0x45: {  	s0 =	rddreg [dreg:$0x0];
	s2 =	stileid.u32  }
0x46: {  	s1 =	rddreg [dreg:$0x1];
	p0 =	sne.s32 s2, $0x0  }
0x47: {  	s3 =	rddreg [dreg:$0x2];
	[bflag:$0x3] =	sbarrier.arrive $0xFFFF;
	s2 =	simm.s32 @!p0 $0x1C02  }
0x48: {  	[timem:s3], [sflag:s2] =	dma.local @!p0 [hbm:s0], s1  }
0x49: {  	s0 =	simm.s32 @!p0 $0x2  }
0x4a: {  	_ =	swait.ge @!p0 [sflag:s0], s1  }
0x4b: {  	s1 =	ssub.s32 @!p0 $0x0, s1;
	[sflag:s0] =	ssyncset.done @!p0 $0x0  }
0x4c: {  	[sflag:s0] =	ssyncadd.s32 @!p0 s1  }
0x4d: {  	[bflag:$0x3] =	sbarrier.arrive $0xFFFF  }
0x4e: {  	_ =	shalt  }

</sc_bundles>
